<compile_context>
chip_gen: v7x
topology: tpu7x:2x2x1
jax: 0.10.2.dev20260603
libtpu: 0.0.44.dev20260713+nightly
codegen_flags: <defaults>
</compile_context>

<pallas_src>
import functools

import jax
import jax.numpy as jnp
from jax import lax
from jax.experimental import pallas as pl
from jax.experimental.pallas import tpu as pltpu
from jax.experimental.pallas import tpu_sc as plsc

N = 10000
E = 320000
D = 128
H = 128
G4 = 4 * H
NW = 32
NPAD = 10240
RPT = NPAD // 16
K = 128
NCHUNK = E // K
CPT = (NCHUNK + NW - 1) // NW
BN = 1000
BE = 4000
CSEQ = 1000
NT = N + CSEQ

_mesh = plsc.VectorSubcoreMesh(
    core_axis_name="c", subcore_axis_name="s", num_cores=2, num_subcores=16)



@functools.partial(
    pl.kernel,
    out_type=jax.ShapeDtypeStruct((2, NPAD, D), jnp.float32),
    mesh=_mesh,
    scratch_types=[
        pltpu.VMEM_SHARED((NPAD, D), jnp.float32),
        pltpu.VMEM((K, D), jnp.float32),
        pltpu.VMEM((K,), jnp.int32),
    ],
)
def _sc_degree(dst_hbm, zrows_hbm, orows_hbm, out_hbm, acc, rows, didx):
    c = lax.axis_index("c")
    s = lax.axis_index("s")
    wid = s * 2 + c
    pltpu.sync_copy(zrows_hbm, rows)
    for j in range(RPT // K):
        pltpu.sync_copy(rows, acc.at[pl.ds(s * RPT + j * K, K)])
    pltpu.sync_copy(orows_hbm, rows)
    plsc.subcore_barrier()

    def chunk(k, carry):
        cid = wid + k * NW

        @pl.when(cid < NCHUNK)
        def _():
            pltpu.sync_copy(dst_hbm.at[pl.ds(cid * K, K)], didx)
            pltpu.sync_copy(rows, acc.at[didx], add=True)

        return carry

    lax.fori_loop(0, CPT, chunk, 0)
    plsc.subcore_barrier()
    pltpu.sync_copy(acc.at[pl.ds(s * RPT, RPT)], out_hbm.at[c, pl.ds(s * RPT, RPT)])


@functools.partial(
    pl.kernel,
    out_type=jax.ShapeDtypeStruct((2, NPAD, D), jnp.float32),
    mesh=_mesh,
    scratch_types=[
        pltpu.VMEM_SHARED((NPAD, D), jnp.float32),
        pltpu.VMEM((K, D), jnp.float32),
        pltpu.VMEM((K, D), jnp.float32),
        pltpu.VMEM((K,), jnp.int32),
        pltpu.VMEM((K,), jnp.int32),
        pltpu.VMEM((K,), jnp.int32),
        pltpu.VMEM((K,), jnp.int32),
        pltpu.SemaphoreType.DMA,
        pltpu.SemaphoreType.DMA,
        pltpu.SemaphoreType.DMA,
        pltpu.SemaphoreType.DMA,
    ],
)
def _sc_msg(g_hbm, src_hbm, dst_hbm, zrows_hbm, out_hbm, acc,
            rows0, rows1, sidx0, sidx1, didx0, didx1,
            gsem0, gsem1, ssem0, ssem1):
    c = lax.axis_index("c")
    s = lax.axis_index("s")
    wid = s * 2 + c
    rows = (rows0, rows1)
    sidx = (sidx0, sidx1)
    didx = (didx0, didx1)
    gsem = (gsem0, gsem1)
    ssem = (ssem0, ssem1)

    pltpu.sync_copy(zrows_hbm, rows0)
    for j in range(RPT // K):
        pltpu.sync_copy(rows0, acc.at[pl.ds(s * RPT + j * K, K)])
    plsc.subcore_barrier()

    @pl.when(wid < NCHUNK)
    def _():
        pltpu.sync_copy(src_hbm.at[pl.ds(wid * K, K)], sidx0)
        pltpu.sync_copy(dst_hbm.at[pl.ds(wid * K, K)], didx0)
        pltpu.async_copy(g_hbm.at[sidx0], rows0, gsem0)

    def do_iter(k, p):
        cid = wid + k * NW
        cid_n = cid + NW
        valid = cid < NCHUNK
        valid_n = cid_n < NCHUNK

        @pl.when(valid)
        def _():
            pltpu.make_async_copy(g_hbm.at[sidx[p]], rows[p], gsem[p]).wait()

        @pl.when(valid & valid_n)
        def _():
            pltpu.async_copy(rows[p], acc.at[didx[p]], ssem[p], add=True)

        @pl.when(valid & jnp.logical_not(valid_n))
        def _():
            pltpu.sync_copy(rows[p], acc.at[didx[p]], add=True)

        @pl.when(valid & (k >= 1))
        def _():
            pltpu.make_async_copy(
                rows[1 - p], acc.at[didx[1 - p]], ssem[1 - p]).wait()

        @pl.when(valid_n)
        def _():
            pltpu.sync_copy(src_hbm.at[pl.ds(cid_n * K, K)], sidx[1 - p])
            pltpu.sync_copy(dst_hbm.at[pl.ds(cid_n * K, K)], didx[1 - p])
            pltpu.async_copy(g_hbm.at[sidx[1 - p]], rows[1 - p], gsem[1 - p])

    def round_fn(r, carry):
        do_iter(2 * r, 0)
        do_iter(2 * r + 1, 1)
        return carry

    lax.fori_loop(0, (CPT + 1) // 2, round_fn, 0)
    plsc.subcore_barrier()
    pltpu.sync_copy(acc.at[pl.ds(s * RPT, RPT)], out_hbm.at[c, pl.ds(s * RPT, RPT)])


@functools.partial(
    pl.kernel,
    out_type=[
        jax.ShapeDtypeStruct((E, D), jnp.float32),
        jax.ShapeDtypeStruct((E, D), jnp.float32),
        jax.ShapeDtypeStruct((E,), jnp.float32),
    ],
    mesh=_mesh,
    scratch_types=[
        pltpu.VMEM((K, D), jnp.float32),
        pltpu.VMEM((K, D), jnp.float32),
        pltpu.VMEM((K, D), jnp.float32),
        pltpu.VMEM((K, D), jnp.float32),
        pltpu.VMEM((K,), jnp.int32),
        pltpu.VMEM((K,), jnp.int32),
        pltpu.VMEM((K,), jnp.int32),
        pltpu.VMEM((K,), jnp.int32),
        pltpu.VMEM((K,), jnp.float32),
        pltpu.VMEM((K,), jnp.float32),
        pltpu.VMEM((K,), jnp.float32),
        pltpu.VMEM((K,), jnp.float32),
        pltpu.VMEM((K,), jnp.float32),
        pltpu.VMEM((K,), jnp.float32),
        pltpu.VMEM((K,), jnp.float32),
        pltpu.VMEM((K,), jnp.float32),
        pltpu.SemaphoreType.DMA,
        pltpu.SemaphoreType.DMA,
        pltpu.SemaphoreType.DMA,
        pltpu.SemaphoreType.DMA,
    ],
)
def _sc_edges(ys_hbm, src_hbm, dst_hbm, sa_hbm, sb_hbm, et_hbm,
              srco_hbm, dsto_hbm, pred_hbm,
              bufs0, bufs1, bufd0, bufd1, sidx0, sidx1, didx0, didx1,
              et0, et1, pa0, pa1, pb0, pb1, pr0, pr1,
              gsem0, gsem1, wsem0, wsem1):
    c = lax.axis_index("c")
    s = lax.axis_index("s")
    wid = s * 2 + c
    bufs = (bufs0, bufs1)
    bufd = (bufd0, bufd1)
    sidx = (sidx0, sidx1)
    didx = (didx0, didx1)
    et_v = (et0, et1)
    pa_v = (pa0, pa1)
    pb_v = (pb0, pb1)
    pr_v = (pr0, pr1)
    gsem = (gsem0, gsem1)
    wsem = (wsem0, wsem1)

    def load_and_gather(cid, p):
        b = cid * K
        pltpu.sync_copy(src_hbm.at[pl.ds(b, K)], sidx[p])
        pltpu.sync_copy(dst_hbm.at[pl.ds(b, K)], didx[p])
        pltpu.sync_copy(et_hbm.at[pl.ds(b, K)], et_v[p])
        pltpu.async_copy(ys_hbm.at[sidx[p]], bufs[p], gsem[p])
        pltpu.async_copy(ys_hbm.at[didx[p]], bufd[p], gsem[p])
        pltpu.async_copy(sa_hbm.at[sidx[p]], pa_v[p], gsem[p])
        pltpu.async_copy(sb_hbm.at[didx[p]], pb_v[p], gsem[p])

    @pl.when(wid < NCHUNK)
    def _():
        load_and_gather(wid, 0)

    def do_iter(k, p):
        cid = wid + k * NW
        cid_n = cid + NW
        valid = cid < NCHUNK
        valid_n = cid_n < NCHUNK

        @pl.when(valid)
        def _():
            pltpu.make_async_copy(ys_hbm.at[sidx[p]], bufs[p], gsem[p]).wait()
            pltpu.make_async_copy(ys_hbm.at[didx[p]], bufd[p], gsem[p]).wait()
            pltpu.make_async_copy(sa_hbm.at[sidx[p]], pa_v[p], gsem[p]).wait()
            pltpu.make_async_copy(sb_hbm.at[didx[p]], pb_v[p], gsem[p]).wait()
            for j in range(K // 16):
                sl = pl.ds(j * 16, 16)
                pr_v[p][sl] = pa_v[p][sl] + pb_v[p][sl] + et_v[p][sl]

        b = cid * K

        @pl.when(valid & valid_n)
        def _():
            pltpu.async_copy(bufs[p], srco_hbm.at[pl.ds(b, K)], wsem[p])
            pltpu.async_copy(bufd[p], dsto_hbm.at[pl.ds(b, K)], wsem[p])
            pltpu.async_copy(pr_v[p], pred_hbm.at[pl.ds(b, K)], wsem[p])

        @pl.when(valid & jnp.logical_not(valid_n))
        def _():
            pltpu.sync_copy(bufs[p], srco_hbm.at[pl.ds(b, K)])
            pltpu.sync_copy(bufd[p], dsto_hbm.at[pl.ds(b, K)])
            pltpu.sync_copy(pr_v[p], pred_hbm.at[pl.ds(b, K)])

        @pl.when(valid & (k >= 1))
        def _():
            bp = (cid - NW) * K
            pltpu.make_async_copy(
                bufs[1 - p], srco_hbm.at[pl.ds(bp, K)], wsem[1 - p]).wait()
            pltpu.make_async_copy(
                bufd[1 - p], dsto_hbm.at[pl.ds(bp, K)], wsem[1 - p]).wait()
            pltpu.make_async_copy(
                pr_v[1 - p], pred_hbm.at[pl.ds(bp, K)], wsem[1 - p]).wait()

        @pl.when(valid_n)
        def _():
            load_and_gather(cid_n, 1 - p)

    def round_fn(r, carry):
        do_iter(2 * r, 0)
        do_iter(2 * r + 1, 1)
        return carry

    lax.fori_loop(0, (CPT + 1) // 2, round_fn, 0)



def _mm_scale_body(x_ref, w_ref, d_ref, o_ref):
    o_ref[...] = jnp.dot(x_ref[...], w_ref[...],
                         preferred_element_type=jnp.float32) * d_ref[...]


def _mm_scale(x, w, d2):
    return pl.pallas_call(
        _mm_scale_body,
        grid=(N // BN,),
        in_specs=[
            pl.BlockSpec((BN, D), lambda i: (i, 0)),
            pl.BlockSpec((D, D), lambda i: (0, 0)),
            pl.BlockSpec((BN, 1), lambda i: (i, 0)),
        ],
        out_specs=pl.BlockSpec((BN, D), lambda i: (i, 0)),
        out_shape=jax.ShapeDtypeStruct((N, D), jnp.float32),
    )(x, w, d2)


def _gcn2_body(a0_ref, a1_ref, g_ref, d_ref, b_ref, w_ref, o_ref):
    h = d_ref[...] * (a0_ref[...] + a1_ref[...] + g_ref[...]) + b_ref[...]
    h = jnp.maximum(h, 0.0)
    o_ref[...] = jnp.dot(h, w_ref[...],
                         preferred_element_type=jnp.float32) * d_ref[...]


def _gcn2(a0, a1, g, d2, b, w):
    return pl.pallas_call(
        _gcn2_body,
        grid=(N // BN,),
        in_specs=[
            pl.BlockSpec((BN, D), lambda i: (i, 0)),
            pl.BlockSpec((BN, D), lambda i: (i, 0)),
            pl.BlockSpec((BN, D), lambda i: (i, 0)),
            pl.BlockSpec((BN, 1), lambda i: (i, 0)),
            pl.BlockSpec((1, D), lambda i: (0, 0)),
            pl.BlockSpec((D, D), lambda i: (0, 0)),
        ],
        out_specs=pl.BlockSpec((BN, D), lambda i: (i, 0)),
        out_shape=jax.ShapeDtypeStruct((N, D), jnp.float32),
    )(a0, a1, g, d2, b, w)


def _gcn3_body(a0_ref, a1_ref, g_ref, d_ref, b_ref, wT_ref, bs_ref, o_ref):
    h = d_ref[...] * (a0_ref[...] + a1_ref[...] + g_ref[...]) + b_ref[...]
    o_ref[...] = jnp.dot(h, wT_ref[...],
                         preferred_element_type=jnp.float32) + bs_ref[...]


def _gcn3(a0, a1, g, d2, b, wT, bs):
    return pl.pallas_call(
        _gcn3_body,
        grid=(N // BN,),
        in_specs=[
            pl.BlockSpec((BN, D), lambda i: (i, 0)),
            pl.BlockSpec((BN, D), lambda i: (i, 0)),
            pl.BlockSpec((BN, D), lambda i: (i, 0)),
            pl.BlockSpec((BN, 1), lambda i: (i, 0)),
            pl.BlockSpec((1, D), lambda i: (0, 0)),
            pl.BlockSpec((D, G4), lambda i: (0, 0)),
            pl.BlockSpec((1, G4), lambda i: (0, 0)),
        ],
        out_specs=pl.BlockSpec((BN, G4), lambda i: (i, 0)),
        out_shape=jax.ShapeDtypeStruct((N, G4), jnp.float32),
    )(a0, a1, g, d2, b, wT, bs)


def _mm_bias_body(x_ref, w_ref, b_ref, o_ref):
    o_ref[...] = jnp.dot(x_ref[...], w_ref[...],
                         preferred_element_type=jnp.float32) + b_ref[...]


def _mm_bias(x, w, b, rows, bn, kdim, wdim):
    return pl.pallas_call(
        _mm_bias_body,
        grid=(rows // bn,),
        in_specs=[
            pl.BlockSpec((bn, kdim), lambda i: (i, 0)),
            pl.BlockSpec((kdim, wdim), lambda i: (0, 0)),
            pl.BlockSpec((1, wdim), lambda i: (0, 0)),
        ],
        out_specs=pl.BlockSpec((bn, wdim), lambda i: (i, 0)),
        out_shape=jax.ShapeDtypeStruct((rows, wdim), jnp.float32),
    )(x, w, b)


def _lstm2_body(p_ref, m_ref, b1_ref, ys_ref, h0_ref, c0_ref, h1_ref, c1_ref,
                z_s, c0_s, c1_s):
    pid = pl.program_id(0)

    @pl.when(pid == 0)
    def _():
        z_s[...] = jnp.zeros_like(z_s)
        c0_s[...] = jnp.zeros_like(c0_s)
        c1_s[...] = jnp.zeros_like(c1_s)

    def step(i, carry):
        t = pid * CSEQ + i
        z, c0, c1 = carry
        zb = z.astype(jnp.bfloat16)
        g0 = jnp.dot(zb[:, :H], m_ref[:H, :G4],
                     preferred_element_type=jnp.float32) + p_ref[pl.ds(i, 1), :]
        g1 = jnp.dot(zb, m_ref[:, G4:],
                     preferred_element_type=jnp.float32) + b1_ref[...]
        i0 = jax.nn.sigmoid(g0[:, 0:H])
        f0 = jax.nn.sigmoid(g0[:, H:2 * H])
        gg0 = jnp.tanh(g0[:, 2 * H:3 * H])
        o0 = jax.nn.sigmoid(g0[:, 3 * H:4 * H])
        c0n = f0 * c0 + i0 * gg0
        h0n = o0 * jnp.tanh(c0n)
        m0 = t < N
        c0u = jnp.where(m0, c0n, c0)
        h0u = jnp.where(m0, h0n, z[:, :H])
        i1 = jax.nn.sigmoid(g1[:, 0:H])
        f1 = jax.nn.sigmoid(g1[:, H:2 * H])
        gg1 = jnp.tanh(g1[:, 2 * H:3 * H])
        o1 = jax.nn.sigmoid(g1[:, 3 * H:4 * H])
        c1n = f1 * c1 + i1 * gg1
        h1n = o1 * jnp.tanh(c1n)
        m1 = jnp.logical_and(t >= 1, t <= N)
        c1u = jnp.where(m1, c1n, c1)
        h1u = jnp.where(m1, h1n, z[:, H:])
        ys_ref[pl.ds(i, 1), :] = h1u
        return jnp.concatenate([h0u, h1u], axis=1), c0u, c1u

    def step8(j, carry):
        for u in range(8):
            carry = step(8 * j + u, carry)
        return carry

    zf, c0f, c1f = lax.fori_loop(
        0, CSEQ // 8, step8, (z_s[...], c0_s[...], c1_s[...]))
    z_s[...] = zf
    c0_s[...] = c0f
    c1_s[...] = c1f
    h0_ref[...] = zf[:, :H]
    h1_ref[...] = zf[:, H:]
    c0_ref[...] = c0f
    c1_ref[...] = c1f


def _lstm2(p0pad, m, bsum1):
    return pl.pallas_call(
        _lstm2_body,
        grid=(NT // CSEQ,),
        in_specs=[
            pl.BlockSpec((CSEQ, G4), lambda i: (i, 0)),
            pl.BlockSpec((2 * H, 2 * G4), lambda i: (0, 0)),
            pl.BlockSpec((1, G4), lambda i: (0, 0)),
        ],
        out_specs=[
            pl.BlockSpec((CSEQ, H), lambda i: (i, 0)),
            pl.BlockSpec((1, H), lambda i: (0, 0)),
            pl.BlockSpec((1, H), lambda i: (0, 0)),
            pl.BlockSpec((1, H), lambda i: (0, 0)),
            pl.BlockSpec((1, H), lambda i: (0, 0)),
        ],
        out_shape=[
            jax.ShapeDtypeStruct((NT, H), jnp.float32),
            jax.ShapeDtypeStruct((1, H), jnp.float32),
            jax.ShapeDtypeStruct((1, H), jnp.float32),
            jax.ShapeDtypeStruct((1, H), jnp.float32),
            jax.ShapeDtypeStruct((1, H), jnp.float32),
        ],
        scratch_shapes=[
            pltpu.VMEM((1, 2 * H), jnp.float32),
            pltpu.VMEM((1, H), jnp.float32),
            pltpu.VMEM((1, H), jnp.float32),
        ],
    )(p0pad, m, bsum1)



def kernel(x, edge_index, edge_features, W1, b1, W2, b2,
           Wih0, Whh0, bih0, bhh0, Wih1, Whh1, bih1, bhh1,
           We, be, Wc, bc):
    f32 = jnp.float32
    src = edge_index[0]
    dst = edge_index[1]

    zrows = jnp.zeros((K, D), f32)
    orows = jnp.ones((K, D), f32)

    dacc = _sc_degree(dst, zrows, orows)
    deg = dacc[0, :N, 0] + dacc[1, :N, 0] + 1.0
    d2 = lax.rsqrt(deg)[:, None]

    g1 = _mm_scale(x, W1, d2)
    acc1 = _sc_msg(g1, src, dst, zrows)
    g2 = _gcn2(acc1[0, :N], acc1[1, :N], g1, d2, b1[None, :], W2)
    acc2 = _sc_msg(g2, src, dst, zrows)
    p0 = _gcn3(acc2[0, :N], acc2[1, :N], g2, d2, b2[None, :],
               Wih0.T, (bih0 + bhh0)[None, :])
    p0pad = jnp.concatenate([p0, jnp.zeros((CSEQ, G4), f32)], axis=0)
    top = jnp.concatenate([Whh0.T, Wih1.T], axis=1)
    bot = jnp.concatenate([jnp.zeros((H, G4), f32), Whh1.T], axis=1)
    m = jnp.concatenate([top, bot], axis=0).astype(jnp.bfloat16)
    yspad, h0, c0, h1, c1 = _lstm2(p0pad, m, (bih1 + bhh1)[None, :])
    ys1 = yspad[1:N + 1]

    WcAB = jnp.concatenate([Wc[:H], Wc[H:2 * H]], axis=1)
    sab = _mm_bias(ys1, WcAB, jnp.zeros((1, 2), f32), N, BN, H, 2)
    wef = We @ Wc[2 * H:]
    cconst = (be @ Wc[2 * H:] + bc)[None, :]
    eterm = _mm_bias(edge_features, wef, cconst, E, BE, 16, 1)

    src_out, dst_out, pred = _sc_edges(
        ys1, src, dst, sab[:, 0], sab[:, 1], eterm[:, 0])

    hidden_h = jnp.stack([h0, h1])
    hidden_c = jnp.stack([c0, c1])
    return pred[:, None], hidden_h, hidden_c, src_out, dst_out

# --- scband reference (transcript-rebuilt; emitter-appended) ---
"""Pipeline reference for scband-gcn-lstm-83743272337792 (READ-ONLY COPY).

The authoritative reference and input builder live on the scoring server;
editing this copy changes nothing except your own understanding.
"""

import jax, jax.numpy as jnp
import numpy as np

N = 10000
E = 320000
D_IN = 128
H = 128
D_OUT = 128
D_EDGE = 16

def glorot(key, shape):
    lim = float(np.sqrt(6.0 / (shape[0] + shape[1])))
    return jax.random.uniform(key, shape, jnp.float32, -lim, lim)

def setup_inputs(seed: int = 0):
    key = jax.random.key(seed)
    ks = jax.random.split(key, 24)
    inp = {}
    inp["x"] = jax.random.normal(ks[0], (N, D_IN), dtype=jnp.float32)
    inp["edge_index"] = jax.random.randint(ks[1], (2, E), 0, N, dtype=jnp.int32)
    inp["edge_features"] = jax.random.normal(ks[2], (E, D_EDGE), dtype=jnp.float32)
    inp["W1"] = glorot(ks[3], (D_IN, H))
    inp["b1"] = jnp.zeros((H,), jnp.float32)
    inp["W2"] = glorot(ks[4], (H, D_OUT))
    inp["b2"] = jnp.zeros((D_OUT,), jnp.float32)
    s = float(1.0 / np.sqrt(H))
    inp["Wih0"] = jax.random.uniform(ks[5], (4 * H, D_OUT), jnp.float32, -s, s)
    inp["Whh0"] = jax.random.uniform(ks[6], (4 * H, H), jnp.float32, -s, s)
    inp["bih0"] = jax.random.uniform(ks[7], (4 * H,), jnp.float32, -s, s)
    inp["bhh0"] = jax.random.uniform(ks[8], (4 * H,), jnp.float32, -s, s)
    inp["Wih1"] = jax.random.uniform(ks[9], (4 * H, H), jnp.float32, -s, s)
    inp["Whh1"] = jax.random.uniform(ks[10], (4 * H, H), jnp.float32, -s, s)
    inp["bih1"] = jax.random.uniform(ks[11], (4 * H,), jnp.float32, -s, s)
    inp["bhh1"] = jax.random.uniform(ks[12], (4 * H,), jnp.float32, -s, s)
    inp["We"] = glorot(ks[13], (D_EDGE, H))
    inp["be"] = jnp.zeros((H,), jnp.float32)
    inp["Wc"] = glorot(ks[14], (3 * H, 1))
    inp["bc"] = jnp.zeros((1,), jnp.float32)
    return inp

def gcn_conv(x, edge_index, W, b):
    n = x.shape[0]
    loops = jnp.arange(n, dtype=edge_index.dtype)
    src = jnp.concatenate([edge_index[0], loops])
    dst = jnp.concatenate([edge_index[1], loops])
    deg = jnp.zeros((n,), x.dtype).at[dst].add(1.0)
    dinv = jnp.where(deg > 0, 1.0 / jnp.sqrt(deg), 0.0)
    norm = dinv[src] * dinv[dst]
    h = x @ W
    msg = h[src] * norm[:, None]
    out = jnp.zeros((n, W.shape[1]), x.dtype).at[dst].add(msg)
    return out + b

def lstm_layer(xs, Wih, Whh, bih, bhh):
    hsz = Whh.shape[1]

    def step(carry, x_t):
        h, c = carry
        gates = Wih @ x_t + Whh @ h + bih + bhh
        i, f, g, o = jnp.split(gates, 4)
        i = jax.nn.sigmoid(i)
        f = jax.nn.sigmoid(f)
        g = jnp.tanh(g)
        o = jax.nn.sigmoid(o)
        c = f * c + i * g
        h = o * jnp.tanh(c)
        return (h, c), h

    init = (jnp.zeros((hsz,), xs.dtype), jnp.zeros((hsz,), xs.dtype))
    (hT, cT), ys = jax.lax.scan(step, init, xs)
    return ys, hT, cT

def reference(x, edge_index, edge_features, W1, b1, W2, b2, Wih0, Whh0, bih0, bhh0, Wih1, Whh1, bih1, bhh1, We, be, Wc, bc):
    h = jax.nn.relu(gcn_conv(x, edge_index, W1, b1))
    h = gcn_conv(h, edge_index, W2, b2)
    # x.unsqueeze(0): batch=1, seq_len=N for the batch_first LSTM
    ys0, h0, c0 = lstm_layer(h, Wih0, Whh0, bih0, bhh0)
    ys1, h1, c1 = lstm_layer(ys0, Wih1, Whh1, bih1, bhh1)
    hidden_h = jnp.stack([h0, h1])[:, None, :]
    hidden_c = jnp.stack([c0, c1])[:, None, :]
    lstm_out = ys1
    edge_emb = edge_features @ We + be
    src = lstm_out[edge_index[0]]
    dst = lstm_out[edge_index[1]]
    combined = jnp.concatenate([src, dst, edge_emb], axis=-1)
    edge_pred = combined @ Wc + bc
    return (edge_pred, hidden_h, hidden_c, src, dst)

if __name__ == "__main__":
    import jax
    _d = setup_inputs()
    print(jax.jit(kernel)(*tuple(_d.values())))

</pallas_src>

<mosaic_0001>
#map = affine_map<(d0, d1) -> (0, 0)>
#map1 = affine_map<(d0, d1) -> (0)>
module attributes {stable_mosaic.version = 14 : i64} {
  func.func @_sc_edges(%arg0: i32, %arg1: i32, %arg2: memref<10000x128xf32, #tpu.memory_space<hbm>>, %arg3: memref<320000xi32, #tpu.memory_space<hbm>>, %arg4: memref<320000xi32, #tpu.memory_space<hbm>>, %arg5: memref<10000xf32, #tpu.memory_space<hbm>>, %arg6: memref<10000xf32, #tpu.memory_space<hbm>>, %arg7: memref<320000xf32, #tpu.memory_space<hbm>>, %arg8: memref<320000x128xf32, #tpu.memory_space<hbm>>, %arg9: memref<320000x128xf32, #tpu.memory_space<hbm>>, %arg10: memref<320000xf32, #tpu.memory_space<hbm>>, %arg11: memref<128x128xf32, #tpu.memory_space<vmem>>, %arg12: memref<128x128xf32, #tpu.memory_space<vmem>>, %arg13: memref<128x128xf32, #tpu.memory_space<vmem>>, %arg14: memref<128x128xf32, #tpu.memory_space<vmem>>, %arg15: memref<128xi32, #tpu.memory_space<vmem>>, %arg16: memref<128xi32, #tpu.memory_space<vmem>>, %arg17: memref<128xi32, #tpu.memory_space<vmem>>, %arg18: memref<128xi32, #tpu.memory_space<vmem>>, %arg19: memref<128xf32, #tpu.memory_space<vmem>>, %arg20: memref<128xf32, #tpu.memory_space<vmem>>, %arg21: memref<128xf32, #tpu.memory_space<vmem>>, %arg22: memref<128xf32, #tpu.memory_space<vmem>>, %arg23: memref<128xf32, #tpu.memory_space<vmem>>, %arg24: memref<128xf32, #tpu.memory_space<vmem>>, %arg25: memref<128xf32, #tpu.memory_space<vmem>>, %arg26: memref<128xf32, #tpu.memory_space<vmem>>, %arg27: memref<!tpu.dma_semaphore, #tpu.memory_space<semaphore_mem>>, %arg28: memref<!tpu.dma_semaphore, #tpu.memory_space<semaphore_mem>>, %arg29: memref<!tpu.dma_semaphore, #tpu.memory_space<semaphore_mem>>, %arg30: memref<!tpu.dma_semaphore, #tpu.memory_space<semaphore_mem>>) attributes {dimension_semantics = [#tpu.dimension_semantics<core_parallel>, #tpu.dimension_semantics<subcore_parallel>], iteration_bounds = array<i64: 2, 16>, scalar_prefetch = 0 : i64, scratch_operands = 20 : i64, tpu.core_type = #tpu.core_type<sc_vector_subcore>, window_params = [{transform_indices = #map}, {transform_indices = #map1}, {transform_indices = #map1}, {transform_indices = #map1}, {transform_indices = #map1}, {transform_indices = #map1}, {transform_indices = #map}, {transform_indices = #map}, {transform_indices = #map1}]} {
    %mul3A = arith.constant 2 : i32
    %mul3A_0 = arith.muli %arg1, %mul3A : i32
    %add3A = arith.addi %mul3A_0, %arg0 : i32
    %lt3A = arith.constant 2500 : i32
    %lt3A_1 = arith.cmpi slt, %add3A, %lt3A : i32
    %convert_element_type3A = arith.extui %lt3A_1 : i1 to i32
    %cond3A = arith.constant 0 : i32
    %cond3A_2 = arith.cmpi ne, %convert_element_type3A, %cond3A : i32
    scf.if %cond3A_2 {
      %mul3A_8 = arith.constant 128 : i32
      %mul3A_9 = arith.muli %add3A, %mul3A_8 : i32
      "tpu.region"() ({
        %run_scoped3A = tpu.sem_alloc : memref<!tpu.dma_semaphore, #tpu.memory_space<semaphore_mem>>
        %dma_start3A_19 = tpu.memref_slice %arg3[%mul3A_9] : memref<320000xi32, #tpu.memory_space<hbm>> -> memref<128xi32, #tpu.memory_space<hbm>>
        %dma_start3A_20 = tpu.memref_slice %arg3[%mul3A_9] : memref<320000xi32, #tpu.memory_space<hbm>> -> memref<128xi32, #tpu.memory_space<hbm>>
        tpu.enqueue_dma source(%dma_start3A_20 : memref<128xi32, #tpu.memory_space<hbm>>) target(%arg15 : memref<128xi32, #tpu.memory_space<vmem>>) target_semaphore(%run_scoped3A : memref<!tpu.dma_semaphore, #tpu.memory_space<semaphore_mem>>)
        %dma_wait3A = tpu.memref_slice %arg3[%mul3A_9] : memref<320000xi32, #tpu.memory_space<hbm>> -> memref<128xi32, #tpu.memory_space<hbm>>
        %dma_wait3A_21 = tpu.memref_slice %arg3[%mul3A_9] : memref<320000xi32, #tpu.memory_space<hbm>> -> memref<128xi32, #tpu.memory_space<hbm>>
        tpu.wait_dma2 semaphore(%run_scoped3A : memref<!tpu.dma_semaphore, #tpu.memory_space<semaphore_mem>>) src(%dma_wait3A_21 : memref<128xi32, #tpu.memory_space<hbm>>) dst(%arg15 : memref<128xi32, #tpu.memory_space<vmem>>)
        tpu.yield
      }) : () -> ()
      "tpu.region"() ({
        %run_scoped3A = tpu.sem_alloc : memref<!tpu.dma_semaphore, #tpu.memory_space<semaphore_mem>>
        %dma_start3A_19 = tpu.memref_slice %arg4[%mul3A_9] : memref<320000xi32, #tpu.memory_space<hbm>> -> memref<128xi32, #tpu.memory_space<hbm>>
        %dma_start3A_20 = tpu.memref_slice %arg4[%mul3A_9] : memref<320000xi32, #tpu.memory_space<hbm>> -> memref<128xi32, #tpu.memory_space<hbm>>
        tpu.enqueue_dma source(%dma_start3A_20 : memref<128xi32, #tpu.memory_space<hbm>>) target(%arg17 : memref<128xi32, #tpu.memory_space<vmem>>) target_semaphore(%run_scoped3A : memref<!tpu.dma_semaphore, #tpu.memory_space<semaphore_mem>>)
        %dma_wait3A = tpu.memref_slice %arg4[%mul3A_9] : memref<320000xi32, #tpu.memory_space<hbm>> -> memref<128xi32, #tpu.memory_space<hbm>>
        %dma_wait3A_21 = tpu.memref_slice %arg4[%mul3A_9] : memref<320000xi32, #tpu.memory_space<hbm>> -> memref<128xi32, #tpu.memory_space<hbm>>
        tpu.wait_dma2 semaphore(%run_scoped3A : memref<!tpu.dma_semaphore, #tpu.memory_space<semaphore_mem>>) src(%dma_wait3A_21 : memref<128xi32, #tpu.memory_space<hbm>>) dst(%arg17 : memref<128xi32, #tpu.memory_space<vmem>>)
        tpu.yield
      }) : () -> ()
      "tpu.region"() ({
        %run_scoped3A = tpu.sem_alloc : memref<!tpu.dma_semaphore, #tpu.memory_space<semaphore_mem>>
        %dma_start3A_19 = tpu.memref_slice %arg7[%mul3A_9] : memref<320000xf32, #tpu.memory_space<hbm>> -> memref<128xf32, #tpu.memory_space<hbm>>
        %dma_start3A_20 = tpu.memref_slice %arg7[%mul3A_9] : memref<320000xf32, #tpu.memory_space<hbm>> -> memref<128xf32, #tpu.memory_space<hbm>>
        tpu.enqueue_dma source(%dma_start3A_20 : memref<128xf32, #tpu.memory_space<hbm>>) target(%arg19 : memref<128xf32, #tpu.memory_space<vmem>>) target_semaphore(%run_scoped3A : memref<!tpu.dma_semaphore, #tpu.memory_space<semaphore_mem>>)
        %dma_wait3A = tpu.memref_slice %arg7[%mul3A_9] : memref<320000xf32, #tpu.memory_space<hbm>> -> memref<128xf32, #tpu.memory_space<hbm>>
        %dma_wait3A_21 = tpu.memref_slice %arg7[%mul3A_9] : memref<320000xf32, #tpu.memory_space<hbm>> -> memref<128xf32, #tpu.memory_space<hbm>>
        tpu.wait_dma2 semaphore(%run_scoped3A : memref<!tpu.dma_semaphore, #tpu.memory_space<semaphore_mem>>) src(%dma_wait3A_21 : memref<128xf32, #tpu.memory_space<hbm>>) dst(%arg19 : memref<128xf32, #tpu.memory_space<vmem>>)
        tpu.yield
      }) : () -> ()
      %dma_start3A = arith.constant 0 : i32
      %dma_start3A_10 = arith.constant 0 : i32
      %dma_start3A_11 = tpu.memref_slice %arg2[%dma_start3A, %dma_start3A_10] : memref<10000x128xf32, #tpu.memory_space<hbm>> -> memref<10000x128xf32, #tpu.memory_space<hbm>>
      tpu.enqueue_indirect_dma source(%dma_start3A_11 : memref<10000x128xf32, #tpu.memory_space<hbm>>) target(%arg11 : memref<128x128xf32, #tpu.memory_space<vmem>>) offsets(%arg15 : memref<128xi32, #tpu.memory_space<vmem>>) semaphore(%arg27 : memref<!tpu.dma_semaphore, #tpu.memory_space<semaphore_mem>>)
      %dma_start3A_12 = arith.constant 0 : i32
      %dma_start3A_13 = arith.constant 0 : i32
      %dma_start3A_14 = tpu.memref_slice %arg2[%dma_start3A_12, %dma_start3A_13] : memref<10000x128xf32, #tpu.memory_space<hbm>> -> memref<10000x128xf32, #tpu.memory_space<hbm>>
      tpu.enqueue_indirect_dma source(%dma_start3A_14 : memref<10000x128xf32, #tpu.memory_space<hbm>>) target(%arg13 : memref<128x128xf32, #tpu.memory_space<vmem>>) offsets(%arg17 : memref<128xi32, #tpu.memory_space<vmem>>) semaphore(%arg27 : memref<!tpu.dma_semaphore, #tpu.memory_space<semaphore_mem>>)
      %dma_start3A_15 = arith.constant 0 : i32
      %dma_start3A_16 = tpu.memref_slice %arg5[%dma_start3A_15] : memref<10000xf32, #tpu.memory_space<hbm>> -> memref<10000xf32, #tpu.memory_space<hbm>>
      tpu.enqueue_indirect_dma source(%dma_start3A_16 : memref<10000xf32, #tpu.memory_space<hbm>>) target(%arg21 : memref<128xf32, #tpu.memory_space<vmem>>) offsets(%arg15 : memref<128xi32, #tpu.memory_space<vmem>>) semaphore(%arg27 : memref<!tpu.dma_semaphore, #tpu.memory_space<semaphore_mem>>)
      %dma_start3A_17 = arith.constant 0 : i32
      %dma_start3A_18 = tpu.memref_slice %arg6[%dma_start3A_17] : memref<10000xf32, #tpu.memory_space<hbm>> -> memref<10000xf32, #tpu.memory_space<hbm>>
      tpu.enqueue_indirect_dma source(%dma_start3A_18 : memref<10000xf32, #tpu.memory_space<hbm>>) target(%arg23 : memref<128xf32, #tpu.memory_space<vmem>>) offsets(%arg17 : memref<128xi32, #tpu.memory_space<vmem>>) semaphore(%arg27 : memref<!tpu.dma_semaphore, #tpu.memory_space<semaphore_mem>>)
    } else {
    }
    %scan3A = arith.constant 0 : i32
    %scan3A_3 = arith.constant 0 : i32
    %scan3A_4 = arith.constant 40 : i32
    %scan3A_5 = arith.addi %scan3A_3, %scan3A_4 : i32
    %scan3A_6 = arith.constant 1 : i32
    scf.for %scan3A_8 = %scan3A_3 to %scan3A_5 step %scan3A_6  : i32 {
      %mul3A_9 = arith.constant 2 : i32
      %mul3A_10 = arith.muli %mul3A_9, %scan3A_8 : i32
      %mul3A_11 = arith.constant 32 : i32
      %mul3A_12 = arith.muli %mul3A_10, %mul3A_11 : i32
      %add3A_13 = arith.addi %add3A, %mul3A_12 : i32
      %add3A_14 = arith.constant 32 : i32
      %add3A_15 = arith.addi %add3A_13, %add3A_14 : i32
      %lt3A_16 = arith.constant 2500 : i32
      %lt3A_17 = arith.cmpi slt, %add3A_13, %lt3A_16 : i32
      %lt3A_18 = arith.constant 2500 : i32
      %lt3A_19 = arith.cmpi slt, %add3A_15, %lt3A_18 : i32
      %convert_element_type3A_20 = arith.extui %lt3A_17 : i1 to i32
      %cond3A_21 = arith.constant 0 : i32
      %cond3A_22 = arith.cmpi ne, %convert_element_type3A_20, %cond3A_21 : i32
      scf.if %cond3A_22 {
        %dma_wait3A = arith.constant 0 : i32
        %dma_wait3A_78 = arith.constant 0 : i32
        %dma_wait3A_79 = tpu.memref_slice %arg2[%dma_wait3A, %dma_wait3A_78] : memref<10000x128xf32, #tpu.memory_space<hbm>> -> memref<10000x128xf32, #tpu.memory_space<hbm>>
        tpu.wait_indirect_dma semaphore(%arg27 : memref<!tpu.dma_semaphore, #tpu.memory_space<semaphore_mem>>) src(%dma_wait3A_79 : memref<10000x128xf32, #tpu.memory_space<hbm>>) dst(%arg11 : memref<128x128xf32, #tpu.memory_space<vmem>>)
        %dma_wait3A_80 = arith.constant 0 : i32
        %dma_wait3A_81 = arith.constant 0 : i32
        %dma_wait3A_82 = tpu.memref_slice %arg2[%dma_wait3A_80, %dma_wait3A_81] : memref<10000x128xf32, #tpu.memory_space<hbm>> -> memref<10000x128xf32, #tpu.memory_space<hbm>>
        tpu.wait_indirect_dma semaphore(%arg27 : memref<!tpu.dma_semaphore, #tpu.memory_space<semaphore_mem>>) src(%dma_wait3A_82 : memref<10000x128xf32, #tpu.memory_space<hbm>>) dst(%arg13 : memref<128x128xf32, #tpu.memory_space<vmem>>)
        %dma_wait3A_83 = arith.constant 0 : i32
        %dma_wait3A_84 = tpu.memref_slice %arg5[%dma_wait3A_83] : memref<10000xf32, #tpu.memory_space<hbm>> -> memref<10000xf32, #tpu.memory_space<hbm>>
        tpu.wait_indirect_dma semaphore(%arg27 : memref<!tpu.dma_semaphore, #tpu.memory_space<semaphore_mem>>) src(%dma_wait3A_84 : memref<10000xf32, #tpu.memory_space<hbm>>) dst(%arg21 : memref<128xf32, #tpu.memory_space<vmem>>)
        %dma_wait3A_85 = arith.constant 0 : i32
        %dma_wait3A_86 = tpu.memref_slice %arg6[%dma_wait3A_85] : memref<10000xf32, #tpu.memory_space<hbm>> -> memref<10000xf32, #tpu.memory_space<hbm>>
        tpu.wait_indirect_dma semaphore(%arg27 : memref<!tpu.dma_semaphore, #tpu.memory_space<semaphore_mem>>) src(%dma_wait3A_86 : memref<10000xf32, #tpu.memory_space<hbm>>) dst(%arg23 : memref<128xf32, #tpu.memory_space<vmem>>)
        %get3A = arith.constant 0 : index
        %get3A_87 = tpu.vector_load %arg21[%get3A] {strides = array<i32>} : memref<128xf32, #tpu.memory_space<vmem>>, vector<16xf32>,
        %get3A_88 = vector.shape_cast %get3A_87 : vector<16xf32> to vector<16xf32>
        %get3A_89 = arith.constant 0 : index
        %get3A_90 = tpu.vector_load %arg23[%get3A_89] {strides = array<i32>} : memref<128xf32, #tpu.memory_space<vmem>>, vector<16xf32>,
        %get3A_91 = vector.shape_cast %get3A_90 : vector<16xf32> to vector<16xf32>
        %add3A_92 = arith.addf %get3A_88, %get3A_91 : vector<16xf32>
        %get3A_93 = arith.constant 0 : index
        %get3A_94 = tpu.vector_load %arg19[%get3A_93] {strides = array<i32>} : memref<128xf32, #tpu.memory_space<vmem>>, vector<16xf32>,
        %get3A_95 = vector.shape_cast %get3A_94 : vector<16xf32> to vector<16xf32>
        %add3A_96 = arith.addf %add3A_92, %get3A_95 : vector<16xf32>
        %swap3A = arith.constant 0 : index
        %swap3A_97 = tpu.vector_load %arg25[%swap3A] {strides = array<i32>} : memref<128xf32, #tpu.memory_space<vmem>>, vector<16xf32>,
        %swap3A_98 = vector.shape_cast %swap3A_97 : vector<16xf32> to vector<16xf32>
        %swap3A_99 = vector.shape_cast %add3A_96 : vector<16xf32> to vector<16xf32>
        tpu.vector_store %arg25[%swap3A], %swap3A_99 {strides = array<i32>} : memref<128xf32, #tpu.memory_space<vmem>>, vector<16xf32>,
        %get3A_100 = arith.constant 16 : index
        %get3A_101 = tpu.vector_load %arg21[%get3A_100] {strides = array<i32>} : memref<128xf32, #tpu.memory_space<vmem>>, vector<16xf32>,
        %get3A_102 = vector.shape_cast %get3A_101 : vector<16xf32> to vector<16xf32>
        %get3A_103 = arith.constant 16 : index
        %get3A_104 = tpu.vector_load %arg23[%get3A_103] {strides = array<i32>} : memref<128xf32, #tpu.memory_space<vmem>>, vector<16xf32>,
        %get3A_105 = vector.shape_cast %get3A_104 : vector<16xf32> to vector<16xf32>
        %add3A_106 = arith.addf %get3A_102, %get3A_105 : vector<16xf32>
        %get3A_107 = arith.constant 16 : index
        %get3A_108 = tpu.vector_load %arg19[%get3A_107] {strides = array<i32>} : memref<128xf32, #tpu.memory_space<vmem>>, vector<16xf32>,
        %get3A_109 = vector.shape_cast %get3A_108 : vector<16xf32> to vector<16xf32>
        %add3A_110 = arith.addf %add3A_106, %get3A_109 : vector<16xf32>
        %swap3A_111 = arith.constant 16 : index
        %swap3A_112 = tpu.vector_load %arg25[%swap3A_111] {strides = array<i32>} : memref<128xf32, #tpu.memory_space<vmem>>, vector<16xf32>,
        %swap3A_113 = vector.shape_cast %swap3A_112 : vector<16xf32> to vector<16xf32>
        %swap3A_114 = vector.shape_cast %add3A_110 : vector<16xf32> to vector<16xf32>
        tpu.vector_store %arg25[%swap3A_111], %swap3A_114 {strides = array<i32>} : memref<128xf32, #tpu.memory_space<vmem>>, vector<16xf32>,
        %get3A_115 = arith.constant 32 : index
        %get3A_116 = tpu.vector_load %arg21[%get3A_115] {strides = array<i32>} : memref<128xf32, #tpu.memory_space<vmem>>, vector<16xf32>,
        %get3A_117 = vector.shape_cast %get3A_116 : vector<16xf32> to vector<16xf32>
        %get3A_118 = arith.constant 32 : index
        %get3A_119 = tpu.vector_load %arg23[%get3A_118] {strides = array<i32>} : memref<128xf32, #tpu.memory_space<vmem>>, vector<16xf32>,
        %get3A_120 = vector.shape_cast %get3A_119 : vector<16xf32> to vector<16xf32>
        %add3A_121 = arith.addf %get3A_117, %get3A_120 : vector<16xf32>
        %get3A_122 = arith.constant 32 : index
        %get3A_123 = tpu.vector_load %arg19[%get3A_122] {strides = array<i32>} : memref<128xf32, #tpu.memory_space<vmem>>, vector<16xf32>,
        %get3A_124 = vector.shape_cast %get3A_123 : vector<16xf32> to vector<16xf32>
        %add3A_125 = arith.addf %add3A_121, %get3A_124 : vector<16xf32>
        %swap3A_126 = arith.constant 32 : index
        %swap3A_127 = tpu.vector_load %arg25[%swap3A_126] {strides = array<i32>} : memref<128xf32, #tpu.memory_space<vmem>>, vector<16xf32>,
        %swap3A_128 = vector.shape_cast %swap3A_127 : vector<16xf32> to vector<16xf32>
        %swap3A_129 = vector.shape_cast %add3A_125 : vector<16xf32> to vector<16xf32>
        tpu.vector_store %arg25[%swap3A_126], %swap3A_129 {strides = array<i32>} : memref<128xf32, #tpu.memory_space<vmem>>, vector<16xf32>,
        %get3A_130 = arith.constant 48 : index
        %get3A_131 = tpu.vector_load %arg21[%get3A_130] {strides = array<i32>} : memref<128xf32, #tpu.memory_space<vmem>>, vector<16xf32>,
        %get3A_132 = vector.shape_cast %get3A_131 : vector<16xf32> to vector<16xf32>
        %get3A_133 = arith.constant 48 : index
        %get3A_134 = tpu.vector_load %arg23[%get3A_133] {strides = array<i32>} : memref<128xf32, #tpu.memory_space<vmem>>, vector<16xf32>,
        %get3A_135 = vector.shape_cast %get3A_134 : vector<16xf32> to vector<16xf32>
        %add3A_136 = arith.addf %get3A_132, %get3A_135 : vector<16xf32>
        %get3A_137 = arith.constant 48 : index
        %get3A_138 = tpu.vector_load %arg19[%get3A_137] {strides = array<i32>} : memref<128xf32, #tpu.memory_space<vmem>>, vector<16xf32>,
        %get3A_139 = vector.shape_cast %get3A_138 : vector<16xf32> to vector<16xf32>
        %add3A_140 = arith.addf %add3A_136, %get3A_139 : vector<16xf32>
        %swap3A_141 = arith.constant 48 : index
        %swap3A_142 = tpu.vector_load %arg25[%swap3A_141] {strides = array<i32>} : memref<128xf32, #tpu.memory_space<vmem>>, vector<16xf32>,
        %swap3A_143 = vector.shape_cast %swap3A_142 : vector<16xf32> to vector<16xf32>
        %swap3A_144 = vector.shape_cast %add3A_140 : vector<16xf32> to vector<16xf32>
        tpu.vector_store %arg25[%swap3A_141], %swap3A_144 {strides = array<i32>} : memref<128xf32, #tpu.memory_space<vmem>>, vector<16xf32>,
        %get3A_145 = arith.constant 64 : index
        %get3A_146 = tpu.vector_load %arg21[%get3A_145] {strides = array<i32>} : memref<128xf32, #tpu.memory_space<vmem>>, vector<16xf32>,
        %get3A_147 = vector.shape_cast %get3A_146 : vector<16xf32> to vector<16xf32>
        %get3A_148 = arith.constant 64 : index
        %get3A_149 = tpu.vector_load %arg23[%get3A_148] {strides = array<i32>} : memref<128xf32, #tpu.memory_space<vmem>>, vector<16xf32>,
        %get3A_150 = vector.shape_cast %get3A_149 : vector<16xf32> to vector<16xf32>
        %add3A_151 = arith.addf %get3A_147, %get3A_150 : vector<16xf32>
        %get3A_152 = arith.constant 64 : index
        %get3A_153 = tpu.vector_load %arg19[%get3A_152] {strides = array<i32>} : memref<128xf32, #tpu.memory_space<vmem>>, vector<16xf32>,
        %get3A_154 = vector.shape_cast %get3A_153 : vector<16xf32> to vector<16xf32>
        %add3A_155 = arith.addf %add3A_151, %get3A_154 : vector<16xf32>
        %swap3A_156 = arith.constant 64 : index
        %swap3A_157 = tpu.vector_load %arg25[%swap3A_156] {strides = array<i32>} : memref<128xf32, #tpu.memory_space<vmem>>, vector<16xf32>,
        %swap3A_158 = vector.shape_cast %swap3A_157 : vector<16xf32> to vector<16xf32>
        %swap3A_159 = vector.shape_cast %add3A_155 : vector<16xf32> to vector<16xf32>
        tpu.vector_store %arg25[%swap3A_156], %swap3A_159 {strides = array<i32>} : memref<128xf32, #tpu.memory_space<vmem>>, vector<16xf32>,
        %get3A_160 = arith.constant 80 : index
        %get3A_161 = tpu.vector_load %arg21[%get3A_160] {strides = array<i32>} : memref<128xf32, #tpu.memory_space<vmem>>, vector<16xf32>,
        %get3A_162 = vector.shape_cast %get3A_161 : vector<16xf32> to vector<16xf32>
        %get3A_163 = arith.constant 80 : index
        %get3A_164 = tpu.vector_load %arg23[%get3A_163] {strides = array<i32>} : memref<128xf32, #tpu.memory_space<vmem>>, vector<16xf32>,
        %get3A_165 = vector.shape_cast %get3A_164 : vector<16xf32> to vector<16xf32>
        %add3A_166 = arith.addf %get3A_162, %get3A_165 : vector<16xf32>
        %get3A_167 = arith.constant 80 : index
        %get3A_168 = tpu.vector_load %arg19[%get3A_167] {strides = array<i32>} : memref<128xf32, #tpu.memory_space<vmem>>, vector<16xf32>,
        %get3A_169 = vector.shape_cast %get3A_168 : vector<16xf32> to vector<16xf32>
        %add3A_170 = arith.addf %add3A_166, %get3A_169 : vector<16xf32>
        %swap3A_171 = arith.constant 80 : index
        %swap3A_172 = tpu.vector_load %arg25[%swap3A_171] {strides = array<i32>} : memref<128xf32, #tpu.memory_space<vmem>>, vector<16xf32>,
        %swap3A_173 = vector.shape_cast %swap3A_172 : vector<16xf32> to vector<16xf32>
        %swap3A_174 = vector.shape_cast %add3A_170 : vector<16xf32> to vector<16xf32>
        tpu.vector_store %arg25[%swap3A_171], %swap3A_174 {strides = array<i32>} : memref<128xf32, #tpu.memory_space<vmem>>, vector<16xf32>,
        %get3A_175 = arith.constant 96 : index
        %get3A_176 = tpu.vector_load %arg21[%get3A_175] {strides = array<i32>} : memref<128xf32, #tpu.memory_space<vmem>>, vector<16xf32>,
        %get3A_177 = vector.shape_cast %get3A_176 : vector<16xf32> to vector<16xf32>
        %get3A_178 = arith.constant 96 : index
        %get3A_179 = tpu.vector_load %arg23[%get3A_178] {strides = array<i32>} : memref<128xf32, #tpu.memory_space<vmem>>, vector<16xf32>,
        %get3A_180 = vector.shape_cast %get3A_179 : vector<16xf32> to vector<16xf32>
        %add3A_181 = arith.addf %get3A_177, %get3A_180 : vector<16xf32>
        %get3A_182 = arith.constant 96 : index
        %get3A_183 = tpu.vector_load %arg19[%get3A_182] {strides = array<i32>} : memref<128xf32, #tpu.memory_space<vmem>>, vector<16xf32>,
        %get3A_184 = vector.shape_cast %get3A_183 : vector<16xf32> to vector<16xf32>
        %add3A_185 = arith.addf %add3A_181, %get3A_184 : vector<16xf32>
        %swap3A_186 = arith.constant 96 : index
        %swap3A_187 = tpu.vector_load %arg25[%swap3A_186] {strides = array<i32>} : memref<128xf32, #tpu.memory_space<vmem>>, vector<16xf32>,
        %swap3A_188 = vector.shape_cast %swap3A_187 : vector<16xf32> to vector<16xf32>
        %swap3A_189 = vector.shape_cast %add3A_185 : vector<16xf32> to vector<16xf32>
        tpu.vector_store %arg25[%swap3A_186], %swap3A_189 {strides = array<i32>} : memref<128xf32, #tpu.memory_space<vmem>>, vector<16xf32>,
        %get3A_190 = arith.constant 112 : index
        %get3A_191 = tpu.vector_load %arg21[%get3A_190] {strides = array<i32>} : memref<128xf32, #tpu.memory_space<vmem>>, vector<16xf32>,
        %get3A_192 = vector.shape_cast %get3A_191 : vector<16xf32> to vector<16xf32>
        %get3A_193 = arith.constant 112 : index
        %get3A_194 = tpu.vector_load %arg23[%get3A_193] {strides = array<i32>} : memref<128xf32, #tpu.memory_space<vmem>>, vector<16xf32>,
        %get3A_195 = vector.shape_cast %get3A_194 : vector<16xf32> to vector<16xf32>
        %add3A_196 = arith.addf %get3A_192, %get3A_195 : vector<16xf32>
        %get3A_197 = arith.constant 112 : index
        %get3A_198 = tpu.vector_load %arg19[%get3A_197] {strides = array<i32>} : memref<128xf32, #tpu.memory_space<vmem>>, vector<16xf32>,
        %get3A_199 = vector.shape_cast %get3A_198 : vector<16xf32> to vector<16xf32>
        %add3A_200 = arith.addf %add3A_196, %get3A_199 : vector<16xf32>
        %swap3A_201 = arith.constant 112 : index
        %swap3A_202 = tpu.vector_load %arg25[%swap3A_201] {strides = array<i32>} : memref<128xf32, #tpu.memory_space<vmem>>, vector<16xf32>,
        %swap3A_203 = vector.shape_cast %swap3A_202 : vector<16xf32> to vector<16xf32>
        %swap3A_204 = vector.shape_cast %add3A_200 : vector<16xf32> to vector<16xf32>
        tpu.vector_store %arg25[%swap3A_201], %swap3A_204 {strides = array<i32>} : memref<128xf32, #tpu.memory_space<vmem>>, vector<16xf32>,
      } else {
      }
      %mul3A_23 = arith.constant 128 : i32
      %mul3A_24 = arith.muli %add3A_13, %mul3A_23 : i32
      %and3A = arith.andi %lt3A_17, %lt3A_19 : i1
      %convert_element_type3A_25 = arith.extui %and3A : i1 to i32
      %cond3A_26 = arith.constant 0 : i32
      %cond3A_27 = arith.cmpi ne, %convert_element_type3A_25, %cond3A_26 : i32
      scf.if %cond3A_27 {
        %dma_start3A = arith.constant 0 : i32
        %dma_start3A_78 = tpu.memref_slice %arg8[%mul3A_24, %dma_start3A] : memref<320000x128xf32, #tpu.memory_space<hbm>> -> memref<128x128xf32, #tpu.memory_space<hbm>>
        %dma_start3A_79 = arith.constant 0 : i32
        %dma_start3A_80 = tpu.memref_slice %arg8[%mul3A_24, %dma_start3A_79] : memref<320000x128xf32, #tpu.memory_space<hbm>> -> memref<128x128xf32, #tpu.memory_space<hbm>>
        tpu.enqueue_dma source(%arg11 : memref<128x128xf32, #tpu.memory_space<vmem>>) target(%dma_start3A_80 : memref<128x128xf32, #tpu.memory_space<hbm>>) target_semaphore(%arg29 : memref<!tpu.dma_semaphore, #tpu.memory_space<semaphore_mem>>)
        %dma_start3A_81 = arith.constant 0 : i32
        %dma_start3A_82 = tpu.memref_slice %arg9[%mul3A_24, %dma_start3A_81] : memref<320000x128xf32, #tpu.memory_space<hbm>> -> memref<128x128xf32, #tpu.memory_space<hbm>>
        %dma_start3A_83 = arith.constant 0 : i32
        %dma_start3A_84 = tpu.memref_slice %arg9[%mul3A_24, %dma_start3A_83] : memref<320000x128xf32, #tpu.memory_space<hbm>> -> memref<128x128xf32, #tpu.memory_space<hbm>>
        tpu.enqueue_dma source(%arg13 : memref<128x128xf32, #tpu.memory_space<vmem>>) target(%dma_start3A_84 : memref<128x128xf32, #tpu.memory_space<hbm>>) target_semaphore(%arg29 : memref<!tpu.dma_semaphore, #tpu.memory_space<semaphore_mem>>)
        %dma_start3A_85 = tpu.memref_slice %arg10[%mul3A_24] : memref<320000xf32, #tpu.memory_space<hbm>> -> memref<128xf32, #tpu.memory_space<hbm>>
        %dma_start3A_86 = tpu.memref_slice %arg10[%mul3A_24] : memref<320000xf32, #tpu.memory_space<hbm>> -> memref<128xf32, #tpu.memory_space<hbm>>
        tpu.enqueue_dma source(%arg25 : memref<128xf32, #tpu.memory_space<vmem>>) target(%dma_start3A_86 : memref<128xf32, #tpu.memory_space<hbm>>) target_semaphore(%arg29 : memref<!tpu.dma_semaphore, #tpu.memory_space<semaphore_mem>>)
      } else {
      }
      %not3A = arith.constant true
      %not3A_28 = arith.xori %lt3A_19, %not3A : i1
      %and3A_29 = arith.andi %lt3A_17, %not3A_28 : i1
      %convert_element_type3A_30 = arith.extui %and3A_29 : i1 to i32
      %cond3A_31 = arith.constant 0 : i32
      %cond3A_32 = arith.cmpi ne, %convert_element_type3A_30, %cond3A_31 : i32
      scf.if %cond3A_32 {
        "tpu.region"() ({
          %run_scoped3A = tpu.sem_alloc : memref<!tpu.dma_semaphore, #tpu.memory_space<semaphore_mem>>
          %dma_start3A = arith.constant 0 : i32
          %dma_start3A_78 = tpu.memref_slice %arg8[%mul3A_24, %dma_start3A] : memref<320000x128xf32, #tpu.memory_space<hbm>> -> memref<128x128xf32, #tpu.memory_space<hbm>>
          %dma_start3A_79 = arith.constant 0 : i32
          %dma_start3A_80 = tpu.memref_slice %arg8[%mul3A_24, %dma_start3A_79] : memref<320000x128xf32, #tpu.memory_space<hbm>> -> memref<128x128xf32, #tpu.memory_space<hbm>>
          tpu.enqueue_dma source(%arg11 : memref<128x128xf32, #tpu.memory_space<vmem>>) target(%dma_start3A_80 : memref<128x128xf32, #tpu.memory_space<hbm>>) target_semaphore(%run_scoped3A : memref<!tpu.dma_semaphore, #tpu.memory_space<semaphore_mem>>)
          %dma_wait3A = arith.constant 0 : i32
          %dma_wait3A_81 = tpu.memref_slice %arg8[%mul3A_24, %dma_wait3A] : memref<320000x128xf32, #tpu.memory_space<hbm>> -> memref<128x128xf32, #tpu.memory_space<hbm>>
          %dma_wait3A_82 = arith.constant 0 : i32
          %dma_wait3A_83 = tpu.memref_slice %arg8[%mul3A_24, %dma_wait3A_82] : memref<320000x128xf32, #tpu.memory_space<hbm>> -> memref<128x128xf32, #tpu.memory_space<hbm>>
          tpu.wait_dma2 semaphore(%run_scoped3A : memref<!tpu.dma_semaphore, #tpu.memory_space<semaphore_mem>>) src(%arg11 : memref<128x128xf32, #tpu.memory_space<vmem>>) dst(%dma_wait3A_83 : memref<128x128xf32, #tpu.memory_space<hbm>>)
          tpu.yield
        }) : () -> ()
        "tpu.region"() ({
          %run_scoped3A = tpu.sem_alloc : memref<!tpu.dma_semaphore, #tpu.memory_space<semaphore_mem>>
          %dma_start3A = arith.constant 0 : i32
          %dma_start3A_78 = tpu.memref_slice %arg9[%mul3A_24, %dma_start3A] : memref<320000x128xf32, #tpu.memory_space<hbm>> -> memref<128x128xf32, #tpu.memory_space<hbm>>
          %dma_start3A_79 = arith.constant 0 : i32
          %dma_start3A_80 = tpu.memref_slice %arg9[%mul3A_24, %dma_start3A_79] : memref<320000x128xf32, #tpu.memory_space<hbm>> -> memref<128x128xf32, #tpu.memory_space<hbm>>
          tpu.enqueue_dma source(%arg13 : memref<128x128xf32, #tpu.memory_space<vmem>>) target(%dma_start3A_80 : memref<128x128xf32, #tpu.memory_space<hbm>>) target_semaphore(%run_scoped3A : memref<!tpu.dma_semaphore, #tpu.memory_space<semaphore_mem>>)
          %dma_wait3A = arith.constant 0 : i32
          %dma_wait3A_81 = tpu.memref_slice %arg9[%mul3A_24, %dma_wait3A] : memref<320000x128xf32, #tpu.memory_space<hbm>> -> memref<128x128xf32, #tpu.memory_space<hbm>>
          %dma_wait3A_82 = arith.constant 0 : i32
          %dma_wait3A_83 = tpu.memref_slice %arg9[%mul3A_24, %dma_wait3A_82] : memref<320000x128xf32, #tpu.memory_space<hbm>> -> memref<128x128xf32, #tpu.memory_space<hbm>>
          tpu.wait_dma2 semaphore(%run_scoped3A : memref<!tpu.dma_semaphore, #tpu.memory_space<semaphore_mem>>) src(%arg13 : memref<128x128xf32, #tpu.memory_space<vmem>>) dst(%dma_wait3A_83 : memref<128x128xf32, #tpu.memory_space<hbm>>)
          tpu.yield
        }) : () -> ()
        "tpu.region"() ({
          %run_scoped3A = tpu.sem_alloc : memref<!tpu.dma_semaphore, #tpu.memory_space<semaphore_mem>>
          %dma_start3A = tpu.memref_slice %arg10[%mul3A_24] : memref<320000xf32, #tpu.memory_space<hbm>> -> memref<128xf32, #tpu.memory_space<hbm>>
          %dma_start3A_78 = tpu.memref_slice %arg10[%mul3A_24] : memref<320000xf32, #tpu.memory_space<hbm>> -> memref<128xf32, #tpu.memory_space<hbm>>
          tpu.enqueue_dma source(%arg25 : memref<128xf32, #tpu.memory_space<vmem>>) target(%dma_start3A_78 : memref<128xf32, #tpu.memory_space<hbm>>) target_semaphore(%run_scoped3A : memref<!tpu.dma_semaphore, #tpu.memory_space<semaphore_mem>>)
          %dma_wait3A = tpu.memref_slice %arg10[%mul3A_24] : memref<320000xf32, #tpu.memory_space<hbm>> -> memref<128xf32, #tpu.memory_space<hbm>>
          %dma_wait3A_79 = tpu.memref_slice %arg10[%mul3A_24] : memref<320000xf32, #tpu.memory_space<hbm>> -> memref<128xf32, #tpu.memory_space<hbm>>
          tpu.wait_dma2 semaphore(%run_scoped3A : memref<!tpu.dma_semaphore, #tpu.memory_space<semaphore_mem>>) src(%arg25 : memref<128xf32, #tpu.memory_space<vmem>>) dst(%dma_wait3A_79 : memref<128xf32, #tpu.memory_space<hbm>>)
          tpu.yield
        }) : () -> ()
      } else {
      }
      %ge3A = arith.constant 1 : i32
      %ge3A_33 = arith.cmpi sge, %mul3A_10, %ge3A : i32
      %and3A_34 = arith.andi %lt3A_17, %ge3A_33 : i1
      %convert_element_type3A_35 = arith.extui %and3A_34 : i1 to i32
      %cond3A_36 = arith.constant 0 : i32
      %cond3A_37 = arith.cmpi ne, %convert_element_type3A_35, %cond3A_36 : i32
      scf.if %cond3A_37 {
        %sub3A = arith.constant 32 : i32
        %sub3A_78 = arith.subi %add3A_13, %sub3A : i32
        %mul3A_79 = arith.constant 128 : i32
        %mul3A_80 = arith.muli %sub3A_78, %mul3A_79 : i32
        %dma_wait3A = arith.constant 0 : i32
        %dma_wait3A_81 = tpu.memref_slice %arg8[%mul3A_80, %dma_wait3A] : memref<320000x128xf32, #tpu.memory_space<hbm>> -> memref<128x128xf32, #tpu.memory_space<hbm>>
        %dma_wait3A_82 = arith.constant 0 : i32
        %dma_wait3A_83 = tpu.memref_slice %arg8[%mul3A_80, %dma_wait3A_82] : memref<320000x128xf32, #tpu.memory_space<hbm>> -> memref<128x128xf32, #tpu.memory_space<hbm>>
        tpu.wait_dma2 semaphore(%arg30 : memref<!tpu.dma_semaphore, #tpu.memory_space<semaphore_mem>>) src(%arg12 : memref<128x128xf32, #tpu.memory_space<vmem>>) dst(%dma_wait3A_83 : memref<128x128xf32, #tpu.memory_space<hbm>>)
        %dma_wait3A_84 = arith.constant 0 : i32
        %dma_wait3A_85 = tpu.memref_slice %arg9[%mul3A_80, %dma_wait3A_84] : memref<320000x128xf32, #tpu.memory_space<hbm>> -> memref<128x128xf32, #tpu.memory_space<hbm>>
        %dma_wait3A_86 = arith.constant 0 : i32
        %dma_wait3A_87 = tpu.memref_slice %arg9[%mul3A_80, %dma_wait3A_86] : memref<320000x128xf32, #tpu.memory_space<hbm>> -> memref<128x128xf32, #tpu.memory_space<hbm>>
        tpu.wait_dma2 semaphore(%arg30 : memref<!tpu.dma_semaphore, #tpu.memory_space<semaphore_mem>>) src(%arg14 : memref<128x128xf32, #tpu.memory_space<vmem>>) dst(%dma_wait3A_87 : memref<128x128xf32, #tpu.memory_space<hbm>>)
        %dma_wait3A_88 = tpu.memref_slice %arg10[%mul3A_80] : memref<320000xf32, #tpu.memory_space<hbm>> -> memref<128xf32, #tpu.memory_space<hbm>>
        %dma_wait3A_89 = tpu.memref_slice %arg10[%mul3A_80] : memref<320000xf32, #tpu.memory_space<hbm>> -> memref<128xf32, #tpu.memory_space<hbm>>
        tpu.wait_dma2 semaphore(%arg30 : memref<!tpu.dma_semaphore, #tpu.memory_space<semaphore_mem>>) src(%arg26 : memref<128xf32, #tpu.memory_space<vmem>>) dst(%dma_wait3A_89 : memref<128xf32, #tpu.memory_space<hbm>>)
      } else {
      }
      %convert_element_type3A_38 = arith.extui %lt3A_19 : i1 to i32
      %cond3A_39 = arith.constant 0 : i32
      %cond3A_40 = arith.cmpi ne, %convert_element_type3A_38, %cond3A_39 : i32
      scf.if %cond3A_40 {
        %mul3A_78 = arith.constant 128 : i32
        %mul3A_79 = arith.muli %add3A_15, %mul3A_78 : i32
        "tpu.region"() ({
          %run_scoped3A = tpu.sem_alloc : memref<!tpu.dma_semaphore, #tpu.memory_space<semaphore_mem>>
          %dma_start3A_89 = tpu.memref_slice %arg3[%mul3A_79] : memref<320000xi32, #tpu.memory_space<hbm>> -> memref<128xi32, #tpu.memory_space<hbm>>
          %dma_start3A_90 = tpu.memref_slice %arg3[%mul3A_79] : memref<320000xi32, #tpu.memory_space<hbm>> -> memref<128xi32, #tpu.memory_space<hbm>>
          tpu.enqueue_dma source(%dma_start3A_90 : memref<128xi32, #tpu.memory_space<hbm>>) target(%arg16 : memref<128xi32, #tpu.memory_space<vmem>>) target_semaphore(%run_scoped3A : memref<!tpu.dma_semaphore, #tpu.memory_space<semaphore_mem>>)
          %dma_wait3A = tpu.memref_slice %arg3[%mul3A_79] : memref<320000xi32, #tpu.memory_space<hbm>> -> memref<128xi32, #tpu.memory_space<hbm>>
          %dma_wait3A_91 = tpu.memref_slice %arg3[%mul3A_79] : memref<320000xi32, #tpu.memory_space<hbm>> -> memref<128xi32, #tpu.memory_space<hbm>>
          tpu.wait_dma2 semaphore(%run_scoped3A : memref<!tpu.dma_semaphore, #tpu.memory_space<semaphore_mem>>) src(%dma_wait3A_91 : memref<128xi32, #tpu.memory_space<hbm>>) dst(%arg16 : memref<128xi32, #tpu.memory_space<vmem>>)
          tpu.yield
        }) : () -> ()
        "tpu.region"() ({
          %run_scoped3A = tpu.sem_alloc : memref<!tpu.dma_semaphore, #tpu.memory_space<semaphore_mem>>
          %dma_start3A_89 = tpu.memref_slice %arg4[%mul3A_79] : memref<320000xi32, #tpu.memory_space<hbm>> -> memref<128xi32, #tpu.memory_space<hbm>>
          %dma_start3A_90 = tpu.memref_slice %arg4[%mul3A_79] : memref<320000xi32, #tpu.memory_space<hbm>> -> memref<128xi32, #tpu.memory_space<hbm>>
          tpu.enqueue_dma source(%dma_start3A_90 : memref<128xi32, #tpu.memory_space<hbm>>) target(%arg18 : memref<128xi32, #tpu.memory_space<vmem>>) target_semaphore(%run_scoped3A : memref<!tpu.dma_semaphore, #tpu.memory_space<semaphore_mem>>)
          %dma_wait3A = tpu.memref_slice %arg4[%mul3A_79] : memref<320000xi32, #tpu.memory_space<hbm>> -> memref<128xi32, #tpu.memory_space<hbm>>
          %dma_wait3A_91 = tpu.memref_slice %arg4[%mul3A_79] : memref<320000xi32, #tpu.memory_space<hbm>> -> memref<128xi32, #tpu.memory_space<hbm>>
          tpu.wait_dma2 semaphore(%run_scoped3A : memref<!tpu.dma_semaphore, #tpu.memory_space<semaphore_mem>>) src(%dma_wait3A_91 : memref<128xi32, #tpu.memory_space<hbm>>) dst(%arg18 : memref<128xi32, #tpu.memory_space<vmem>>)
          tpu.yield
        }) : () -> ()
        "tpu.region"() ({
          %run_scoped3A = tpu.sem_alloc : memref<!tpu.dma_semaphore, #tpu.memory_space<semaphore_mem>>
          %dma_start3A_89 = tpu.memref_slice %arg7[%mul3A_79] : memref<320000xf32, #tpu.memory_space<hbm>> -> memref<128xf32, #tpu.memory_space<hbm>>
          %dma_start3A_90 = tpu.memref_slice %arg7[%mul3A_79] : memref<320000xf32, #tpu.memory_space<hbm>> -> memref<128xf32, #tpu.memory_space<hbm>>
          tpu.enqueue_dma source(%dma_start3A_90 : memref<128xf32, #tpu.memory_space<hbm>>) target(%arg20 : memref<128xf32, #tpu.memory_space<vmem>>) target_semaphore(%run_scoped3A : memref<!tpu.dma_semaphore, #tpu.memory_space<semaphore_mem>>)
          %dma_wait3A = tpu.memref_slice %arg7[%mul3A_79] : memref<320000xf32, #tpu.memory_space<hbm>> -> memref<128xf32, #tpu.memory_space<hbm>>
          %dma_wait3A_91 = tpu.memref_slice %arg7[%mul3A_79] : memref<320000xf32, #tpu.memory_space<hbm>> -> memref<128xf32, #tpu.memory_space<hbm>>
          tpu.wait_dma2 semaphore(%run_scoped3A : memref<!tpu.dma_semaphore, #tpu.memory_space<semaphore_mem>>) src(%dma_wait3A_91 : memref<128xf32, #tpu.memory_space<hbm>>) dst(%arg20 : memref<128xf32, #tpu.memory_space<vmem>>)
          tpu.yield
        }) : () -> ()
        %dma_start3A = arith.constant 0 : i32
        %dma_start3A_80 = arith.constant 0 : i32
        %dma_start3A_81 = tpu.memref_slice %arg2[%dma_start3A, %dma_start3A_80] : memref<10000x128xf32, #tpu.memory_space<hbm>> -> memref<10000x128xf32, #tpu.memory_space<hbm>>
        tpu.enqueue_indirect_dma source(%dma_start3A_81 : memref<10000x128xf32, #tpu.memory_space<hbm>>) target(%arg12 : memref<128x128xf32, #tpu.memory_space<vmem>>) offsets(%arg16 : memref<128xi32, #tpu.memory_space<vmem>>) semaphore(%arg28 : memref<!tpu.dma_semaphore, #tpu.memory_space<semaphore_mem>>)
        %dma_start3A_82 = arith.constant 0 : i32
        %dma_start3A_83 = arith.constant 0 : i32
        %dma_start3A_84 = tpu.memref_slice %arg2[%dma_start3A_82, %dma_start3A_83] : memref<10000x128xf32, #tpu.memory_space<hbm>> -> memref<10000x128xf32, #tpu.memory_space<hbm>>
        tpu.enqueue_indirect_dma source(%dma_start3A_84 : memref<10000x128xf32, #tpu.memory_space<hbm>>) target(%arg14 : memref<128x128xf32, #tpu.memory_space<vmem>>) offsets(%arg18 : memref<128xi32, #tpu.memory_space<vmem>>) semaphore(%arg28 : memref<!tpu.dma_semaphore, #tpu.memory_space<semaphore_mem>>)
        %dma_start3A_85 = arith.constant 0 : i32
        %dma_start3A_86 = tpu.memref_slice %arg5[%dma_start3A_85] : memref<10000xf32, #tpu.memory_space<hbm>> -> memref<10000xf32, #tpu.memory_space<hbm>>
        tpu.enqueue_indirect_dma source(%dma_start3A_86 : memref<10000xf32, #tpu.memory_space<hbm>>) target(%arg22 : memref<128xf32, #tpu.memory_space<vmem>>) offsets(%arg16 : memref<128xi32, #tpu.memory_space<vmem>>) semaphore(%arg28 : memref<!tpu.dma_semaphore, #tpu.memory_space<semaphore_mem>>)
        %dma_start3A_87 = arith.constant 0 : i32
        %dma_start3A_88 = tpu.memref_slice %arg6[%dma_start3A_87] : memref<10000xf32, #tpu.memory_space<hbm>> -> memref<10000xf32, #tpu.memory_space<hbm>>
        tpu.enqueue_indirect_dma source(%dma_start3A_88 : memref<10000xf32, #tpu.memory_space<hbm>>) target(%arg24 : memref<128xf32, #tpu.memory_space<vmem>>) offsets(%arg18 : memref<128xi32, #tpu.memory_space<vmem>>) semaphore(%arg28 : memref<!tpu.dma_semaphore, #tpu.memory_space<semaphore_mem>>)
      } else {
      }
      %mul3A_41 = arith.constant 2 : i32
      %mul3A_42 = arith.muli %mul3A_41, %scan3A_8 : i32
      %add3A_43 = arith.constant 1 : i32
      %add3A_44 = arith.addi %mul3A_42, %add3A_43 : i32
      %mul3A_45 = arith.constant 32 : i32
      %mul3A_46 = arith.muli %add3A_44, %mul3A_45 : i32
      %add3A_47 = arith.addi %add3A, %mul3A_46 : i32
      %add3A_48 = arith.constant 32 : i32
      %add3A_49 = arith.addi %add3A_47, %add3A_48 : i32
      %lt3A_50 = arith.constant 2500 : i32
      %lt3A_51 = arith.cmpi slt, %add3A_47, %lt3A_50 : i32
      %lt3A_52 = arith.constant 2500 : i32
      %lt3A_53 = arith.cmpi slt, %add3A_49, %lt3A_52 : i32
      %convert_element_type3A_54 = arith.extui %lt3A_51 : i1 to i32
      %cond3A_55 = arith.constant 0 : i32
      %cond3A_56 = arith.cmpi ne, %convert_element_type3A_54, %cond3A_55 : i32
      scf.if %cond3A_56 {
        %dma_wait3A = arith.constant 0 : i32
        %dma_wait3A_78 = arith.constant 0 : i32
        %dma_wait3A_79 = tpu.memref_slice %arg2[%dma_wait3A, %dma_wait3A_78] : memref<10000x128xf32, #tpu.memory_space<hbm>> -> memref<10000x128xf32, #tpu.memory_space<hbm>>
        tpu.wait_indirect_dma semaphore(%arg28 : memref<!tpu.dma_semaphore, #tpu.memory_space<semaphore_mem>>) src(%dma_wait3A_79 : memref<10000x128xf32, #tpu.memory_space<hbm>>) dst(%arg12 : memref<128x128xf32, #tpu.memory_space<vmem>>)
        %dma_wait3A_80 = arith.constant 0 : i32
        %dma_wait3A_81 = arith.constant 0 : i32
        %dma_wait3A_82 = tpu.memref_slice %arg2[%dma_wait3A_80, %dma_wait3A_81] : memref<10000x128xf32, #tpu.memory_space<hbm>> -> memref<10000x128xf32, #tpu.memory_space<hbm>>
        tpu.wait_indirect_dma semaphore(%arg28 : memref<!tpu.dma_semaphore, #tpu.memory_space<semaphore_mem>>) src(%dma_wait3A_82 : memref<10000x128xf32, #tpu.memory_space<hbm>>) dst(%arg14 : memref<128x128xf32, #tpu.memory_space<vmem>>)
        %dma_wait3A_83 = arith.constant 0 : i32
        %dma_wait3A_84 = tpu.memref_slice %arg5[%dma_wait3A_83] : memref<10000xf32, #tpu.memory_space<hbm>> -> memref<10000xf32, #tpu.memory_space<hbm>>
        tpu.wait_indirect_dma semaphore(%arg28 : memref<!tpu.dma_semaphore, #tpu.memory_space<semaphore_mem>>) src(%dma_wait3A_84 : memref<10000xf32, #tpu.memory_space<hbm>>) dst(%arg22 : memref<128xf32, #tpu.memory_space<vmem>>)
        %dma_wait3A_85 = arith.constant 0 : i32
        %dma_wait3A_86 = tpu.memref_slice %arg6[%dma_wait3A_85] : memref<10000xf32, #tpu.memory_space<hbm>> -> memref<10000xf32, #tpu.memory_space<hbm>>
        tpu.wait_indirect_dma semaphore(%arg28 : memref<!tpu.dma_semaphore, #tpu.memory_space<semaphore_mem>>) src(%dma_wait3A_86 : memref<10000xf32, #tpu.memory_space<hbm>>) dst(%arg24 : memref<128xf32, #tpu.memory_space<vmem>>)
        %get3A = arith.constant 0 : index
        %get3A_87 = tpu.vector_load %arg22[%get3A] {strides = array<i32>} : memref<128xf32, #tpu.memory_space<vmem>>, vector<16xf32>,
        %get3A_88 = vector.shape_cast %get3A_87 : vector<16xf32> to vector<16xf32>
        %get3A_89 = arith.constant 0 : index
        %get3A_90 = tpu.vector_load %arg24[%get3A_89] {strides = array<i32>} : memref<128xf32, #tpu.memory_space<vmem>>, vector<16xf32>,
        %get3A_91 = vector.shape_cast %get3A_90 : vector<16xf32> to vector<16xf32>
        %add3A_92 = arith.addf %get3A_88, %get3A_91 : vector<16xf32>
        %get3A_93 = arith.constant 0 : index
        %get3A_94 = tpu.vector_load %arg20[%get3A_93] {strides = array<i32>} : memref<128xf32, #tpu.memory_space<vmem>>, vector<16xf32>,
        %get3A_95 = vector.shape_cast %get3A_94 : vector<16xf32> to vector<16xf32>
        %add3A_96 = arith.addf %add3A_92, %get3A_95 : vector<16xf32>
        %swap3A = arith.constant 0 : index
        %swap3A_97 = tpu.vector_load %arg26[%swap3A] {strides = array<i32>} : memref<128xf32, #tpu.memory_space<vmem>>, vector<16xf32>,
        %swap3A_98 = vector.shape_cast %swap3A_97 : vector<16xf32> to vector<16xf32>
        %swap3A_99 = vector.shape_cast %add3A_96 : vector<16xf32> to vector<16xf32>
        tpu.vector_store %arg26[%swap3A], %swap3A_99 {strides = array<i32>} : memref<128xf32, #tpu.memory_space<vmem>>, vector<16xf32>,
        %get3A_100 = arith.constant 16 : index
        %get3A_101 = tpu.vector_load %arg22[%get3A_100] {strides = array<i32>} : memref<128xf32, #tpu.memory_space<vmem>>, vector<16xf32>,
        %get3A_102 = vector.shape_cast %get3A_101 : vector<16xf32> to vector<16xf32>
        %get3A_103 = arith.constant 16 : index
        %get3A_104 = tpu.vector_load %arg24[%get3A_103] {strides = array<i32>} : memref<128xf32, #tpu.memory_space<vmem>>, vector<16xf32>,
        %get3A_105 = vector.shape_cast %get3A_104 : vector<16xf32> to vector<16xf32>
        %add3A_106 = arith.addf %get3A_102, %get3A_105 : vector<16xf32>
        %get3A_107 = arith.constant 16 : index
        %get3A_108 = tpu.vector_load %arg20[%get3A_107] {strides = array<i32>} : memref<128xf32, #tpu.memory_space<vmem>>, vector<16xf32>,
        %get3A_109 = vector.shape_cast %get3A_108 : vector<16xf32> to vector<16xf32>
        %add3A_110 = arith.addf %add3A_106, %get3A_109 : vector<16xf32>
        %swap3A_111 = arith.constant 16 : index
        %swap3A_112 = tpu.vector_load %arg26[%swap3A_111] {strides = array<i32>} : memref<128xf32, #tpu.memory_space<vmem>>, vector<16xf32>,
        %swap3A_113 = vector.shape_cast %swap3A_112 : vector<16xf32> to vector<16xf32>
        %swap3A_114 = vector.shape_cast %add3A_110 : vector<16xf32> to vector<16xf32>
        tpu.vector_store %arg26[%swap3A_111], %swap3A_114 {strides = array<i32>} : memref<128xf32, #tpu.memory_space<vmem>>, vector<16xf32>,
        %get3A_115 = arith.constant 32 : index
        %get3A_116 = tpu.vector_load %arg22[%get3A_115] {strides = array<i32>} : memref<128xf32, #tpu.memory_space<vmem>>, vector<16xf32>,
        %get3A_117 = vector.shape_cast %get3A_116 : vector<16xf32> to vector<16xf32>
        %get3A_118 = arith.constant 32 : index
        %get3A_119 = tpu.vector_load %arg24[%get3A_118] {strides = array<i32>} : memref<128xf32, #tpu.memory_space<vmem>>, vector<16xf32>,
        %get3A_120 = vector.shape_cast %get3A_119 : vector<16xf32> to vector<16xf32>
        %add3A_121 = arith.addf %get3A_117, %get3A_120 : vector<16xf32>
        %get3A_122 = arith.constant 32 : index
        %get3A_123 = tpu.vector_load %arg20[%get3A_122] {strides = array<i32>} : memref<128xf32, #tpu.memory_space<vmem>>, vector<16xf32>,
        %get3A_124 = vector.shape_cast %get3A_123 : vector<16xf32> to vector<16xf32>
        %add3A_125 = arith.addf %add3A_121, %get3A_124 : vector<16xf32>
        %swap3A_126 = arith.constant 32 : index
        %swap3A_127 = tpu.vector_load %arg26[%swap3A_126] {strides = array<i32>} : memref<128xf32, #tpu.memory_space<vmem>>, vector<16xf32>,
        %swap3A_128 = vector.shape_cast %swap3A_127 : vector<16xf32> to vector<16xf32>
        %swap3A_129 = vector.shape_cast %add3A_125 : vector<16xf32> to vector<16xf32>
        tpu.vector_store %arg26[%swap3A_126], %swap3A_129 {strides = array<i32>} : memref<128xf32, #tpu.memory_space<vmem>>, vector<16xf32>,
        %get3A_130 = arith.constant 48 : index
        %get3A_131 = tpu.vector_load %arg22[%get3A_130] {strides = array<i32>} : memref<128xf32, #tpu.memory_space<vmem>>, vector<16xf32>,
        %get3A_132 = vector.shape_cast %get3A_131 : vector<16xf32> to vector<16xf32>
        %get3A_133 = arith.constant 48 : index
        %get3A_134 = tpu.vector_load %arg24[%get3A_133] {strides = array<i32>} : memref<128xf32, #tpu.memory_space<vmem>>, vector<16xf32>,
        %get3A_135 = vector.shape_cast %get3A_134 : vector<16xf32> to vector<16xf32>
        %add3A_136 = arith.addf %get3A_132, %get3A_135 : vector<16xf32>
        %get3A_137 = arith.constant 48 : index
        %get3A_138 = tpu.vector_load %arg20[%get3A_137] {strides = array<i32>} : memref<128xf32, #tpu.memory_space<vmem>>, vector<16xf32>,
        %get3A_139 = vector.shape_cast %get3A_138 : vector<16xf32> to vector<16xf32>
        %add3A_140 = arith.addf %add3A_136, %get3A_139 : vector<16xf32>
        %swap3A_141 = arith.constant 48 : index
        %swap3A_142 = tpu.vector_load %arg26[%swap3A_141] {strides = array<i32>} : memref<128xf32, #tpu.memory_space<vmem>>, vector<16xf32>,
        %swap3A_143 = vector.shape_cast %swap3A_142 : vector<16xf32> to vector<16xf32>
        %swap3A_144 = vector.shape_cast %add3A_140 : vector<16xf32> to vector<16xf32>
        tpu.vector_store %arg26[%swap3A_141], %swap3A_144 {strides = array<i32>} : memref<128xf32, #tpu.memory_space<vmem>>, vector<16xf32>,
        %get3A_145 = arith.constant 64 : index
        %get3A_146 = tpu.vector_load %arg22[%get3A_145] {strides = array<i32>} : memref<128xf32, #tpu.memory_space<vmem>>, vector<16xf32>,
        %get3A_147 = vector.shape_cast %get3A_146 : vector<16xf32> to vector<16xf32>
        %get3A_148 = arith.constant 64 : index
        %get3A_149 = tpu.vector_load %arg24[%get3A_148] {strides = array<i32>} : memref<128xf32, #tpu.memory_space<vmem>>, vector<16xf32>,
        %get3A_150 = vector.shape_cast %get3A_149 : vector<16xf32> to vector<16xf32>
        %add3A_151 = arith.addf %get3A_147, %get3A_150 : vector<16xf32>
        %get3A_152 = arith.constant 64 : index
        %get3A_153 = tpu.vector_load %arg20[%get3A_152] {strides = array<i32>} : memref<128xf32, #tpu.memory_space<vmem>>, vector<16xf32>,
        %get3A_154 = vector.shape_cast %get3A_153 : vector<16xf32> to vector<16xf32>
        %add3A_155 = arith.addf %add3A_151, %get3A_154 : vector<16xf32>
        %swap3A_156 = arith.constant 64 : index
        %swap3A_157 = tpu.vector_load %arg26[%swap3A_156] {strides = array<i32>} : memref<128xf32, #tpu.memory_space<vmem>>, vector<16xf32>,
        %swap3A_158 = vector.shape_cast %swap3A_157 : vector<16xf32> to vector<16xf32>
        %swap3A_159 = vector.shape_cast %add3A_155 : vector<16xf32> to vector<16xf32>
        tpu.vector_store %arg26[%swap3A_156], %swap3A_159 {strides = array<i32>} : memref<128xf32, #tpu.memory_space<vmem>>, vector<16xf32>,
        %get3A_160 = arith.constant 80 : index
        %get3A_161 = tpu.vector_load %arg22[%get3A_160] {strides = array<i32>} : memref<128xf32, #tpu.memory_space<vmem>>, vector<16xf32>,
        %get3A_162 = vector.shape_cast %get3A_161 : vector<16xf32> to vector<16xf32>
        %get3A_163 = arith.constant 80 : index
        %get3A_164 = tpu.vector_load %arg24[%get3A_163] {strides = array<i32>} : memref<128xf32, #tpu.memory_space<vmem>>, vector<16xf32>,
        %get3A_165 = vector.shape_cast %get3A_164 : vector<16xf32> to vector<16xf32>
        %add3A_166 = arith.addf %get3A_162, %get3A_165 : vector<16xf32>
        %get3A_167 = arith.constant 80 : index
        %get3A_168 = tpu.vector_load %arg20[%get3A_167] {strides = array<i32>} : memref<128xf32, #tpu.memory_space<vmem>>, vector<16xf32>,
        %get3A_169 = vector.shape_cast %get3A_168 : vector<16xf32> to vector<16xf32>
        %add3A_170 = arith.addf %add3A_166, %get3A_169 : vector<16xf32>
        %swap3A_171 = arith.constant 80 : index
        %swap3A_172 = tpu.vector_load %arg26[%swap3A_171] {strides = array<i32>} : memref<128xf32, #tpu.memory_space<vmem>>, vector<16xf32>,
        %swap3A_173 = vector.shape_cast %swap3A_172 : vector<16xf32> to vector<16xf32>
        %swap3A_174 = vector.shape_cast %add3A_170 : vector<16xf32> to vector<16xf32>
        tpu.vector_store %arg26[%swap3A_171], %swap3A_174 {strides = array<i32>} : memref<128xf32, #tpu.memory_space<vmem>>, vector<16xf32>,
        %get3A_175 = arith.constant 96 : index
        %get3A_176 = tpu.vector_load %arg22[%get3A_175] {strides = array<i32>} : memref<128xf32, #tpu.memory_space<vmem>>, vector<16xf32>,
        %get3A_177 = vector.shape_cast %get3A_176 : vector<16xf32> to vector<16xf32>
        %get3A_178 = arith.constant 96 : index
        %get3A_179 = tpu.vector_load %arg24[%get3A_178] {strides = array<i32>} : memref<128xf32, #tpu.memory_space<vmem>>, vector<16xf32>,
        %get3A_180 = vector.shape_cast %get3A_179 : vector<16xf32> to vector<16xf32>
        %add3A_181 = arith.addf %get3A_177, %get3A_180 : vector<16xf32>
        %get3A_182 = arith.constant 96 : index
        %get3A_183 = tpu.vector_load %arg20[%get3A_182] {strides = array<i32>} : memref<128xf32, #tpu.memory_space<vmem>>, vector<16xf32>,
        %get3A_184 = vector.shape_cast %get3A_183 : vector<16xf32> to vector<16xf32>
        %add3A_185 = arith.addf %add3A_181, %get3A_184 : vector<16xf32>
        %swap3A_186 = arith.constant 96 : index
        %swap3A_187 = tpu.vector_load %arg26[%swap3A_186] {strides = array<i32>} : memref<128xf32, #tpu.memory_space<vmem>>, vector<16xf32>,
        %swap3A_188 = vector.shape_cast %swap3A_187 : vector<16xf32> to vector<16xf32>
        %swap3A_189 = vector.shape_cast %add3A_185 : vector<16xf32> to vector<16xf32>
        tpu.vector_store %arg26[%swap3A_186], %swap3A_189 {strides = array<i32>} : memref<128xf32, #tpu.memory_space<vmem>>, vector<16xf32>,
        %get3A_190 = arith.constant 112 : index
        %get3A_191 = tpu.vector_load %arg22[%get3A_190] {strides = array<i32>} : memref<128xf32, #tpu.memory_space<vmem>>, vector<16xf32>,
        %get3A_192 = vector.shape_cast %get3A_191 : vector<16xf32> to vector<16xf32>
        %get3A_193 = arith.constant 112 : index
        %get3A_194 = tpu.vector_load %arg24[%get3A_193] {strides = array<i32>} : memref<128xf32, #tpu.memory_space<vmem>>, vector<16xf32>,
        %get3A_195 = vector.shape_cast %get3A_194 : vector<16xf32> to vector<16xf32>
        %add3A_196 = arith.addf %get3A_192, %get3A_195 : vector<16xf32>
        %get3A_197 = arith.constant 112 : index
        %get3A_198 = tpu.vector_load %arg20[%get3A_197] {strides = array<i32>} : memref<128xf32, #tpu.memory_space<vmem>>, vector<16xf32>,
        %get3A_199 = vector.shape_cast %get3A_198 : vector<16xf32> to vector<16xf32>
        %add3A_200 = arith.addf %add3A_196, %get3A_199 : vector<16xf32>
        %swap3A_201 = arith.constant 112 : index
        %swap3A_202 = tpu.vector_load %arg26[%swap3A_201] {strides = array<i32>} : memref<128xf32, #tpu.memory_space<vmem>>, vector<16xf32>,
        %swap3A_203 = vector.shape_cast %swap3A_202 : vector<16xf32> to vector<16xf32>
        %swap3A_204 = vector.shape_cast %add3A_200 : vector<16xf32> to vector<16xf32>
        tpu.vector_store %arg26[%swap3A_201], %swap3A_204 {strides = array<i32>} : memref<128xf32, #tpu.memory_space<vmem>>, vector<16xf32>,
      } else {
      }
      %mul3A_57 = arith.constant 128 : i32
      %mul3A_58 = arith.muli %add3A_47, %mul3A_57 : i32
      %and3A_59 = arith.andi %lt3A_51, %lt3A_53 : i1
      %convert_element_type3A_60 = arith.extui %and3A_59 : i1 to i32
      %cond3A_61 = arith.constant 0 : i32
      %cond3A_62 = arith.cmpi ne, %convert_element_type3A_60, %cond3A_61 : i32
      scf.if %cond3A_62 {
        %dma_start3A = arith.constant 0 : i32
        %dma_start3A_78 = tpu.memref_slice %arg8[%mul3A_58, %dma_start3A] : memref<320000x128xf32, #tpu.memory_space<hbm>> -> memref<128x128xf32, #tpu.memory_space<hbm>>
        %dma_start3A_79 = arith.constant 0 : i32
        %dma_start3A_80 = tpu.memref_slice %arg8[%mul3A_58, %dma_start3A_79] : memref<320000x128xf32, #tpu.memory_space<hbm>> -> memref<128x128xf32, #tpu.memory_space<hbm>>
        tpu.enqueue_dma source(%arg12 : memref<128x128xf32, #tpu.memory_space<vmem>>) target(%dma_start3A_80 : memref<128x128xf32, #tpu.memory_space<hbm>>) target_semaphore(%arg30 : memref<!tpu.dma_semaphore, #tpu.memory_space<semaphore_mem>>)
        %dma_start3A_81 = arith.constant 0 : i32
        %dma_start3A_82 = tpu.memref_slice %arg9[%mul3A_58, %dma_start3A_81] : memref<320000x128xf32, #tpu.memory_space<hbm>> -> memref<128x128xf32, #tpu.memory_space<hbm>>
        %dma_start3A_83 = arith.constant 0 : i32
        %dma_start3A_84 = tpu.memref_slice %arg9[%mul3A_58, %dma_start3A_83] : memref<320000x128xf32, #tpu.memory_space<hbm>> -> memref<128x128xf32, #tpu.memory_space<hbm>>
        tpu.enqueue_dma source(%arg14 : memref<128x128xf32, #tpu.memory_space<vmem>>) target(%dma_start3A_84 : memref<128x128xf32, #tpu.memory_space<hbm>>) target_semaphore(%arg30 : memref<!tpu.dma_semaphore, #tpu.memory_space<semaphore_mem>>)
        %dma_start3A_85 = tpu.memref_slice %arg10[%mul3A_58] : memref<320000xf32, #tpu.memory_space<hbm>> -> memref<128xf32, #tpu.memory_space<hbm>>
        %dma_start3A_86 = tpu.memref_slice %arg10[%mul3A_58] : memref<320000xf32, #tpu.memory_space<hbm>> -> memref<128xf32, #tpu.memory_space<hbm>>
        tpu.enqueue_dma source(%arg26 : memref<128xf32, #tpu.memory_space<vmem>>) target(%dma_start3A_86 : memref<128xf32, #tpu.memory_space<hbm>>) target_semaphore(%arg30 : memref<!tpu.dma_semaphore, #tpu.memory_space<semaphore_mem>>)
      } else {
      }
      %not3A_63 = arith.constant true
      %not3A_64 = arith.xori %lt3A_53, %not3A_63 : i1
      %and3A_65 = arith.andi %lt3A_51, %not3A_64 : i1
      %convert_element_type3A_66 = arith.extui %and3A_65 : i1 to i32
      %cond3A_67 = arith.constant 0 : i32
      %cond3A_68 = arith.cmpi ne, %convert_element_type3A_66, %cond3A_67 : i32
      scf.if %cond3A_68 {
        "tpu.region"() ({
          %run_scoped3A = tpu.sem_alloc : memref<!tpu.dma_semaphore, #tpu.memory_space<semaphore_mem>>
          %dma_start3A = arith.constant 0 : i32
          %dma_start3A_78 = tpu.memref_slice %arg8[%mul3A_58, %dma_start3A] : memref<320000x128xf32, #tpu.memory_space<hbm>> -> memref<128x128xf32, #tpu.memory_space<hbm>>
          %dma_start3A_79 = arith.constant 0 : i32
          %dma_start3A_80 = tpu.memref_slice %arg8[%mul3A_58, %dma_start3A_79] : memref<320000x128xf32, #tpu.memory_space<hbm>> -> memref<128x128xf32, #tpu.memory_space<hbm>>
          tpu.enqueue_dma source(%arg12 : memref<128x128xf32, #tpu.memory_space<vmem>>) target(%dma_start3A_80 : memref<128x128xf32, #tpu.memory_space<hbm>>) target_semaphore(%run_scoped3A : memref<!tpu.dma_semaphore, #tpu.memory_space<semaphore_mem>>)
          %dma_wait3A = arith.constant 0 : i32
          %dma_wait3A_81 = tpu.memref_slice %arg8[%mul3A_58, %dma_wait3A] : memref<320000x128xf32, #tpu.memory_space<hbm>> -> memref<128x128xf32, #tpu.memory_space<hbm>>
          %dma_wait3A_82 = arith.constant 0 : i32
          %dma_wait3A_83 = tpu.memref_slice %arg8[%mul3A_58, %dma_wait3A_82] : memref<320000x128xf32, #tpu.memory_space<hbm>> -> memref<128x128xf32, #tpu.memory_space<hbm>>
          tpu.wait_dma2 semaphore(%run_scoped3A : memref<!tpu.dma_semaphore, #tpu.memory_space<semaphore_mem>>) src(%arg12 : memref<128x128xf32, #tpu.memory_space<vmem>>) dst(%dma_wait3A_83 : memref<128x128xf32, #tpu.memory_space<hbm>>)
          tpu.yield
        }) : () -> ()
        "tpu.region"() ({
          %run_scoped3A = tpu.sem_alloc : memref<!tpu.dma_semaphore, #tpu.memory_space<semaphore_mem>>
          %dma_start3A = arith.constant 0 : i32
          %dma_start3A_78 = tpu.memref_slice %arg9[%mul3A_58, %dma_start3A] : memref<320000x128xf32, #tpu.memory_space<hbm>> -> memref<128x128xf32, #tpu.memory_space<hbm>>
          %dma_start3A_79 = arith.constant 0 : i32
          %dma_start3A_80 = tpu.memref_slice %arg9[%mul3A_58, %dma_start3A_79] : memref<320000x128xf32, #tpu.memory_space<hbm>> -> memref<128x128xf32, #tpu.memory_space<hbm>>
          tpu.enqueue_dma source(%arg14 : memref<128x128xf32, #tpu.memory_space<vmem>>) target(%dma_start3A_80 : memref<128x128xf32, #tpu.memory_space<hbm>>) target_semaphore(%run_scoped3A : memref<!tpu.dma_semaphore, #tpu.memory_space<semaphore_mem>>)
          %dma_wait3A = arith.constant 0 : i32
          %dma_wait3A_81 = tpu.memref_slice %arg9[%mul3A_58, %dma_wait3A] : memref<320000x128xf32, #tpu.memory_space<hbm>> -> memref<128x128xf32, #tpu.memory_space<hbm>>
          %dma_wait3A_82 = arith.constant 0 : i32
          %dma_wait3A_83 = tpu.memref_slice %arg9[%mul3A_58, %dma_wait3A_82] : memref<320000x128xf32, #tpu.memory_space<hbm>> -> memref<128x128xf32, #tpu.memory_space<hbm>>
          tpu.wait_dma2 semaphore(%run_scoped3A : memref<!tpu.dma_semaphore, #tpu.memory_space<semaphore_mem>>) src(%arg14 : memref<128x128xf32, #tpu.memory_space<vmem>>) dst(%dma_wait3A_83 : memref<128x128xf32, #tpu.memory_space<hbm>>)
          tpu.yield
        }) : () -> ()
        "tpu.region"() ({
          %run_scoped3A = tpu.sem_alloc : memref<!tpu.dma_semaphore, #tpu.memory_space<semaphore_mem>>
          %dma_start3A = tpu.memref_slice %arg10[%mul3A_58] : memref<320000xf32, #tpu.memory_space<hbm>> -> memref<128xf32, #tpu.memory_space<hbm>>
          %dma_start3A_78 = tpu.memref_slice %arg10[%mul3A_58] : memref<320000xf32, #tpu.memory_space<hbm>> -> memref<128xf32, #tpu.memory_space<hbm>>
          tpu.enqueue_dma source(%arg26 : memref<128xf32, #tpu.memory_space<vmem>>) target(%dma_start3A_78 : memref<128xf32, #tpu.memory_space<hbm>>) target_semaphore(%run_scoped3A : memref<!tpu.dma_semaphore, #tpu.memory_space<semaphore_mem>>)
          %dma_wait3A = tpu.memref_slice %arg10[%mul3A_58] : memref<320000xf32, #tpu.memory_space<hbm>> -> memref<128xf32, #tpu.memory_space<hbm>>
          %dma_wait3A_79 = tpu.memref_slice %arg10[%mul3A_58] : memref<320000xf32, #tpu.memory_space<hbm>> -> memref<128xf32, #tpu.memory_space<hbm>>
          tpu.wait_dma2 semaphore(%run_scoped3A : memref<!tpu.dma_semaphore, #tpu.memory_space<semaphore_mem>>) src(%arg26 : memref<128xf32, #tpu.memory_space<vmem>>) dst(%dma_wait3A_79 : memref<128xf32, #tpu.memory_space<hbm>>)
          tpu.yield
        }) : () -> ()
      } else {
      }
      %ge3A_69 = arith.constant 1 : i32
      %ge3A_70 = arith.cmpi sge, %add3A_44, %ge3A_69 : i32
      %and3A_71 = arith.andi %lt3A_51, %ge3A_70 : i1
      %convert_element_type3A_72 = arith.extui %and3A_71 : i1 to i32
      %cond3A_73 = arith.constant 0 : i32
      %cond3A_74 = arith.cmpi ne, %convert_element_type3A_72, %cond3A_73 : i32
      scf.if %cond3A_74 {
        %sub3A = arith.constant 32 : i32
        %sub3A_78 = arith.subi %add3A_47, %sub3A : i32
        %mul3A_79 = arith.constant 128 : i32
        %mul3A_80 = arith.muli %sub3A_78, %mul3A_79 : i32
        %dma_wait3A = arith.constant 0 : i32
        %dma_wait3A_81 = tpu.memref_slice %arg8[%mul3A_80, %dma_wait3A] : memref<320000x128xf32, #tpu.memory_space<hbm>> -> memref<128x128xf32, #tpu.memory_space<hbm>>
        %dma_wait3A_82 = arith.constant 0 : i32
        %dma_wait3A_83 = tpu.memref_slice %arg8[%mul3A_80, %dma_wait3A_82] : memref<320000x128xf32, #tpu.memory_space<hbm>> -> memref<128x128xf32, #tpu.memory_space<hbm>>
        tpu.wait_dma2 semaphore(%arg29 : memref<!tpu.dma_semaphore, #tpu.memory_space<semaphore_mem>>) src(%arg11 : memref<128x128xf32, #tpu.memory_space<vmem>>) dst(%dma_wait3A_83 : memref<128x128xf32, #tpu.memory_space<hbm>>)
        %dma_wait3A_84 = arith.constant 0 : i32
        %dma_wait3A_85 = tpu.memref_slice %arg9[%mul3A_80, %dma_wait3A_84] : memref<320000x128xf32, #tpu.memory_space<hbm>> -> memref<128x128xf32, #tpu.memory_space<hbm>>
        %dma_wait3A_86 = arith.constant 0 : i32
        %dma_wait3A_87 = tpu.memref_slice %arg9[%mul3A_80, %dma_wait3A_86] : memref<320000x128xf32, #tpu.memory_space<hbm>> -> memref<128x128xf32, #tpu.memory_space<hbm>>
        tpu.wait_dma2 semaphore(%arg29 : memref<!tpu.dma_semaphore, #tpu.memory_space<semaphore_mem>>) src(%arg13 : memref<128x128xf32, #tpu.memory_space<vmem>>) dst(%dma_wait3A_87 : memref<128x128xf32, #tpu.memory_space<hbm>>)
        %dma_wait3A_88 = tpu.memref_slice %arg10[%mul3A_80] : memref<320000xf32, #tpu.memory_space<hbm>> -> memref<128xf32, #tpu.memory_space<hbm>>
        %dma_wait3A_89 = tpu.memref_slice %arg10[%mul3A_80] : memref<320000xf32, #tpu.memory_space<hbm>> -> memref<128xf32, #tpu.memory_space<hbm>>
        tpu.wait_dma2 semaphore(%arg29 : memref<!tpu.dma_semaphore, #tpu.memory_space<semaphore_mem>>) src(%arg25 : memref<128xf32, #tpu.memory_space<vmem>>) dst(%dma_wait3A_89 : memref<128xf32, #tpu.memory_space<hbm>>)
      } else {
      }
      %convert_element_type3A_75 = arith.extui %lt3A_53 : i1 to i32
      %cond3A_76 = arith.constant 0 : i32
      %cond3A_77 = arith.cmpi ne, %convert_element_type3A_75, %cond3A_76 : i32
      scf.if %cond3A_77 {
        %mul3A_78 = arith.constant 128 : i32
        %mul3A_79 = arith.muli %add3A_49, %mul3A_78 : i32
        "tpu.region"() ({
          %run_scoped3A = tpu.sem_alloc : memref<!tpu.dma_semaphore, #tpu.memory_space<semaphore_mem>>
          %dma_start3A_89 = tpu.memref_slice %arg3[%mul3A_79] : memref<320000xi32, #tpu.memory_space<hbm>> -> memref<128xi32, #tpu.memory_space<hbm>>
          %dma_start3A_90 = tpu.memref_slice %arg3[%mul3A_79] : memref<320000xi32, #tpu.memory_space<hbm>> -> memref<128xi32, #tpu.memory_space<hbm>>
          tpu.enqueue_dma source(%dma_start3A_90 : memref<128xi32, #tpu.memory_space<hbm>>) target(%arg15 : memref<128xi32, #tpu.memory_space<vmem>>) target_semaphore(%run_scoped3A : memref<!tpu.dma_semaphore, #tpu.memory_space<semaphore_mem>>)
          %dma_wait3A = tpu.memref_slice %arg3[%mul3A_79] : memref<320000xi32, #tpu.memory_space<hbm>> -> memref<128xi32, #tpu.memory_space<hbm>>
          %dma_wait3A_91 = tpu.memref_slice %arg3[%mul3A_79] : memref<320000xi32, #tpu.memory_space<hbm>> -> memref<128xi32, #tpu.memory_space<hbm>>
          tpu.wait_dma2 semaphore(%run_scoped3A : memref<!tpu.dma_semaphore, #tpu.memory_space<semaphore_mem>>) src(%dma_wait3A_91 : memref<128xi32, #tpu.memory_space<hbm>>) dst(%arg15 : memref<128xi32, #tpu.memory_space<vmem>>)
          tpu.yield
        }) : () -> ()
        "tpu.region"() ({
          %run_scoped3A = tpu.sem_alloc : memref<!tpu.dma_semaphore, #tpu.memory_space<semaphore_mem>>
          %dma_start3A_89 = tpu.memref_slice %arg4[%mul3A_79] : memref<320000xi32, #tpu.memory_space<hbm>> -> memref<128xi32, #tpu.memory_space<hbm>>
          %dma_start3A_90 = tpu.memref_slice %arg4[%mul3A_79] : memref<320000xi32, #tpu.memory_space<hbm>> -> memref<128xi32, #tpu.memory_space<hbm>>
          tpu.enqueue_dma source(%dma_start3A_90 : memref<128xi32, #tpu.memory_space<hbm>>) target(%arg17 : memref<128xi32, #tpu.memory_space<vmem>>) target_semaphore(%run_scoped3A : memref<!tpu.dma_semaphore, #tpu.memory_space<semaphore_mem>>)
          %dma_wait3A = tpu.memref_slice %arg4[%mul3A_79] : memref<320000xi32, #tpu.memory_space<hbm>> -> memref<128xi32, #tpu.memory_space<hbm>>
          %dma_wait3A_91 = tpu.memref_slice %arg4[%mul3A_79] : memref<320000xi32, #tpu.memory_space<hbm>> -> memref<128xi32, #tpu.memory_space<hbm>>
          tpu.wait_dma2 semaphore(%run_scoped3A : memref<!tpu.dma_semaphore, #tpu.memory_space<semaphore_mem>>) src(%dma_wait3A_91 : memref<128xi32, #tpu.memory_space<hbm>>) dst(%arg17 : memref<128xi32, #tpu.memory_space<vmem>>)
          tpu.yield
        }) : () -> ()
        "tpu.region"() ({
          %run_scoped3A = tpu.sem_alloc : memref<!tpu.dma_semaphore, #tpu.memory_space<semaphore_mem>>
          %dma_start3A_89 = tpu.memref_slice %arg7[%mul3A_79] : memref<320000xf32, #tpu.memory_space<hbm>> -> memref<128xf32, #tpu.memory_space<hbm>>
          %dma_start3A_90 = tpu.memref_slice %arg7[%mul3A_79] : memref<320000xf32, #tpu.memory_space<hbm>> -> memref<128xf32, #tpu.memory_space<hbm>>
          tpu.enqueue_dma source(%dma_start3A_90 : memref<128xf32, #tpu.memory_space<hbm>>) target(%arg19 : memref<128xf32, #tpu.memory_space<vmem>>) target_semaphore(%run_scoped3A : memref<!tpu.dma_semaphore, #tpu.memory_space<semaphore_mem>>)
          %dma_wait3A = tpu.memref_slice %arg7[%mul3A_79] : memref<320000xf32, #tpu.memory_space<hbm>> -> memref<128xf32, #tpu.memory_space<hbm>>
          %dma_wait3A_91 = tpu.memref_slice %arg7[%mul3A_79] : memref<320000xf32, #tpu.memory_space<hbm>> -> memref<128xf32, #tpu.memory_space<hbm>>
          tpu.wait_dma2 semaphore(%run_scoped3A : memref<!tpu.dma_semaphore, #tpu.memory_space<semaphore_mem>>) src(%dma_wait3A_91 : memref<128xf32, #tpu.memory_space<hbm>>) dst(%arg19 : memref<128xf32, #tpu.memory_space<vmem>>)
          tpu.yield
        }) : () -> ()
        %dma_start3A = arith.constant 0 : i32
        %dma_start3A_80 = arith.constant 0 : i32
        %dma_start3A_81 = tpu.memref_slice %arg2[%dma_start3A, %dma_start3A_80] : memref<10000x128xf32, #tpu.memory_space<hbm>> -> memref<10000x128xf32, #tpu.memory_space<hbm>>
        tpu.enqueue_indirect_dma source(%dma_start3A_81 : memref<10000x128xf32, #tpu.memory_space<hbm>>) target(%arg11 : memref<128x128xf32, #tpu.memory_space<vmem>>) offsets(%arg15 : memref<128xi32, #tpu.memory_space<vmem>>) semaphore(%arg27 : memref<!tpu.dma_semaphore, #tpu.memory_space<semaphore_mem>>)
        %dma_start3A_82 = arith.constant 0 : i32
        %dma_start3A_83 = arith.constant 0 : i32
        %dma_start3A_84 = tpu.memref_slice %arg2[%dma_start3A_82, %dma_start3A_83] : memref<10000x128xf32, #tpu.memory_space<hbm>> -> memref<10000x128xf32, #tpu.memory_space<hbm>>
        tpu.enqueue_indirect_dma source(%dma_start3A_84 : memref<10000x128xf32, #tpu.memory_space<hbm>>) target(%arg13 : memref<128x128xf32, #tpu.memory_space<vmem>>) offsets(%arg17 : memref<128xi32, #tpu.memory_space<vmem>>) semaphore(%arg27 : memref<!tpu.dma_semaphore, #tpu.memory_space<semaphore_mem>>)
        %dma_start3A_85 = arith.constant 0 : i32
        %dma_start3A_86 = tpu.memref_slice %arg5[%dma_start3A_85] : memref<10000xf32, #tpu.memory_space<hbm>> -> memref<10000xf32, #tpu.memory_space<hbm>>
        tpu.enqueue_indirect_dma source(%dma_start3A_86 : memref<10000xf32, #tpu.memory_space<hbm>>) target(%arg21 : memref<128xf32, #tpu.memory_space<vmem>>) offsets(%arg15 : memref<128xi32, #tpu.memory_space<vmem>>) semaphore(%arg27 : memref<!tpu.dma_semaphore, #tpu.memory_space<semaphore_mem>>)
        %dma_start3A_87 = arith.constant 0 : i32
        %dma_start3A_88 = tpu.memref_slice %arg6[%dma_start3A_87] : memref<10000xf32, #tpu.memory_space<hbm>> -> memref<10000xf32, #tpu.memory_space<hbm>>
        tpu.enqueue_indirect_dma source(%dma_start3A_88 : memref<10000xf32, #tpu.memory_space<hbm>>) target(%arg23 : memref<128xf32, #tpu.memory_space<vmem>>) offsets(%arg17 : memref<128xi32, #tpu.memory_space<vmem>>) semaphore(%arg27 : memref<!tpu.dma_semaphore, #tpu.memory_space<semaphore_mem>>)
      } else {
      }
    }
    %scan3A_7 = arith.constant 40 : i32
    return
  }
}

#map = affine_map<(d0, d1) -> (0)>
#map1 = affine_map<(d0, d1) -> (0, 0)>
#map2 = affine_map<(d0, d1) -> (0, 0, 0)>
module attributes {stable_mosaic.version = 14 : i64} {
  func.func @_sc_degree(%arg0: i32, %arg1: i32, %arg2: memref<320000xi32, #tpu.memory_space<hbm>>, %arg3: memref<128x128xf32, #tpu.memory_space<hbm>>, %arg4: memref<128x128xf32, #tpu.memory_space<hbm>>, %arg5: memref<2x10240x128xf32, #tpu.memory_space<hbm>>, %arg6: memref<10240x128xf32, #tpu.memory_space<vmem_shared>>, %arg7: memref<128x128xf32, #tpu.memory_space<vmem>>, %arg8: memref<128xi32, #tpu.memory_space<vmem>>) attributes {dimension_semantics = [#tpu.dimension_semantics<core_parallel>, #tpu.dimension_semantics<subcore_parallel>], iteration_bounds = array<i64: 2, 16>, scalar_prefetch = 0 : i64, scratch_operands = 3 : i64, tpu.core_type = #tpu.core_type<sc_vector_subcore>, window_params = [{transform_indices = #map}, {transform_indices = #map1}, {transform_indices = #map1}, {transform_indices = #map2}]} {
    %mul3A = arith.constant 2 : i32
    %mul3A_0 = arith.muli %arg1, %mul3A : i32
    %add3A = arith.addi %mul3A_0, %arg0 : i32
    "tpu.region"() ({
      %run_scoped3A = tpu.sem_alloc : memref<!tpu.dma_semaphore, #tpu.memory_space<semaphore_mem>>
      tpu.enqueue_dma source(%arg3 : memref<128x128xf32, #tpu.memory_space<hbm>>) target(%arg7 : memref<128x128xf32, #tpu.memory_space<vmem>>) target_semaphore(%run_scoped3A : memref<!tpu.dma_semaphore, #tpu.memory_space<semaphore_mem>>)
      tpu.wait_dma2 semaphore(%run_scoped3A : memref<!tpu.dma_semaphore, #tpu.memory_space<semaphore_mem>>) src(%arg3 : memref<128x128xf32, #tpu.memory_space<hbm>>) dst(%arg7 : memref<128x128xf32, #tpu.memory_space<vmem>>)
      tpu.yield
    }) : () -> ()
    %mul3A_1 = arith.constant 640 : i32
    %mul3A_2 = arith.muli %arg1, %mul3A_1 : i32
    %add3A_3 = arith.constant 0 : i32
    %add3A_4 = arith.addi %mul3A_2, %add3A_3 : i32
    "tpu.region"() ({
      %run_scoped3A = tpu.sem_alloc : memref<!tpu.dma_semaphore, #tpu.memory_space<semaphore_mem>>
      %dma_start3A = arith.constant 0 : i32
      %dma_start3A_31 = tpu.memref_slice %arg6[%add3A_4, %dma_start3A] : memref<10240x128xf32, #tpu.memory_space<vmem_shared>> -> memref<128x128xf32, #tpu.memory_space<vmem_shared>>
      %dma_start3A_32 = arith.constant 0 : i32
      %dma_start3A_33 = tpu.memref_slice %arg6[%add3A_4, %dma_start3A_32] : memref<10240x128xf32, #tpu.memory_space<vmem_shared>> -> memref<128x128xf32, #tpu.memory_space<vmem_shared>>
      tpu.enqueue_dma source(%arg7 : memref<128x128xf32, #tpu.memory_space<vmem>>) target(%dma_start3A_33 : memref<128x128xf32, #tpu.memory_space<vmem_shared>>) target_semaphore(%run_scoped3A : memref<!tpu.dma_semaphore, #tpu.memory_space<semaphore_mem>>)
      %dma_wait3A = arith.constant 0 : i32
      %dma_wait3A_34 = tpu.memref_slice %arg6[%add3A_4, %dma_wait3A] : memref<10240x128xf32, #tpu.memory_space<vmem_shared>> -> memref<128x128xf32, #tpu.memory_space<vmem_shared>>
      %dma_wait3A_35 = arith.constant 0 : i32
      %dma_wait3A_36 = tpu.memref_slice %arg6[%add3A_4, %dma_wait3A_35] : memref<10240x128xf32, #tpu.memory_space<vmem_shared>> -> memref<128x128xf32, #tpu.memory_space<vmem_shared>>
      tpu.wait_dma2 semaphore(%run_scoped3A : memref<!tpu.dma_semaphore, #tpu.memory_space<semaphore_mem>>) src(%arg7 : memref<128x128xf32, #tpu.memory_space<vmem>>) dst(%dma_wait3A_36 : memref<128x128xf32, #tpu.memory_space<vmem_shared>>)
      tpu.yield
    }) : () -> ()
    %mul3A_5 = arith.constant 640 : i32
    %mul3A_6 = arith.muli %arg1, %mul3A_5 : i32
    %add3A_7 = arith.constant 128 : i32
    %add3A_8 = arith.addi %mul3A_6, %add3A_7 : i32
    "tpu.region"() ({
      %run_scoped3A = tpu.sem_alloc : memref<!tpu.dma_semaphore, #tpu.memory_space<semaphore_mem>>
      %dma_start3A = arith.constant 0 : i32
      %dma_start3A_31 = tpu.memref_slice %arg6[%add3A_8, %dma_start3A] : memref<10240x128xf32, #tpu.memory_space<vmem_shared>> -> memref<128x128xf32, #tpu.memory_space<vmem_shared>>
      %dma_start3A_32 = arith.constant 0 : i32
      %dma_start3A_33 = tpu.memref_slice %arg6[%add3A_8, %dma_start3A_32] : memref<10240x128xf32, #tpu.memory_space<vmem_shared>> -> memref<128x128xf32, #tpu.memory_space<vmem_shared>>
      tpu.enqueue_dma source(%arg7 : memref<128x128xf32, #tpu.memory_space<vmem>>) target(%dma_start3A_33 : memref<128x128xf32, #tpu.memory_space<vmem_shared>>) target_semaphore(%run_scoped3A : memref<!tpu.dma_semaphore, #tpu.memory_space<semaphore_mem>>)
      %dma_wait3A = arith.constant 0 : i32
      %dma_wait3A_34 = tpu.memref_slice %arg6[%add3A_8, %dma_wait3A] : memref<10240x128xf32, #tpu.memory_space<vmem_shared>> -> memref<128x128xf32, #tpu.memory_space<vmem_shared>>
      %dma_wait3A_35 = arith.constant 0 : i32
      %dma_wait3A_36 = tpu.memref_slice %arg6[%add3A_8, %dma_wait3A_35] : memref<10240x128xf32, #tpu.memory_space<vmem_shared>> -> memref<128x128xf32, #tpu.memory_space<vmem_shared>>
      tpu.wait_dma2 semaphore(%run_scoped3A : memref<!tpu.dma_semaphore, #tpu.memory_space<semaphore_mem>>) src(%arg7 : memref<128x128xf32, #tpu.memory_space<vmem>>) dst(%dma_wait3A_36 : memref<128x128xf32, #tpu.memory_space<vmem_shared>>)
      tpu.yield
    }) : () -> ()
    %mul3A_9 = arith.constant 640 : i32
    %mul3A_10 = arith.muli %arg1, %mul3A_9 : i32
    %add3A_11 = arith.constant 256 : i32
    %add3A_12 = arith.addi %mul3A_10, %add3A_11 : i32
    "tpu.region"() ({
      %run_scoped3A = tpu.sem_alloc : memref<!tpu.dma_semaphore, #tpu.memory_space<semaphore_mem>>
      %dma_start3A = arith.constant 0 : i32
      %dma_start3A_31 = tpu.memref_slice %arg6[%add3A_12, %dma_start3A] : memref<10240x128xf32, #tpu.memory_space<vmem_shared>> -> memref<128x128xf32, #tpu.memory_space<vmem_shared>>
      %dma_start3A_32 = arith.constant 0 : i32
      %dma_start3A_33 = tpu.memref_slice %arg6[%add3A_12, %dma_start3A_32] : memref<10240x128xf32, #tpu.memory_space<vmem_shared>> -> memref<128x128xf32, #tpu.memory_space<vmem_shared>>
      tpu.enqueue_dma source(%arg7 : memref<128x128xf32, #tpu.memory_space<vmem>>) target(%dma_start3A_33 : memref<128x128xf32, #tpu.memory_space<vmem_shared>>) target_semaphore(%run_scoped3A : memref<!tpu.dma_semaphore, #tpu.memory_space<semaphore_mem>>)
      %dma_wait3A = arith.constant 0 : i32
      %dma_wait3A_34 = tpu.memref_slice %arg6[%add3A_12, %dma_wait3A] : memref<10240x128xf32, #tpu.memory_space<vmem_shared>> -> memref<128x128xf32, #tpu.memory_space<vmem_shared>>
      %dma_wait3A_35 = arith.constant 0 : i32
      %dma_wait3A_36 = tpu.memref_slice %arg6[%add3A_12, %dma_wait3A_35] : memref<10240x128xf32, #tpu.memory_space<vmem_shared>> -> memref<128x128xf32, #tpu.memory_space<vmem_shared>>
      tpu.wait_dma2 semaphore(%run_scoped3A : memref<!tpu.dma_semaphore, #tpu.memory_space<semaphore_mem>>) src(%arg7 : memref<128x128xf32, #tpu.memory_space<vmem>>) dst(%dma_wait3A_36 : memref<128x128xf32, #tpu.memory_space<vmem_shared>>)
      tpu.yield
    }) : () -> ()
    %mul3A_13 = arith.constant 640 : i32
    %mul3A_14 = arith.muli %arg1, %mul3A_13 : i32
    %add3A_15 = arith.constant 384 : i32
    %add3A_16 = arith.addi %mul3A_14, %add3A_15 : i32
    "tpu.region"() ({
      %run_scoped3A = tpu.sem_alloc : memref<!tpu.dma_semaphore, #tpu.memory_space<semaphore_mem>>
      %dma_start3A = arith.constant 0 : i32
      %dma_start3A_31 = tpu.memref_slice %arg6[%add3A_16, %dma_start3A] : memref<10240x128xf32, #tpu.memory_space<vmem_shared>> -> memref<128x128xf32, #tpu.memory_space<vmem_shared>>
      %dma_start3A_32 = arith.constant 0 : i32
      %dma_start3A_33 = tpu.memref_slice %arg6[%add3A_16, %dma_start3A_32] : memref<10240x128xf32, #tpu.memory_space<vmem_shared>> -> memref<128x128xf32, #tpu.memory_space<vmem_shared>>
      tpu.enqueue_dma source(%arg7 : memref<128x128xf32, #tpu.memory_space<vmem>>) target(%dma_start3A_33 : memref<128x128xf32, #tpu.memory_space<vmem_shared>>) target_semaphore(%run_scoped3A : memref<!tpu.dma_semaphore, #tpu.memory_space<semaphore_mem>>)
      %dma_wait3A = arith.constant 0 : i32
      %dma_wait3A_34 = tpu.memref_slice %arg6[%add3A_16, %dma_wait3A] : memref<10240x128xf32, #tpu.memory_space<vmem_shared>> -> memref<128x128xf32, #tpu.memory_space<vmem_shared>>
      %dma_wait3A_35 = arith.constant 0 : i32
      %dma_wait3A_36 = tpu.memref_slice %arg6[%add3A_16, %dma_wait3A_35] : memref<10240x128xf32, #tpu.memory_space<vmem_shared>> -> memref<128x128xf32, #tpu.memory_space<vmem_shared>>
      tpu.wait_dma2 semaphore(%run_scoped3A : memref<!tpu.dma_semaphore, #tpu.memory_space<semaphore_mem>>) src(%arg7 : memref<128x128xf32, #tpu.memory_space<vmem>>) dst(%dma_wait3A_36 : memref<128x128xf32, #tpu.memory_space<vmem_shared>>)
      tpu.yield
    }) : () -> ()
    %mul3A_17 = arith.constant 640 : i32
    %mul3A_18 = arith.muli %arg1, %mul3A_17 : i32
    %add3A_19 = arith.constant 512 : i32
    %add3A_20 = arith.addi %mul3A_18, %add3A_19 : i32
    "tpu.region"() ({
      %run_scoped3A = tpu.sem_alloc : memref<!tpu.dma_semaphore, #tpu.memory_space<semaphore_mem>>
      %dma_start3A = arith.constant 0 : i32
      %dma_start3A_31 = tpu.memref_slice %arg6[%add3A_20, %dma_start3A] : memref<10240x128xf32, #tpu.memory_space<vmem_shared>> -> memref<128x128xf32, #tpu.memory_space<vmem_shared>>
      %dma_start3A_32 = arith.constant 0 : i32
      %dma_start3A_33 = tpu.memref_slice %arg6[%add3A_20, %dma_start3A_32] : memref<10240x128xf32, #tpu.memory_space<vmem_shared>> -> memref<128x128xf32, #tpu.memory_space<vmem_shared>>
      tpu.enqueue_dma source(%arg7 : memref<128x128xf32, #tpu.memory_space<vmem>>) target(%dma_start3A_33 : memref<128x128xf32, #tpu.memory_space<vmem_shared>>) target_semaphore(%run_scoped3A : memref<!tpu.dma_semaphore, #tpu.memory_space<semaphore_mem>>)
      %dma_wait3A = arith.constant 0 : i32
      %dma_wait3A_34 = tpu.memref_slice %arg6[%add3A_20, %dma_wait3A] : memref<10240x128xf32, #tpu.memory_space<vmem_shared>> -> memref<128x128xf32, #tpu.memory_space<vmem_shared>>
      %dma_wait3A_35 = arith.constant 0 : i32
      %dma_wait3A_36 = tpu.memref_slice %arg6[%add3A_20, %dma_wait3A_35] : memref<10240x128xf32, #tpu.memory_space<vmem_shared>> -> memref<128x128xf32, #tpu.memory_space<vmem_shared>>
      tpu.wait_dma2 semaphore(%run_scoped3A : memref<!tpu.dma_semaphore, #tpu.memory_space<semaphore_mem>>) src(%arg7 : memref<128x128xf32, #tpu.memory_space<vmem>>) dst(%dma_wait3A_36 : memref<128x128xf32, #tpu.memory_space<vmem_shared>>)
      tpu.yield
    }) : () -> ()
    "tpu.region"() ({
      %run_scoped3A = tpu.sem_alloc : memref<!tpu.dma_semaphore, #tpu.memory_space<semaphore_mem>>
      tpu.enqueue_dma source(%arg4 : memref<128x128xf32, #tpu.memory_space<hbm>>) target(%arg7 : memref<128x128xf32, #tpu.memory_space<vmem>>) target_semaphore(%run_scoped3A : memref<!tpu.dma_semaphore, #tpu.memory_space<semaphore_mem>>)
      tpu.wait_dma2 semaphore(%run_scoped3A : memref<!tpu.dma_semaphore, #tpu.memory_space<semaphore_mem>>) src(%arg4 : memref<128x128xf32, #tpu.memory_space<hbm>>) dst(%arg7 : memref<128x128xf32, #tpu.memory_space<vmem>>)
      tpu.yield
    }) : () -> ()
    %barrier3A = arith.constant 0 : index
    tpu.barrier barrier_id(%barrier3A)
    %scan3A = arith.constant 0 : i32
    %scan3A_21 = arith.constant 0 : i32
    %scan3A_22 = arith.constant 79 : i32
    %scan3A_23 = arith.addi %scan3A_21, %scan3A_22 : i32
    %scan3A_24 = arith.constant 1 : i32
    scf.for %scan3A_31 = %scan3A_21 to %scan3A_23 step %scan3A_24  : i32 {
      %mul3A_32 = arith.constant 32 : i32
      %mul3A_33 = arith.muli %scan3A_31, %mul3A_32 : i32
      %add3A_34 = arith.addi %add3A, %mul3A_33 : i32
      %lt3A = arith.constant 2500 : i32
      %lt3A_35 = arith.cmpi slt, %add3A_34, %lt3A : i32
      %convert_element_type3A = arith.extui %lt3A_35 : i1 to i32
      %cond3A = arith.constant 0 : i32
      %cond3A_36 = arith.cmpi ne, %convert_element_type3A, %cond3A : i32
      scf.if %cond3A_36 {
        %mul3A_37 = arith.constant 128 : i32
        %mul3A_38 = arith.muli %add3A_34, %mul3A_37 : i32
        "tpu.region"() ({
          %run_scoped3A = tpu.sem_alloc : memref<!tpu.dma_semaphore, #tpu.memory_space<semaphore_mem>>
          %dma_start3A = tpu.memref_slice %arg2[%mul3A_38] : memref<320000xi32, #tpu.memory_space<hbm>> -> memref<128xi32, #tpu.memory_space<hbm>>
          %dma_start3A_39 = tpu.memref_slice %arg2[%mul3A_38] : memref<320000xi32, #tpu.memory_space<hbm>> -> memref<128xi32, #tpu.memory_space<hbm>>
          tpu.enqueue_dma source(%dma_start3A_39 : memref<128xi32, #tpu.memory_space<hbm>>) target(%arg8 : memref<128xi32, #tpu.memory_space<vmem>>) target_semaphore(%run_scoped3A : memref<!tpu.dma_semaphore, #tpu.memory_space<semaphore_mem>>)
          %dma_wait3A = tpu.memref_slice %arg2[%mul3A_38] : memref<320000xi32, #tpu.memory_space<hbm>> -> memref<128xi32, #tpu.memory_space<hbm>>
          %dma_wait3A_40 = tpu.memref_slice %arg2[%mul3A_38] : memref<320000xi32, #tpu.memory_space<hbm>> -> memref<128xi32, #tpu.memory_space<hbm>>
          tpu.wait_dma2 semaphore(%run_scoped3A : memref<!tpu.dma_semaphore, #tpu.memory_space<semaphore_mem>>) src(%dma_wait3A_40 : memref<128xi32, #tpu.memory_space<hbm>>) dst(%arg8 : memref<128xi32, #tpu.memory_space<vmem>>)
          tpu.yield
        }) : () -> ()
        "tpu.region"() ({
          %run_scoped3A = tpu.sem_alloc : memref<!tpu.dma_semaphore, #tpu.memory_space<semaphore_mem>>
          %dma_start3A = arith.constant 0 : i32
          %dma_start3A_39 = arith.constant 0 : i32
          %dma_start3A_40 = tpu.memref_slice %arg6[%dma_start3A, %dma_start3A_39] : memref<10240x128xf32, #tpu.memory_space<vmem_shared>> -> memref<10240x128xf32, #tpu.memory_space<vmem_shared>>
          tpu.enqueue_indirect_dma source(%arg7 : memref<128x128xf32, #tpu.memory_space<vmem>>) target(%dma_start3A_40 : memref<10240x128xf32, #tpu.memory_space<vmem_shared>>) offsets(%arg8 : memref<128xi32, #tpu.memory_space<vmem>>) semaphore(%run_scoped3A : memref<!tpu.dma_semaphore, #tpu.memory_space<semaphore_mem>>) {add = true}
          %dma_wait3A = arith.constant 0 : i32
          %dma_wait3A_41 = arith.constant 0 : i32
          %dma_wait3A_42 = tpu.memref_slice %arg6[%dma_wait3A, %dma_wait3A_41] : memref<10240x128xf32, #tpu.memory_space<vmem_shared>> -> memref<10240x128xf32, #tpu.memory_space<vmem_shared>>
          tpu.wait_indirect_dma semaphore(%run_scoped3A : memref<!tpu.dma_semaphore, #tpu.memory_space<semaphore_mem>>) src(%arg7 : memref<128x128xf32, #tpu.memory_space<vmem>>) dst(%dma_wait3A_42 : memref<10240x128xf32, #tpu.memory_space<vmem_shared>>)
          tpu.yield
        }) : () -> ()
      } else {
      }
    }
    %scan3A_25 = arith.constant 79 : i32
    %barrier3A_26 = arith.constant 0 : index
    tpu.barrier barrier_id(%barrier3A_26)
    %mul3A_27 = arith.constant 640 : i32
    %mul3A_28 = arith.muli %arg1, %mul3A_27 : i32
    %mul3A_29 = arith.constant 640 : i32
    %mul3A_30 = arith.muli %arg1, %mul3A_29 : i32
    "tpu.region"() ({
      %run_scoped3A = tpu.sem_alloc : memref<!tpu.dma_semaphore, #tpu.memory_space<semaphore_mem>>
      %dma_start3A = arith.constant 0 : i32
      %dma_start3A_31 = tpu.memref_slice %arg5[%arg0, %mul3A_30, %dma_start3A] : memref<2x10240x128xf32, #tpu.memory_space<hbm>> -> memref<1x640x128xf32, #tpu.memory_space<hbm>>
      %dma_start3A_32 = tpu.memref_squeeze %dma_start3A_31 : memref<1x640x128xf32, #tpu.memory_space<hbm>> -> memref<640x128xf32, #tpu.memory_space<hbm>>
      %dma_start3A_33 = arith.constant 0 : i32
      %dma_start3A_34 = tpu.memref_slice %arg6[%mul3A_28, %dma_start3A_33] : memref<10240x128xf32, #tpu.memory_space<vmem_shared>> -> memref<640x128xf32, #tpu.memory_space<vmem_shared>>
      tpu.enqueue_dma source(%dma_start3A_34 : memref<640x128xf32, #tpu.memory_space<vmem_shared>>) target(%dma_start3A_32 : memref<640x128xf32, #tpu.memory_space<hbm>>) target_semaphore(%run_scoped3A : memref<!tpu.dma_semaphore, #tpu.memory_space<semaphore_mem>>)
      %dma_wait3A = arith.constant 0 : i32
      %dma_wait3A_35 = tpu.memref_slice %arg5[%arg0, %mul3A_30, %dma_wait3A] : memref<2x10240x128xf32, #tpu.memory_space<hbm>> -> memref<1x640x128xf32, #tpu.memory_space<hbm>>
      %dma_wait3A_36 = tpu.memref_squeeze %dma_wait3A_35 : memref<1x640x128xf32, #tpu.memory_space<hbm>> -> memref<640x128xf32, #tpu.memory_space<hbm>>
      %dma_wait3A_37 = arith.constant 0 : i32
      %dma_wait3A_38 = tpu.memref_slice %arg6[%mul3A_28, %dma_wait3A_37] : memref<10240x128xf32, #tpu.memory_space<vmem_shared>> -> memref<640x128xf32, #tpu.memory_space<vmem_shared>>
      tpu.wait_dma2 semaphore(%run_scoped3A : memref<!tpu.dma_semaphore, #tpu.memory_space<semaphore_mem>>) src(%dma_wait3A_38 : memref<640x128xf32, #tpu.memory_space<vmem_shared>>) dst(%dma_wait3A_36 : memref<640x128xf32, #tpu.memory_space<hbm>>)
      tpu.yield
    }) : () -> ()
    return
  }
}

#map = affine_map<(d0, d1) -> (0, 0)>
#map1 = affine_map<(d0, d1) -> (0)>
#map2 = affine_map<(d0, d1) -> (0, 0, 0)>
module attributes {stable_mosaic.version = 14 : i64} {
  func.func @_sc_msg(%arg0: i32, %arg1: i32, %arg2: memref<10000x128xf32, #tpu.memory_space<hbm>>, %arg3: memref<320000xi32, #tpu.memory_space<hbm>>, %arg4: memref<320000xi32, #tpu.memory_space<hbm>>, %arg5: memref<128x128xf32, #tpu.memory_space<hbm>>, %arg6: memref<2x10240x128xf32, #tpu.memory_space<hbm>>, %arg7: memref<10240x128xf32, #tpu.memory_space<vmem_shared>>, %arg8: memref<128x128xf32, #tpu.memory_space<vmem>>, %arg9: memref<128x128xf32, #tpu.memory_space<vmem>>, %arg10: memref<128xi32, #tpu.memory_space<vmem>>, %arg11: memref<128xi32, #tpu.memory_space<vmem>>, %arg12: memref<128xi32, #tpu.memory_space<vmem>>, %arg13: memref<128xi32, #tpu.memory_space<vmem>>, %arg14: memref<!tpu.dma_semaphore, #tpu.memory_space<semaphore_mem>>, %arg15: memref<!tpu.dma_semaphore, #tpu.memory_space<semaphore_mem>>, %arg16: memref<!tpu.dma_semaphore, #tpu.memory_space<semaphore_mem>>, %arg17: memref<!tpu.dma_semaphore, #tpu.memory_space<semaphore_mem>>) attributes {dimension_semantics = [#tpu.dimension_semantics<core_parallel>, #tpu.dimension_semantics<subcore_parallel>], iteration_bounds = array<i64: 2, 16>, scalar_prefetch = 0 : i64, scratch_operands = 11 : i64, tpu.core_type = #tpu.core_type<sc_vector_subcore>, window_params = [{transform_indices = #map}, {transform_indices = #map1}, {transform_indices = #map1}, {transform_indices = #map}, {transform_indices = #map2}]} {
    %mul3A = arith.constant 2 : i32
    %mul3A_0 = arith.muli %arg1, %mul3A : i32
    %add3A = arith.addi %mul3A_0, %arg0 : i32
    "tpu.region"() ({
      %run_scoped3A = tpu.sem_alloc : memref<!tpu.dma_semaphore, #tpu.memory_space<semaphore_mem>>
      tpu.enqueue_dma source(%arg5 : memref<128x128xf32, #tpu.memory_space<hbm>>) target(%arg8 : memref<128x128xf32, #tpu.memory_space<vmem>>) target_semaphore(%run_scoped3A : memref<!tpu.dma_semaphore, #tpu.memory_space<semaphore_mem>>)
      tpu.wait_dma2 semaphore(%run_scoped3A : memref<!tpu.dma_semaphore, #tpu.memory_space<semaphore_mem>>) src(%arg5 : memref<128x128xf32, #tpu.memory_space<hbm>>) dst(%arg8 : memref<128x128xf32, #tpu.memory_space<vmem>>)
      tpu.yield
    }) : () -> ()
    %mul3A_1 = arith.constant 640 : i32
    %mul3A_2 = arith.muli %arg1, %mul3A_1 : i32
    %add3A_3 = arith.constant 0 : i32
    %add3A_4 = arith.addi %mul3A_2, %add3A_3 : i32
    "tpu.region"() ({
      %run_scoped3A = tpu.sem_alloc : memref<!tpu.dma_semaphore, #tpu.memory_space<semaphore_mem>>
      %dma_start3A = arith.constant 0 : i32
      %dma_start3A_33 = tpu.memref_slice %arg7[%add3A_4, %dma_start3A] : memref<10240x128xf32, #tpu.memory_space<vmem_shared>> -> memref<128x128xf32, #tpu.memory_space<vmem_shared>>
      %dma_start3A_34 = arith.constant 0 : i32
      %dma_start3A_35 = tpu.memref_slice %arg7[%add3A_4, %dma_start3A_34] : memref<10240x128xf32, #tpu.memory_space<vmem_shared>> -> memref<128x128xf32, #tpu.memory_space<vmem_shared>>
      tpu.enqueue_dma source(%arg8 : memref<128x128xf32, #tpu.memory_space<vmem>>) target(%dma_start3A_35 : memref<128x128xf32, #tpu.memory_space<vmem_shared>>) target_semaphore(%run_scoped3A : memref<!tpu.dma_semaphore, #tpu.memory_space<semaphore_mem>>)
      %dma_wait3A = arith.constant 0 : i32
      %dma_wait3A_36 = tpu.memref_slice %arg7[%add3A_4, %dma_wait3A] : memref<10240x128xf32, #tpu.memory_space<vmem_shared>> -> memref<128x128xf32, #tpu.memory_space<vmem_shared>>
      %dma_wait3A_37 = arith.constant 0 : i32
      %dma_wait3A_38 = tpu.memref_slice %arg7[%add3A_4, %dma_wait3A_37] : memref<10240x128xf32, #tpu.memory_space<vmem_shared>> -> memref<128x128xf32, #tpu.memory_space<vmem_shared>>
      tpu.wait_dma2 semaphore(%run_scoped3A : memref<!tpu.dma_semaphore, #tpu.memory_space<semaphore_mem>>) src(%arg8 : memref<128x128xf32, #tpu.memory_space<vmem>>) dst(%dma_wait3A_38 : memref<128x128xf32, #tpu.memory_space<vmem_shared>>)
      tpu.yield
    }) : () -> ()
    %mul3A_5 = arith.constant 640 : i32
    %mul3A_6 = arith.muli %arg1, %mul3A_5 : i32
    %add3A_7 = arith.constant 128 : i32
    %add3A_8 = arith.addi %mul3A_6, %add3A_7 : i32
    "tpu.region"() ({
      %run_scoped3A = tpu.sem_alloc : memref<!tpu.dma_semaphore, #tpu.memory_space<semaphore_mem>>
      %dma_start3A = arith.constant 0 : i32
      %dma_start3A_33 = tpu.memref_slice %arg7[%add3A_8, %dma_start3A] : memref<10240x128xf32, #tpu.memory_space<vmem_shared>> -> memref<128x128xf32, #tpu.memory_space<vmem_shared>>
      %dma_start3A_34 = arith.constant 0 : i32
      %dma_start3A_35 = tpu.memref_slice %arg7[%add3A_8, %dma_start3A_34] : memref<10240x128xf32, #tpu.memory_space<vmem_shared>> -> memref<128x128xf32, #tpu.memory_space<vmem_shared>>
      tpu.enqueue_dma source(%arg8 : memref<128x128xf32, #tpu.memory_space<vmem>>) target(%dma_start3A_35 : memref<128x128xf32, #tpu.memory_space<vmem_shared>>) target_semaphore(%run_scoped3A : memref<!tpu.dma_semaphore, #tpu.memory_space<semaphore_mem>>)
      %dma_wait3A = arith.constant 0 : i32
      %dma_wait3A_36 = tpu.memref_slice %arg7[%add3A_8, %dma_wait3A] : memref<10240x128xf32, #tpu.memory_space<vmem_shared>> -> memref<128x128xf32, #tpu.memory_space<vmem_shared>>
      %dma_wait3A_37 = arith.constant 0 : i32
      %dma_wait3A_38 = tpu.memref_slice %arg7[%add3A_8, %dma_wait3A_37] : memref<10240x128xf32, #tpu.memory_space<vmem_shared>> -> memref<128x128xf32, #tpu.memory_space<vmem_shared>>
      tpu.wait_dma2 semaphore(%run_scoped3A : memref<!tpu.dma_semaphore, #tpu.memory_space<semaphore_mem>>) src(%arg8 : memref<128x128xf32, #tpu.memory_space<vmem>>) dst(%dma_wait3A_38 : memref<128x128xf32, #tpu.memory_space<vmem_shared>>)
      tpu.yield
    }) : () -> ()
    %mul3A_9 = arith.constant 640 : i32
    %mul3A_10 = arith.muli %arg1, %mul3A_9 : i32
    %add3A_11 = arith.constant 256 : i32
    %add3A_12 = arith.addi %mul3A_10, %add3A_11 : i32
    "tpu.region"() ({
      %run_scoped3A = tpu.sem_alloc : memref<!tpu.dma_semaphore, #tpu.memory_space<semaphore_mem>>
      %dma_start3A = arith.constant 0 : i32
      %dma_start3A_33 = tpu.memref_slice %arg7[%add3A_12, %dma_start3A] : memref<10240x128xf32, #tpu.memory_space<vmem_shared>> -> memref<128x128xf32, #tpu.memory_space<vmem_shared>>
      %dma_start3A_34 = arith.constant 0 : i32
      %dma_start3A_35 = tpu.memref_slice %arg7[%add3A_12, %dma_start3A_34] : memref<10240x128xf32, #tpu.memory_space<vmem_shared>> -> memref<128x128xf32, #tpu.memory_space<vmem_shared>>
      tpu.enqueue_dma source(%arg8 : memref<128x128xf32, #tpu.memory_space<vmem>>) target(%dma_start3A_35 : memref<128x128xf32, #tpu.memory_space<vmem_shared>>) target_semaphore(%run_scoped3A : memref<!tpu.dma_semaphore, #tpu.memory_space<semaphore_mem>>)
      %dma_wait3A = arith.constant 0 : i32
      %dma_wait3A_36 = tpu.memref_slice %arg7[%add3A_12, %dma_wait3A] : memref<10240x128xf32, #tpu.memory_space<vmem_shared>> -> memref<128x128xf32, #tpu.memory_space<vmem_shared>>
      %dma_wait3A_37 = arith.constant 0 : i32
      %dma_wait3A_38 = tpu.memref_slice %arg7[%add3A_12, %dma_wait3A_37] : memref<10240x128xf32, #tpu.memory_space<vmem_shared>> -> memref<128x128xf32, #tpu.memory_space<vmem_shared>>
      tpu.wait_dma2 semaphore(%run_scoped3A : memref<!tpu.dma_semaphore, #tpu.memory_space<semaphore_mem>>) src(%arg8 : memref<128x128xf32, #tpu.memory_space<vmem>>) dst(%dma_wait3A_38 : memref<128x128xf32, #tpu.memory_space<vmem_shared>>)
      tpu.yield
    }) : () -> ()
    %mul3A_13 = arith.constant 640 : i32
    %mul3A_14 = arith.muli %arg1, %mul3A_13 : i32
    %add3A_15 = arith.constant 384 : i32
    %add3A_16 = arith.addi %mul3A_14, %add3A_15 : i32
    "tpu.region"() ({
      %run_scoped3A = tpu.sem_alloc : memref<!tpu.dma_semaphore, #tpu.memory_space<semaphore_mem>>
      %dma_start3A = arith.constant 0 : i32
      %dma_start3A_33 = tpu.memref_slice %arg7[%add3A_16, %dma_start3A] : memref<10240x128xf32, #tpu.memory_space<vmem_shared>> -> memref<128x128xf32, #tpu.memory_space<vmem_shared>>
      %dma_start3A_34 = arith.constant 0 : i32
      %dma_start3A_35 = tpu.memref_slice %arg7[%add3A_16, %dma_start3A_34] : memref<10240x128xf32, #tpu.memory_space<vmem_shared>> -> memref<128x128xf32, #tpu.memory_space<vmem_shared>>
      tpu.enqueue_dma source(%arg8 : memref<128x128xf32, #tpu.memory_space<vmem>>) target(%dma_start3A_35 : memref<128x128xf32, #tpu.memory_space<vmem_shared>>) target_semaphore(%run_scoped3A : memref<!tpu.dma_semaphore, #tpu.memory_space<semaphore_mem>>)
      %dma_wait3A = arith.constant 0 : i32
      %dma_wait3A_36 = tpu.memref_slice %arg7[%add3A_16, %dma_wait3A] : memref<10240x128xf32, #tpu.memory_space<vmem_shared>> -> memref<128x128xf32, #tpu.memory_space<vmem_shared>>
      %dma_wait3A_37 = arith.constant 0 : i32
      %dma_wait3A_38 = tpu.memref_slice %arg7[%add3A_16, %dma_wait3A_37] : memref<10240x128xf32, #tpu.memory_space<vmem_shared>> -> memref<128x128xf32, #tpu.memory_space<vmem_shared>>
      tpu.wait_dma2 semaphore(%run_scoped3A : memref<!tpu.dma_semaphore, #tpu.memory_space<semaphore_mem>>) src(%arg8 : memref<128x128xf32, #tpu.memory_space<vmem>>) dst(%dma_wait3A_38 : memref<128x128xf32, #tpu.memory_space<vmem_shared>>)
      tpu.yield
    }) : () -> ()
    %mul3A_17 = arith.constant 640 : i32
    %mul3A_18 = arith.muli %arg1, %mul3A_17 : i32
    %add3A_19 = arith.constant 512 : i32
    %add3A_20 = arith.addi %mul3A_18, %add3A_19 : i32
    "tpu.region"() ({
      %run_scoped3A = tpu.sem_alloc : memref<!tpu.dma_semaphore, #tpu.memory_space<semaphore_mem>>
      %dma_start3A = arith.constant 0 : i32
      %dma_start3A_33 = tpu.memref_slice %arg7[%add3A_20, %dma_start3A] : memref<10240x128xf32, #tpu.memory_space<vmem_shared>> -> memref<128x128xf32, #tpu.memory_space<vmem_shared>>
      %dma_start3A_34 = arith.constant 0 : i32
      %dma_start3A_35 = tpu.memref_slice %arg7[%add3A_20, %dma_start3A_34] : memref<10240x128xf32, #tpu.memory_space<vmem_shared>> -> memref<128x128xf32, #tpu.memory_space<vmem_shared>>
      tpu.enqueue_dma source(%arg8 : memref<128x128xf32, #tpu.memory_space<vmem>>) target(%dma_start3A_35 : memref<128x128xf32, #tpu.memory_space<vmem_shared>>) target_semaphore(%run_scoped3A : memref<!tpu.dma_semaphore, #tpu.memory_space<semaphore_mem>>)
      %dma_wait3A = arith.constant 0 : i32
      %dma_wait3A_36 = tpu.memref_slice %arg7[%add3A_20, %dma_wait3A] : memref<10240x128xf32, #tpu.memory_space<vmem_shared>> -> memref<128x128xf32, #tpu.memory_space<vmem_shared>>
      %dma_wait3A_37 = arith.constant 0 : i32
      %dma_wait3A_38 = tpu.memref_slice %arg7[%add3A_20, %dma_wait3A_37] : memref<10240x128xf32, #tpu.memory_space<vmem_shared>> -> memref<128x128xf32, #tpu.memory_space<vmem_shared>>
      tpu.wait_dma2 semaphore(%run_scoped3A : memref<!tpu.dma_semaphore, #tpu.memory_space<semaphore_mem>>) src(%arg8 : memref<128x128xf32, #tpu.memory_space<vmem>>) dst(%dma_wait3A_38 : memref<128x128xf32, #tpu.memory_space<vmem_shared>>)
      tpu.yield
    }) : () -> ()
    %barrier3A = arith.constant 0 : index
    tpu.barrier barrier_id(%barrier3A)
    %lt3A = arith.constant 2500 : i32
    %lt3A_21 = arith.cmpi slt, %add3A, %lt3A : i32
    %convert_element_type3A = arith.extui %lt3A_21 : i1 to i32
    %cond3A = arith.constant 0 : i32
    %cond3A_22 = arith.cmpi ne, %convert_element_type3A, %cond3A : i32
    scf.if %cond3A_22 {
      %mul3A_33 = arith.constant 128 : i32
      %mul3A_34 = arith.muli %add3A, %mul3A_33 : i32
      "tpu.region"() ({
        %run_scoped3A = tpu.sem_alloc : memref<!tpu.dma_semaphore, #tpu.memory_space<semaphore_mem>>
        %dma_start3A_39 = tpu.memref_slice %arg3[%mul3A_34] : memref<320000xi32, #tpu.memory_space<hbm>> -> memref<128xi32, #tpu.memory_space<hbm>>
        %dma_start3A_40 = tpu.memref_slice %arg3[%mul3A_34] : memref<320000xi32, #tpu.memory_space<hbm>> -> memref<128xi32, #tpu.memory_space<hbm>>
        tpu.enqueue_dma source(%dma_start3A_40 : memref<128xi32, #tpu.memory_space<hbm>>) target(%arg10 : memref<128xi32, #tpu.memory_space<vmem>>) target_semaphore(%run_scoped3A : memref<!tpu.dma_semaphore, #tpu.memory_space<semaphore_mem>>)
        %dma_wait3A = tpu.memref_slice %arg3[%mul3A_34] : memref<320000xi32, #tpu.memory_space<hbm>> -> memref<128xi32, #tpu.memory_space<hbm>>
        %dma_wait3A_41 = tpu.memref_slice %arg3[%mul3A_34] : memref<320000xi32, #tpu.memory_space<hbm>> -> memref<128xi32, #tpu.memory_space<hbm>>
        tpu.wait_dma2 semaphore(%run_scoped3A : memref<!tpu.dma_semaphore, #tpu.memory_space<semaphore_mem>>) src(%dma_wait3A_41 : memref<128xi32, #tpu.memory_space<hbm>>) dst(%arg10 : memref<128xi32, #tpu.memory_space<vmem>>)
        tpu.yield
      }) : () -> ()
      %mul3A_35 = arith.constant 128 : i32
      %mul3A_36 = arith.muli %add3A, %mul3A_35 : i32
      "tpu.region"() ({
        %run_scoped3A = tpu.sem_alloc : memref<!tpu.dma_semaphore, #tpu.memory_space<semaphore_mem>>
        %dma_start3A_39 = tpu.memref_slice %arg4[%mul3A_36] : memref<320000xi32, #tpu.memory_space<hbm>> -> memref<128xi32, #tpu.memory_space<hbm>>
        %dma_start3A_40 = tpu.memref_slice %arg4[%mul3A_36] : memref<320000xi32, #tpu.memory_space<hbm>> -> memref<128xi32, #tpu.memory_space<hbm>>
        tpu.enqueue_dma source(%dma_start3A_40 : memref<128xi32, #tpu.memory_space<hbm>>) target(%arg12 : memref<128xi32, #tpu.memory_space<vmem>>) target_semaphore(%run_scoped3A : memref<!tpu.dma_semaphore, #tpu.memory_space<semaphore_mem>>)
        %dma_wait3A = tpu.memref_slice %arg4[%mul3A_36] : memref<320000xi32, #tpu.memory_space<hbm>> -> memref<128xi32, #tpu.memory_space<hbm>>
        %dma_wait3A_41 = tpu.memref_slice %arg4[%mul3A_36] : memref<320000xi32, #tpu.memory_space<hbm>> -> memref<128xi32, #tpu.memory_space<hbm>>
        tpu.wait_dma2 semaphore(%run_scoped3A : memref<!tpu.dma_semaphore, #tpu.memory_space<semaphore_mem>>) src(%dma_wait3A_41 : memref<128xi32, #tpu.memory_space<hbm>>) dst(%arg12 : memref<128xi32, #tpu.memory_space<vmem>>)
        tpu.yield
      }) : () -> ()
      %dma_start3A = arith.constant 0 : i32
      %dma_start3A_37 = arith.constant 0 : i32
      %dma_start3A_38 = tpu.memref_slice %arg2[%dma_start3A, %dma_start3A_37] : memref<10000x128xf32, #tpu.memory_space<hbm>> -> memref<10000x128xf32, #tpu.memory_space<hbm>>
      tpu.enqueue_indirect_dma source(%dma_start3A_38 : memref<10000x128xf32, #tpu.memory_space<hbm>>) target(%arg8 : memref<128x128xf32, #tpu.memory_space<vmem>>) offsets(%arg10 : memref<128xi32, #tpu.memory_space<vmem>>) semaphore(%arg14 : memref<!tpu.dma_semaphore, #tpu.memory_space<semaphore_mem>>)
    } else {
    }
    %scan3A = arith.constant 0 : i32
    %scan3A_23 = arith.constant 0 : i32
    %scan3A_24 = arith.constant 40 : i32
    %scan3A_25 = arith.addi %scan3A_23, %scan3A_24 : i32
    %scan3A_26 = arith.constant 1 : i32
    scf.for %scan3A_33 = %scan3A_23 to %scan3A_25 step %scan3A_26  : i32 {
      %mul3A_34 = arith.constant 2 : i32
      %mul3A_35 = arith.muli %mul3A_34, %scan3A_33 : i32
      %mul3A_36 = arith.constant 32 : i32
      %mul3A_37 = arith.muli %mul3A_35, %mul3A_36 : i32
      %add3A_38 = arith.addi %add3A, %mul3A_37 : i32
      %add3A_39 = arith.constant 32 : i32
      %add3A_40 = arith.addi %add3A_38, %add3A_39 : i32
      %lt3A_41 = arith.constant 2500 : i32
      %lt3A_42 = arith.cmpi slt, %add3A_38, %lt3A_41 : i32
      %lt3A_43 = arith.constant 2500 : i32
      %lt3A_44 = arith.cmpi slt, %add3A_40, %lt3A_43 : i32
      %convert_element_type3A_45 = arith.extui %lt3A_42 : i1 to i32
      %cond3A_46 = arith.constant 0 : i32
      %cond3A_47 = arith.cmpi ne, %convert_element_type3A_45, %cond3A_46 : i32
      scf.if %cond3A_47 {
        %dma_wait3A = arith.constant 0 : i32
        %dma_wait3A_99 = arith.constant 0 : i32
        %dma_wait3A_100 = tpu.memref_slice %arg2[%dma_wait3A, %dma_wait3A_99] : memref<10000x128xf32, #tpu.memory_space<hbm>> -> memref<10000x128xf32, #tpu.memory_space<hbm>>
        tpu.wait_indirect_dma semaphore(%arg14 : memref<!tpu.dma_semaphore, #tpu.memory_space<semaphore_mem>>) src(%dma_wait3A_100 : memref<10000x128xf32, #tpu.memory_space<hbm>>) dst(%arg8 : memref<128x128xf32, #tpu.memory_space<vmem>>)
      } else {
      }
      %and3A = arith.andi %lt3A_42, %lt3A_44 : i1
      %convert_element_type3A_48 = arith.extui %and3A : i1 to i32
      %cond3A_49 = arith.constant 0 : i32
      %cond3A_50 = arith.cmpi ne, %convert_element_type3A_48, %cond3A_49 : i32
      scf.if %cond3A_50 {
        %dma_start3A = arith.constant 0 : i32
        %dma_start3A_99 = arith.constant 0 : i32
        %dma_start3A_100 = tpu.memref_slice %arg7[%dma_start3A, %dma_start3A_99] : memref<10240x128xf32, #tpu.memory_space<vmem_shared>> -> memref<10240x128xf32, #tpu.memory_space<vmem_shared>>
        tpu.enqueue_indirect_dma source(%arg8 : memref<128x128xf32, #tpu.memory_space<vmem>>) target(%dma_start3A_100 : memref<10240x128xf32, #tpu.memory_space<vmem_shared>>) offsets(%arg12 : memref<128xi32, #tpu.memory_space<vmem>>) semaphore(%arg16 : memref<!tpu.dma_semaphore, #tpu.memory_space<semaphore_mem>>) {add = true}
      } else {
      }
      %not3A = arith.constant true
      %not3A_51 = arith.xori %lt3A_44, %not3A : i1
      %and3A_52 = arith.andi %lt3A_42, %not3A_51 : i1
      %convert_element_type3A_53 = arith.extui %and3A_52 : i1 to i32
      %cond3A_54 = arith.constant 0 : i32
      %cond3A_55 = arith.cmpi ne, %convert_element_type3A_53, %cond3A_54 : i32
      scf.if %cond3A_55 {
        "tpu.region"() ({
          %run_scoped3A = tpu.sem_alloc : memref<!tpu.dma_semaphore, #tpu.memory_space<semaphore_mem>>
          %dma_start3A = arith.constant 0 : i32
          %dma_start3A_99 = arith.constant 0 : i32
          %dma_start3A_100 = tpu.memref_slice %arg7[%dma_start3A, %dma_start3A_99] : memref<10240x128xf32, #tpu.memory_space<vmem_shared>> -> memref<10240x128xf32, #tpu.memory_space<vmem_shared>>
          tpu.enqueue_indirect_dma source(%arg8 : memref<128x128xf32, #tpu.memory_space<vmem>>) target(%dma_start3A_100 : memref<10240x128xf32, #tpu.memory_space<vmem_shared>>) offsets(%arg12 : memref<128xi32, #tpu.memory_space<vmem>>) semaphore(%run_scoped3A : memref<!tpu.dma_semaphore, #tpu.memory_space<semaphore_mem>>) {add = true}
          %dma_wait3A = arith.constant 0 : i32
          %dma_wait3A_101 = arith.constant 0 : i32
          %dma_wait3A_102 = tpu.memref_slice %arg7[%dma_wait3A, %dma_wait3A_101] : memref<10240x128xf32, #tpu.memory_space<vmem_shared>> -> memref<10240x128xf32, #tpu.memory_space<vmem_shared>>
          tpu.wait_indirect_dma semaphore(%run_scoped3A : memref<!tpu.dma_semaphore, #tpu.memory_space<semaphore_mem>>) src(%arg8 : memref<128x128xf32, #tpu.memory_space<vmem>>) dst(%dma_wait3A_102 : memref<10240x128xf32, #tpu.memory_space<vmem_shared>>)
          tpu.yield
        }) : () -> ()
      } else {
      }
      %ge3A = arith.constant 1 : i32
      %ge3A_56 = arith.cmpi sge, %mul3A_35, %ge3A : i32
      %and3A_57 = arith.andi %lt3A_42, %ge3A_56 : i1
      %convert_element_type3A_58 = arith.extui %and3A_57 : i1 to i32
      %cond3A_59 = arith.constant 0 : i32
      %cond3A_60 = arith.cmpi ne, %convert_element_type3A_58, %cond3A_59 : i32
      scf.if %cond3A_60 {
        %dma_wait3A = arith.constant 0 : i32
        %dma_wait3A_99 = arith.constant 0 : i32
        %dma_wait3A_100 = tpu.memref_slice %arg7[%dma_wait3A, %dma_wait3A_99] : memref<10240x128xf32, #tpu.memory_space<vmem_shared>> -> memref<10240x128xf32, #tpu.memory_space<vmem_shared>>
        tpu.wait_indirect_dma semaphore(%arg17 : memref<!tpu.dma_semaphore, #tpu.memory_space<semaphore_mem>>) src(%arg9 : memref<128x128xf32, #tpu.memory_space<vmem>>) dst(%dma_wait3A_100 : memref<10240x128xf32, #tpu.memory_space<vmem_shared>>)
      } else {
      }
      %convert_element_type3A_61 = arith.extui %lt3A_44 : i1 to i32
      %cond3A_62 = arith.constant 0 : i32
      %cond3A_63 = arith.cmpi ne, %convert_element_type3A_61, %cond3A_62 : i32
      scf.if %cond3A_63 {
        %mul3A_99 = arith.constant 128 : i32
        %mul3A_100 = arith.muli %add3A_40, %mul3A_99 : i32
        "tpu.region"() ({
          %run_scoped3A = tpu.sem_alloc : memref<!tpu.dma_semaphore, #tpu.memory_space<semaphore_mem>>
          %dma_start3A_105 = tpu.memref_slice %arg3[%mul3A_100] : memref<320000xi32, #tpu.memory_space<hbm>> -> memref<128xi32, #tpu.memory_space<hbm>>
          %dma_start3A_106 = tpu.memref_slice %arg3[%mul3A_100] : memref<320000xi32, #tpu.memory_space<hbm>> -> memref<128xi32, #tpu.memory_space<hbm>>
          tpu.enqueue_dma source(%dma_start3A_106 : memref<128xi32, #tpu.memory_space<hbm>>) target(%arg11 : memref<128xi32, #tpu.memory_space<vmem>>) target_semaphore(%run_scoped3A : memref<!tpu.dma_semaphore, #tpu.memory_space<semaphore_mem>>)
          %dma_wait3A = tpu.memref_slice %arg3[%mul3A_100] : memref<320000xi32, #tpu.memory_space<hbm>> -> memref<128xi32, #tpu.memory_space<hbm>>
          %dma_wait3A_107 = tpu.memref_slice %arg3[%mul3A_100] : memref<320000xi32, #tpu.memory_space<hbm>> -> memref<128xi32, #tpu.memory_space<hbm>>
          tpu.wait_dma2 semaphore(%run_scoped3A : memref<!tpu.dma_semaphore, #tpu.memory_space<semaphore_mem>>) src(%dma_wait3A_107 : memref<128xi32, #tpu.memory_space<hbm>>) dst(%arg11 : memref<128xi32, #tpu.memory_space<vmem>>)
          tpu.yield
        }) : () -> ()
        %mul3A_101 = arith.constant 128 : i32
        %mul3A_102 = arith.muli %add3A_40, %mul3A_101 : i32
        "tpu.region"() ({
          %run_scoped3A = tpu.sem_alloc : memref<!tpu.dma_semaphore, #tpu.memory_space<semaphore_mem>>
          %dma_start3A_105 = tpu.memref_slice %arg4[%mul3A_102] : memref<320000xi32, #tpu.memory_space<hbm>> -> memref<128xi32, #tpu.memory_space<hbm>>
          %dma_start3A_106 = tpu.memref_slice %arg4[%mul3A_102] : memref<320000xi32, #tpu.memory_space<hbm>> -> memref<128xi32, #tpu.memory_space<hbm>>
          tpu.enqueue_dma source(%dma_start3A_106 : memref<128xi32, #tpu.memory_space<hbm>>) target(%arg13 : memref<128xi32, #tpu.memory_space<vmem>>) target_semaphore(%run_scoped3A : memref<!tpu.dma_semaphore, #tpu.memory_space<semaphore_mem>>)
          %dma_wait3A = tpu.memref_slice %arg4[%mul3A_102] : memref<320000xi32, #tpu.memory_space<hbm>> -> memref<128xi32, #tpu.memory_space<hbm>>
          %dma_wait3A_107 = tpu.memref_slice %arg4[%mul3A_102] : memref<320000xi32, #tpu.memory_space<hbm>> -> memref<128xi32, #tpu.memory_space<hbm>>
          tpu.wait_dma2 semaphore(%run_scoped3A : memref<!tpu.dma_semaphore, #tpu.memory_space<semaphore_mem>>) src(%dma_wait3A_107 : memref<128xi32, #tpu.memory_space<hbm>>) dst(%arg13 : memref<128xi32, #tpu.memory_space<vmem>>)
          tpu.yield
        }) : () -> ()
        %dma_start3A = arith.constant 0 : i32
        %dma_start3A_103 = arith.constant 0 : i32
        %dma_start3A_104 = tpu.memref_slice %arg2[%dma_start3A, %dma_start3A_103] : memref<10000x128xf32, #tpu.memory_space<hbm>> -> memref<10000x128xf32, #tpu.memory_space<hbm>>
        tpu.enqueue_indirect_dma source(%dma_start3A_104 : memref<10000x128xf32, #tpu.memory_space<hbm>>) target(%arg9 : memref<128x128xf32, #tpu.memory_space<vmem>>) offsets(%arg11 : memref<128xi32, #tpu.memory_space<vmem>>) semaphore(%arg15 : memref<!tpu.dma_semaphore, #tpu.memory_space<semaphore_mem>>)
      } else {
      }
      %mul3A_64 = arith.constant 2 : i32
      %mul3A_65 = arith.muli %mul3A_64, %scan3A_33 : i32
      %add3A_66 = arith.constant 1 : i32
      %add3A_67 = arith.addi %mul3A_65, %add3A_66 : i32
      %mul3A_68 = arith.constant 32 : i32
      %mul3A_69 = arith.muli %add3A_67, %mul3A_68 : i32
      %add3A_70 = arith.addi %add3A, %mul3A_69 : i32
      %add3A_71 = arith.constant 32 : i32
      %add3A_72 = arith.addi %add3A_70, %add3A_71 : i32
      %lt3A_73 = arith.constant 2500 : i32
      %lt3A_74 = arith.cmpi slt, %add3A_70, %lt3A_73 : i32
      %lt3A_75 = arith.constant 2500 : i32
      %lt3A_76 = arith.cmpi slt, %add3A_72, %lt3A_75 : i32
      %convert_element_type3A_77 = arith.extui %lt3A_74 : i1 to i32
      %cond3A_78 = arith.constant 0 : i32
      %cond3A_79 = arith.cmpi ne, %convert_element_type3A_77, %cond3A_78 : i32
      scf.if %cond3A_79 {
        %dma_wait3A = arith.constant 0 : i32
        %dma_wait3A_99 = arith.constant 0 : i32
        %dma_wait3A_100 = tpu.memref_slice %arg2[%dma_wait3A, %dma_wait3A_99] : memref<10000x128xf32, #tpu.memory_space<hbm>> -> memref<10000x128xf32, #tpu.memory_space<hbm>>
        tpu.wait_indirect_dma semaphore(%arg15 : memref<!tpu.dma_semaphore, #tpu.memory_space<semaphore_mem>>) src(%dma_wait3A_100 : memref<10000x128xf32, #tpu.memory_space<hbm>>) dst(%arg9 : memref<128x128xf32, #tpu.memory_space<vmem>>)
      } else {
      }
      %and3A_80 = arith.andi %lt3A_74, %lt3A_76 : i1
      %convert_element_type3A_81 = arith.extui %and3A_80 : i1 to i32
      %cond3A_82 = arith.constant 0 : i32
      %cond3A_83 = arith.cmpi ne, %convert_element_type3A_81, %cond3A_82 : i32
      scf.if %cond3A_83 {
        %dma_start3A = arith.constant 0 : i32
        %dma_start3A_99 = arith.constant 0 : i32
        %dma_start3A_100 = tpu.memref_slice %arg7[%dma_start3A, %dma_start3A_99] : memref<10240x128xf32, #tpu.memory_space<vmem_shared>> -> memref<10240x128xf32, #tpu.memory_space<vmem_shared>>
        tpu.enqueue_indirect_dma source(%arg9 : memref<128x128xf32, #tpu.memory_space<vmem>>) target(%dma_start3A_100 : memref<10240x128xf32, #tpu.memory_space<vmem_shared>>) offsets(%arg13 : memref<128xi32, #tpu.memory_space<vmem>>) semaphore(%arg17 : memref<!tpu.dma_semaphore, #tpu.memory_space<semaphore_mem>>) {add = true}
      } else {
      }
      %not3A_84 = arith.constant true
      %not3A_85 = arith.xori %lt3A_76, %not3A_84 : i1
      %and3A_86 = arith.andi %lt3A_74, %not3A_85 : i1
      %convert_element_type3A_87 = arith.extui %and3A_86 : i1 to i32
      %cond3A_88 = arith.constant 0 : i32
      %cond3A_89 = arith.cmpi ne, %convert_element_type3A_87, %cond3A_88 : i32
      scf.if %cond3A_89 {
        "tpu.region"() ({
          %run_scoped3A = tpu.sem_alloc : memref<!tpu.dma_semaphore, #tpu.memory_space<semaphore_mem>>
          %dma_start3A = arith.constant 0 : i32
          %dma_start3A_99 = arith.constant 0 : i32
          %dma_start3A_100 = tpu.memref_slice %arg7[%dma_start3A, %dma_start3A_99] : memref<10240x128xf32, #tpu.memory_space<vmem_shared>> -> memref<10240x128xf32, #tpu.memory_space<vmem_shared>>
          tpu.enqueue_indirect_dma source(%arg9 : memref<128x128xf32, #tpu.memory_space<vmem>>) target(%dma_start3A_100 : memref<10240x128xf32, #tpu.memory_space<vmem_shared>>) offsets(%arg13 : memref<128xi32, #tpu.memory_space<vmem>>) semaphore(%run_scoped3A : memref<!tpu.dma_semaphore, #tpu.memory_space<semaphore_mem>>) {add = true}
          %dma_wait3A = arith.constant 0 : i32
          %dma_wait3A_101 = arith.constant 0 : i32
          %dma_wait3A_102 = tpu.memref_slice %arg7[%dma_wait3A, %dma_wait3A_101] : memref<10240x128xf32, #tpu.memory_space<vmem_shared>> -> memref<10240x128xf32, #tpu.memory_space<vmem_shared>>
          tpu.wait_indirect_dma semaphore(%run_scoped3A : memref<!tpu.dma_semaphore, #tpu.memory_space<semaphore_mem>>) src(%arg9 : memref<128x128xf32, #tpu.memory_space<vmem>>) dst(%dma_wait3A_102 : memref<10240x128xf32, #tpu.memory_space<vmem_shared>>)
          tpu.yield
        }) : () -> ()
      } else {
      }
      %ge3A_90 = arith.constant 1 : i32
      %ge3A_91 = arith.cmpi sge, %add3A_67, %ge3A_90 : i32
      %and3A_92 = arith.andi %lt3A_74, %ge3A_91 : i1
      %convert_element_type3A_93 = arith.extui %and3A_92 : i1 to i32
      %cond3A_94 = arith.constant 0 : i32
      %cond3A_95 = arith.cmpi ne, %convert_element_type3A_93, %cond3A_94 : i32
      scf.if %cond3A_95 {
        %dma_wait3A = arith.constant 0 : i32
        %dma_wait3A_99 = arith.constant 0 : i32
        %dma_wait3A_100 = tpu.memref_slice %arg7[%dma_wait3A, %dma_wait3A_99] : memref<10240x128xf32, #tpu.memory_space<vmem_shared>> -> memref<10240x128xf32, #tpu.memory_space<vmem_shared>>
        tpu.wait_indirect_dma semaphore(%arg16 : memref<!tpu.dma_semaphore, #tpu.memory_space<semaphore_mem>>) src(%arg8 : memref<128x128xf32, #tpu.memory_space<vmem>>) dst(%dma_wait3A_100 : memref<10240x128xf32, #tpu.memory_space<vmem_shared>>)
      } else {
      }
      %convert_element_type3A_96 = arith.extui %lt3A_76 : i1 to i32
      %cond3A_97 = arith.constant 0 : i32
      %cond3A_98 = arith.cmpi ne, %convert_element_type3A_96, %cond3A_97 : i32
      scf.if %cond3A_98 {
        %mul3A_99 = arith.constant 128 : i32
        %mul3A_100 = arith.muli %add3A_72, %mul3A_99 : i32
        "tpu.region"() ({
          %run_scoped3A = tpu.sem_alloc : memref<!tpu.dma_semaphore, #tpu.memory_space<semaphore_mem>>
          %dma_start3A_105 = tpu.memref_slice %arg3[%mul3A_100] : memref<320000xi32, #tpu.memory_space<hbm>> -> memref<128xi32, #tpu.memory_space<hbm>>
          %dma_start3A_106 = tpu.memref_slice %arg3[%mul3A_100] : memref<320000xi32, #tpu.memory_space<hbm>> -> memref<128xi32, #tpu.memory_space<hbm>>
          tpu.enqueue_dma source(%dma_start3A_106 : memref<128xi32, #tpu.memory_space<hbm>>) target(%arg10 : memref<128xi32, #tpu.memory_space<vmem>>) target_semaphore(%run_scoped3A : memref<!tpu.dma_semaphore, #tpu.memory_space<semaphore_mem>>)
          %dma_wait3A = tpu.memref_slice %arg3[%mul3A_100] : memref<320000xi32, #tpu.memory_space<hbm>> -> memref<128xi32, #tpu.memory_space<hbm>>
          %dma_wait3A_107 = tpu.memref_slice %arg3[%mul3A_100] : memref<320000xi32, #tpu.memory_space<hbm>> -> memref<128xi32, #tpu.memory_space<hbm>>
          tpu.wait_dma2 semaphore(%run_scoped3A : memref<!tpu.dma_semaphore, #tpu.memory_space<semaphore_mem>>) src(%dma_wait3A_107 : memref<128xi32, #tpu.memory_space<hbm>>) dst(%arg10 : memref<128xi32, #tpu.memory_space<vmem>>)
          tpu.yield
        }) : () -> ()
        %mul3A_101 = arith.constant 128 : i32
        %mul3A_102 = arith.muli %add3A_72, %mul3A_101 : i32
        "tpu.region"() ({
          %run_scoped3A = tpu.sem_alloc : memref<!tpu.dma_semaphore, #tpu.memory_space<semaphore_mem>>
          %dma_start3A_105 = tpu.memref_slice %arg4[%mul3A_102] : memref<320000xi32, #tpu.memory_space<hbm>> -> memref<128xi32, #tpu.memory_space<hbm>>
          %dma_start3A_106 = tpu.memref_slice %arg4[%mul3A_102] : memref<320000xi32, #tpu.memory_space<hbm>> -> memref<128xi32, #tpu.memory_space<hbm>>
          tpu.enqueue_dma source(%dma_start3A_106 : memref<128xi32, #tpu.memory_space<hbm>>) target(%arg12 : memref<128xi32, #tpu.memory_space<vmem>>) target_semaphore(%run_scoped3A : memref<!tpu.dma_semaphore, #tpu.memory_space<semaphore_mem>>)
          %dma_wait3A = tpu.memref_slice %arg4[%mul3A_102] : memref<320000xi32, #tpu.memory_space<hbm>> -> memref<128xi32, #tpu.memory_space<hbm>>
          %dma_wait3A_107 = tpu.memref_slice %arg4[%mul3A_102] : memref<320000xi32, #tpu.memory_space<hbm>> -> memref<128xi32, #tpu.memory_space<hbm>>
          tpu.wait_dma2 semaphore(%run_scoped3A : memref<!tpu.dma_semaphore, #tpu.memory_space<semaphore_mem>>) src(%dma_wait3A_107 : memref<128xi32, #tpu.memory_space<hbm>>) dst(%arg12 : memref<128xi32, #tpu.memory_space<vmem>>)
          tpu.yield
        }) : () -> ()
        %dma_start3A = arith.constant 0 : i32
        %dma_start3A_103 = arith.constant 0 : i32
        %dma_start3A_104 = tpu.memref_slice %arg2[%dma_start3A, %dma_start3A_103] : memref<10000x128xf32, #tpu.memory_space<hbm>> -> memref<10000x128xf32, #tpu.memory_space<hbm>>
        tpu.enqueue_indirect_dma source(%dma_start3A_104 : memref<10000x128xf32, #tpu.memory_space<hbm>>) target(%arg8 : memref<128x128xf32, #tpu.memory_space<vmem>>) offsets(%arg10 : memref<128xi32, #tpu.memory_space<vmem>>) semaphore(%arg14 : memref<!tpu.dma_semaphore, #tpu.memory_space<semaphore_mem>>)
      } else {
      }
    }
    %scan3A_27 = arith.constant 40 : i32
    %barrier3A_28 = arith.constant 0 : index
    tpu.barrier barrier_id(%barrier3A_28)
    %mul3A_29 = arith.constant 640 : i32
    %mul3A_30 = arith.muli %arg1, %mul3A_29 : i32
    %mul3A_31 = arith.constant 640 : i32
    %mul3A_32 = arith.muli %arg1, %mul3A_31 : i32
    "tpu.region"() ({
      %run_scoped3A = tpu.sem_alloc : memref<!tpu.dma_semaphore, #tpu.memory_space<semaphore_mem>>
      %dma_start3A = arith.constant 0 : i32
      %dma_start3A_33 = tpu.memref_slice %arg6[%arg0, %mul3A_32, %dma_start3A] : memref<2x10240x128xf32, #tpu.memory_space<hbm>> -> memref<1x640x128xf32, #tpu.memory_space<hbm>>
      %dma_start3A_34 = tpu.memref_squeeze %dma_start3A_33 : memref<1x640x128xf32, #tpu.memory_space<hbm>> -> memref<640x128xf32, #tpu.memory_space<hbm>>
      %dma_start3A_35 = arith.constant 0 : i32
      %dma_start3A_36 = tpu.memref_slice %arg7[%mul3A_30, %dma_start3A_35] : memref<10240x128xf32, #tpu.memory_space<vmem_shared>> -> memref<640x128xf32, #tpu.memory_space<vmem_shared>>
      tpu.enqueue_dma source(%dma_start3A_36 : memref<640x128xf32, #tpu.memory_space<vmem_shared>>) target(%dma_start3A_34 : memref<640x128xf32, #tpu.memory_space<hbm>>) target_semaphore(%run_scoped3A : memref<!tpu.dma_semaphore, #tpu.memory_space<semaphore_mem>>)
      %dma_wait3A = arith.constant 0 : i32
      %dma_wait3A_37 = tpu.memref_slice %arg6[%arg0, %mul3A_32, %dma_wait3A] : memref<2x10240x128xf32, #tpu.memory_space<hbm>> -> memref<1x640x128xf32, #tpu.memory_space<hbm>>
      %dma_wait3A_38 = tpu.memref_squeeze %dma_wait3A_37 : memref<1x640x128xf32, #tpu.memory_space<hbm>> -> memref<640x128xf32, #tpu.memory_space<hbm>>
      %dma_wait3A_39 = arith.constant 0 : i32
      %dma_wait3A_40 = tpu.memref_slice %arg7[%mul3A_30, %dma_wait3A_39] : memref<10240x128xf32, #tpu.memory_space<vmem_shared>> -> memref<640x128xf32, #tpu.memory_space<vmem_shared>>
      tpu.wait_dma2 semaphore(%run_scoped3A : memref<!tpu.dma_semaphore, #tpu.memory_space<semaphore_mem>>) src(%dma_wait3A_40 : memref<640x128xf32, #tpu.memory_space<vmem_shared>>) dst(%dma_wait3A_38 : memref<640x128xf32, #tpu.memory_space<hbm>>)
      tpu.yield
    }) : () -> ()
    return
  }
}

#map = affine_map<(d0, d1) -> (0, 0)>
#map1 = affine_map<(d0, d1) -> (0)>
#map2 = affine_map<(d0, d1) -> (0, 0, 0)>
module attributes {stable_mosaic.version = 14 : i64} {
  func.func @_sc_msg(%arg0: i32, %arg1: i32, %arg2: memref<10000x128xf32, #tpu.memory_space<hbm>>, %arg3: memref<320000xi32, #tpu.memory_space<hbm>>, %arg4: memref<320000xi32, #tpu.memory_space<hbm>>, %arg5: memref<128x128xf32, #tpu.memory_space<hbm>>, %arg6: memref<2x10240x128xf32, #tpu.memory_space<hbm>>, %arg7: memref<10240x128xf32, #tpu.memory_space<vmem_shared>>, %arg8: memref<128x128xf32, #tpu.memory_space<vmem>>, %arg9: memref<128x128xf32, #tpu.memory_space<vmem>>, %arg10: memref<128xi32, #tpu.memory_space<vmem>>, %arg11: memref<128xi32, #tpu.memory_space<vmem>>, %arg12: memref<128xi32, #tpu.memory_space<vmem>>, %arg13: memref<128xi32, #tpu.memory_space<vmem>>, %arg14: memref<!tpu.dma_semaphore, #tpu.memory_space<semaphore_mem>>, %arg15: memref<!tpu.dma_semaphore, #tpu.memory_space<semaphore_mem>>, %arg16: memref<!tpu.dma_semaphore, #tpu.memory_space<semaphore_mem>>, %arg17: memref<!tpu.dma_semaphore, #tpu.memory_space<semaphore_mem>>) attributes {dimension_semantics = [#tpu.dimension_semantics<core_parallel>, #tpu.dimension_semantics<subcore_parallel>], iteration_bounds = array<i64: 2, 16>, scalar_prefetch = 0 : i64, scratch_operands = 11 : i64, tpu.core_type = #tpu.core_type<sc_vector_subcore>, window_params = [{transform_indices = #map}, {transform_indices = #map1}, {transform_indices = #map1}, {transform_indices = #map}, {transform_indices = #map2}]} {
    %mul3A = arith.constant 2 : i32
    %mul3A_0 = arith.muli %arg1, %mul3A : i32
    %add3A = arith.addi %mul3A_0, %arg0 : i32
    "tpu.region"() ({
      %run_scoped3A = tpu.sem_alloc : memref<!tpu.dma_semaphore, #tpu.memory_space<semaphore_mem>>
      tpu.enqueue_dma source(%arg5 : memref<128x128xf32, #tpu.memory_space<hbm>>) target(%arg8 : memref<128x128xf32, #tpu.memory_space<vmem>>) target_semaphore(%run_scoped3A : memref<!tpu.dma_semaphore, #tpu.memory_space<semaphore_mem>>)
      tpu.wait_dma2 semaphore(%run_scoped3A : memref<!tpu.dma_semaphore, #tpu.memory_space<semaphore_mem>>) src(%arg5 : memref<128x128xf32, #tpu.memory_space<hbm>>) dst(%arg8 : memref<128x128xf32, #tpu.memory_space<vmem>>)
      tpu.yield
    }) : () -> ()
    %mul3A_1 = arith.constant 640 : i32
    %mul3A_2 = arith.muli %arg1, %mul3A_1 : i32
    %add3A_3 = arith.constant 0 : i32
    %add3A_4 = arith.addi %mul3A_2, %add3A_3 : i32
    "tpu.region"() ({
      %run_scoped3A = tpu.sem_alloc : memref<!tpu.dma_semaphore, #tpu.memory_space<semaphore_mem>>
      %dma_start3A = arith.constant 0 : i32
      %dma_start3A_33 = tpu.memref_slice %arg7[%add3A_4, %dma_start3A] : memref<10240x128xf32, #tpu.memory_space<vmem_shared>> -> memref<128x128xf32, #tpu.memory_space<vmem_shared>>
      %dma_start3A_34 = arith.constant 0 : i32
      %dma_start3A_35 = tpu.memref_slice %arg7[%add3A_4, %dma_start3A_34] : memref<10240x128xf32, #tpu.memory_space<vmem_shared>> -> memref<128x128xf32, #tpu.memory_space<vmem_shared>>
      tpu.enqueue_dma source(%arg8 : memref<128x128xf32, #tpu.memory_space<vmem>>) target(%dma_start3A_35 : memref<128x128xf32, #tpu.memory_space<vmem_shared>>) target_semaphore(%run_scoped3A : memref<!tpu.dma_semaphore, #tpu.memory_space<semaphore_mem>>)
      %dma_wait3A = arith.constant 0 : i32
      %dma_wait3A_36 = tpu.memref_slice %arg7[%add3A_4, %dma_wait3A] : memref<10240x128xf32, #tpu.memory_space<vmem_shared>> -> memref<128x128xf32, #tpu.memory_space<vmem_shared>>
      %dma_wait3A_37 = arith.constant 0 : i32
      %dma_wait3A_38 = tpu.memref_slice %arg7[%add3A_4, %dma_wait3A_37] : memref<10240x128xf32, #tpu.memory_space<vmem_shared>> -> memref<128x128xf32, #tpu.memory_space<vmem_shared>>
      tpu.wait_dma2 semaphore(%run_scoped3A : memref<!tpu.dma_semaphore, #tpu.memory_space<semaphore_mem>>) src(%arg8 : memref<128x128xf32, #tpu.memory_space<vmem>>) dst(%dma_wait3A_38 : memref<128x128xf32, #tpu.memory_space<vmem_shared>>)
      tpu.yield
    }) : () -> ()
    %mul3A_5 = arith.constant 640 : i32
    %mul3A_6 = arith.muli %arg1, %mul3A_5 : i32
    %add3A_7 = arith.constant 128 : i32
    %add3A_8 = arith.addi %mul3A_6, %add3A_7 : i32
    "tpu.region"() ({
      %run_scoped3A = tpu.sem_alloc : memref<!tpu.dma_semaphore, #tpu.memory_space<semaphore_mem>>
      %dma_start3A = arith.constant 0 : i32
      %dma_start3A_33 = tpu.memref_slice %arg7[%add3A_8, %dma_start3A] : memref<10240x128xf32, #tpu.memory_space<vmem_shared>> -> memref<128x128xf32, #tpu.memory_space<vmem_shared>>
      %dma_start3A_34 = arith.constant 0 : i32
      %dma_start3A_35 = tpu.memref_slice %arg7[%add3A_8, %dma_start3A_34] : memref<10240x128xf32, #tpu.memory_space<vmem_shared>> -> memref<128x128xf32, #tpu.memory_space<vmem_shared>>
      tpu.enqueue_dma source(%arg8 : memref<128x128xf32, #tpu.memory_space<vmem>>) target(%dma_start3A_35 : memref<128x128xf32, #tpu.memory_space<vmem_shared>>) target_semaphore(%run_scoped3A : memref<!tpu.dma_semaphore, #tpu.memory_space<semaphore_mem>>)
      %dma_wait3A = arith.constant 0 : i32
      %dma_wait3A_36 = tpu.memref_slice %arg7[%add3A_8, %dma_wait3A] : memref<10240x128xf32, #tpu.memory_space<vmem_shared>> -> memref<128x128xf32, #tpu.memory_space<vmem_shared>>
      %dma_wait3A_37 = arith.constant 0 : i32
      %dma_wait3A_38 = tpu.memref_slice %arg7[%add3A_8, %dma_wait3A_37] : memref<10240x128xf32, #tpu.memory_space<vmem_shared>> -> memref<128x128xf32, #tpu.memory_space<vmem_shared>>
      tpu.wait_dma2 semaphore(%run_scoped3A : memref<!tpu.dma_semaphore, #tpu.memory_space<semaphore_mem>>) src(%arg8 : memref<128x128xf32, #tpu.memory_space<vmem>>) dst(%dma_wait3A_38 : memref<128x128xf32, #tpu.memory_space<vmem_shared>>)
      tpu.yield
    }) : () -> ()
    %mul3A_9 = arith.constant 640 : i32
    %mul3A_10 = arith.muli %arg1, %mul3A_9 : i32
    %add3A_11 = arith.constant 256 : i32
    %add3A_12 = arith.addi %mul3A_10, %add3A_11 : i32
    "tpu.region"() ({
      %run_scoped3A = tpu.sem_alloc : memref<!tpu.dma_semaphore, #tpu.memory_space<semaphore_mem>>
      %dma_start3A = arith.constant 0 : i32
      %dma_start3A_33 = tpu.memref_slice %arg7[%add3A_12, %dma_start3A] : memref<10240x128xf32, #tpu.memory_space<vmem_shared>> -> memref<128x128xf32, #tpu.memory_space<vmem_shared>>
      %dma_start3A_34 = arith.constant 0 : i32
      %dma_start3A_35 = tpu.memref_slice %arg7[%add3A_12, %dma_start3A_34] : memref<10240x128xf32, #tpu.memory_space<vmem_shared>> -> memref<128x128xf32, #tpu.memory_space<vmem_shared>>
      tpu.enqueue_dma source(%arg8 : memref<128x128xf32, #tpu.memory_space<vmem>>) target(%dma_start3A_35 : memref<128x128xf32, #tpu.memory_space<vmem_shared>>) target_semaphore(%run_scoped3A : memref<!tpu.dma_semaphore, #tpu.memory_space<semaphore_mem>>)
      %dma_wait3A = arith.constant 0 : i32
      %dma_wait3A_36 = tpu.memref_slice %arg7[%add3A_12, %dma_wait3A] : memref<10240x128xf32, #tpu.memory_space<vmem_shared>> -> memref<128x128xf32, #tpu.memory_space<vmem_shared>>
      %dma_wait3A_37 = arith.constant 0 : i32
      %dma_wait3A_38 = tpu.memref_slice %arg7[%add3A_12, %dma_wait3A_37] : memref<10240x128xf32, #tpu.memory_space<vmem_shared>> -> memref<128x128xf32, #tpu.memory_space<vmem_shared>>
      tpu.wait_dma2 semaphore(%run_scoped3A : memref<!tpu.dma_semaphore, #tpu.memory_space<semaphore_mem>>) src(%arg8 : memref<128x128xf32, #tpu.memory_space<vmem>>) dst(%dma_wait3A_38 : memref<128x128xf32, #tpu.memory_space<vmem_shared>>)
      tpu.yield
    }) : () -> ()
    %mul3A_13 = arith.constant 640 : i32
    %mul3A_14 = arith.muli %arg1, %mul3A_13 : i32
    %add3A_15 = arith.constant 384 : i32
    %add3A_16 = arith.addi %mul3A_14, %add3A_15 : i32
    "tpu.region"() ({
      %run_scoped3A = tpu.sem_alloc : memref<!tpu.dma_semaphore, #tpu.memory_space<semaphore_mem>>
      %dma_start3A = arith.constant 0 : i32
      %dma_start3A_33 = tpu.memref_slice %arg7[%add3A_16, %dma_start3A] : memref<10240x128xf32, #tpu.memory_space<vmem_shared>> -> memref<128x128xf32, #tpu.memory_space<vmem_shared>>
      %dma_start3A_34 = arith.constant 0 : i32
      %dma_start3A_35 = tpu.memref_slice %arg7[%add3A_16, %dma_start3A_34] : memref<10240x128xf32, #tpu.memory_space<vmem_shared>> -> memref<128x128xf32, #tpu.memory_space<vmem_shared>>
      tpu.enqueue_dma source(%arg8 : memref<128x128xf32, #tpu.memory_space<vmem>>) target(%dma_start3A_35 : memref<128x128xf32, #tpu.memory_space<vmem_shared>>) target_semaphore(%run_scoped3A : memref<!tpu.dma_semaphore, #tpu.memory_space<semaphore_mem>>)
      %dma_wait3A = arith.constant 0 : i32
      %dma_wait3A_36 = tpu.memref_slice %arg7[%add3A_16, %dma_wait3A] : memref<10240x128xf32, #tpu.memory_space<vmem_shared>> -> memref<128x128xf32, #tpu.memory_space<vmem_shared>>
      %dma_wait3A_37 = arith.constant 0 : i32
      %dma_wait3A_38 = tpu.memref_slice %arg7[%add3A_16, %dma_wait3A_37] : memref<10240x128xf32, #tpu.memory_space<vmem_shared>> -> memref<128x128xf32, #tpu.memory_space<vmem_shared>>
      tpu.wait_dma2 semaphore(%run_scoped3A : memref<!tpu.dma_semaphore, #tpu.memory_space<semaphore_mem>>) src(%arg8 : memref<128x128xf32, #tpu.memory_space<vmem>>) dst(%dma_wait3A_38 : memref<128x128xf32, #tpu.memory_space<vmem_shared>>)
      tpu.yield
    }) : () -> ()
    %mul3A_17 = arith.constant 640 : i32
    %mul3A_18 = arith.muli %arg1, %mul3A_17 : i32
    %add3A_19 = arith.constant 512 : i32
    %add3A_20 = arith.addi %mul3A_18, %add3A_19 : i32
    "tpu.region"() ({
      %run_scoped3A = tpu.sem_alloc : memref<!tpu.dma_semaphore, #tpu.memory_space<semaphore_mem>>
      %dma_start3A = arith.constant 0 : i32
      %dma_start3A_33 = tpu.memref_slice %arg7[%add3A_20, %dma_start3A] : memref<10240x128xf32, #tpu.memory_space<vmem_shared>> -> memref<128x128xf32, #tpu.memory_space<vmem_shared>>
      %dma_start3A_34 = arith.constant 0 : i32
      %dma_start3A_35 = tpu.memref_slice %arg7[%add3A_20, %dma_start3A_34] : memref<10240x128xf32, #tpu.memory_space<vmem_shared>> -> memref<128x128xf32, #tpu.memory_space<vmem_shared>>
      tpu.enqueue_dma source(%arg8 : memref<128x128xf32, #tpu.memory_space<vmem>>) target(%dma_start3A_35 : memref<128x128xf32, #tpu.memory_space<vmem_shared>>) target_semaphore(%run_scoped3A : memref<!tpu.dma_semaphore, #tpu.memory_space<semaphore_mem>>)
      %dma_wait3A = arith.constant 0 : i32
      %dma_wait3A_36 = tpu.memref_slice %arg7[%add3A_20, %dma_wait3A] : memref<10240x128xf32, #tpu.memory_space<vmem_shared>> -> memref<128x128xf32, #tpu.memory_space<vmem_shared>>
      %dma_wait3A_37 = arith.constant 0 : i32
      %dma_wait3A_38 = tpu.memref_slice %arg7[%add3A_20, %dma_wait3A_37] : memref<10240x128xf32, #tpu.memory_space<vmem_shared>> -> memref<128x128xf32, #tpu.memory_space<vmem_shared>>
      tpu.wait_dma2 semaphore(%run_scoped3A : memref<!tpu.dma_semaphore, #tpu.memory_space<semaphore_mem>>) src(%arg8 : memref<128x128xf32, #tpu.memory_space<vmem>>) dst(%dma_wait3A_38 : memref<128x128xf32, #tpu.memory_space<vmem_shared>>)
      tpu.yield
    }) : () -> ()
    %barrier3A = arith.constant 0 : index
    tpu.barrier barrier_id(%barrier3A)
    %lt3A = arith.constant 2500 : i32
    %lt3A_21 = arith.cmpi slt, %add3A, %lt3A : i32
    %convert_element_type3A = arith.extui %lt3A_21 : i1 to i32
    %cond3A = arith.constant 0 : i32
    %cond3A_22 = arith.cmpi ne, %convert_element_type3A, %cond3A : i32
    scf.if %cond3A_22 {
      %mul3A_33 = arith.constant 128 : i32
      %mul3A_34 = arith.muli %add3A, %mul3A_33 : i32
      "tpu.region"() ({
        %run_scoped3A = tpu.sem_alloc : memref<!tpu.dma_semaphore, #tpu.memory_space<semaphore_mem>>
        %dma_start3A_39 = tpu.memref_slice %arg3[%mul3A_34] : memref<320000xi32, #tpu.memory_space<hbm>> -> memref<128xi32, #tpu.memory_space<hbm>>
        %dma_start3A_40 = tpu.memref_slice %arg3[%mul3A_34] : memref<320000xi32, #tpu.memory_space<hbm>> -> memref<128xi32, #tpu.memory_space<hbm>>
        tpu.enqueue_dma source(%dma_start3A_40 : memref<128xi32, #tpu.memory_space<hbm>>) target(%arg10 : memref<128xi32, #tpu.memory_space<vmem>>) target_semaphore(%run_scoped3A : memref<!tpu.dma_semaphore, #tpu.memory_space<semaphore_mem>>)
        %dma_wait3A = tpu.memref_slice %arg3[%mul3A_34] : memref<320000xi32, #tpu.memory_space<hbm>> -> memref<128xi32, #tpu.memory_space<hbm>>
        %dma_wait3A_41 = tpu.memref_slice %arg3[%mul3A_34] : memref<320000xi32, #tpu.memory_space<hbm>> -> memref<128xi32, #tpu.memory_space<hbm>>
        tpu.wait_dma2 semaphore(%run_scoped3A : memref<!tpu.dma_semaphore, #tpu.memory_space<semaphore_mem>>) src(%dma_wait3A_41 : memref<128xi32, #tpu.memory_space<hbm>>) dst(%arg10 : memref<128xi32, #tpu.memory_space<vmem>>)
        tpu.yield
      }) : () -> ()
      %mul3A_35 = arith.constant 128 : i32
      %mul3A_36 = arith.muli %add3A, %mul3A_35 : i32
      "tpu.region"() ({
        %run_scoped3A = tpu.sem_alloc : memref<!tpu.dma_semaphore, #tpu.memory_space<semaphore_mem>>
        %dma_start3A_39 = tpu.memref_slice %arg4[%mul3A_36] : memref<320000xi32, #tpu.memory_space<hbm>> -> memref<128xi32, #tpu.memory_space<hbm>>
        %dma_start3A_40 = tpu.memref_slice %arg4[%mul3A_36] : memref<320000xi32, #tpu.memory_space<hbm>> -> memref<128xi32, #tpu.memory_space<hbm>>
        tpu.enqueue_dma source(%dma_start3A_40 : memref<128xi32, #tpu.memory_space<hbm>>) target(%arg12 : memref<128xi32, #tpu.memory_space<vmem>>) target_semaphore(%run_scoped3A : memref<!tpu.dma_semaphore, #tpu.memory_space<semaphore_mem>>)
        %dma_wait3A = tpu.memref_slice %arg4[%mul3A_36] : memref<320000xi32, #tpu.memory_space<hbm>> -> memref<128xi32, #tpu.memory_space<hbm>>
        %dma_wait3A_41 = tpu.memref_slice %arg4[%mul3A_36] : memref<320000xi32, #tpu.memory_space<hbm>> -> memref<128xi32, #tpu.memory_space<hbm>>
        tpu.wait_dma2 semaphore(%run_scoped3A : memref<!tpu.dma_semaphore, #tpu.memory_space<semaphore_mem>>) src(%dma_wait3A_41 : memref<128xi32, #tpu.memory_space<hbm>>) dst(%arg12 : memref<128xi32, #tpu.memory_space<vmem>>)
        tpu.yield
      }) : () -> ()
      %dma_start3A = arith.constant 0 : i32
      %dma_start3A_37 = arith.constant 0 : i32
      %dma_start3A_38 = tpu.memref_slice %arg2[%dma_start3A, %dma_start3A_37] : memref<10000x128xf32, #tpu.memory_space<hbm>> -> memref<10000x128xf32, #tpu.memory_space<hbm>>
      tpu.enqueue_indirect_dma source(%dma_start3A_38 : memref<10000x128xf32, #tpu.memory_space<hbm>>) target(%arg8 : memref<128x128xf32, #tpu.memory_space<vmem>>) offsets(%arg10 : memref<128xi32, #tpu.memory_space<vmem>>) semaphore(%arg14 : memref<!tpu.dma_semaphore, #tpu.memory_space<semaphore_mem>>)
    } else {
    }
    %scan3A = arith.constant 0 : i32
    %scan3A_23 = arith.constant 0 : i32
    %scan3A_24 = arith.constant 40 : i32
    %scan3A_25 = arith.addi %scan3A_23, %scan3A_24 : i32
    %scan3A_26 = arith.constant 1 : i32
    scf.for %scan3A_33 = %scan3A_23 to %scan3A_25 step %scan3A_26  : i32 {
      %mul3A_34 = arith.constant 2 : i32
      %mul3A_35 = arith.muli %mul3A_34, %scan3A_33 : i32
      %mul3A_36 = arith.constant 32 : i32
      %mul3A_37 = arith.muli %mul3A_35, %mul3A_36 : i32
      %add3A_38 = arith.addi %add3A, %mul3A_37 : i32
      %add3A_39 = arith.constant 32 : i32
      %add3A_40 = arith.addi %add3A_38, %add3A_39 : i32
      %lt3A_41 = arith.constant 2500 : i32
      %lt3A_42 = arith.cmpi slt, %add3A_38, %lt3A_41 : i32
      %lt3A_43 = arith.constant 2500 : i32
      %lt3A_44 = arith.cmpi slt, %add3A_40, %lt3A_43 : i32
      %convert_element_type3A_45 = arith.extui %lt3A_42 : i1 to i32
      %cond3A_46 = arith.constant 0 : i32
      %cond3A_47 = arith.cmpi ne, %convert_element_type3A_45, %cond3A_46 : i32
      scf.if %cond3A_47 {
        %dma_wait3A = arith.constant 0 : i32
        %dma_wait3A_99 = arith.constant 0 : i32
        %dma_wait3A_100 = tpu.memref_slice %arg2[%dma_wait3A, %dma_wait3A_99] : memref<10000x128xf32, #tpu.memory_space<hbm>> -> memref<10000x128xf32, #tpu.memory_space<hbm>>
        tpu.wait_indirect_dma semaphore(%arg14 : memref<!tpu.dma_semaphore, #tpu.memory_space<semaphore_mem>>) src(%dma_wait3A_100 : memref<10000x128xf32, #tpu.memory_space<hbm>>) dst(%arg8 : memref<128x128xf32, #tpu.memory_space<vmem>>)
      } else {
      }
      %and3A = arith.andi %lt3A_42, %lt3A_44 : i1
      %convert_element_type3A_48 = arith.extui %and3A : i1 to i32
      %cond3A_49 = arith.constant 0 : i32
      %cond3A_50 = arith.cmpi ne, %convert_element_type3A_48, %cond3A_49 : i32
      scf.if %cond3A_50 {
        %dma_start3A = arith.constant 0 : i32
        %dma_start3A_99 = arith.constant 0 : i32
        %dma_start3A_100 = tpu.memref_slice %arg7[%dma_start3A, %dma_start3A_99] : memref<10240x128xf32, #tpu.memory_space<vmem_shared>> -> memref<10240x128xf32, #tpu.memory_space<vmem_shared>>
        tpu.enqueue_indirect_dma source(%arg8 : memref<128x128xf32, #tpu.memory_space<vmem>>) target(%dma_start3A_100 : memref<10240x128xf32, #tpu.memory_space<vmem_shared>>) offsets(%arg12 : memref<128xi32, #tpu.memory_space<vmem>>) semaphore(%arg16 : memref<!tpu.dma_semaphore, #tpu.memory_space<semaphore_mem>>) {add = true}
      } else {
      }
      %not3A = arith.constant true
      %not3A_51 = arith.xori %lt3A_44, %not3A : i1
      %and3A_52 = arith.andi %lt3A_42, %not3A_51 : i1
      %convert_element_type3A_53 = arith.extui %and3A_52 : i1 to i32
      %cond3A_54 = arith.constant 0 : i32
      %cond3A_55 = arith.cmpi ne, %convert_element_type3A_53, %cond3A_54 : i32
      scf.if %cond3A_55 {
        "tpu.region"() ({
          %run_scoped3A = tpu.sem_alloc : memref<!tpu.dma_semaphore, #tpu.memory_space<semaphore_mem>>
          %dma_start3A = arith.constant 0 : i32
          %dma_start3A_99 = arith.constant 0 : i32
          %dma_start3A_100 = tpu.memref_slice %arg7[%dma_start3A, %dma_start3A_99] : memref<10240x128xf32, #tpu.memory_space<vmem_shared>> -> memref<10240x128xf32, #tpu.memory_space<vmem_shared>>
          tpu.enqueue_indirect_dma source(%arg8 : memref<128x128xf32, #tpu.memory_space<vmem>>) target(%dma_start3A_100 : memref<10240x128xf32, #tpu.memory_space<vmem_shared>>) offsets(%arg12 : memref<128xi32, #tpu.memory_space<vmem>>) semaphore(%run_scoped3A : memref<!tpu.dma_semaphore, #tpu.memory_space<semaphore_mem>>) {add = true}
          %dma_wait3A = arith.constant 0 : i32
          %dma_wait3A_101 = arith.constant 0 : i32
          %dma_wait3A_102 = tpu.memref_slice %arg7[%dma_wait3A, %dma_wait3A_101] : memref<10240x128xf32, #tpu.memory_space<vmem_shared>> -> memref<10240x128xf32, #tpu.memory_space<vmem_shared>>
          tpu.wait_indirect_dma semaphore(%run_scoped3A : memref<!tpu.dma_semaphore, #tpu.memory_space<semaphore_mem>>) src(%arg8 : memref<128x128xf32, #tpu.memory_space<vmem>>) dst(%dma_wait3A_102 : memref<10240x128xf32, #tpu.memory_space<vmem_shared>>)
          tpu.yield
        }) : () -> ()
      } else {
      }
      %ge3A = arith.constant 1 : i32
      %ge3A_56 = arith.cmpi sge, %mul3A_35, %ge3A : i32
      %and3A_57 = arith.andi %lt3A_42, %ge3A_56 : i1
      %convert_element_type3A_58 = arith.extui %and3A_57 : i1 to i32
      %cond3A_59 = arith.constant 0 : i32
      %cond3A_60 = arith.cmpi ne, %convert_element_type3A_58, %cond3A_59 : i32
      scf.if %cond3A_60 {
        %dma_wait3A = arith.constant 0 : i32
        %dma_wait3A_99 = arith.constant 0 : i32
        %dma_wait3A_100 = tpu.memref_slice %arg7[%dma_wait3A, %dma_wait3A_99] : memref<10240x128xf32, #tpu.memory_space<vmem_shared>> -> memref<10240x128xf32, #tpu.memory_space<vmem_shared>>
        tpu.wait_indirect_dma semaphore(%arg17 : memref<!tpu.dma_semaphore, #tpu.memory_space<semaphore_mem>>) src(%arg9 : memref<128x128xf32, #tpu.memory_space<vmem>>) dst(%dma_wait3A_100 : memref<10240x128xf32, #tpu.memory_space<vmem_shared>>)
      } else {
      }
      %convert_element_type3A_61 = arith.extui %lt3A_44 : i1 to i32
      %cond3A_62 = arith.constant 0 : i32
      %cond3A_63 = arith.cmpi ne, %convert_element_type3A_61, %cond3A_62 : i32
      scf.if %cond3A_63 {
        %mul3A_99 = arith.constant 128 : i32
        %mul3A_100 = arith.muli %add3A_40, %mul3A_99 : i32
        "tpu.region"() ({
          %run_scoped3A = tpu.sem_alloc : memref<!tpu.dma_semaphore, #tpu.memory_space<semaphore_mem>>
          %dma_start3A_105 = tpu.memref_slice %arg3[%mul3A_100] : memref<320000xi32, #tpu.memory_space<hbm>> -> memref<128xi32, #tpu.memory_space<hbm>>
          %dma_start3A_106 = tpu.memref_slice %arg3[%mul3A_100] : memref<320000xi32, #tpu.memory_space<hbm>> -> memref<128xi32, #tpu.memory_space<hbm>>
          tpu.enqueue_dma source(%dma_start3A_106 : memref<128xi32, #tpu.memory_space<hbm>>) target(%arg11 : memref<128xi32, #tpu.memory_space<vmem>>) target_semaphore(%run_scoped3A : memref<!tpu.dma_semaphore, #tpu.memory_space<semaphore_mem>>)
          %dma_wait3A = tpu.memref_slice %arg3[%mul3A_100] : memref<320000xi32, #tpu.memory_space<hbm>> -> memref<128xi32, #tpu.memory_space<hbm>>
          %dma_wait3A_107 = tpu.memref_slice %arg3[%mul3A_100] : memref<320000xi32, #tpu.memory_space<hbm>> -> memref<128xi32, #tpu.memory_space<hbm>>
          tpu.wait_dma2 semaphore(%run_scoped3A : memref<!tpu.dma_semaphore, #tpu.memory_space<semaphore_mem>>) src(%dma_wait3A_107 : memref<128xi32, #tpu.memory_space<hbm>>) dst(%arg11 : memref<128xi32, #tpu.memory_space<vmem>>)
          tpu.yield
        }) : () -> ()
        %mul3A_101 = arith.constant 128 : i32
        %mul3A_102 = arith.muli %add3A_40, %mul3A_101 : i32
        "tpu.region"() ({
          %run_scoped3A = tpu.sem_alloc : memref<!tpu.dma_semaphore, #tpu.memory_space<semaphore_mem>>
          %dma_start3A_105 = tpu.memref_slice %arg4[%mul3A_102] : memref<320000xi32, #tpu.memory_space<hbm>> -> memref<128xi32, #tpu.memory_space<hbm>>
          %dma_start3A_106 = tpu.memref_slice %arg4[%mul3A_102] : memref<320000xi32, #tpu.memory_space<hbm>> -> memref<128xi32, #tpu.memory_space<hbm>>
          tpu.enqueue_dma source(%dma_start3A_106 : memref<128xi32, #tpu.memory_space<hbm>>) target(%arg13 : memref<128xi32, #tpu.memory_space<vmem>>) target_semaphore(%run_scoped3A : memref<!tpu.dma_semaphore, #tpu.memory_space<semaphore_mem>>)
          %dma_wait3A = tpu.memref_slice %arg4[%mul3A_102] : memref<320000xi32, #tpu.memory_space<hbm>> -> memref<128xi32, #tpu.memory_space<hbm>>
          %dma_wait3A_107 = tpu.memref_slice %arg4[%mul3A_102] : memref<320000xi32, #tpu.memory_space<hbm>> -> memref<128xi32, #tpu.memory_space<hbm>>
          tpu.wait_dma2 semaphore(%run_scoped3A : memref<!tpu.dma_semaphore, #tpu.memory_space<semaphore_mem>>) src(%dma_wait3A_107 : memref<128xi32, #tpu.memory_space<hbm>>) dst(%arg13 : memref<128xi32, #tpu.memory_space<vmem>>)
          tpu.yield
        }) : () -> ()
        %dma_start3A = arith.constant 0 : i32
        %dma_start3A_103 = arith.constant 0 : i32
        %dma_start3A_104 = tpu.memref_slice %arg2[%dma_start3A, %dma_start3A_103] : memref<10000x128xf32, #tpu.memory_space<hbm>> -> memref<10000x128xf32, #tpu.memory_space<hbm>>
        tpu.enqueue_indirect_dma source(%dma_start3A_104 : memref<10000x128xf32, #tpu.memory_space<hbm>>) target(%arg9 : memref<128x128xf32, #tpu.memory_space<vmem>>) offsets(%arg11 : memref<128xi32, #tpu.memory_space<vmem>>) semaphore(%arg15 : memref<!tpu.dma_semaphore, #tpu.memory_space<semaphore_mem>>)
      } else {
      }
      %mul3A_64 = arith.constant 2 : i32
      %mul3A_65 = arith.muli %mul3A_64, %scan3A_33 : i32
      %add3A_66 = arith.constant 1 : i32
      %add3A_67 = arith.addi %mul3A_65, %add3A_66 : i32
      %mul3A_68 = arith.constant 32 : i32
      %mul3A_69 = arith.muli %add3A_67, %mul3A_68 : i32
      %add3A_70 = arith.addi %add3A, %mul3A_69 : i32
      %add3A_71 = arith.constant 32 : i32
      %add3A_72 = arith.addi %add3A_70, %add3A_71 : i32
      %lt3A_73 = arith.constant 2500 : i32
      %lt3A_74 = arith.cmpi slt, %add3A_70, %lt3A_73 : i32
      %lt3A_75 = arith.constant 2500 : i32
      %lt3A_76 = arith.cmpi slt, %add3A_72, %lt3A_75 : i32
      %convert_element_type3A_77 = arith.extui %lt3A_74 : i1 to i32
      %cond3A_78 = arith.constant 0 : i32
      %cond3A_79 = arith.cmpi ne, %convert_element_type3A_77, %cond3A_78 : i32
      scf.if %cond3A_79 {
        %dma_wait3A = arith.constant 0 : i32
        %dma_wait3A_99 = arith.constant 0 : i32
        %dma_wait3A_100 = tpu.memref_slice %arg2[%dma_wait3A, %dma_wait3A_99] : memref<10000x128xf32, #tpu.memory_space<hbm>> -> memref<10000x128xf32, #tpu.memory_space<hbm>>
        tpu.wait_indirect_dma semaphore(%arg15 : memref<!tpu.dma_semaphore, #tpu.memory_space<semaphore_mem>>) src(%dma_wait3A_100 : memref<10000x128xf32, #tpu.memory_space<hbm>>) dst(%arg9 : memref<128x128xf32, #tpu.memory_space<vmem>>)
      } else {
      }
      %and3A_80 = arith.andi %lt3A_74, %lt3A_76 : i1
      %convert_element_type3A_81 = arith.extui %and3A_80 : i1 to i32
      %cond3A_82 = arith.constant 0 : i32
      %cond3A_83 = arith.cmpi ne, %convert_element_type3A_81, %cond3A_82 : i32
      scf.if %cond3A_83 {
        %dma_start3A = arith.constant 0 : i32
        %dma_start3A_99 = arith.constant 0 : i32
        %dma_start3A_100 = tpu.memref_slice %arg7[%dma_start3A, %dma_start3A_99] : memref<10240x128xf32, #tpu.memory_space<vmem_shared>> -> memref<10240x128xf32, #tpu.memory_space<vmem_shared>>
        tpu.enqueue_indirect_dma source(%arg9 : memref<128x128xf32, #tpu.memory_space<vmem>>) target(%dma_start3A_100 : memref<10240x128xf32, #tpu.memory_space<vmem_shared>>) offsets(%arg13 : memref<128xi32, #tpu.memory_space<vmem>>) semaphore(%arg17 : memref<!tpu.dma_semaphore, #tpu.memory_space<semaphore_mem>>) {add = true}
      } else {
      }
      %not3A_84 = arith.constant true
      %not3A_85 = arith.xori %lt3A_76, %not3A_84 : i1
      %and3A_86 = arith.andi %lt3A_74, %not3A_85 : i1
      %convert_element_type3A_87 = arith.extui %and3A_86 : i1 to i32
      %cond3A_88 = arith.constant 0 : i32
      %cond3A_89 = arith.cmpi ne, %convert_element_type3A_87, %cond3A_88 : i32
      scf.if %cond3A_89 {
        "tpu.region"() ({
          %run_scoped3A = tpu.sem_alloc : memref<!tpu.dma_semaphore, #tpu.memory_space<semaphore_mem>>
          %dma_start3A = arith.constant 0 : i32
          %dma_start3A_99 = arith.constant 0 : i32
          %dma_start3A_100 = tpu.memref_slice %arg7[%dma_start3A, %dma_start3A_99] : memref<10240x128xf32, #tpu.memory_space<vmem_shared>> -> memref<10240x128xf32, #tpu.memory_space<vmem_shared>>
          tpu.enqueue_indirect_dma source(%arg9 : memref<128x128xf32, #tpu.memory_space<vmem>>) target(%dma_start3A_100 : memref<10240x128xf32, #tpu.memory_space<vmem_shared>>) offsets(%arg13 : memref<128xi32, #tpu.memory_space<vmem>>) semaphore(%run_scoped3A : memref<!tpu.dma_semaphore, #tpu.memory_space<semaphore_mem>>) {add = true}
          %dma_wait3A = arith.constant 0 : i32
          %dma_wait3A_101 = arith.constant 0 : i32
          %dma_wait3A_102 = tpu.memref_slice %arg7[%dma_wait3A, %dma_wait3A_101] : memref<10240x128xf32, #tpu.memory_space<vmem_shared>> -> memref<10240x128xf32, #tpu.memory_space<vmem_shared>>
          tpu.wait_indirect_dma semaphore(%run_scoped3A : memref<!tpu.dma_semaphore, #tpu.memory_space<semaphore_mem>>) src(%arg9 : memref<128x128xf32, #tpu.memory_space<vmem>>) dst(%dma_wait3A_102 : memref<10240x128xf32, #tpu.memory_space<vmem_shared>>)
          tpu.yield
        }) : () -> ()
      } else {
      }
      %ge3A_90 = arith.constant 1 : i32
      %ge3A_91 = arith.cmpi sge, %add3A_67, %ge3A_90 : i32
      %and3A_92 = arith.andi %lt3A_74, %ge3A_91 : i1
      %convert_element_type3A_93 = arith.extui %and3A_92 : i1 to i32
      %cond3A_94 = arith.constant 0 : i32
      %cond3A_95 = arith.cmpi ne, %convert_element_type3A_93, %cond3A_94 : i32
      scf.if %cond3A_95 {
        %dma_wait3A = arith.constant 0 : i32
        %dma_wait3A_99 = arith.constant 0 : i32
        %dma_wait3A_100 = tpu.memref_slice %arg7[%dma_wait3A, %dma_wait3A_99] : memref<10240x128xf32, #tpu.memory_space<vmem_shared>> -> memref<10240x128xf32, #tpu.memory_space<vmem_shared>>
        tpu.wait_indirect_dma semaphore(%arg16 : memref<!tpu.dma_semaphore, #tpu.memory_space<semaphore_mem>>) src(%arg8 : memref<128x128xf32, #tpu.memory_space<vmem>>) dst(%dma_wait3A_100 : memref<10240x128xf32, #tpu.memory_space<vmem_shared>>)
      } else {
      }
      %convert_element_type3A_96 = arith.extui %lt3A_76 : i1 to i32
      %cond3A_97 = arith.constant 0 : i32
      %cond3A_98 = arith.cmpi ne, %convert_element_type3A_96, %cond3A_97 : i32
      scf.if %cond3A_98 {
        %mul3A_99 = arith.constant 128 : i32
        %mul3A_100 = arith.muli %add3A_72, %mul3A_99 : i32
        "tpu.region"() ({
          %run_scoped3A = tpu.sem_alloc : memref<!tpu.dma_semaphore, #tpu.memory_space<semaphore_mem>>
          %dma_start3A_105 = tpu.memref_slice %arg3[%mul3A_100] : memref<320000xi32, #tpu.memory_space<hbm>> -> memref<128xi32, #tpu.memory_space<hbm>>
          %dma_start3A_106 = tpu.memref_slice %arg3[%mul3A_100] : memref<320000xi32, #tpu.memory_space<hbm>> -> memref<128xi32, #tpu.memory_space<hbm>>
          tpu.enqueue_dma source(%dma_start3A_106 : memref<128xi32, #tpu.memory_space<hbm>>) target(%arg10 : memref<128xi32, #tpu.memory_space<vmem>>) target_semaphore(%run_scoped3A : memref<!tpu.dma_semaphore, #tpu.memory_space<semaphore_mem>>)
          %dma_wait3A = tpu.memref_slice %arg3[%mul3A_100] : memref<320000xi32, #tpu.memory_space<hbm>> -> memref<128xi32, #tpu.memory_space<hbm>>
          %dma_wait3A_107 = tpu.memref_slice %arg3[%mul3A_100] : memref<320000xi32, #tpu.memory_space<hbm>> -> memref<128xi32, #tpu.memory_space<hbm>>
          tpu.wait_dma2 semaphore(%run_scoped3A : memref<!tpu.dma_semaphore, #tpu.memory_space<semaphore_mem>>) src(%dma_wait3A_107 : memref<128xi32, #tpu.memory_space<hbm>>) dst(%arg10 : memref<128xi32, #tpu.memory_space<vmem>>)
          tpu.yield
        }) : () -> ()
        %mul3A_101 = arith.constant 128 : i32
        %mul3A_102 = arith.muli %add3A_72, %mul3A_101 : i32
        "tpu.region"() ({
          %run_scoped3A = tpu.sem_alloc : memref<!tpu.dma_semaphore, #tpu.memory_space<semaphore_mem>>
          %dma_start3A_105 = tpu.memref_slice %arg4[%mul3A_102] : memref<320000xi32, #tpu.memory_space<hbm>> -> memref<128xi32, #tpu.memory_space<hbm>>
          %dma_start3A_106 = tpu.memref_slice %arg4[%mul3A_102] : memref<320000xi32, #tpu.memory_space<hbm>> -> memref<128xi32, #tpu.memory_space<hbm>>
          tpu.enqueue_dma source(%dma_start3A_106 : memref<128xi32, #tpu.memory_space<hbm>>) target(%arg12 : memref<128xi32, #tpu.memory_space<vmem>>) target_semaphore(%run_scoped3A : memref<!tpu.dma_semaphore, #tpu.memory_space<semaphore_mem>>)
          %dma_wait3A = tpu.memref_slice %arg4[%mul3A_102] : memref<320000xi32, #tpu.memory_space<hbm>> -> memref<128xi32, #tpu.memory_space<hbm>>
          %dma_wait3A_107 = tpu.memref_slice %arg4[%mul3A_102] : memref<320000xi32, #tpu.memory_space<hbm>> -> memref<128xi32, #tpu.memory_space<hbm>>
          tpu.wait_dma2 semaphore(%run_scoped3A : memref<!tpu.dma_semaphore, #tpu.memory_space<semaphore_mem>>) src(%dma_wait3A_107 : memref<128xi32, #tpu.memory_space<hbm>>) dst(%arg12 : memref<128xi32, #tpu.memory_space<vmem>>)
          tpu.yield
        }) : () -> ()
        %dma_start3A = arith.constant 0 : i32
        %dma_start3A_103 = arith.constant 0 : i32
        %dma_start3A_104 = tpu.memref_slice %arg2[%dma_start3A, %dma_start3A_103] : memref<10000x128xf32, #tpu.memory_space<hbm>> -> memref<10000x128xf32, #tpu.memory_space<hbm>>
        tpu.enqueue_indirect_dma source(%dma_start3A_104 : memref<10000x128xf32, #tpu.memory_space<hbm>>) target(%arg8 : memref<128x128xf32, #tpu.memory_space<vmem>>) offsets(%arg10 : memref<128xi32, #tpu.memory_space<vmem>>) semaphore(%arg14 : memref<!tpu.dma_semaphore, #tpu.memory_space<semaphore_mem>>)
      } else {
      }
    }
    %scan3A_27 = arith.constant 40 : i32
    %barrier3A_28 = arith.constant 0 : index
    tpu.barrier barrier_id(%barrier3A_28)
    %mul3A_29 = arith.constant 640 : i32
    %mul3A_30 = arith.muli %arg1, %mul3A_29 : i32
    %mul3A_31 = arith.constant 640 : i32
    %mul3A_32 = arith.muli %arg1, %mul3A_31 : i32
    "tpu.region"() ({
      %run_scoped3A = tpu.sem_alloc : memref<!tpu.dma_semaphore, #tpu.memory_space<semaphore_mem>>
      %dma_start3A = arith.constant 0 : i32
      %dma_start3A_33 = tpu.memref_slice %arg6[%arg0, %mul3A_32, %dma_start3A] : memref<2x10240x128xf32, #tpu.memory_space<hbm>> -> memref<1x640x128xf32, #tpu.memory_space<hbm>>
      %dma_start3A_34 = tpu.memref_squeeze %dma_start3A_33 : memref<1x640x128xf32, #tpu.memory_space<hbm>> -> memref<640x128xf32, #tpu.memory_space<hbm>>
      %dma_start3A_35 = arith.constant 0 : i32
      %dma_start3A_36 = tpu.memref_slice %arg7[%mul3A_30, %dma_start3A_35] : memref<10240x128xf32, #tpu.memory_space<vmem_shared>> -> memref<640x128xf32, #tpu.memory_space<vmem_shared>>
      tpu.enqueue_dma source(%dma_start3A_36 : memref<640x128xf32, #tpu.memory_space<vmem_shared>>) target(%dma_start3A_34 : memref<640x128xf32, #tpu.memory_space<hbm>>) target_semaphore(%run_scoped3A : memref<!tpu.dma_semaphore, #tpu.memory_space<semaphore_mem>>)
      %dma_wait3A = arith.constant 0 : i32
      %dma_wait3A_37 = tpu.memref_slice %arg6[%arg0, %mul3A_32, %dma_wait3A] : memref<2x10240x128xf32, #tpu.memory_space<hbm>> -> memref<1x640x128xf32, #tpu.memory_space<hbm>>
      %dma_wait3A_38 = tpu.memref_squeeze %dma_wait3A_37 : memref<1x640x128xf32, #tpu.memory_space<hbm>> -> memref<640x128xf32, #tpu.memory_space<hbm>>
      %dma_wait3A_39 = arith.constant 0 : i32
      %dma_wait3A_40 = tpu.memref_slice %arg7[%mul3A_30, %dma_wait3A_39] : memref<10240x128xf32, #tpu.memory_space<vmem_shared>> -> memref<640x128xf32, #tpu.memory_space<vmem_shared>>
      tpu.wait_dma2 semaphore(%run_scoped3A : memref<!tpu.dma_semaphore, #tpu.memory_space<semaphore_mem>>) src(%dma_wait3A_40 : memref<640x128xf32, #tpu.memory_space<vmem_shared>>) dst(%dma_wait3A_38 : memref<640x128xf32, #tpu.memory_space<hbm>>)
      tpu.yield
    }) : () -> ()
    return
  }
}

module attributes {stable_mosaic.version = 14 : i64} {
  func.func @_mm_scale_body(%arg0: i32, %arg1: memref<1000x128xf32, #tpu.memory_space<vmem>>, %arg2: memref<128x128xf32, #tpu.memory_space<vmem>>, %arg3: memref<1000x1xf32, #tpu.memory_space<vmem>>, %arg4: memref<1000x128xf32, #tpu.memory_space<vmem>>) attributes {dimension_semantics = [#tpu.dimension_semantics<arbitrary>], iteration_bounds = array<i64: 10>, scalar_prefetch = 0 : i64, scratch_operands = 0 : i64, tpu.core_type = #tpu.core_type<tc>, window_params = [{transform_indices = @transform_0, window_bounds = array<i64: 1000, 128>}, {pipeline_mode = #tpu.pipeline_mode<synchronous>, transform_indices = @transform_1, window_bounds = array<i64: 128, 128>}, {transform_indices = @transform_2, window_bounds = array<i64: 1000, 1>}, {transform_indices = @transform_3, window_bounds = array<i64: 1000, 128>}]} {
    %get3A = arith.constant 0 : index
    %get3A_0 = arith.constant 0 : index
    %get3A_1 = vector.load %arg1[%get3A, %get3A_0] : memref<1000x128xf32, #tpu.memory_space<vmem>>, vector<1000x128xf32>
    %get3A_2 = arith.constant 0 : index
    %get3A_3 = arith.constant 0 : index
    %get3A_4 = vector.load %arg2[%get3A_2, %get3A_3] : memref<128x128xf32, #tpu.memory_space<vmem>>, vector<128x128xf32>
    %dot_general3A = arith.constant dense<0.000000e+00> : vector<1000x128xf32>
    %dot_general3A_5 = tpu.matmul %get3A_1, %get3A_4, %dot_general3A {dimension_numbers = #tpu.dot_dimension_numbers<[1], [0], [0], [1], [0, 0, 1, 1], [], []>, transpose_lhs_hint = false} : vector<1000x128xf32>, vector<128x128xf32>, vector<1000x128xf32> -> vector<1000x128xf32>
    %get3A_6 = arith.constant 0 : index
    %get3A_7 = arith.constant 0 : index
    %get3A_8 = vector.load %arg3[%get3A_6, %get3A_7] : memref<1000x1xf32, #tpu.memory_space<vmem>>, vector<1000x1xf32>
    %mul3A = vector.broadcast %get3A_8 : vector<1000x1xf32> to vector<1000x128xf32>
    %mul3A_9 = arith.mulf %dot_general3A_5, %mul3A : vector<1000x128xf32>
    %swap3A = arith.constant 0 : index
    %swap3A_10 = arith.constant 0 : index
    %swap3A_11 = vector.load %arg4[%swap3A, %swap3A_10] : memref<1000x128xf32, #tpu.memory_space<vmem>>, vector<1000x128xf32>
    tpu.vector_store %arg4[%swap3A, %swap3A_10], %mul3A_9 {strides = array<i32>} : memref<1000x128xf32, #tpu.memory_space<vmem>>, vector<1000x128xf32>,
    return
  }
  func.func @transform_0(%arg0: i32) -> (i32, i32) {
    %c0_i32 = arith.constant 0 : i32
    %c0_i32_0 = arith.constant 0 : i32
    return %arg0, %c0_i32 : i32, i32
  }
  func.func @transform_1(%arg0: i32) -> (i32, i32) {
    %c0_i32 = arith.constant 0 : i32
    %c0_i32_0 = arith.constant 0 : i32
    %c0_i32_1 = arith.constant 0 : i32
    return %c0_i32, %c0_i32_0 : i32, i32
  }
  func.func @transform_2(%arg0: i32) -> (i32, i32) {
    %c0_i32 = arith.constant 0 : i32
    %c0_i32_0 = arith.constant 0 : i32
    return %arg0, %c0_i32 : i32, i32
  }
  func.func @transform_3(%arg0: i32) -> (i32, i32) {
    %c0_i32 = arith.constant 0 : i32
    %c0_i32_0 = arith.constant 0 : i32
    return %arg0, %c0_i32 : i32, i32
  }
}

module attributes {stable_mosaic.version = 14 : i64} {
  func.func @_gcn2_body(%arg0: i32, %arg1: memref<1000x128xf32, #tpu.memory_space<vmem>>, %arg2: memref<1000x128xf32, #tpu.memory_space<vmem>>, %arg3: memref<1000x128xf32, #tpu.memory_space<vmem>>, %arg4: memref<1000x1xf32, #tpu.memory_space<vmem>>, %arg5: memref<1x128xf32, #tpu.memory_space<vmem>>, %arg6: memref<128x128xf32, #tpu.memory_space<vmem>>, %arg7: memref<1000x128xf32, #tpu.memory_space<vmem>>) attributes {dimension_semantics = [#tpu.dimension_semantics<arbitrary>], iteration_bounds = array<i64: 10>, scalar_prefetch = 0 : i64, scratch_operands = 0 : i64, tpu.core_type = #tpu.core_type<tc>, window_params = [{transform_indices = @transform_0, window_bounds = array<i64: 1000, 128>}, {transform_indices = @transform_1, window_bounds = array<i64: 1000, 128>}, {transform_indices = @transform_2, window_bounds = array<i64: 1000, 128>}, {transform_indices = @transform_3, window_bounds = array<i64: 1000, 1>}, {pipeline_mode = #tpu.pipeline_mode<synchronous>, transform_indices = @transform_4, window_bounds = array<i64: 1, 128>}, {pipeline_mode = #tpu.pipeline_mode<synchronous>, transform_indices = @transform_5, window_bounds = array<i64: 128, 128>}, {transform_indices = @transform_6, window_bounds = array<i64: 1000, 128>}]} {
    %get3A = arith.constant 0 : index
    %get3A_0 = arith.constant 0 : index
    %get3A_1 = vector.load %arg4[%get3A, %get3A_0] : memref<1000x1xf32, #tpu.memory_space<vmem>>, vector<1000x1xf32>
    %get3A_2 = arith.constant 0 : index
    %get3A_3 = arith.constant 0 : index
    %get3A_4 = vector.load %arg1[%get3A_2, %get3A_3] : memref<1000x128xf32, #tpu.memory_space<vmem>>, vector<1000x128xf32>
    %get3A_5 = arith.constant 0 : index
    %get3A_6 = arith.constant 0 : index
    %get3A_7 = vector.load %arg2[%get3A_5, %get3A_6] : memref<1000x128xf32, #tpu.memory_space<vmem>>, vector<1000x128xf32>
    %add3A = arith.addf %get3A_4, %get3A_7 : vector<1000x128xf32>
    %get3A_8 = arith.constant 0 : index
    %get3A_9 = arith.constant 0 : index
    %get3A_10 = vector.load %arg3[%get3A_8, %get3A_9] : memref<1000x128xf32, #tpu.memory_space<vmem>>, vector<1000x128xf32>
    %add3A_11 = arith.addf %add3A, %get3A_10 : vector<1000x128xf32>
    %mul3A = vector.broadcast %get3A_1 : vector<1000x1xf32> to vector<1000x128xf32>
    %mul3A_12 = arith.mulf %mul3A, %add3A_11 : vector<1000x128xf32>
    %get3A_13 = arith.constant 0 : index
    %get3A_14 = arith.constant 0 : index
    %get3A_15 = vector.load %arg5[%get3A_13, %get3A_14] : memref<1x128xf32, #tpu.memory_space<vmem>>, vector<1x128xf32>
    %add3A_16 = vector.broadcast %get3A_15 : vector<1x128xf32> to vector<1000x128xf32>
    %add3A_17 = arith.addf %mul3A_12, %add3A_16 : vector<1000x128xf32>
    %max3A = arith.constant 0.000000e+00 : f32
    %max3A_18 = vector.broadcast %max3A : f32 to vector<1000x128xf32>
    %max3A_19 = arith.maximumf %add3A_17, %max3A_18 : vector<1000x128xf32>
    %get3A_20 = arith.constant 0 : index
    %get3A_21 = arith.constant 0 : index
    %get3A_22 = vector.load %arg6[%get3A_20, %get3A_21] : memref<128x128xf32, #tpu.memory_space<vmem>>, vector<128x128xf32>
    %dot_general3A = arith.constant dense<0.000000e+00> : vector<1000x128xf32>
    %dot_general3A_23 = tpu.matmul %max3A_19, %get3A_22, %dot_general3A {dimension_numbers = #tpu.dot_dimension_numbers<[1], [0], [0], [1], [0, 0, 1, 1], [], []>, transpose_lhs_hint = false} : vector<1000x128xf32>, vector<128x128xf32>, vector<1000x128xf32> -> vector<1000x128xf32>
    %get3A_24 = arith.constant 0 : index
    %get3A_25 = arith.constant 0 : index
    %get3A_26 = vector.load %arg4[%get3A_24, %get3A_25] : memref<1000x1xf32, #tpu.memory_space<vmem>>, vector<1000x1xf32>
    %mul3A_27 = vector.broadcast %get3A_26 : vector<1000x1xf32> to vector<1000x128xf32>
    %mul3A_28 = arith.mulf %dot_general3A_23, %mul3A_27 : vector<1000x128xf32>
    %swap3A = arith.constant 0 : index
    %swap3A_29 = arith.constant 0 : index
    %swap3A_30 = vector.load %arg7[%swap3A, %swap3A_29] : memref<1000x128xf32, #tpu.memory_space<vmem>>, vector<1000x128xf32>
    tpu.vector_store %arg7[%swap3A, %swap3A_29], %mul3A_28 {strides = array<i32>} : memref<1000x128xf32, #tpu.memory_space<vmem>>, vector<1000x128xf32>,
    return
  }
  func.func @transform_0(%arg0: i32) -> (i32, i32) {
    %c0_i32 = arith.constant 0 : i32
    %c0_i32_0 = arith.constant 0 : i32
    return %arg0, %c0_i32 : i32, i32
  }
  func.func @transform_1(%arg0: i32) -> (i32, i32) {
    %c0_i32 = arith.constant 0 : i32
    %c0_i32_0 = arith.constant 0 : i32
    return %arg0, %c0_i32 : i32, i32
  }
  func.func @transform_2(%arg0: i32) -> (i32, i32) {
    %c0_i32 = arith.constant 0 : i32
    %c0_i32_0 = arith.constant 0 : i32
    return %arg0, %c0_i32 : i32, i32
  }
  func.func @transform_3(%arg0: i32) -> (i32, i32) {
    %c0_i32 = arith.constant 0 : i32
    %c0_i32_0 = arith.constant 0 : i32
    return %arg0, %c0_i32 : i32, i32
  }
  func.func @transform_4(%arg0: i32) -> (i32, i32) {
    %c0_i32 = arith.constant 0 : i32
    %c0_i32_0 = arith.constant 0 : i32
    %c0_i32_1 = arith.constant 0 : i32
    return %c0_i32, %c0_i32_0 : i32, i32
  }
  func.func @transform_5(%arg0: i32) -> (i32, i32) {
    %c0_i32 = arith.constant 0 : i32
    %c0_i32_0 = arith.constant 0 : i32
    %c0_i32_1 = arith.constant 0 : i32
    return %c0_i32, %c0_i32_0 : i32, i32
  }
  func.func @transform_6(%arg0: i32) -> (i32, i32) {
    %c0_i32 = arith.constant 0 : i32
    %c0_i32_0 = arith.constant 0 : i32
    return %arg0, %c0_i32 : i32, i32
  }
}

module attributes {stable_mosaic.version = 14 : i64} {
  func.func @_mm_bias_body(%arg0: i32, %arg1: memref<4000x16xf32, #tpu.memory_space<vmem>>, %arg2: memref<16x1xf32, #tpu.memory_space<vmem>>, %arg3: memref<1x1xf32, #tpu.memory_space<vmem>>, %arg4: memref<4000x1xf32, #tpu.memory_space<vmem>>) attributes {dimension_semantics = [#tpu.dimension_semantics<arbitrary>], iteration_bounds = array<i64: 80>, scalar_prefetch = 0 : i64, scratch_operands = 0 : i64, tpu.core_type = #tpu.core_type<tc>, window_params = [{transform_indices = @transform_0, window_bounds = array<i64: 4000, 16>}, {pipeline_mode = #tpu.pipeline_mode<synchronous>, transform_indices = @transform_1, window_bounds = array<i64: 16, 1>}, {pipeline_mode = #tpu.pipeline_mode<synchronous>, transform_indices = @transform_2, window_bounds = array<i64: 1, 1>}, {transform_indices = @transform_3, window_bounds = array<i64: 4000, 1>}]} {
    %get3A = arith.constant 0 : index
    %get3A_0 = arith.constant 0 : index
    %get3A_1 = vector.load %arg1[%get3A, %get3A_0] : memref<4000x16xf32, #tpu.memory_space<vmem>>, vector<4000x16xf32>
    %get3A_2 = arith.constant 0 : index
    %get3A_3 = arith.constant 0 : index
    %get3A_4 = vector.load %arg2[%get3A_2, %get3A_3] : memref<16x1xf32, #tpu.memory_space<vmem>>, vector<16x1xf32>
    %dot_general3A = arith.constant dense<0.000000e+00> : vector<4000x1xf32>
    %dot_general3A_5 = tpu.matmul %get3A_1, %get3A_4, %dot_general3A {dimension_numbers = #tpu.dot_dimension_numbers<[1], [0], [0], [1], [0, 0, 1, 1], [], []>, transpose_lhs_hint = false} : vector<4000x16xf32>, vector<16x1xf32>, vector<4000x1xf32> -> vector<4000x1xf32>
    %get3A_6 = arith.constant 0 : index
    %get3A_7 = arith.constant 0 : index
    %get3A_8 = vector.load %arg3[%get3A_6, %get3A_7] : memref<1x1xf32, #tpu.memory_space<vmem>>, vector<1x1xf32>
    %add3A = vector.broadcast %get3A_8 : vector<1x1xf32> to vector<4000x1xf32>
    %add3A_9 = arith.addf %dot_general3A_5, %add3A : vector<4000x1xf32>
    %swap3A = arith.constant 0 : index
    %swap3A_10 = arith.constant 0 : index
    %swap3A_11 = vector.load %arg4[%swap3A, %swap3A_10] : memref<4000x1xf32, #tpu.memory_space<vmem>>, vector<4000x1xf32>
    tpu.vector_store %arg4[%swap3A, %swap3A_10], %add3A_9 {strides = array<i32>} : memref<4000x1xf32, #tpu.memory_space<vmem>>, vector<4000x1xf32>,
    return
  }
  func.func @transform_0(%arg0: i32) -> (i32, i32) {
    %c0_i32 = arith.constant 0 : i32
    %c0_i32_0 = arith.constant 0 : i32
    return %arg0, %c0_i32 : i32, i32
  }
  func.func @transform_1(%arg0: i32) -> (i32, i32) {
    %c0_i32 = arith.constant 0 : i32
    %c0_i32_0 = arith.constant 0 : i32
    %c0_i32_1 = arith.constant 0 : i32
    return %c0_i32, %c0_i32_0 : i32, i32
  }
  func.func @transform_2(%arg0: i32) -> (i32, i32) {
    %c0_i32 = arith.constant 0 : i32
    %c0_i32_0 = arith.constant 0 : i32
    %c0_i32_1 = arith.constant 0 : i32
    return %c0_i32, %c0_i32_0 : i32, i32
  }
  func.func @transform_3(%arg0: i32) -> (i32, i32) {
    %c0_i32 = arith.constant 0 : i32
    %c0_i32_0 = arith.constant 0 : i32
    return %arg0, %c0_i32 : i32, i32
  }
}

module attributes {stable_mosaic.version = 14 : i64} {
  func.func @_gcn3_body(%arg0: i32, %arg1: memref<1000x128xf32, #tpu.memory_space<vmem>>, %arg2: memref<1000x128xf32, #tpu.memory_space<vmem>>, %arg3: memref<1000x128xf32, #tpu.memory_space<vmem>>, %arg4: memref<1000x1xf32, #tpu.memory_space<vmem>>, %arg5: memref<1x128xf32, #tpu.memory_space<vmem>>, %arg6: memref<128x512xf32, #tpu.memory_space<vmem>>, %arg7: memref<1x512xf32, #tpu.memory_space<vmem>>, %arg8: memref<1000x512xf32, #tpu.memory_space<vmem>>) attributes {dimension_semantics = [#tpu.dimension_semantics<arbitrary>], iteration_bounds = array<i64: 10>, scalar_prefetch = 0 : i64, scratch_operands = 0 : i64, tpu.core_type = #tpu.core_type<tc>, window_params = [{transform_indices = @transform_0, window_bounds = array<i64: 1000, 128>}, {transform_indices = @transform_1, window_bounds = array<i64: 1000, 128>}, {transform_indices = @transform_2, window_bounds = array<i64: 1000, 128>}, {transform_indices = @transform_3, window_bounds = array<i64: 1000, 1>}, {pipeline_mode = #tpu.pipeline_mode<synchronous>, transform_indices = @transform_4, window_bounds = array<i64: 1, 128>}, {pipeline_mode = #tpu.pipeline_mode<synchronous>, transform_indices = @transform_5, window_bounds = array<i64: 128, 512>}, {pipeline_mode = #tpu.pipeline_mode<synchronous>, transform_indices = @transform_6, window_bounds = array<i64: 1, 512>}, {transform_indices = @transform_7, window_bounds = array<i64: 1000, 512>}]} {
    %get3A = arith.constant 0 : index
    %get3A_0 = arith.constant 0 : index
    %get3A_1 = vector.load %arg4[%get3A, %get3A_0] : memref<1000x1xf32, #tpu.memory_space<vmem>>, vector<1000x1xf32>
    %get3A_2 = arith.constant 0 : index
    %get3A_3 = arith.constant 0 : index
    %get3A_4 = vector.load %arg1[%get3A_2, %get3A_3] : memref<1000x128xf32, #tpu.memory_space<vmem>>, vector<1000x128xf32>
    %get3A_5 = arith.constant 0 : index
    %get3A_6 = arith.constant 0 : index
    %get3A_7 = vector.load %arg2[%get3A_5, %get3A_6] : memref<1000x128xf32, #tpu.memory_space<vmem>>, vector<1000x128xf32>
    %add3A = arith.addf %get3A_4, %get3A_7 : vector<1000x128xf32>
    %get3A_8 = arith.constant 0 : index
    %get3A_9 = arith.constant 0 : index
    %get3A_10 = vector.load %arg3[%get3A_8, %get3A_9] : memref<1000x128xf32, #tpu.memory_space<vmem>>, vector<1000x128xf32>
    %add3A_11 = arith.addf %add3A, %get3A_10 : vector<1000x128xf32>
    %mul3A = vector.broadcast %get3A_1 : vector<1000x1xf32> to vector<1000x128xf32>
    %mul3A_12 = arith.mulf %mul3A, %add3A_11 : vector<1000x128xf32>
    %get3A_13 = arith.constant 0 : index
    %get3A_14 = arith.constant 0 : index
    %get3A_15 = vector.load %arg5[%get3A_13, %get3A_14] : memref<1x128xf32, #tpu.memory_space<vmem>>, vector<1x128xf32>
    %add3A_16 = vector.broadcast %get3A_15 : vector<1x128xf32> to vector<1000x128xf32>
    %add3A_17 = arith.addf %mul3A_12, %add3A_16 : vector<1000x128xf32>
    %get3A_18 = arith.constant 0 : index
    %get3A_19 = arith.constant 0 : index
    %get3A_20 = vector.load %arg6[%get3A_18, %get3A_19] : memref<128x512xf32, #tpu.memory_space<vmem>>, vector<128x512xf32>
    %dot_general3A = arith.constant dense<0.000000e+00> : vector<1000x512xf32>
    %dot_general3A_21 = tpu.matmul %add3A_17, %get3A_20, %dot_general3A {dimension_numbers = #tpu.dot_dimension_numbers<[1], [0], [0], [1], [0, 0, 1, 1], [], []>, transpose_lhs_hint = false} : vector<1000x128xf32>, vector<128x512xf32>, vector<1000x512xf32> -> vector<1000x512xf32>
    %get3A_22 = arith.constant 0 : index
    %get3A_23 = arith.constant 0 : index
    %get3A_24 = vector.load %arg7[%get3A_22, %get3A_23] : memref<1x512xf32, #tpu.memory_space<vmem>>, vector<1x512xf32>
    %add3A_25 = vector.broadcast %get3A_24 : vector<1x512xf32> to vector<1000x512xf32>
    %add3A_26 = arith.addf %dot_general3A_21, %add3A_25 : vector<1000x512xf32>
    %swap3A = arith.constant 0 : index
    %swap3A_27 = arith.constant 0 : index
    %swap3A_28 = vector.load %arg8[%swap3A, %swap3A_27] : memref<1000x512xf32, #tpu.memory_space<vmem>>, vector<1000x512xf32>
    tpu.vector_store %arg8[%swap3A, %swap3A_27], %add3A_26 {strides = array<i32>} : memref<1000x512xf32, #tpu.memory_space<vmem>>, vector<1000x512xf32>,
    return
  }
  func.func @transform_0(%arg0: i32) -> (i32, i32) {
    %c0_i32 = arith.constant 0 : i32
    %c0_i32_0 = arith.constant 0 : i32
    return %arg0, %c0_i32 : i32, i32
  }
  func.func @transform_1(%arg0: i32) -> (i32, i32) {
    %c0_i32 = arith.constant 0 : i32
    %c0_i32_0 = arith.constant 0 : i32
    return %arg0, %c0_i32 : i32, i32
  }
  func.func @transform_2(%arg0: i32) -> (i32, i32) {
    %c0_i32 = arith.constant 0 : i32
    %c0_i32_0 = arith.constant 0 : i32
    return %arg0, %c0_i32 : i32, i32
  }
  func.func @transform_3(%arg0: i32) -> (i32, i32) {
    %c0_i32 = arith.constant 0 : i32
    %c0_i32_0 = arith.constant 0 : i32
    return %arg0, %c0_i32 : i32, i32
  }
  func.func @transform_4(%arg0: i32) -> (i32, i32) {
    %c0_i32 = arith.constant 0 : i32
    %c0_i32_0 = arith.constant 0 : i32
    %c0_i32_1 = arith.constant 0 : i32
    return %c0_i32, %c0_i32_0 : i32, i32
  }
  func.func @transform_5(%arg0: i32) -> (i32, i32) {
    %c0_i32 = arith.constant 0 : i32
    %c0_i32_0 = arith.constant 0 : i32
    %c0_i32_1 = arith.constant 0 : i32
    return %c0_i32, %c0_i32_0 : i32, i32
  }
  func.func @transform_6(%arg0: i32) -> (i32, i32) {
    %c0_i32 = arith.constant 0 : i32
    %c0_i32_0 = arith.constant 0 : i32
    %c0_i32_1 = arith.constant 0 : i32
    return %c0_i32, %c0_i32_0 : i32, i32
  }
  func.func @transform_7(%arg0: i32) -> (i32, i32) {
    %c0_i32 = arith.constant 0 : i32
    %c0_i32_0 = arith.constant 0 : i32
    return %arg0, %c0_i32 : i32, i32
  }
}

module attributes {stable_mosaic.version = 14 : i64} {
  func.func @_lstm2_body(%arg0: i32, %arg1: memref<1000x512xf32, #tpu.memory_space<vmem>>, %arg2: memref<256x1024xbf16, #tpu.memory_space<vmem>>, %arg3: memref<1x512xf32, #tpu.memory_space<vmem>>, %arg4: memref<1000x128xf32, #tpu.memory_space<vmem>>, %arg5: memref<1x128xf32, #tpu.memory_space<vmem>>, %arg6: memref<1x128xf32, #tpu.memory_space<vmem>>, %arg7: memref<1x128xf32, #tpu.memory_space<vmem>>, %arg8: memref<1x128xf32, #tpu.memory_space<vmem>>, %arg9: memref<1x256xf32, #tpu.memory_space<vmem>>, %arg10: memref<1x128xf32, #tpu.memory_space<vmem>>, %arg11: memref<1x128xf32, #tpu.memory_space<vmem>>) attributes {dimension_semantics = [#tpu.dimension_semantics<arbitrary>], iteration_bounds = array<i64: 11>, scalar_prefetch = 0 : i64, scratch_operands = 3 : i64, tpu.core_type = #tpu.core_type<tc>, window_params = [{transform_indices = @transform_0, window_bounds = array<i64: 1000, 512>}, {pipeline_mode = #tpu.pipeline_mode<synchronous>, transform_indices = @transform_1, window_bounds = array<i64: 256, 1024>}, {pipeline_mode = #tpu.pipeline_mode<synchronous>, transform_indices = @transform_2, window_bounds = array<i64: 1, 512>}, {transform_indices = @transform_3, window_bounds = array<i64: 1000, 128>}, {pipeline_mode = #tpu.pipeline_mode<synchronous>, transform_indices = @transform_4, window_bounds = array<i64: 1, 128>}, {pipeline_mode = #tpu.pipeline_mode<synchronous>, transform_indices = @transform_5, window_bounds = array<i64: 1, 128>}, {pipeline_mode = #tpu.pipeline_mode<synchronous>, transform_indices = @transform_6, window_bounds = array<i64: 1, 128>}, {pipeline_mode = #tpu.pipeline_mode<synchronous>, transform_indices = @transform_7, window_bounds = array<i64: 1, 128>}]} {
    %eq3A = arith.constant 0 : i32
    %eq3A_0 = arith.cmpi eq, %arg0, %eq3A : i32
    %convert_element_type3A = arith.extui %eq3A_0 : i1 to i32
    %cond3A = arith.constant 0 : i32
    %cond3A_1 = arith.cmpi ne, %convert_element_type3A, %cond3A : i32
    scf.if %cond3A_1 {
      %broadcast_in_dim3A = arith.constant 0.000000e+00 : f32
      %broadcast_in_dim3A_36 = vector.broadcast %broadcast_in_dim3A : f32 to vector<1x256xf32>
      %swap3A_37 = arith.constant 0 : index
      %swap3A_38 = arith.constant 0 : index
      %swap3A_39 = vector.load %arg9[%swap3A_37, %swap3A_38] : memref<1x256xf32, #tpu.memory_space<vmem>>, vector<1x256xf32>
      tpu.vector_store %arg9[%swap3A_37, %swap3A_38], %broadcast_in_dim3A_36 {strides = array<i32>} : memref<1x256xf32, #tpu.memory_space<vmem>>, vector<1x256xf32>,
      %broadcast_in_dim3A_40 = arith.constant 0.000000e+00 : f32
      %broadcast_in_dim3A_41 = vector.broadcast %broadcast_in_dim3A_40 : f32 to vector<1x128xf32>
      %swap3A_42 = arith.constant 0 : index
      %swap3A_43 = arith.constant 0 : index
      %swap3A_44 = vector.load %arg10[%swap3A_42, %swap3A_43] : memref<1x128xf32, #tpu.memory_space<vmem>>, vector<1x128xf32>
      tpu.vector_store %arg10[%swap3A_42, %swap3A_43], %broadcast_in_dim3A_41 {strides = array<i32>} : memref<1x128xf32, #tpu.memory_space<vmem>>, vector<1x128xf32>,
      %broadcast_in_dim3A_45 = arith.constant 0.000000e+00 : f32
      %broadcast_in_dim3A_46 = vector.broadcast %broadcast_in_dim3A_45 : f32 to vector<1x128xf32>
      %swap3A_47 = arith.constant 0 : index
      %swap3A_48 = arith.constant 0 : index
      %swap3A_49 = vector.load %arg11[%swap3A_47, %swap3A_48] : memref<1x128xf32, #tpu.memory_space<vmem>>, vector<1x128xf32>
      tpu.vector_store %arg11[%swap3A_47, %swap3A_48], %broadcast_in_dim3A_46 {strides = array<i32>} : memref<1x128xf32, #tpu.memory_space<vmem>>, vector<1x128xf32>,
    } else {
    }
    %get3A = arith.constant 0 : index
    %get3A_2 = arith.constant 0 : index
    %get3A_3 = vector.load %arg9[%get3A, %get3A_2] : memref<1x256xf32, #tpu.memory_space<vmem>>, vector<1x256xf32>
    %get3A_4 = arith.constant 0 : index
    %get3A_5 = arith.constant 0 : index
    %get3A_6 = vector.load %arg10[%get3A_4, %get3A_5] : memref<1x128xf32, #tpu.memory_space<vmem>>, vector<1x128xf32>
    %get3A_7 = arith.constant 0 : index
    %get3A_8 = arith.constant 0 : index
    %get3A_9 = vector.load %arg11[%get3A_7, %get3A_8] : memref<1x128xf32, #tpu.memory_space<vmem>>, vector<1x128xf32>
    %scan3A = arith.constant 0 : i32
    %scan3A_10 = arith.constant 125 : i32
    %scan3A_11 = arith.addi %scan3A, %scan3A_10 : i32
    %scan3A_12 = arith.constant 1 : i32
    %scan3A_13:3 = scf.for %scan3A_36 = %scan3A to %scan3A_11 step %scan3A_12 iter_args(%scan3A_37 = %get3A_3, %scan3A_38 = %get3A_6, %scan3A_39 = %get3A_9) -> (vector<1x256xf32>, vector<1x128xf32>, vector<1x128xf32>)  : i32 {
      %mul3A = arith.constant 8 : i32
      %mul3A_40 = arith.muli %mul3A, %scan3A_36 : i32
      %add3A = arith.constant 0 : i32
      %add3A_41 = arith.addi %mul3A_40, %add3A : i32
      %mul3A_42 = arith.constant 1000 : i32
      %mul3A_43 = arith.muli %arg0, %mul3A_42 : i32
      %add3A_44 = arith.addi %mul3A_43, %add3A_41 : i32
      %convert_element_type3A_45 = arith.truncf %scan3A_37 : vector<1x256xf32> to vector<1x256xbf16>
      %slice3A_46 = vector.extract_strided_slice %convert_element_type3A_45 {offsets = [0, 0], sizes = [1, 128], strides = [1, 1]} : vector<1x256xbf16> to vector<1x128xbf16>
      %get3A_47 = arith.constant 0 : index
      %get3A_48 = arith.constant 0 : index
      %get3A_49 = vector.load %arg2[%get3A_47, %get3A_48] : memref<256x1024xbf16, #tpu.memory_space<vmem>>, vector<128x512xbf16>
      %dot_general3A = arith.constant dense<0.000000e+00> : vector<1x512xf32>
      %dot_general3A_50 = tpu.matmul %slice3A_46, %get3A_49, %dot_general3A {dimension_numbers = #tpu.dot_dimension_numbers<[1], [0], [0], [1], [0, 0, 1, 1], [], []>, transpose_lhs_hint = false} : vector<1x128xbf16>, vector<128x512xbf16>, vector<1x512xf32> -> vector<1x512xf32>
      %get3A_51 = arith.index_cast %add3A_41 : i32 to index
      %get3A_52 = arith.constant 0 : index
      %get3A_53 = vector.load %arg1[%get3A_51, %get3A_52] : memref<1000x512xf32, #tpu.memory_space<vmem>>, vector<1x512xf32>
      %add3A_54 = arith.addf %dot_general3A_50, %get3A_53 : vector<1x512xf32>
      %get3A_55 = arith.constant 0 : index
      %get3A_56 = arith.constant 512 : index
      %get3A_57 = vector.load %arg2[%get3A_55, %get3A_56] : memref<256x1024xbf16, #tpu.memory_space<vmem>>, vector<256x512xbf16>
      %dot_general3A_58 = arith.constant dense<0.000000e+00> : vector<1x512xf32>
      %dot_general3A_59 = tpu.matmul %convert_element_type3A_45, %get3A_57, %dot_general3A_58 {dimension_numbers = #tpu.dot_dimension_numbers<[1], [0], [0], [1], [0, 0, 1, 1], [], []>, transpose_lhs_hint = false} : vector<1x256xbf16>, vector<256x512xbf16>, vector<1x512xf32> -> vector<1x512xf32>
      %get3A_60 = arith.constant 0 : index
      %get3A_61 = arith.constant 0 : index
      %get3A_62 = vector.load %arg3[%get3A_60, %get3A_61] : memref<1x512xf32, #tpu.memory_space<vmem>>, vector<1x512xf32>
      %add3A_63 = arith.addf %dot_general3A_59, %get3A_62 : vector<1x512xf32>
      %slice3A_64 = vector.extract_strided_slice %add3A_54 {offsets = [0, 0], sizes = [1, 128], strides = [1, 1]} : vector<1x512xf32> to vector<1x128xf32>
      %logistic3A = arith.negf %slice3A_64 : vector<1x128xf32>
      %logistic3A_65 = math.exp %logistic3A : vector<1x128xf32>
      %logistic3A_66 = arith.constant 1.000000e+00 : f32
      %logistic3A_67 = vector.broadcast %logistic3A_66 : f32 to vector<1x128xf32>
      %logistic3A_68 = arith.addf %logistic3A_67, %logistic3A_65 : vector<1x128xf32>
      %logistic3A_69 = arith.divf %logistic3A_67, %logistic3A_68 : vector<1x128xf32>
      %slice3A_70 = vector.extract_strided_slice %add3A_54 {offsets = [0, 128], sizes = [1, 128], strides = [1, 1]} : vector<1x512xf32> to vector<1x128xf32>
      %logistic3A_71 = arith.negf %slice3A_70 : vector<1x128xf32>
      %logistic3A_72 = math.exp %logistic3A_71 : vector<1x128xf32>
      %logistic3A_73 = arith.constant 1.000000e+00 : f32
      %logistic3A_74 = vector.broadcast %logistic3A_73 : f32 to vector<1x128xf32>
      %logistic3A_75 = arith.addf %logistic3A_74, %logistic3A_72 : vector<1x128xf32>
      %logistic3A_76 = arith.divf %logistic3A_74, %logistic3A_75 : vector<1x128xf32>
      %slice3A_77 = vector.extract_strided_slice %add3A_54 {offsets = [0, 256], sizes = [1, 128], strides = [1, 1]} : vector<1x512xf32> to vector<1x128xf32>
      %tanh3A = math.tanh %slice3A_77 : vector<1x128xf32>
      %slice3A_78 = vector.extract_strided_slice %add3A_54 {offsets = [0, 384], sizes = [1, 128], strides = [1, 1]} : vector<1x512xf32> to vector<1x128xf32>
      %logistic3A_79 = arith.negf %slice3A_78 : vector<1x128xf32>
      %logistic3A_80 = math.exp %logistic3A_79 : vector<1x128xf32>
      %logistic3A_81 = arith.constant 1.000000e+00 : f32
      %logistic3A_82 = vector.broadcast %logistic3A_81 : f32 to vector<1x128xf32>
      %logistic3A_83 = arith.addf %logistic3A_82, %logistic3A_80 : vector<1x128xf32>
      %logistic3A_84 = arith.divf %logistic3A_82, %logistic3A_83 : vector<1x128xf32>
      %mul3A_85 = arith.mulf %logistic3A_76, %scan3A_38 : vector<1x128xf32>
      %mul3A_86 = arith.mulf %logistic3A_69, %tanh3A : vector<1x128xf32>
      %add3A_87 = arith.addf %mul3A_85, %mul3A_86 : vector<1x128xf32>
      %tanh3A_88 = math.tanh %add3A_87 : vector<1x128xf32>
      %mul3A_89 = arith.mulf %logistic3A_84, %tanh3A_88 : vector<1x128xf32>
      %lt3A = arith.constant 10000 : i32
      %lt3A_90 = arith.cmpi slt, %add3A_44, %lt3A : i32
      %select_n3A = arith.select %lt3A_90, %add3A_87, %scan3A_38 : vector<1x128xf32>
      %slice3A_91 = vector.extract_strided_slice %scan3A_37 {offsets = [0, 0], sizes = [1, 128], strides = [1, 1]} : vector<1x256xf32> to vector<1x128xf32>
      %select_n3A_92 = arith.select %lt3A_90, %mul3A_89, %slice3A_91 : vector<1x128xf32>
      %slice3A_93 = vector.extract_strided_slice %add3A_63 {offsets = [0, 0], sizes = [1, 128], strides = [1, 1]} : vector<1x512xf32> to vector<1x128xf32>
      %logistic3A_94 = arith.negf %slice3A_93 : vector<1x128xf32>
      %logistic3A_95 = math.exp %logistic3A_94 : vector<1x128xf32>
      %logistic3A_96 = arith.constant 1.000000e+00 : f32
      %logistic3A_97 = vector.broadcast %logistic3A_96 : f32 to vector<1x128xf32>
      %logistic3A_98 = arith.addf %logistic3A_97, %logistic3A_95 : vector<1x128xf32>
      %logistic3A_99 = arith.divf %logistic3A_97, %logistic3A_98 : vector<1x128xf32>
      %slice3A_100 = vector.extract_strided_slice %add3A_63 {offsets = [0, 128], sizes = [1, 128], strides = [1, 1]} : vector<1x512xf32> to vector<1x128xf32>
      %logistic3A_101 = arith.negf %slice3A_100 : vector<1x128xf32>
      %logistic3A_102 = math.exp %logistic3A_101 : vector<1x128xf32>
      %logistic3A_103 = arith.constant 1.000000e+00 : f32
      %logistic3A_104 = vector.broadcast %logistic3A_103 : f32 to vector<1x128xf32>
      %logistic3A_105 = arith.addf %logistic3A_104, %logistic3A_102 : vector<1x128xf32>
      %logistic3A_106 = arith.divf %logistic3A_104, %logistic3A_105 : vector<1x128xf32>
      %slice3A_107 = vector.extract_strided_slice %add3A_63 {offsets = [0, 256], sizes = [1, 128], strides = [1, 1]} : vector<1x512xf32> to vector<1x128xf32>
      %tanh3A_108 = math.tanh %slice3A_107 : vector<1x128xf32>
      %slice3A_109 = vector.extract_strided_slice %add3A_63 {offsets = [0, 384], sizes = [1, 128], strides = [1, 1]} : vector<1x512xf32> to vector<1x128xf32>
      %logistic3A_110 = arith.negf %slice3A_109 : vector<1x128xf32>
      %logistic3A_111 = math.exp %logistic3A_110 : vector<1x128xf32>
      %logistic3A_112 = arith.constant 1.000000e+00 : f32
      %logistic3A_113 = vector.broadcast %logistic3A_112 : f32 to vector<1x128xf32>
      %logistic3A_114 = arith.addf %logistic3A_113, %logistic3A_111 : vector<1x128xf32>
      %logistic3A_115 = arith.divf %logistic3A_113, %logistic3A_114 : vector<1x128xf32>
      %mul3A_116 = arith.mulf %logistic3A_106, %scan3A_39 : vector<1x128xf32>
      %mul3A_117 = arith.mulf %logistic3A_99, %tanh3A_108 : vector<1x128xf32>
      %add3A_118 = arith.addf %mul3A_116, %mul3A_117 : vector<1x128xf32>
      %tanh3A_119 = math.tanh %add3A_118 : vector<1x128xf32>
      %mul3A_120 = arith.mulf %logistic3A_115, %tanh3A_119 : vector<1x128xf32>
      %ge3A = arith.constant 1 : i32
      %ge3A_121 = arith.cmpi sge, %add3A_44, %ge3A : i32
      %le3A = arith.constant 10000 : i32
      %le3A_122 = arith.cmpi sle, %add3A_44, %le3A : i32
      %and3A = arith.andi %ge3A_121, %le3A_122 : i1
      %select_n3A_123 = arith.select %and3A, %add3A_118, %scan3A_39 : vector<1x128xf32>
      %slice3A_124 = vector.extract_strided_slice %scan3A_37 {offsets = [0, 128], sizes = [1, 128], strides = [1, 1]} : vector<1x256xf32> to vector<1x128xf32>
      %select_n3A_125 = arith.select %and3A, %mul3A_120, %slice3A_124 : vector<1x128xf32>
      %swap3A_126 = arith.index_cast %add3A_41 : i32 to index
      %swap3A_127 = arith.constant 0 : index
      %swap3A_128 = vector.load %arg4[%swap3A_126, %swap3A_127] : memref<1000x128xf32, #tpu.memory_space<vmem>>, vector<1x128xf32>
      tpu.vector_store %arg4[%swap3A_126, %swap3A_127], %select_n3A_125 {strides = array<i32>} : memref<1000x128xf32, #tpu.memory_space<vmem>>, vector<1x128xf32>,
      %concatenate3A = tpu.concatenate %select_n3A_92, %select_n3A_125 in 1 : vector<1x128xf32>, vector<1x128xf32> -> vector<1x256xf32>
      %mul3A_129 = arith.constant 8 : i32
      %mul3A_130 = arith.muli %mul3A_129, %scan3A_36 : i32
      %add3A_131 = arith.constant 1 : i32
      %add3A_132 = arith.addi %mul3A_130, %add3A_131 : i32
      %mul3A_133 = arith.constant 1000 : i32
      %mul3A_134 = arith.muli %arg0, %mul3A_133 : i32
      %add3A_135 = arith.addi %mul3A_134, %add3A_132 : i32
      %convert_element_type3A_136 = arith.truncf %concatenate3A : vector<1x256xf32> to vector<1x256xbf16>
      %slice3A_137 = vector.extract_strided_slice %convert_element_type3A_136 {offsets = [0, 0], sizes = [1, 128], strides = [1, 1]} : vector<1x256xbf16> to vector<1x128xbf16>
      %get3A_138 = arith.constant 0 : index
      %get3A_139 = arith.constant 0 : index
      %get3A_140 = vector.load %arg2[%get3A_138, %get3A_139] : memref<256x1024xbf16, #tpu.memory_space<vmem>>, vector<128x512xbf16>
      %dot_general3A_141 = arith.constant dense<0.000000e+00> : vector<1x512xf32>
      %dot_general3A_142 = tpu.matmul %slice3A_137, %get3A_140, %dot_general3A_141 {dimension_numbers = #tpu.dot_dimension_numbers<[1], [0], [0], [1], [0, 0, 1, 1], [], []>, transpose_lhs_hint = false} : vector<1x128xbf16>, vector<128x512xbf16>, vector<1x512xf32> -> vector<1x512xf32>
      %get3A_143 = arith.index_cast %add3A_132 : i32 to index
      %get3A_144 = arith.constant 0 : index
      %get3A_145 = vector.load %arg1[%get3A_143, %get3A_144] : memref<1000x512xf32, #tpu.memory_space<vmem>>, vector<1x512xf32>
      %add3A_146 = arith.addf %dot_general3A_142, %get3A_145 : vector<1x512xf32>
      %get3A_147 = arith.constant 0 : index
      %get3A_148 = arith.constant 512 : index
      %get3A_149 = vector.load %arg2[%get3A_147, %get3A_148] : memref<256x1024xbf16, #tpu.memory_space<vmem>>, vector<256x512xbf16>
      %dot_general3A_150 = arith.constant dense<0.000000e+00> : vector<1x512xf32>
      %dot_general3A_151 = tpu.matmul %convert_element_type3A_136, %get3A_149, %dot_general3A_150 {dimension_numbers = #tpu.dot_dimension_numbers<[1], [0], [0], [1], [0, 0, 1, 1], [], []>, transpose_lhs_hint = false} : vector<1x256xbf16>, vector<256x512xbf16>, vector<1x512xf32> -> vector<1x512xf32>
      %get3A_152 = arith.constant 0 : index
      %get3A_153 = arith.constant 0 : index
      %get3A_154 = vector.load %arg3[%get3A_152, %get3A_153] : memref<1x512xf32, #tpu.memory_space<vmem>>, vector<1x512xf32>
      %add3A_155 = arith.addf %dot_general3A_151, %get3A_154 : vector<1x512xf32>
      %slice3A_156 = vector.extract_strided_slice %add3A_146 {offsets = [0, 0], sizes = [1, 128], strides = [1, 1]} : vector<1x512xf32> to vector<1x128xf32>
      %logistic3A_157 = arith.negf %slice3A_156 : vector<1x128xf32>
      %logistic3A_158 = math.exp %logistic3A_157 : vector<1x128xf32>
      %logistic3A_159 = arith.constant 1.000000e+00 : f32
      %logistic3A_160 = vector.broadcast %logistic3A_159 : f32 to vector<1x128xf32>
      %logistic3A_161 = arith.addf %logistic3A_160, %logistic3A_158 : vector<1x128xf32>
      %logistic3A_162 = arith.divf %logistic3A_160, %logistic3A_161 : vector<1x128xf32>
      %slice3A_163 = vector.extract_strided_slice %add3A_146 {offsets = [0, 128], sizes = [1, 128], strides = [1, 1]} : vector<1x512xf32> to vector<1x128xf32>
      %logistic3A_164 = arith.negf %slice3A_163 : vector<1x128xf32>
      %logistic3A_165 = math.exp %logistic3A_164 : vector<1x128xf32>
      %logistic3A_166 = arith.constant 1.000000e+00 : f32
      %logistic3A_167 = vector.broadcast %logistic3A_166 : f32 to vector<1x128xf32>
      %logistic3A_168 = arith.addf %logistic3A_167, %logistic3A_165 : vector<1x128xf32>
      %logistic3A_169 = arith.divf %logistic3A_167, %logistic3A_168 : vector<1x128xf32>
      %slice3A_170 = vector.extract_strided_slice %add3A_146 {offsets = [0, 256], sizes = [1, 128], strides = [1, 1]} : vector<1x512xf32> to vector<1x128xf32>
      %tanh3A_171 = math.tanh %slice3A_170 : vector<1x128xf32>
      %slice3A_172 = vector.extract_strided_slice %add3A_146 {offsets = [0, 384], sizes = [1, 128], strides = [1, 1]} : vector<1x512xf32> to vector<1x128xf32>
      %logistic3A_173 = arith.negf %slice3A_172 : vector<1x128xf32>
      %logistic3A_174 = math.exp %logistic3A_173 : vector<1x128xf32>
      %logistic3A_175 = arith.constant 1.000000e+00 : f32
      %logistic3A_176 = vector.broadcast %logistic3A_175 : f32 to vector<1x128xf32>
      %logistic3A_177 = arith.addf %logistic3A_176, %logistic3A_174 : vector<1x128xf32>
      %logistic3A_178 = arith.divf %logistic3A_176, %logistic3A_177 : vector<1x128xf32>
      %mul3A_179 = arith.mulf %logistic3A_169, %select_n3A : vector<1x128xf32>
      %mul3A_180 = arith.mulf %logistic3A_162, %tanh3A_171 : vector<1x128xf32>
      %add3A_181 = arith.addf %mul3A_179, %mul3A_180 : vector<1x128xf32>
      %tanh3A_182 = math.tanh %add3A_181 : vector<1x128xf32>
      %mul3A_183 = arith.mulf %logistic3A_178, %tanh3A_182 : vector<1x128xf32>
      %lt3A_184 = arith.constant 10000 : i32
      %lt3A_185 = arith.cmpi slt, %add3A_135, %lt3A_184 : i32
      %select_n3A_186 = arith.select %lt3A_185, %add3A_181, %select_n3A : vector<1x128xf32>
      %slice3A_187 = vector.extract_strided_slice %concatenate3A {offsets = [0, 0], sizes = [1, 128], strides = [1, 1]} : vector<1x256xf32> to vector<1x128xf32>
      %select_n3A_188 = arith.select %lt3A_185, %mul3A_183, %slice3A_187 : vector<1x128xf32>
      %slice3A_189 = vector.extract_strided_slice %add3A_155 {offsets = [0, 0], sizes = [1, 128], strides = [1, 1]} : vector<1x512xf32> to vector<1x128xf32>
      %logistic3A_190 = arith.negf %slice3A_189 : vector<1x128xf32>
      %logistic3A_191 = math.exp %logistic3A_190 : vector<1x128xf32>
      %logistic3A_192 = arith.constant 1.000000e+00 : f32
      %logistic3A_193 = vector.broadcast %logistic3A_192 : f32 to vector<1x128xf32>
      %logistic3A_194 = arith.addf %logistic3A_193, %logistic3A_191 : vector<1x128xf32>
      %logistic3A_195 = arith.divf %logistic3A_193, %logistic3A_194 : vector<1x128xf32>
      %slice3A_196 = vector.extract_strided_slice %add3A_155 {offsets = [0, 128], sizes = [1, 128], strides = [1, 1]} : vector<1x512xf32> to vector<1x128xf32>
      %logistic3A_197 = arith.negf %slice3A_196 : vector<1x128xf32>
      %logistic3A_198 = math.exp %logistic3A_197 : vector<1x128xf32>
      %logistic3A_199 = arith.constant 1.000000e+00 : f32
      %logistic3A_200 = vector.broadcast %logistic3A_199 : f32 to vector<1x128xf32>
      %logistic3A_201 = arith.addf %logistic3A_200, %logistic3A_198 : vector<1x128xf32>
      %logistic3A_202 = arith.divf %logistic3A_200, %logistic3A_201 : vector<1x128xf32>
      %slice3A_203 = vector.extract_strided_slice %add3A_155 {offsets = [0, 256], sizes = [1, 128], strides = [1, 1]} : vector<1x512xf32> to vector<1x128xf32>
      %tanh3A_204 = math.tanh %slice3A_203 : vector<1x128xf32>
      %slice3A_205 = vector.extract_strided_slice %add3A_155 {offsets = [0, 384], sizes = [1, 128], strides = [1, 1]} : vector<1x512xf32> to vector<1x128xf32>
      %logistic3A_206 = arith.negf %slice3A_205 : vector<1x128xf32>
      %logistic3A_207 = math.exp %logistic3A_206 : vector<1x128xf32>
      %logistic3A_208 = arith.constant 1.000000e+00 : f32
      %logistic3A_209 = vector.broadcast %logistic3A_208 : f32 to vector<1x128xf32>
      %logistic3A_210 = arith.addf %logistic3A_209, %logistic3A_207 : vector<1x128xf32>
      %logistic3A_211 = arith.divf %logistic3A_209, %logistic3A_210 : vector<1x128xf32>
      %mul3A_212 = arith.mulf %logistic3A_202, %select_n3A_123 : vector<1x128xf32>
      %mul3A_213 = arith.mulf %logistic3A_195, %tanh3A_204 : vector<1x128xf32>
      %add3A_214 = arith.addf %mul3A_212, %mul3A_213 : vector<1x128xf32>
      %tanh3A_215 = math.tanh %add3A_214 : vector<1x128xf32>
      %mul3A_216 = arith.mulf %logistic3A_211, %tanh3A_215 : vector<1x128xf32>
      %ge3A_217 = arith.constant 1 : i32
      %ge3A_218 = arith.cmpi sge, %add3A_135, %ge3A_217 : i32
      %le3A_219 = arith.constant 10000 : i32
      %le3A_220 = arith.cmpi sle, %add3A_135, %le3A_219 : i32
      %and3A_221 = arith.andi %ge3A_218, %le3A_220 : i1
      %select_n3A_222 = arith.select %and3A_221, %add3A_214, %select_n3A_123 : vector<1x128xf32>
      %slice3A_223 = vector.extract_strided_slice %concatenate3A {offsets = [0, 128], sizes = [1, 128], strides = [1, 1]} : vector<1x256xf32> to vector<1x128xf32>
      %select_n3A_224 = arith.select %and3A_221, %mul3A_216, %slice3A_223 : vector<1x128xf32>
      %swap3A_225 = arith.index_cast %add3A_132 : i32 to index
      %swap3A_226 = arith.constant 0 : index
      %swap3A_227 = vector.load %arg4[%swap3A_225, %swap3A_226] : memref<1000x128xf32, #tpu.memory_space<vmem>>, vector<1x128xf32>
      tpu.vector_store %arg4[%swap3A_225, %swap3A_226], %select_n3A_224 {strides = array<i32>} : memref<1000x128xf32, #tpu.memory_space<vmem>>, vector<1x128xf32>,
      %concatenate3A_228 = tpu.concatenate %select_n3A_188, %select_n3A_224 in 1 : vector<1x128xf32>, vector<1x128xf32> -> vector<1x256xf32>
      %mul3A_229 = arith.constant 8 : i32
      %mul3A_230 = arith.muli %mul3A_229, %scan3A_36 : i32
      %add3A_231 = arith.constant 2 : i32
      %add3A_232 = arith.addi %mul3A_230, %add3A_231 : i32
      %mul3A_233 = arith.constant 1000 : i32
      %mul3A_234 = arith.muli %arg0, %mul3A_233 : i32
      %add3A_235 = arith.addi %mul3A_234, %add3A_232 : i32
      %convert_element_type3A_236 = arith.truncf %concatenate3A_228 : vector<1x256xf32> to vector<1x256xbf16>
      %slice3A_237 = vector.extract_strided_slice %convert_element_type3A_236 {offsets = [0, 0], sizes = [1, 128], strides = [1, 1]} : vector<1x256xbf16> to vector<1x128xbf16>
      %get3A_238 = arith.constant 0 : index
      %get3A_239 = arith.constant 0 : index
      %get3A_240 = vector.load %arg2[%get3A_238, %get3A_239] : memref<256x1024xbf16, #tpu.memory_space<vmem>>, vector<128x512xbf16>
      %dot_general3A_241 = arith.constant dense<0.000000e+00> : vector<1x512xf32>
      %dot_general3A_242 = tpu.matmul %slice3A_237, %get3A_240, %dot_general3A_241 {dimension_numbers = #tpu.dot_dimension_numbers<[1], [0], [0], [1], [0, 0, 1, 1], [], []>, transpose_lhs_hint = false} : vector<1x128xbf16>, vector<128x512xbf16>, vector<1x512xf32> -> vector<1x512xf32>
      %get3A_243 = arith.index_cast %add3A_232 : i32 to index
      %get3A_244 = arith.constant 0 : index
      %get3A_245 = vector.load %arg1[%get3A_243, %get3A_244] : memref<1000x512xf32, #tpu.memory_space<vmem>>, vector<1x512xf32>
      %add3A_246 = arith.addf %dot_general3A_242, %get3A_245 : vector<1x512xf32>
      %get3A_247 = arith.constant 0 : index
      %get3A_248 = arith.constant 512 : index
      %get3A_249 = vector.load %arg2[%get3A_247, %get3A_248] : memref<256x1024xbf16, #tpu.memory_space<vmem>>, vector<256x512xbf16>
      %dot_general3A_250 = arith.constant dense<0.000000e+00> : vector<1x512xf32>
      %dot_general3A_251 = tpu.matmul %convert_element_type3A_236, %get3A_249, %dot_general3A_250 {dimension_numbers = #tpu.dot_dimension_numbers<[1], [0], [0], [1], [0, 0, 1, 1], [], []>, transpose_lhs_hint = false} : vector<1x256xbf16>, vector<256x512xbf16>, vector<1x512xf32> -> vector<1x512xf32>
      %get3A_252 = arith.constant 0 : index
      %get3A_253 = arith.constant 0 : index
      %get3A_254 = vector.load %arg3[%get3A_252, %get3A_253] : memref<1x512xf32, #tpu.memory_space<vmem>>, vector<1x512xf32>
      %add3A_255 = arith.addf %dot_general3A_251, %get3A_254 : vector<1x512xf32>
      %slice3A_256 = vector.extract_strided_slice %add3A_246 {offsets = [0, 0], sizes = [1, 128], strides = [1, 1]} : vector<1x512xf32> to vector<1x128xf32>
      %logistic3A_257 = arith.negf %slice3A_256 : vector<1x128xf32>
      %logistic3A_258 = math.exp %logistic3A_257 : vector<1x128xf32>
      %logistic3A_259 = arith.constant 1.000000e+00 : f32
      %logistic3A_260 = vector.broadcast %logistic3A_259 : f32 to vector<1x128xf32>
      %logistic3A_261 = arith.addf %logistic3A_260, %logistic3A_258 : vector<1x128xf32>
      %logistic3A_262 = arith.divf %logistic3A_260, %logistic3A_261 : vector<1x128xf32>
      %slice3A_263 = vector.extract_strided_slice %add3A_246 {offsets = [0, 128], sizes = [1, 128], strides = [1, 1]} : vector<1x512xf32> to vector<1x128xf32>
      %logistic3A_264 = arith.negf %slice3A_263 : vector<1x128xf32>
      %logistic3A_265 = math.exp %logistic3A_264 : vector<1x128xf32>
      %logistic3A_266 = arith.constant 1.000000e+00 : f32
      %logistic3A_267 = vector.broadcast %logistic3A_266 : f32 to vector<1x128xf32>
      %logistic3A_268 = arith.addf %logistic3A_267, %logistic3A_265 : vector<1x128xf32>
      %logistic3A_269 = arith.divf %logistic3A_267, %logistic3A_268 : vector<1x128xf32>
      %slice3A_270 = vector.extract_strided_slice %add3A_246 {offsets = [0, 256], sizes = [1, 128], strides = [1, 1]} : vector<1x512xf32> to vector<1x128xf32>
      %tanh3A_271 = math.tanh %slice3A_270 : vector<1x128xf32>
      %slice3A_272 = vector.extract_strided_slice %add3A_246 {offsets = [0, 384], sizes = [1, 128], strides = [1, 1]} : vector<1x512xf32> to vector<1x128xf32>
      %logistic3A_273 = arith.negf %slice3A_272 : vector<1x128xf32>
      %logistic3A_274 = math.exp %logistic3A_273 : vector<1x128xf32>
      %logistic3A_275 = arith.constant 1.000000e+00 : f32
      %logistic3A_276 = vector.broadcast %logistic3A_275 : f32 to vector<1x128xf32>
      %logistic3A_277 = arith.addf %logistic3A_276, %logistic3A_274 : vector<1x128xf32>
      %logistic3A_278 = arith.divf %logistic3A_276, %logistic3A_277 : vector<1x128xf32>
      %mul3A_279 = arith.mulf %logistic3A_269, %select_n3A_186 : vector<1x128xf32>
      %mul3A_280 = arith.mulf %logistic3A_262, %tanh3A_271 : vector<1x128xf32>
      %add3A_281 = arith.addf %mul3A_279, %mul3A_280 : vector<1x128xf32>
      %tanh3A_282 = math.tanh %add3A_281 : vector<1x128xf32>
      %mul3A_283 = arith.mulf %logistic3A_278, %tanh3A_282 : vector<1x128xf32>
      %lt3A_284 = arith.constant 10000 : i32
      %lt3A_285 = arith.cmpi slt, %add3A_235, %lt3A_284 : i32
      %select_n3A_286 = arith.select %lt3A_285, %add3A_281, %select_n3A_186 : vector<1x128xf32>
      %slice3A_287 = vector.extract_strided_slice %concatenate3A_228 {offsets = [0, 0], sizes = [1, 128], strides = [1, 1]} : vector<1x256xf32> to vector<1x128xf32>
      %select_n3A_288 = arith.select %lt3A_285, %mul3A_283, %slice3A_287 : vector<1x128xf32>
      %slice3A_289 = vector.extract_strided_slice %add3A_255 {offsets = [0, 0], sizes = [1, 128], strides = [1, 1]} : vector<1x512xf32> to vector<1x128xf32>
      %logistic3A_290 = arith.negf %slice3A_289 : vector<1x128xf32>
      %logistic3A_291 = math.exp %logistic3A_290 : vector<1x128xf32>
      %logistic3A_292 = arith.constant 1.000000e+00 : f32
      %logistic3A_293 = vector.broadcast %logistic3A_292 : f32 to vector<1x128xf32>
      %logistic3A_294 = arith.addf %logistic3A_293, %logistic3A_291 : vector<1x128xf32>
      %logistic3A_295 = arith.divf %logistic3A_293, %logistic3A_294 : vector<1x128xf32>
      %slice3A_296 = vector.extract_strided_slice %add3A_255 {offsets = [0, 128], sizes = [1, 128], strides = [1, 1]} : vector<1x512xf32> to vector<1x128xf32>
      %logistic3A_297 = arith.negf %slice3A_296 : vector<1x128xf32>
      %logistic3A_298 = math.exp %logistic3A_297 : vector<1x128xf32>
      %logistic3A_299 = arith.constant 1.000000e+00 : f32
      %logistic3A_300 = vector.broadcast %logistic3A_299 : f32 to vector<1x128xf32>
      %logistic3A_301 = arith.addf %logistic3A_300, %logistic3A_298 : vector<1x128xf32>
      %logistic3A_302 = arith.divf %logistic3A_300, %logistic3A_301 : vector<1x128xf32>
      %slice3A_303 = vector.extract_strided_slice %add3A_255 {offsets = [0, 256], sizes = [1, 128], strides = [1, 1]} : vector<1x512xf32> to vector<1x128xf32>
      %tanh3A_304 = math.tanh %slice3A_303 : vector<1x128xf32>
      %slice3A_305 = vector.extract_strided_slice %add3A_255 {offsets = [0, 384], sizes = [1, 128], strides = [1, 1]} : vector<1x512xf32> to vector<1x128xf32>
      %logistic3A_306 = arith.negf %slice3A_305 : vector<1x128xf32>
      %logistic3A_307 = math.exp %logistic3A_306 : vector<1x128xf32>
      %logistic3A_308 = arith.constant 1.000000e+00 : f32
      %logistic3A_309 = vector.broadcast %logistic3A_308 : f32 to vector<1x128xf32>
      %logistic3A_310 = arith.addf %logistic3A_309, %logistic3A_307 : vector<1x128xf32>
      %logistic3A_311 = arith.divf %logistic3A_309, %logistic3A_310 : vector<1x128xf32>
      %mul3A_312 = arith.mulf %logistic3A_302, %select_n3A_222 : vector<1x128xf32>
      %mul3A_313 = arith.mulf %logistic3A_295, %tanh3A_304 : vector<1x128xf32>
      %add3A_314 = arith.addf %mul3A_312, %mul3A_313 : vector<1x128xf32>
      %tanh3A_315 = math.tanh %add3A_314 : vector<1x128xf32>
      %mul3A_316 = arith.mulf %logistic3A_311, %tanh3A_315 : vector<1x128xf32>
      %ge3A_317 = arith.constant 1 : i32
      %ge3A_318 = arith.cmpi sge, %add3A_235, %ge3A_317 : i32
      %le3A_319 = arith.constant 10000 : i32
      %le3A_320 = arith.cmpi sle, %add3A_235, %le3A_319 : i32
      %and3A_321 = arith.andi %ge3A_318, %le3A_320 : i1
      %select_n3A_322 = arith.select %and3A_321, %add3A_314, %select_n3A_222 : vector<1x128xf32>
      %slice3A_323 = vector.extract_strided_slice %concatenate3A_228 {offsets = [0, 128], sizes = [1, 128], strides = [1, 1]} : vector<1x256xf32> to vector<1x128xf32>
      %select_n3A_324 = arith.select %and3A_321, %mul3A_316, %slice3A_323 : vector<1x128xf32>
      %swap3A_325 = arith.index_cast %add3A_232 : i32 to index
      %swap3A_326 = arith.constant 0 : index
      %swap3A_327 = vector.load %arg4[%swap3A_325, %swap3A_326] : memref<1000x128xf32, #tpu.memory_space<vmem>>, vector<1x128xf32>
      tpu.vector_store %arg4[%swap3A_325, %swap3A_326], %select_n3A_324 {strides = array<i32>} : memref<1000x128xf32, #tpu.memory_space<vmem>>, vector<1x128xf32>,
      %concatenate3A_328 = tpu.concatenate %select_n3A_288, %select_n3A_324 in 1 : vector<1x128xf32>, vector<1x128xf32> -> vector<1x256xf32>
      %mul3A_329 = arith.constant 8 : i32
      %mul3A_330 = arith.muli %mul3A_329, %scan3A_36 : i32
      %add3A_331 = arith.constant 3 : i32
      %add3A_332 = arith.addi %mul3A_330, %add3A_331 : i32
      %mul3A_333 = arith.constant 1000 : i32
      %mul3A_334 = arith.muli %arg0, %mul3A_333 : i32
      %add3A_335 = arith.addi %mul3A_334, %add3A_332 : i32
      %convert_element_type3A_336 = arith.truncf %concatenate3A_328 : vector<1x256xf32> to vector<1x256xbf16>
      %slice3A_337 = vector.extract_strided_slice %convert_element_type3A_336 {offsets = [0, 0], sizes = [1, 128], strides = [1, 1]} : vector<1x256xbf16> to vector<1x128xbf16>
      %get3A_338 = arith.constant 0 : index
      %get3A_339 = arith.constant 0 : index
      %get3A_340 = vector.load %arg2[%get3A_338, %get3A_339] : memref<256x1024xbf16, #tpu.memory_space<vmem>>, vector<128x512xbf16>
      %dot_general3A_341 = arith.constant dense<0.000000e+00> : vector<1x512xf32>
      %dot_general3A_342 = tpu.matmul %slice3A_337, %get3A_340, %dot_general3A_341 {dimension_numbers = #tpu.dot_dimension_numbers<[1], [0], [0], [1], [0, 0, 1, 1], [], []>, transpose_lhs_hint = false} : vector<1x128xbf16>, vector<128x512xbf16>, vector<1x512xf32> -> vector<1x512xf32>
      %get3A_343 = arith.index_cast %add3A_332 : i32 to index
      %get3A_344 = arith.constant 0 : index
      %get3A_345 = vector.load %arg1[%get3A_343, %get3A_344] : memref<1000x512xf32, #tpu.memory_space<vmem>>, vector<1x512xf32>
      %add3A_346 = arith.addf %dot_general3A_342, %get3A_345 : vector<1x512xf32>
      %get3A_347 = arith.constant 0 : index
      %get3A_348 = arith.constant 512 : index
      %get3A_349 = vector.load %arg2[%get3A_347, %get3A_348] : memref<256x1024xbf16, #tpu.memory_space<vmem>>, vector<256x512xbf16>
      %dot_general3A_350 = arith.constant dense<0.000000e+00> : vector<1x512xf32>
      %dot_general3A_351 = tpu.matmul %convert_element_type3A_336, %get3A_349, %dot_general3A_350 {dimension_numbers = #tpu.dot_dimension_numbers<[1], [0], [0], [1], [0, 0, 1, 1], [], []>, transpose_lhs_hint = false} : vector<1x256xbf16>, vector<256x512xbf16>, vector<1x512xf32> -> vector<1x512xf32>
      %get3A_352 = arith.constant 0 : index
      %get3A_353 = arith.constant 0 : index
      %get3A_354 = vector.load %arg3[%get3A_352, %get3A_353] : memref<1x512xf32, #tpu.memory_space<vmem>>, vector<1x512xf32>
      %add3A_355 = arith.addf %dot_general3A_351, %get3A_354 : vector<1x512xf32>
      %slice3A_356 = vector.extract_strided_slice %add3A_346 {offsets = [0, 0], sizes = [1, 128], strides = [1, 1]} : vector<1x512xf32> to vector<1x128xf32>
      %logistic3A_357 = arith.negf %slice3A_356 : vector<1x128xf32>
      %logistic3A_358 = math.exp %logistic3A_357 : vector<1x128xf32>
      %logistic3A_359 = arith.constant 1.000000e+00 : f32
      %logistic3A_360 = vector.broadcast %logistic3A_359 : f32 to vector<1x128xf32>
      %logistic3A_361 = arith.addf %logistic3A_360, %logistic3A_358 : vector<1x128xf32>
      %logistic3A_362 = arith.divf %logistic3A_360, %logistic3A_361 : vector<1x128xf32>
      %slice3A_363 = vector.extract_strided_slice %add3A_346 {offsets = [0, 128], sizes = [1, 128], strides = [1, 1]} : vector<1x512xf32> to vector<1x128xf32>
      %logistic3A_364 = arith.negf %slice3A_363 : vector<1x128xf32>
      %logistic3A_365 = math.exp %logistic3A_364 : vector<1x128xf32>
      %logistic3A_366 = arith.constant 1.000000e+00 : f32
      %logistic3A_367 = vector.broadcast %logistic3A_366 : f32 to vector<1x128xf32>
      %logistic3A_368 = arith.addf %logistic3A_367, %logistic3A_365 : vector<1x128xf32>
      %logistic3A_369 = arith.divf %logistic3A_367, %logistic3A_368 : vector<1x128xf32>
      %slice3A_370 = vector.extract_strided_slice %add3A_346 {offsets = [0, 256], sizes = [1, 128], strides = [1, 1]} : vector<1x512xf32> to vector<1x128xf32>
      %tanh3A_371 = math.tanh %slice3A_370 : vector<1x128xf32>
      %slice3A_372 = vector.extract_strided_slice %add3A_346 {offsets = [0, 384], sizes = [1, 128], strides = [1, 1]} : vector<1x512xf32> to vector<1x128xf32>
      %logistic3A_373 = arith.negf %slice3A_372 : vector<1x128xf32>
      %logistic3A_374 = math.exp %logistic3A_373 : vector<1x128xf32>
      %logistic3A_375 = arith.constant 1.000000e+00 : f32
      %logistic3A_376 = vector.broadcast %logistic3A_375 : f32 to vector<1x128xf32>
      %logistic3A_377 = arith.addf %logistic3A_376, %logistic3A_374 : vector<1x128xf32>
      %logistic3A_378 = arith.divf %logistic3A_376, %logistic3A_377 : vector<1x128xf32>
      %mul3A_379 = arith.mulf %logistic3A_369, %select_n3A_286 : vector<1x128xf32>
      %mul3A_380 = arith.mulf %logistic3A_362, %tanh3A_371 : vector<1x128xf32>
      %add3A_381 = arith.addf %mul3A_379, %mul3A_380 : vector<1x128xf32>
      %tanh3A_382 = math.tanh %add3A_381 : vector<1x128xf32>
      %mul3A_383 = arith.mulf %logistic3A_378, %tanh3A_382 : vector<1x128xf32>
      %lt3A_384 = arith.constant 10000 : i32
      %lt3A_385 = arith.cmpi slt, %add3A_335, %lt3A_384 : i32
      %select_n3A_386 = arith.select %lt3A_385, %add3A_381, %select_n3A_286 : vector<1x128xf32>
      %slice3A_387 = vector.extract_strided_slice %concatenate3A_328 {offsets = [0, 0], sizes = [1, 128], strides = [1, 1]} : vector<1x256xf32> to vector<1x128xf32>
      %select_n3A_388 = arith.select %lt3A_385, %mul3A_383, %slice3A_387 : vector<1x128xf32>
      %slice3A_389 = vector.extract_strided_slice %add3A_355 {offsets = [0, 0], sizes = [1, 128], strides = [1, 1]} : vector<1x512xf32> to vector<1x128xf32>
      %logistic3A_390 = arith.negf %slice3A_389 : vector<1x128xf32>
      %logistic3A_391 = math.exp %logistic3A_390 : vector<1x128xf32>
      %logistic3A_392 = arith.constant 1.000000e+00 : f32
      %logistic3A_393 = vector.broadcast %logistic3A_392 : f32 to vector<1x128xf32>
      %logistic3A_394 = arith.addf %logistic3A_393, %logistic3A_391 : vector<1x128xf32>
      %logistic3A_395 = arith.divf %logistic3A_393, %logistic3A_394 : vector<1x128xf32>
      %slice3A_396 = vector.extract_strided_slice %add3A_355 {offsets = [0, 128], sizes = [1, 128], strides = [1, 1]} : vector<1x512xf32> to vector<1x128xf32>
      %logistic3A_397 = arith.negf %slice3A_396 : vector<1x128xf32>
      %logistic3A_398 = math.exp %logistic3A_397 : vector<1x128xf32>
      %logistic3A_399 = arith.constant 1.000000e+00 : f32
      %logistic3A_400 = vector.broadcast %logistic3A_399 : f32 to vector<1x128xf32>
      %logistic3A_401 = arith.addf %logistic3A_400, %logistic3A_398 : vector<1x128xf32>
      %logistic3A_402 = arith.divf %logistic3A_400, %logistic3A_401 : vector<1x128xf32>
      %slice3A_403 = vector.extract_strided_slice %add3A_355 {offsets = [0, 256], sizes = [1, 128], strides = [1, 1]} : vector<1x512xf32> to vector<1x128xf32>
      %tanh3A_404 = math.tanh %slice3A_403 : vector<1x128xf32>
      %slice3A_405 = vector.extract_strided_slice %add3A_355 {offsets = [0, 384], sizes = [1, 128], strides = [1, 1]} : vector<1x512xf32> to vector<1x128xf32>
      %logistic3A_406 = arith.negf %slice3A_405 : vector<1x128xf32>
      %logistic3A_407 = math.exp %logistic3A_406 : vector<1x128xf32>
      %logistic3A_408 = arith.constant 1.000000e+00 : f32
      %logistic3A_409 = vector.broadcast %logistic3A_408 : f32 to vector<1x128xf32>
      %logistic3A_410 = arith.addf %logistic3A_409, %logistic3A_407 : vector<1x128xf32>
      %logistic3A_411 = arith.divf %logistic3A_409, %logistic3A_410 : vector<1x128xf32>
      %mul3A_412 = arith.mulf %logistic3A_402, %select_n3A_322 : vector<1x128xf32>
      %mul3A_413 = arith.mulf %logistic3A_395, %tanh3A_404 : vector<1x128xf32>
      %add3A_414 = arith.addf %mul3A_412, %mul3A_413 : vector<1x128xf32>
      %tanh3A_415 = math.tanh %add3A_414 : vector<1x128xf32>
      %mul3A_416 = arith.mulf %logistic3A_411, %tanh3A_415 : vector<1x128xf32>
      %ge3A_417 = arith.constant 1 : i32
      %ge3A_418 = arith.cmpi sge, %add3A_335, %ge3A_417 : i32
      %le3A_419 = arith.constant 10000 : i32
      %le3A_420 = arith.cmpi sle, %add3A_335, %le3A_419 : i32
      %and3A_421 = arith.andi %ge3A_418, %le3A_420 : i1
      %select_n3A_422 = arith.select %and3A_421, %add3A_414, %select_n3A_322 : vector<1x128xf32>
      %slice3A_423 = vector.extract_strided_slice %concatenate3A_328 {offsets = [0, 128], sizes = [1, 128], strides = [1, 1]} : vector<1x256xf32> to vector<1x128xf32>
      %select_n3A_424 = arith.select %and3A_421, %mul3A_416, %slice3A_423 : vector<1x128xf32>
      %swap3A_425 = arith.index_cast %add3A_332 : i32 to index
      %swap3A_426 = arith.constant 0 : index
      %swap3A_427 = vector.load %arg4[%swap3A_425, %swap3A_426] : memref<1000x128xf32, #tpu.memory_space<vmem>>, vector<1x128xf32>
      tpu.vector_store %arg4[%swap3A_425, %swap3A_426], %select_n3A_424 {strides = array<i32>} : memref<1000x128xf32, #tpu.memory_space<vmem>>, vector<1x128xf32>,
      %concatenate3A_428 = tpu.concatenate %select_n3A_388, %select_n3A_424 in 1 : vector<1x128xf32>, vector<1x128xf32> -> vector<1x256xf32>
      %mul3A_429 = arith.constant 8 : i32
      %mul3A_430 = arith.muli %mul3A_429, %scan3A_36 : i32
      %add3A_431 = arith.constant 4 : i32
      %add3A_432 = arith.addi %mul3A_430, %add3A_431 : i32
      %mul3A_433 = arith.constant 1000 : i32
      %mul3A_434 = arith.muli %arg0, %mul3A_433 : i32
      %add3A_435 = arith.addi %mul3A_434, %add3A_432 : i32
      %convert_element_type3A_436 = arith.truncf %concatenate3A_428 : vector<1x256xf32> to vector<1x256xbf16>
      %slice3A_437 = vector.extract_strided_slice %convert_element_type3A_436 {offsets = [0, 0], sizes = [1, 128], strides = [1, 1]} : vector<1x256xbf16> to vector<1x128xbf16>
      %get3A_438 = arith.constant 0 : index
      %get3A_439 = arith.constant 0 : index
      %get3A_440 = vector.load %arg2[%get3A_438, %get3A_439] : memref<256x1024xbf16, #tpu.memory_space<vmem>>, vector<128x512xbf16>
      %dot_general3A_441 = arith.constant dense<0.000000e+00> : vector<1x512xf32>
      %dot_general3A_442 = tpu.matmul %slice3A_437, %get3A_440, %dot_general3A_441 {dimension_numbers = #tpu.dot_dimension_numbers<[1], [0], [0], [1], [0, 0, 1, 1], [], []>, transpose_lhs_hint = false} : vector<1x128xbf16>, vector<128x512xbf16>, vector<1x512xf32> -> vector<1x512xf32>
      %get3A_443 = arith.index_cast %add3A_432 : i32 to index
      %get3A_444 = arith.constant 0 : index
      %get3A_445 = vector.load %arg1[%get3A_443, %get3A_444] : memref<1000x512xf32, #tpu.memory_space<vmem>>, vector<1x512xf32>
      %add3A_446 = arith.addf %dot_general3A_442, %get3A_445 : vector<1x512xf32>
      %get3A_447 = arith.constant 0 : index
      %get3A_448 = arith.constant 512 : index
      %get3A_449 = vector.load %arg2[%get3A_447, %get3A_448] : memref<256x1024xbf16, #tpu.memory_space<vmem>>, vector<256x512xbf16>
      %dot_general3A_450 = arith.constant dense<0.000000e+00> : vector<1x512xf32>
      %dot_general3A_451 = tpu.matmul %convert_element_type3A_436, %get3A_449, %dot_general3A_450 {dimension_numbers = #tpu.dot_dimension_numbers<[1], [0], [0], [1], [0, 0, 1, 1], [], []>, transpose_lhs_hint = false} : vector<1x256xbf16>, vector<256x512xbf16>, vector<1x512xf32> -> vector<1x512xf32>
      %get3A_452 = arith.constant 0 : index
      %get3A_453 = arith.constant 0 : index
      %get3A_454 = vector.load %arg3[%get3A_452, %get3A_453] : memref<1x512xf32, #tpu.memory_space<vmem>>, vector<1x512xf32>
      %add3A_455 = arith.addf %dot_general3A_451, %get3A_454 : vector<1x512xf32>
      %slice3A_456 = vector.extract_strided_slice %add3A_446 {offsets = [0, 0], sizes = [1, 128], strides = [1, 1]} : vector<1x512xf32> to vector<1x128xf32>
      %logistic3A_457 = arith.negf %slice3A_456 : vector<1x128xf32>
      %logistic3A_458 = math.exp %logistic3A_457 : vector<1x128xf32>
      %logistic3A_459 = arith.constant 1.000000e+00 : f32
      %logistic3A_460 = vector.broadcast %logistic3A_459 : f32 to vector<1x128xf32>
      %logistic3A_461 = arith.addf %logistic3A_460, %logistic3A_458 : vector<1x128xf32>
      %logistic3A_462 = arith.divf %logistic3A_460, %logistic3A_461 : vector<1x128xf32>
      %slice3A_463 = vector.extract_strided_slice %add3A_446 {offsets = [0, 128], sizes = [1, 128], strides = [1, 1]} : vector<1x512xf32> to vector<1x128xf32>
      %logistic3A_464 = arith.negf %slice3A_463 : vector<1x128xf32>
      %logistic3A_465 = math.exp %logistic3A_464 : vector<1x128xf32>
      %logistic3A_466 = arith.constant 1.000000e+00 : f32
      %logistic3A_467 = vector.broadcast %logistic3A_466 : f32 to vector<1x128xf32>
      %logistic3A_468 = arith.addf %logistic3A_467, %logistic3A_465 : vector<1x128xf32>
      %logistic3A_469 = arith.divf %logistic3A_467, %logistic3A_468 : vector<1x128xf32>
      %slice3A_470 = vector.extract_strided_slice %add3A_446 {offsets = [0, 256], sizes = [1, 128], strides = [1, 1]} : vector<1x512xf32> to vector<1x128xf32>
      %tanh3A_471 = math.tanh %slice3A_470 : vector<1x128xf32>
      %slice3A_472 = vector.extract_strided_slice %add3A_446 {offsets = [0, 384], sizes = [1, 128], strides = [1, 1]} : vector<1x512xf32> to vector<1x128xf32>
      %logistic3A_473 = arith.negf %slice3A_472 : vector<1x128xf32>
      %logistic3A_474 = math.exp %logistic3A_473 : vector<1x128xf32>
      %logistic3A_475 = arith.constant 1.000000e+00 : f32
      %logistic3A_476 = vector.broadcast %logistic3A_475 : f32 to vector<1x128xf32>
      %logistic3A_477 = arith.addf %logistic3A_476, %logistic3A_474 : vector<1x128xf32>
      %logistic3A_478 = arith.divf %logistic3A_476, %logistic3A_477 : vector<1x128xf32>
      %mul3A_479 = arith.mulf %logistic3A_469, %select_n3A_386 : vector<1x128xf32>
      %mul3A_480 = arith.mulf %logistic3A_462, %tanh3A_471 : vector<1x128xf32>
      %add3A_481 = arith.addf %mul3A_479, %mul3A_480 : vector<1x128xf32>
      %tanh3A_482 = math.tanh %add3A_481 : vector<1x128xf32>
      %mul3A_483 = arith.mulf %logistic3A_478, %tanh3A_482 : vector<1x128xf32>
      %lt3A_484 = arith.constant 10000 : i32
      %lt3A_485 = arith.cmpi slt, %add3A_435, %lt3A_484 : i32
      %select_n3A_486 = arith.select %lt3A_485, %add3A_481, %select_n3A_386 : vector<1x128xf32>
      %slice3A_487 = vector.extract_strided_slice %concatenate3A_428 {offsets = [0, 0], sizes = [1, 128], strides = [1, 1]} : vector<1x256xf32> to vector<1x128xf32>
      %select_n3A_488 = arith.select %lt3A_485, %mul3A_483, %slice3A_487 : vector<1x128xf32>
      %slice3A_489 = vector.extract_strided_slice %add3A_455 {offsets = [0, 0], sizes = [1, 128], strides = [1, 1]} : vector<1x512xf32> to vector<1x128xf32>
      %logistic3A_490 = arith.negf %slice3A_489 : vector<1x128xf32>
      %logistic3A_491 = math.exp %logistic3A_490 : vector<1x128xf32>
      %logistic3A_492 = arith.constant 1.000000e+00 : f32
      %logistic3A_493 = vector.broadcast %logistic3A_492 : f32 to vector<1x128xf32>
      %logistic3A_494 = arith.addf %logistic3A_493, %logistic3A_491 : vector<1x128xf32>
      %logistic3A_495 = arith.divf %logistic3A_493, %logistic3A_494 : vector<1x128xf32>
      %slice3A_496 = vector.extract_strided_slice %add3A_455 {offsets = [0, 128], sizes = [1, 128], strides = [1, 1]} : vector<1x512xf32> to vector<1x128xf32>
      %logistic3A_497 = arith.negf %slice3A_496 : vector<1x128xf32>
      %logistic3A_498 = math.exp %logistic3A_497 : vector<1x128xf32>
      %logistic3A_499 = arith.constant 1.000000e+00 : f32
      %logistic3A_500 = vector.broadcast %logistic3A_499 : f32 to vector<1x128xf32>
      %logistic3A_501 = arith.addf %logistic3A_500, %logistic3A_498 : vector<1x128xf32>
      %logistic3A_502 = arith.divf %logistic3A_500, %logistic3A_501 : vector<1x128xf32>
      %slice3A_503 = vector.extract_strided_slice %add3A_455 {offsets = [0, 256], sizes = [1, 128], strides = [1, 1]} : vector<1x512xf32> to vector<1x128xf32>
      %tanh3A_504 = math.tanh %slice3A_503 : vector<1x128xf32>
      %slice3A_505 = vector.extract_strided_slice %add3A_455 {offsets = [0, 384], sizes = [1, 128], strides = [1, 1]} : vector<1x512xf32> to vector<1x128xf32>
      %logistic3A_506 = arith.negf %slice3A_505 : vector<1x128xf32>
      %logistic3A_507 = math.exp %logistic3A_506 : vector<1x128xf32>
      %logistic3A_508 = arith.constant 1.000000e+00 : f32
      %logistic3A_509 = vector.broadcast %logistic3A_508 : f32 to vector<1x128xf32>
      %logistic3A_510 = arith.addf %logistic3A_509, %logistic3A_507 : vector<1x128xf32>
      %logistic3A_511 = arith.divf %logistic3A_509, %logistic3A_510 : vector<1x128xf32>
      %mul3A_512 = arith.mulf %logistic3A_502, %select_n3A_422 : vector<1x128xf32>
      %mul3A_513 = arith.mulf %logistic3A_495, %tanh3A_504 : vector<1x128xf32>
      %add3A_514 = arith.addf %mul3A_512, %mul3A_513 : vector<1x128xf32>
      %tanh3A_515 = math.tanh %add3A_514 : vector<1x128xf32>
      %mul3A_516 = arith.mulf %logistic3A_511, %tanh3A_515 : vector<1x128xf32>
      %ge3A_517 = arith.constant 1 : i32
      %ge3A_518 = arith.cmpi sge, %add3A_435, %ge3A_517 : i32
      %le3A_519 = arith.constant 10000 : i32
      %le3A_520 = arith.cmpi sle, %add3A_435, %le3A_519 : i32
      %and3A_521 = arith.andi %ge3A_518, %le3A_520 : i1
      %select_n3A_522 = arith.select %and3A_521, %add3A_514, %select_n3A_422 : vector<1x128xf32>
      %slice3A_523 = vector.extract_strided_slice %concatenate3A_428 {offsets = [0, 128], sizes = [1, 128], strides = [1, 1]} : vector<1x256xf32> to vector<1x128xf32>
      %select_n3A_524 = arith.select %and3A_521, %mul3A_516, %slice3A_523 : vector<1x128xf32>
      %swap3A_525 = arith.index_cast %add3A_432 : i32 to index
      %swap3A_526 = arith.constant 0 : index
      %swap3A_527 = vector.load %arg4[%swap3A_525, %swap3A_526] : memref<1000x128xf32, #tpu.memory_space<vmem>>, vector<1x128xf32>
      tpu.vector_store %arg4[%swap3A_525, %swap3A_526], %select_n3A_524 {strides = array<i32>} : memref<1000x128xf32, #tpu.memory_space<vmem>>, vector<1x128xf32>,
      %concatenate3A_528 = tpu.concatenate %select_n3A_488, %select_n3A_524 in 1 : vector<1x128xf32>, vector<1x128xf32> -> vector<1x256xf32>
      %mul3A_529 = arith.constant 8 : i32
      %mul3A_530 = arith.muli %mul3A_529, %scan3A_36 : i32
      %add3A_531 = arith.constant 5 : i32
      %add3A_532 = arith.addi %mul3A_530, %add3A_531 : i32
      %mul3A_533 = arith.constant 1000 : i32
      %mul3A_534 = arith.muli %arg0, %mul3A_533 : i32
      %add3A_535 = arith.addi %mul3A_534, %add3A_532 : i32
      %convert_element_type3A_536 = arith.truncf %concatenate3A_528 : vector<1x256xf32> to vector<1x256xbf16>
      %slice3A_537 = vector.extract_strided_slice %convert_element_type3A_536 {offsets = [0, 0], sizes = [1, 128], strides = [1, 1]} : vector<1x256xbf16> to vector<1x128xbf16>
      %get3A_538 = arith.constant 0 : index
      %get3A_539 = arith.constant 0 : index
      %get3A_540 = vector.load %arg2[%get3A_538, %get3A_539] : memref<256x1024xbf16, #tpu.memory_space<vmem>>, vector<128x512xbf16>
      %dot_general3A_541 = arith.constant dense<0.000000e+00> : vector<1x512xf32>
      %dot_general3A_542 = tpu.matmul %slice3A_537, %get3A_540, %dot_general3A_541 {dimension_numbers = #tpu.dot_dimension_numbers<[1], [0], [0], [1], [0, 0, 1, 1], [], []>, transpose_lhs_hint = false} : vector<1x128xbf16>, vector<128x512xbf16>, vector<1x512xf32> -> vector<1x512xf32>
      %get3A_543 = arith.index_cast %add3A_532 : i32 to index
      %get3A_544 = arith.constant 0 : index
      %get3A_545 = vector.load %arg1[%get3A_543, %get3A_544] : memref<1000x512xf32, #tpu.memory_space<vmem>>, vector<1x512xf32>
      %add3A_546 = arith.addf %dot_general3A_542, %get3A_545 : vector<1x512xf32>
      %get3A_547 = arith.constant 0 : index
      %get3A_548 = arith.constant 512 : index
      %get3A_549 = vector.load %arg2[%get3A_547, %get3A_548] : memref<256x1024xbf16, #tpu.memory_space<vmem>>, vector<256x512xbf16>
      %dot_general3A_550 = arith.constant dense<0.000000e+00> : vector<1x512xf32>
      %dot_general3A_551 = tpu.matmul %convert_element_type3A_536, %get3A_549, %dot_general3A_550 {dimension_numbers = #tpu.dot_dimension_numbers<[1], [0], [0], [1], [0, 0, 1, 1], [], []>, transpose_lhs_hint = false} : vector<1x256xbf16>, vector<256x512xbf16>, vector<1x512xf32> -> vector<1x512xf32>
      %get3A_552 = arith.constant 0 : index
      %get3A_553 = arith.constant 0 : index
      %get3A_554 = vector.load %arg3[%get3A_552, %get3A_553] : memref<1x512xf32, #tpu.memory_space<vmem>>, vector<1x512xf32>
      %add3A_555 = arith.addf %dot_general3A_551, %get3A_554 : vector<1x512xf32>
      %slice3A_556 = vector.extract_strided_slice %add3A_546 {offsets = [0, 0], sizes = [1, 128], strides = [1, 1]} : vector<1x512xf32> to vector<1x128xf32>
      %logistic3A_557 = arith.negf %slice3A_556 : vector<1x128xf32>
      %logistic3A_558 = math.exp %logistic3A_557 : vector<1x128xf32>
      %logistic3A_559 = arith.constant 1.000000e+00 : f32
      %logistic3A_560 = vector.broadcast %logistic3A_559 : f32 to vector<1x128xf32>
      %logistic3A_561 = arith.addf %logistic3A_560, %logistic3A_558 : vector<1x128xf32>
      %logistic3A_562 = arith.divf %logistic3A_560, %logistic3A_561 : vector<1x128xf32>
      %slice3A_563 = vector.extract_strided_slice %add3A_546 {offsets = [0, 128], sizes = [1, 128], strides = [1, 1]} : vector<1x512xf32> to vector<1x128xf32>
      %logistic3A_564 = arith.negf %slice3A_563 : vector<1x128xf32>
      %logistic3A_565 = math.exp %logistic3A_564 : vector<1x128xf32>
      %logistic3A_566 = arith.constant 1.000000e+00 : f32
      %logistic3A_567 = vector.broadcast %logistic3A_566 : f32 to vector<1x128xf32>
      %logistic3A_568 = arith.addf %logistic3A_567, %logistic3A_565 : vector<1x128xf32>
      %logistic3A_569 = arith.divf %logistic3A_567, %logistic3A_568 : vector<1x128xf32>
      %slice3A_570 = vector.extract_strided_slice %add3A_546 {offsets = [0, 256], sizes = [1, 128], strides = [1, 1]} : vector<1x512xf32> to vector<1x128xf32>
      %tanh3A_571 = math.tanh %slice3A_570 : vector<1x128xf32>
      %slice3A_572 = vector.extract_strided_slice %add3A_546 {offsets = [0, 384], sizes = [1, 128], strides = [1, 1]} : vector<1x512xf32> to vector<1x128xf32>
      %logistic3A_573 = arith.negf %slice3A_572 : vector<1x128xf32>
      %logistic3A_574 = math.exp %logistic3A_573 : vector<1x128xf32>
      %logistic3A_575 = arith.constant 1.000000e+00 : f32
      %logistic3A_576 = vector.broadcast %logistic3A_575 : f32 to vector<1x128xf32>
      %logistic3A_577 = arith.addf %logistic3A_576, %logistic3A_574 : vector<1x128xf32>
      %logistic3A_578 = arith.divf %logistic3A_576, %logistic3A_577 : vector<1x128xf32>
      %mul3A_579 = arith.mulf %logistic3A_569, %select_n3A_486 : vector<1x128xf32>
      %mul3A_580 = arith.mulf %logistic3A_562, %tanh3A_571 : vector<1x128xf32>
      %add3A_581 = arith.addf %mul3A_579, %mul3A_580 : vector<1x128xf32>
      %tanh3A_582 = math.tanh %add3A_581 : vector<1x128xf32>
      %mul3A_583 = arith.mulf %logistic3A_578, %tanh3A_582 : vector<1x128xf32>
      %lt3A_584 = arith.constant 10000 : i32
      %lt3A_585 = arith.cmpi slt, %add3A_535, %lt3A_584 : i32
      %select_n3A_586 = arith.select %lt3A_585, %add3A_581, %select_n3A_486 : vector<1x128xf32>
      %slice3A_587 = vector.extract_strided_slice %concatenate3A_528 {offsets = [0, 0], sizes = [1, 128], strides = [1, 1]} : vector<1x256xf32> to vector<1x128xf32>
      %select_n3A_588 = arith.select %lt3A_585, %mul3A_583, %slice3A_587 : vector<1x128xf32>
      %slice3A_589 = vector.extract_strided_slice %add3A_555 {offsets = [0, 0], sizes = [1, 128], strides = [1, 1]} : vector<1x512xf32> to vector<1x128xf32>
      %logistic3A_590 = arith.negf %slice3A_589 : vector<1x128xf32>
      %logistic3A_591 = math.exp %logistic3A_590 : vector<1x128xf32>
      %logistic3A_592 = arith.constant 1.000000e+00 : f32
      %logistic3A_593 = vector.broadcast %logistic3A_592 : f32 to vector<1x128xf32>
      %logistic3A_594 = arith.addf %logistic3A_593, %logistic3A_591 : vector<1x128xf32>
      %logistic3A_595 = arith.divf %logistic3A_593, %logistic3A_594 : vector<1x128xf32>
      %slice3A_596 = vector.extract_strided_slice %add3A_555 {offsets = [0, 128], sizes = [1, 128], strides = [1, 1]} : vector<1x512xf32> to vector<1x128xf32>
      %logistic3A_597 = arith.negf %slice3A_596 : vector<1x128xf32>
      %logistic3A_598 = math.exp %logistic3A_597 : vector<1x128xf32>
      %logistic3A_599 = arith.constant 1.000000e+00 : f32
      %logistic3A_600 = vector.broadcast %logistic3A_599 : f32 to vector<1x128xf32>
      %logistic3A_601 = arith.addf %logistic3A_600, %logistic3A_598 : vector<1x128xf32>
      %logistic3A_602 = arith.divf %logistic3A_600, %logistic3A_601 : vector<1x128xf32>
      %slice3A_603 = vector.extract_strided_slice %add3A_555 {offsets = [0, 256], sizes = [1, 128], strides = [1, 1]} : vector<1x512xf32> to vector<1x128xf32>
      %tanh3A_604 = math.tanh %slice3A_603 : vector<1x128xf32>
      %slice3A_605 = vector.extract_strided_slice %add3A_555 {offsets = [0, 384], sizes = [1, 128], strides = [1, 1]} : vector<1x512xf32> to vector<1x128xf32>
      %logistic3A_606 = arith.negf %slice3A_605 : vector<1x128xf32>
      %logistic3A_607 = math.exp %logistic3A_606 : vector<1x128xf32>
      %logistic3A_608 = arith.constant 1.000000e+00 : f32
      %logistic3A_609 = vector.broadcast %logistic3A_608 : f32 to vector<1x128xf32>
      %logistic3A_610 = arith.addf %logistic3A_609, %logistic3A_607 : vector<1x128xf32>
      %logistic3A_611 = arith.divf %logistic3A_609, %logistic3A_610 : vector<1x128xf32>
      %mul3A_612 = arith.mulf %logistic3A_602, %select_n3A_522 : vector<1x128xf32>
      %mul3A_613 = arith.mulf %logistic3A_595, %tanh3A_604 : vector<1x128xf32>
      %add3A_614 = arith.addf %mul3A_612, %mul3A_613 : vector<1x128xf32>
      %tanh3A_615 = math.tanh %add3A_614 : vector<1x128xf32>
      %mul3A_616 = arith.mulf %logistic3A_611, %tanh3A_615 : vector<1x128xf32>
      %ge3A_617 = arith.constant 1 : i32
      %ge3A_618 = arith.cmpi sge, %add3A_535, %ge3A_617 : i32
      %le3A_619 = arith.constant 10000 : i32
      %le3A_620 = arith.cmpi sle, %add3A_535, %le3A_619 : i32
      %and3A_621 = arith.andi %ge3A_618, %le3A_620 : i1
      %select_n3A_622 = arith.select %and3A_621, %add3A_614, %select_n3A_522 : vector<1x128xf32>
      %slice3A_623 = vector.extract_strided_slice %concatenate3A_528 {offsets = [0, 128], sizes = [1, 128], strides = [1, 1]} : vector<1x256xf32> to vector<1x128xf32>
      %select_n3A_624 = arith.select %and3A_621, %mul3A_616, %slice3A_623 : vector<1x128xf32>
      %swap3A_625 = arith.index_cast %add3A_532 : i32 to index
      %swap3A_626 = arith.constant 0 : index
      %swap3A_627 = vector.load %arg4[%swap3A_625, %swap3A_626] : memref<1000x128xf32, #tpu.memory_space<vmem>>, vector<1x128xf32>
      tpu.vector_store %arg4[%swap3A_625, %swap3A_626], %select_n3A_624 {strides = array<i32>} : memref<1000x128xf32, #tpu.memory_space<vmem>>, vector<1x128xf32>,
      %concatenate3A_628 = tpu.concatenate %select_n3A_588, %select_n3A_624 in 1 : vector<1x128xf32>, vector<1x128xf32> -> vector<1x256xf32>
      %mul3A_629 = arith.constant 8 : i32
      %mul3A_630 = arith.muli %mul3A_629, %scan3A_36 : i32
      %add3A_631 = arith.constant 6 : i32
      %add3A_632 = arith.addi %mul3A_630, %add3A_631 : i32
      %mul3A_633 = arith.constant 1000 : i32
      %mul3A_634 = arith.muli %arg0, %mul3A_633 : i32
      %add3A_635 = arith.addi %mul3A_634, %add3A_632 : i32
      %convert_element_type3A_636 = arith.truncf %concatenate3A_628 : vector<1x256xf32> to vector<1x256xbf16>
      %slice3A_637 = vector.extract_strided_slice %convert_element_type3A_636 {offsets = [0, 0], sizes = [1, 128], strides = [1, 1]} : vector<1x256xbf16> to vector<1x128xbf16>
      %get3A_638 = arith.constant 0 : index
      %get3A_639 = arith.constant 0 : index
      %get3A_640 = vector.load %arg2[%get3A_638, %get3A_639] : memref<256x1024xbf16, #tpu.memory_space<vmem>>, vector<128x512xbf16>
      %dot_general3A_641 = arith.constant dense<0.000000e+00> : vector<1x512xf32>
      %dot_general3A_642 = tpu.matmul %slice3A_637, %get3A_640, %dot_general3A_641 {dimension_numbers = #tpu.dot_dimension_numbers<[1], [0], [0], [1], [0, 0, 1, 1], [], []>, transpose_lhs_hint = false} : vector<1x128xbf16>, vector<128x512xbf16>, vector<1x512xf32> -> vector<1x512xf32>
      %get3A_643 = arith.index_cast %add3A_632 : i32 to index
      %get3A_644 = arith.constant 0 : index
      %get3A_645 = vector.load %arg1[%get3A_643, %get3A_644] : memref<1000x512xf32, #tpu.memory_space<vmem>>, vector<1x512xf32>
      %add3A_646 = arith.addf %dot_general3A_642, %get3A_645 : vector<1x512xf32>
      %get3A_647 = arith.constant 0 : index
      %get3A_648 = arith.constant 512 : index
      %get3A_649 = vector.load %arg2[%get3A_647, %get3A_648] : memref<256x1024xbf16, #tpu.memory_space<vmem>>, vector<256x512xbf16>
      %dot_general3A_650 = arith.constant dense<0.000000e+00> : vector<1x512xf32>
      %dot_general3A_651 = tpu.matmul %convert_element_type3A_636, %get3A_649, %dot_general3A_650 {dimension_numbers = #tpu.dot_dimension_numbers<[1], [0], [0], [1], [0, 0, 1, 1], [], []>, transpose_lhs_hint = false} : vector<1x256xbf16>, vector<256x512xbf16>, vector<1x512xf32> -> vector<1x512xf32>
      %get3A_652 = arith.constant 0 : index
      %get3A_653 = arith.constant 0 : index
      %get3A_654 = vector.load %arg3[%get3A_652, %get3A_653] : memref<1x512xf32, #tpu.memory_space<vmem>>, vector<1x512xf32>
      %add3A_655 = arith.addf %dot_general3A_651, %get3A_654 : vector<1x512xf32>
      %slice3A_656 = vector.extract_strided_slice %add3A_646 {offsets = [0, 0], sizes = [1, 128], strides = [1, 1]} : vector<1x512xf32> to vector<1x128xf32>
      %logistic3A_657 = arith.negf %slice3A_656 : vector<1x128xf32>
      %logistic3A_658 = math.exp %logistic3A_657 : vector<1x128xf32>
      %logistic3A_659 = arith.constant 1.000000e+00 : f32
      %logistic3A_660 = vector.broadcast %logistic3A_659 : f32 to vector<1x128xf32>
      %logistic3A_661 = arith.addf %logistic3A_660, %logistic3A_658 : vector<1x128xf32>
      %logistic3A_662 = arith.divf %logistic3A_660, %logistic3A_661 : vector<1x128xf32>
      %slice3A_663 = vector.extract_strided_slice %add3A_646 {offsets = [0, 128], sizes = [1, 128], strides = [1, 1]} : vector<1x512xf32> to vector<1x128xf32>
      %logistic3A_664 = arith.negf %slice3A_663 : vector<1x128xf32>
      %logistic3A_665 = math.exp %logistic3A_664 : vector<1x128xf32>
      %logistic3A_666 = arith.constant 1.000000e+00 : f32
      %logistic3A_667 = vector.broadcast %logistic3A_666 : f32 to vector<1x128xf32>
      %logistic3A_668 = arith.addf %logistic3A_667, %logistic3A_665 : vector<1x128xf32>
      %logistic3A_669 = arith.divf %logistic3A_667, %logistic3A_668 : vector<1x128xf32>
      %slice3A_670 = vector.extract_strided_slice %add3A_646 {offsets = [0, 256], sizes = [1, 128], strides = [1, 1]} : vector<1x512xf32> to vector<1x128xf32>
      %tanh3A_671 = math.tanh %slice3A_670 : vector<1x128xf32>
      %slice3A_672 = vector.extract_strided_slice %add3A_646 {offsets = [0, 384], sizes = [1, 128], strides = [1, 1]} : vector<1x512xf32> to vector<1x128xf32>
      %logistic3A_673 = arith.negf %slice3A_672 : vector<1x128xf32>
      %logistic3A_674 = math.exp %logistic3A_673 : vector<1x128xf32>
      %logistic3A_675 = arith.constant 1.000000e+00 : f32
      %logistic3A_676 = vector.broadcast %logistic3A_675 : f32 to vector<1x128xf32>
      %logistic3A_677 = arith.addf %logistic3A_676, %logistic3A_674 : vector<1x128xf32>
      %logistic3A_678 = arith.divf %logistic3A_676, %logistic3A_677 : vector<1x128xf32>
      %mul3A_679 = arith.mulf %logistic3A_669, %select_n3A_586 : vector<1x128xf32>
      %mul3A_680 = arith.mulf %logistic3A_662, %tanh3A_671 : vector<1x128xf32>
      %add3A_681 = arith.addf %mul3A_679, %mul3A_680 : vector<1x128xf32>
      %tanh3A_682 = math.tanh %add3A_681 : vector<1x128xf32>
      %mul3A_683 = arith.mulf %logistic3A_678, %tanh3A_682 : vector<1x128xf32>
      %lt3A_684 = arith.constant 10000 : i32
      %lt3A_685 = arith.cmpi slt, %add3A_635, %lt3A_684 : i32
      %select_n3A_686 = arith.select %lt3A_685, %add3A_681, %select_n3A_586 : vector<1x128xf32>
      %slice3A_687 = vector.extract_strided_slice %concatenate3A_628 {offsets = [0, 0], sizes = [1, 128], strides = [1, 1]} : vector<1x256xf32> to vector<1x128xf32>
      %select_n3A_688 = arith.select %lt3A_685, %mul3A_683, %slice3A_687 : vector<1x128xf32>
      %slice3A_689 = vector.extract_strided_slice %add3A_655 {offsets = [0, 0], sizes = [1, 128], strides = [1, 1]} : vector<1x512xf32> to vector<1x128xf32>
      %logistic3A_690 = arith.negf %slice3A_689 : vector<1x128xf32>
      %logistic3A_691 = math.exp %logistic3A_690 : vector<1x128xf32>
      %logistic3A_692 = arith.constant 1.000000e+00 : f32
      %logistic3A_693 = vector.broadcast %logistic3A_692 : f32 to vector<1x128xf32>
      %logistic3A_694 = arith.addf %logistic3A_693, %logistic3A_691 : vector<1x128xf32>
      %logistic3A_695 = arith.divf %logistic3A_693, %logistic3A_694 : vector<1x128xf32>
      %slice3A_696 = vector.extract_strided_slice %add3A_655 {offsets = [0, 128], sizes = [1, 128], strides = [1, 1]} : vector<1x512xf32> to vector<1x128xf32>
      %logistic3A_697 = arith.negf %slice3A_696 : vector<1x128xf32>
      %logistic3A_698 = math.exp %logistic3A_697 : vector<1x128xf32>
      %logistic3A_699 = arith.constant 1.000000e+00 : f32
      %logistic3A_700 = vector.broadcast %logistic3A_699 : f32 to vector<1x128xf32>
      %logistic3A_701 = arith.addf %logistic3A_700, %logistic3A_698 : vector<1x128xf32>
      %logistic3A_702 = arith.divf %logistic3A_700, %logistic3A_701 : vector<1x128xf32>
      %slice3A_703 = vector.extract_strided_slice %add3A_655 {offsets = [0, 256], sizes = [1, 128], strides = [1, 1]} : vector<1x512xf32> to vector<1x128xf32>
      %tanh3A_704 = math.tanh %slice3A_703 : vector<1x128xf32>
      %slice3A_705 = vector.extract_strided_slice %add3A_655 {offsets = [0, 384], sizes = [1, 128], strides = [1, 1]} : vector<1x512xf32> to vector<1x128xf32>
      %logistic3A_706 = arith.negf %slice3A_705 : vector<1x128xf32>
      %logistic3A_707 = math.exp %logistic3A_706 : vector<1x128xf32>
      %logistic3A_708 = arith.constant 1.000000e+00 : f32
      %logistic3A_709 = vector.broadcast %logistic3A_708 : f32 to vector<1x128xf32>
      %logistic3A_710 = arith.addf %logistic3A_709, %logistic3A_707 : vector<1x128xf32>
      %logistic3A_711 = arith.divf %logistic3A_709, %logistic3A_710 : vector<1x128xf32>
      %mul3A_712 = arith.mulf %logistic3A_702, %select_n3A_622 : vector<1x128xf32>
      %mul3A_713 = arith.mulf %logistic3A_695, %tanh3A_704 : vector<1x128xf32>
      %add3A_714 = arith.addf %mul3A_712, %mul3A_713 : vector<1x128xf32>
      %tanh3A_715 = math.tanh %add3A_714 : vector<1x128xf32>
      %mul3A_716 = arith.mulf %logistic3A_711, %tanh3A_715 : vector<1x128xf32>
      %ge3A_717 = arith.constant 1 : i32
      %ge3A_718 = arith.cmpi sge, %add3A_635, %ge3A_717 : i32
      %le3A_719 = arith.constant 10000 : i32
      %le3A_720 = arith.cmpi sle, %add3A_635, %le3A_719 : i32
      %and3A_721 = arith.andi %ge3A_718, %le3A_720 : i1
      %select_n3A_722 = arith.select %and3A_721, %add3A_714, %select_n3A_622 : vector<1x128xf32>
      %slice3A_723 = vector.extract_strided_slice %concatenate3A_628 {offsets = [0, 128], sizes = [1, 128], strides = [1, 1]} : vector<1x256xf32> to vector<1x128xf32>
      %select_n3A_724 = arith.select %and3A_721, %mul3A_716, %slice3A_723 : vector<1x128xf32>
      %swap3A_725 = arith.index_cast %add3A_632 : i32 to index
      %swap3A_726 = arith.constant 0 : index
      %swap3A_727 = vector.load %arg4[%swap3A_725, %swap3A_726] : memref<1000x128xf32, #tpu.memory_space<vmem>>, vector<1x128xf32>
      tpu.vector_store %arg4[%swap3A_725, %swap3A_726], %select_n3A_724 {strides = array<i32>} : memref<1000x128xf32, #tpu.memory_space<vmem>>, vector<1x128xf32>,
      %concatenate3A_728 = tpu.concatenate %select_n3A_688, %select_n3A_724 in 1 : vector<1x128xf32>, vector<1x128xf32> -> vector<1x256xf32>
      %mul3A_729 = arith.constant 8 : i32
      %mul3A_730 = arith.muli %mul3A_729, %scan3A_36 : i32
      %add3A_731 = arith.constant 7 : i32
      %add3A_732 = arith.addi %mul3A_730, %add3A_731 : i32
      %mul3A_733 = arith.constant 1000 : i32
      %mul3A_734 = arith.muli %arg0, %mul3A_733 : i32
      %add3A_735 = arith.addi %mul3A_734, %add3A_732 : i32
      %convert_element_type3A_736 = arith.truncf %concatenate3A_728 : vector<1x256xf32> to vector<1x256xbf16>
      %slice3A_737 = vector.extract_strided_slice %convert_element_type3A_736 {offsets = [0, 0], sizes = [1, 128], strides = [1, 1]} : vector<1x256xbf16> to vector<1x128xbf16>
      %get3A_738 = arith.constant 0 : index
      %get3A_739 = arith.constant 0 : index
      %get3A_740 = vector.load %arg2[%get3A_738, %get3A_739] : memref<256x1024xbf16, #tpu.memory_space<vmem>>, vector<128x512xbf16>
      %dot_general3A_741 = arith.constant dense<0.000000e+00> : vector<1x512xf32>
      %dot_general3A_742 = tpu.matmul %slice3A_737, %get3A_740, %dot_general3A_741 {dimension_numbers = #tpu.dot_dimension_numbers<[1], [0], [0], [1], [0, 0, 1, 1], [], []>, transpose_lhs_hint = false} : vector<1x128xbf16>, vector<128x512xbf16>, vector<1x512xf32> -> vector<1x512xf32>
      %get3A_743 = arith.index_cast %add3A_732 : i32 to index
      %get3A_744 = arith.constant 0 : index
      %get3A_745 = vector.load %arg1[%get3A_743, %get3A_744] : memref<1000x512xf32, #tpu.memory_space<vmem>>, vector<1x512xf32>
      %add3A_746 = arith.addf %dot_general3A_742, %get3A_745 : vector<1x512xf32>
      %get3A_747 = arith.constant 0 : index
      %get3A_748 = arith.constant 512 : index
      %get3A_749 = vector.load %arg2[%get3A_747, %get3A_748] : memref<256x1024xbf16, #tpu.memory_space<vmem>>, vector<256x512xbf16>
      %dot_general3A_750 = arith.constant dense<0.000000e+00> : vector<1x512xf32>
      %dot_general3A_751 = tpu.matmul %convert_element_type3A_736, %get3A_749, %dot_general3A_750 {dimension_numbers = #tpu.dot_dimension_numbers<[1], [0], [0], [1], [0, 0, 1, 1], [], []>, transpose_lhs_hint = false} : vector<1x256xbf16>, vector<256x512xbf16>, vector<1x512xf32> -> vector<1x512xf32>
      %get3A_752 = arith.constant 0 : index
      %get3A_753 = arith.constant 0 : index
      %get3A_754 = vector.load %arg3[%get3A_752, %get3A_753] : memref<1x512xf32, #tpu.memory_space<vmem>>, vector<1x512xf32>
      %add3A_755 = arith.addf %dot_general3A_751, %get3A_754 : vector<1x512xf32>
      %slice3A_756 = vector.extract_strided_slice %add3A_746 {offsets = [0, 0], sizes = [1, 128], strides = [1, 1]} : vector<1x512xf32> to vector<1x128xf32>
      %logistic3A_757 = arith.negf %slice3A_756 : vector<1x128xf32>
      %logistic3A_758 = math.exp %logistic3A_757 : vector<1x128xf32>
      %logistic3A_759 = arith.constant 1.000000e+00 : f32
      %logistic3A_760 = vector.broadcast %logistic3A_759 : f32 to vector<1x128xf32>
      %logistic3A_761 = arith.addf %logistic3A_760, %logistic3A_758 : vector<1x128xf32>
      %logistic3A_762 = arith.divf %logistic3A_760, %logistic3A_761 : vector<1x128xf32>
      %slice3A_763 = vector.extract_strided_slice %add3A_746 {offsets = [0, 128], sizes = [1, 128], strides = [1, 1]} : vector<1x512xf32> to vector<1x128xf32>
      %logistic3A_764 = arith.negf %slice3A_763 : vector<1x128xf32>
      %logistic3A_765 = math.exp %logistic3A_764 : vector<1x128xf32>
      %logistic3A_766 = arith.constant 1.000000e+00 : f32
      %logistic3A_767 = vector.broadcast %logistic3A_766 : f32 to vector<1x128xf32>
      %logistic3A_768 = arith.addf %logistic3A_767, %logistic3A_765 : vector<1x128xf32>
      %logistic3A_769 = arith.divf %logistic3A_767, %logistic3A_768 : vector<1x128xf32>
      %slice3A_770 = vector.extract_strided_slice %add3A_746 {offsets = [0, 256], sizes = [1, 128], strides = [1, 1]} : vector<1x512xf32> to vector<1x128xf32>
      %tanh3A_771 = math.tanh %slice3A_770 : vector<1x128xf32>
      %slice3A_772 = vector.extract_strided_slice %add3A_746 {offsets = [0, 384], sizes = [1, 128], strides = [1, 1]} : vector<1x512xf32> to vector<1x128xf32>
      %logistic3A_773 = arith.negf %slice3A_772 : vector<1x128xf32>
      %logistic3A_774 = math.exp %logistic3A_773 : vector<1x128xf32>
      %logistic3A_775 = arith.constant 1.000000e+00 : f32
      %logistic3A_776 = vector.broadcast %logistic3A_775 : f32 to vector<1x128xf32>
      %logistic3A_777 = arith.addf %logistic3A_776, %logistic3A_774 : vector<1x128xf32>
      %logistic3A_778 = arith.divf %logistic3A_776, %logistic3A_777 : vector<1x128xf32>
      %mul3A_779 = arith.mulf %logistic3A_769, %select_n3A_686 : vector<1x128xf32>
      %mul3A_780 = arith.mulf %logistic3A_762, %tanh3A_771 : vector<1x128xf32>
      %add3A_781 = arith.addf %mul3A_779, %mul3A_780 : vector<1x128xf32>
      %tanh3A_782 = math.tanh %add3A_781 : vector<1x128xf32>
      %mul3A_783 = arith.mulf %logistic3A_778, %tanh3A_782 : vector<1x128xf32>
      %lt3A_784 = arith.constant 10000 : i32
      %lt3A_785 = arith.cmpi slt, %add3A_735, %lt3A_784 : i32
      %select_n3A_786 = arith.select %lt3A_785, %add3A_781, %select_n3A_686 : vector<1x128xf32>
      %slice3A_787 = vector.extract_strided_slice %concatenate3A_728 {offsets = [0, 0], sizes = [1, 128], strides = [1, 1]} : vector<1x256xf32> to vector<1x128xf32>
      %select_n3A_788 = arith.select %lt3A_785, %mul3A_783, %slice3A_787 : vector<1x128xf32>
      %slice3A_789 = vector.extract_strided_slice %add3A_755 {offsets = [0, 0], sizes = [1, 128], strides = [1, 1]} : vector<1x512xf32> to vector<1x128xf32>
      %logistic3A_790 = arith.negf %slice3A_789 : vector<1x128xf32>
      %logistic3A_791 = math.exp %logistic3A_790 : vector<1x128xf32>
      %logistic3A_792 = arith.constant 1.000000e+00 : f32
      %logistic3A_793 = vector.broadcast %logistic3A_792 : f32 to vector<1x128xf32>
      %logistic3A_794 = arith.addf %logistic3A_793, %logistic3A_791 : vector<1x128xf32>
      %logistic3A_795 = arith.divf %logistic3A_793, %logistic3A_794 : vector<1x128xf32>
      %slice3A_796 = vector.extract_strided_slice %add3A_755 {offsets = [0, 128], sizes = [1, 128], strides = [1, 1]} : vector<1x512xf32> to vector<1x128xf32>
      %logistic3A_797 = arith.negf %slice3A_796 : vector<1x128xf32>
      %logistic3A_798 = math.exp %logistic3A_797 : vector<1x128xf32>
      %logistic3A_799 = arith.constant 1.000000e+00 : f32
      %logistic3A_800 = vector.broadcast %logistic3A_799 : f32 to vector<1x128xf32>
      %logistic3A_801 = arith.addf %logistic3A_800, %logistic3A_798 : vector<1x128xf32>
      %logistic3A_802 = arith.divf %logistic3A_800, %logistic3A_801 : vector<1x128xf32>
      %slice3A_803 = vector.extract_strided_slice %add3A_755 {offsets = [0, 256], sizes = [1, 128], strides = [1, 1]} : vector<1x512xf32> to vector<1x128xf32>
      %tanh3A_804 = math.tanh %slice3A_803 : vector<1x128xf32>
      %slice3A_805 = vector.extract_strided_slice %add3A_755 {offsets = [0, 384], sizes = [1, 128], strides = [1, 1]} : vector<1x512xf32> to vector<1x128xf32>
      %logistic3A_806 = arith.negf %slice3A_805 : vector<1x128xf32>
      %logistic3A_807 = math.exp %logistic3A_806 : vector<1x128xf32>
      %logistic3A_808 = arith.constant 1.000000e+00 : f32
      %logistic3A_809 = vector.broadcast %logistic3A_808 : f32 to vector<1x128xf32>
      %logistic3A_810 = arith.addf %logistic3A_809, %logistic3A_807 : vector<1x128xf32>
      %logistic3A_811 = arith.divf %logistic3A_809, %logistic3A_810 : vector<1x128xf32>
      %mul3A_812 = arith.mulf %logistic3A_802, %select_n3A_722 : vector<1x128xf32>
      %mul3A_813 = arith.mulf %logistic3A_795, %tanh3A_804 : vector<1x128xf32>
      %add3A_814 = arith.addf %mul3A_812, %mul3A_813 : vector<1x128xf32>
      %tanh3A_815 = math.tanh %add3A_814 : vector<1x128xf32>
      %mul3A_816 = arith.mulf %logistic3A_811, %tanh3A_815 : vector<1x128xf32>
      %ge3A_817 = arith.constant 1 : i32
      %ge3A_818 = arith.cmpi sge, %add3A_735, %ge3A_817 : i32
      %le3A_819 = arith.constant 10000 : i32
      %le3A_820 = arith.cmpi sle, %add3A_735, %le3A_819 : i32
      %and3A_821 = arith.andi %ge3A_818, %le3A_820 : i1
      %select_n3A_822 = arith.select %and3A_821, %add3A_814, %select_n3A_722 : vector<1x128xf32>
      %slice3A_823 = vector.extract_strided_slice %concatenate3A_728 {offsets = [0, 128], sizes = [1, 128], strides = [1, 1]} : vector<1x256xf32> to vector<1x128xf32>
      %select_n3A_824 = arith.select %and3A_821, %mul3A_816, %slice3A_823 : vector<1x128xf32>
      %swap3A_825 = arith.index_cast %add3A_732 : i32 to index
      %swap3A_826 = arith.constant 0 : index
      %swap3A_827 = vector.load %arg4[%swap3A_825, %swap3A_826] : memref<1000x128xf32, #tpu.memory_space<vmem>>, vector<1x128xf32>
      tpu.vector_store %arg4[%swap3A_825, %swap3A_826], %select_n3A_824 {strides = array<i32>} : memref<1000x128xf32, #tpu.memory_space<vmem>>, vector<1x128xf32>,
      %concatenate3A_828 = tpu.concatenate %select_n3A_788, %select_n3A_824 in 1 : vector<1x128xf32>, vector<1x128xf32> -> vector<1x256xf32>
      scf.yield %concatenate3A_828, %select_n3A_786, %select_n3A_822 : vector<1x256xf32>, vector<1x128xf32>, vector<1x128xf32>
    }
    %scan3A_14 = arith.constant 125 : i32
    %swap3A = arith.constant 0 : index
    %swap3A_15 = arith.constant 0 : index
    %swap3A_16 = vector.load %arg9[%swap3A, %swap3A_15] : memref<1x256xf32, #tpu.memory_space<vmem>>, vector<1x256xf32>
    tpu.vector_store %arg9[%swap3A, %swap3A_15], %scan3A_13#0 {strides = array<i32>} : memref<1x256xf32, #tpu.memory_space<vmem>>, vector<1x256xf32>,
    %swap3A_17 = arith.constant 0 : index
    %swap3A_18 = arith.constant 0 : index
    %swap3A_19 = vector.load %arg10[%swap3A_17, %swap3A_18] : memref<1x128xf32, #tpu.memory_space<vmem>>, vector<1x128xf32>
    tpu.vector_store %arg10[%swap3A_17, %swap3A_18], %scan3A_13#1 {strides = array<i32>} : memref<1x128xf32, #tpu.memory_space<vmem>>, vector<1x128xf32>,
    %swap3A_20 = arith.constant 0 : index
    %swap3A_21 = arith.constant 0 : index
    %swap3A_22 = vector.load %arg11[%swap3A_20, %swap3A_21] : memref<1x128xf32, #tpu.memory_space<vmem>>, vector<1x128xf32>
    tpu.vector_store %arg11[%swap3A_20, %swap3A_21], %scan3A_13#2 {strides = array<i32>} : memref<1x128xf32, #tpu.memory_space<vmem>>, vector<1x128xf32>,
    %slice3A = vector.extract_strided_slice %scan3A_13#0 {offsets = [0, 0], sizes = [1, 128], strides = [1, 1]} : vector<1x256xf32> to vector<1x128xf32>
    %swap3A_23 = arith.constant 0 : index
    %swap3A_24 = arith.constant 0 : index
    %swap3A_25 = vector.load %arg5[%swap3A_23, %swap3A_24] : memref<1x128xf32, #tpu.memory_space<vmem>>, vector<1x128xf32>
    tpu.vector_store %arg5[%swap3A_23, %swap3A_24], %slice3A {strides = array<i32>} : memref<1x128xf32, #tpu.memory_space<vmem>>, vector<1x128xf32>,
    %slice3A_26 = vector.extract_strided_slice %scan3A_13#0 {offsets = [0, 128], sizes = [1, 128], strides = [1, 1]} : vector<1x256xf32> to vector<1x128xf32>
    %swap3A_27 = arith.constant 0 : index
    %swap3A_28 = arith.constant 0 : index
    %swap3A_29 = vector.load %arg7[%swap3A_27, %swap3A_28] : memref<1x128xf32, #tpu.memory_space<vmem>>, vector<1x128xf32>
    tpu.vector_store %arg7[%swap3A_27, %swap3A_28], %slice3A_26 {strides = array<i32>} : memref<1x128xf32, #tpu.memory_space<vmem>>, vector<1x128xf32>,
    %swap3A_30 = arith.constant 0 : index
    %swap3A_31 = arith.constant 0 : index
    %swap3A_32 = vector.load %arg6[%swap3A_30, %swap3A_31] : memref<1x128xf32, #tpu.memory_space<vmem>>, vector<1x128xf32>
    tpu.vector_store %arg6[%swap3A_30, %swap3A_31], %scan3A_13#1 {strides = array<i32>} : memref<1x128xf32, #tpu.memory_space<vmem>>, vector<1x128xf32>,
    %swap3A_33 = arith.constant 0 : index
    %swap3A_34 = arith.constant 0 : index
    %swap3A_35 = vector.load %arg8[%swap3A_33, %swap3A_34] : memref<1x128xf32, #tpu.memory_space<vmem>>, vector<1x128xf32>
    tpu.vector_store %arg8[%swap3A_33, %swap3A_34], %scan3A_13#2 {strides = array<i32>} : memref<1x128xf32, #tpu.memory_space<vmem>>, vector<1x128xf32>,
    return
  }
  func.func @transform_0(%arg0: i32) -> (i32, i32) {
    %c0_i32 = arith.constant 0 : i32
    %c0_i32_0 = arith.constant 0 : i32
    return %arg0, %c0_i32 : i32, i32
  }
  func.func @transform_1(%arg0: i32) -> (i32, i32) {
    %c0_i32 = arith.constant 0 : i32
    %c0_i32_0 = arith.constant 0 : i32
    %c0_i32_1 = arith.constant 0 : i32
    return %c0_i32, %c0_i32_0 : i32, i32
  }
  func.func @transform_2(%arg0: i32) -> (i32, i32) {
    %c0_i32 = arith.constant 0 : i32
    %c0_i32_0 = arith.constant 0 : i32
    %c0_i32_1 = arith.constant 0 : i32
    return %c0_i32, %c0_i32_0 : i32, i32
  }
  func.func @transform_3(%arg0: i32) -> (i32, i32) {
    %c0_i32 = arith.constant 0 : i32
    %c0_i32_0 = arith.constant 0 : i32
    return %arg0, %c0_i32 : i32, i32
  }
  func.func @transform_4(%arg0: i32) -> (i32, i32) {
    %c0_i32 = arith.constant 0 : i32
    %c0_i32_0 = arith.constant 0 : i32
    %c0_i32_1 = arith.constant 0 : i32
    return %c0_i32, %c0_i32_0 : i32, i32
  }
  func.func @transform_5(%arg0: i32) -> (i32, i32) {
    %c0_i32 = arith.constant 0 : i32
    %c0_i32_0 = arith.constant 0 : i32
    %c0_i32_1 = arith.constant 0 : i32
    return %c0_i32, %c0_i32_0 : i32, i32
  }
  func.func @transform_6(%arg0: i32) -> (i32, i32) {
    %c0_i32 = arith.constant 0 : i32
    %c0_i32_0 = arith.constant 0 : i32
    %c0_i32_1 = arith.constant 0 : i32
    return %c0_i32, %c0_i32_0 : i32, i32
  }
  func.func @transform_7(%arg0: i32) -> (i32, i32) {
    %c0_i32 = arith.constant 0 : i32
    %c0_i32_0 = arith.constant 0 : i32
    %c0_i32_1 = arith.constant 0 : i32
    return %c0_i32, %c0_i32_0 : i32, i32
  }
}

module attributes {stable_mosaic.version = 14 : i64} {
  func.func @_mm_bias_body(%arg0: i32, %arg1: memref<1000x128xf32, #tpu.memory_space<vmem>>, %arg2: memref<128x2xf32, #tpu.memory_space<vmem>>, %arg3: memref<1x2xf32, #tpu.memory_space<vmem>>, %arg4: memref<1000x2xf32, #tpu.memory_space<vmem>>) attributes {dimension_semantics = [#tpu.dimension_semantics<arbitrary>], iteration_bounds = array<i64: 10>, scalar_prefetch = 0 : i64, scratch_operands = 0 : i64, tpu.core_type = #tpu.core_type<tc>, window_params = [{transform_indices = @transform_0, window_bounds = array<i64: 1000, 128>}, {pipeline_mode = #tpu.pipeline_mode<synchronous>, transform_indices = @transform_1, window_bounds = array<i64: 128, 2>}, {pipeline_mode = #tpu.pipeline_mode<synchronous>, transform_indices = @transform_2, window_bounds = array<i64: 1, 2>}, {transform_indices = @transform_3, window_bounds = array<i64: 1000, 2>}]} {
    %get3A = arith.constant 0 : index
    %get3A_0 = arith.constant 0 : index
    %get3A_1 = vector.load %arg1[%get3A, %get3A_0] : memref<1000x128xf32, #tpu.memory_space<vmem>>, vector<1000x128xf32>
    %get3A_2 = arith.constant 0 : index
    %get3A_3 = arith.constant 0 : index
    %get3A_4 = vector.load %arg2[%get3A_2, %get3A_3] : memref<128x2xf32, #tpu.memory_space<vmem>>, vector<128x2xf32>
    %dot_general3A = arith.constant dense<0.000000e+00> : vector<1000x2xf32>
    %dot_general3A_5 = tpu.matmul %get3A_1, %get3A_4, %dot_general3A {dimension_numbers = #tpu.dot_dimension_numbers<[1], [0], [0], [1], [0, 0, 1, 1], [], []>, transpose_lhs_hint = false} : vector<1000x128xf32>, vector<128x2xf32>, vector<1000x2xf32> -> vector<1000x2xf32>
    %get3A_6 = arith.constant 0 : index
    %get3A_7 = arith.constant 0 : index
    %get3A_8 = vector.load %arg3[%get3A_6, %get3A_7] : memref<1x2xf32, #tpu.memory_space<vmem>>, vector<1x2xf32>
    %add3A = vector.broadcast %get3A_8 : vector<1x2xf32> to vector<1000x2xf32>
    %add3A_9 = arith.addf %dot_general3A_5, %add3A : vector<1000x2xf32>
    %swap3A = arith.constant 0 : index
    %swap3A_10 = arith.constant 0 : index
    %swap3A_11 = vector.load %arg4[%swap3A, %swap3A_10] : memref<1000x2xf32, #tpu.memory_space<vmem>>, vector<1000x2xf32>
    tpu.vector_store %arg4[%swap3A, %swap3A_10], %add3A_9 {strides = array<i32>} : memref<1000x2xf32, #tpu.memory_space<vmem>>, vector<1000x2xf32>,
    return
  }
  func.func @transform_0(%arg0: i32) -> (i32, i32) {
    %c0_i32 = arith.constant 0 : i32
    %c0_i32_0 = arith.constant 0 : i32
    return %arg0, %c0_i32 : i32, i32
  }
  func.func @transform_1(%arg0: i32) -> (i32, i32) {
    %c0_i32 = arith.constant 0 : i32
    %c0_i32_0 = arith.constant 0 : i32
    %c0_i32_1 = arith.constant 0 : i32
    return %c0_i32, %c0_i32_0 : i32, i32
  }
  func.func @transform_2(%arg0: i32) -> (i32, i32) {
    %c0_i32 = arith.constant 0 : i32
    %c0_i32_0 = arith.constant 0 : i32
    %c0_i32_1 = arith.constant 0 : i32
    return %c0_i32, %c0_i32_0 : i32, i32
  }
  func.func @transform_3(%arg0: i32) -> (i32, i32) {
    %c0_i32 = arith.constant 0 : i32
    %c0_i32_0 = arith.constant 0 : i32
    return %arg0, %c0_i32 : i32, i32
  }
}

</mosaic_0001>

<sc_bundles>
// kernel: kernel.12.cloned.1.call-start
scs
__scs_entry_jumppad:
0x0: {  	(pc) =	sbr.rel $0x88, $3  }
0x1: {  	(tag) =	ssettag $0x0;
	lr =	simm.s32 $0x1  }
0x2: {  	[smem:$0x3F8E] =	sst lr;
	_ =	strace $0xD0000000  }
0x3: {  	_ = 	snop  }
0x4: {  	_ = 	snop  }
0x5: {  	_ = 	snop  }
0x6: {  	_ = 	snop  }
0x7: {  	_ = 	snop  }
__scs_overlays_trampoline_lowered:
0x8: {  	[smem:$0x3F9D] =	sst s0  }
0x9: {  	[smem:$0x3F9E] =	sst s1  }
0xa: {  	[smem:$0x3F9F] =	sst s2  }
0xb: {  	[smem:$0x3FA0] =	sst s3  }
0xc: {  	[smem:$0x3FA1] =	sst s4  }
0xd: {  	[smem:$0x3FA2] =	sst s5  }
0xe: {  	[smem:$0x3FA3] =	sst s6  }
0xf: {  	[smem:$0x3FA4] =	sst s7  }
0x10: {  	[smem:$0x3FA5] =	sst s8  }
0x11: {  	[smem:$0x3FA6] =	sst s9;
	s0 =	simm.s32 @!p0 $0x0  }
0x12: {  	s1 =	sld [smem:$0x3F8C];
	s0 =	simm.s32 @p0 $0x1  }
0x13: {  	[smem:$0x3FA7] =	sst s0;
	s0 =	simm.s32 @!p1 $0x0  }
0x14: {  	s2 =	sld [smem:$0x3F8B];
	s0 =	simm.s32 @p1 $0x1  }
0x15: {  	[smem:$0x3FA8] =	sst s0;
	s0 =	simm.s32 @!p2 $0x0  }
0x16: {  	s3 =	sld [smem:$0x3FDB];
	s0 =	simm.s32 @p2 $0x1  }
0x17: {  	s4 =	simm.s32 $0x1BF5;
	[smem:$0x3FAA] =	sst s0  }
0x18: {  	s0 =	sld [smem:$0x3F8D];
	_ =	swait.ge [sflag:s4], $0x0  }
0x19: {  	s7 =	sld [smem:$0x3F8E]  }
0x1a: {  	s8 =	sadd.s32 $0xFFFFE003, lr  }
0x1b: {  	s9 =	sadd.s32 $0xFFFFFEF7, lr;
	s5 =	simm.s32 $0xFFFFFFFF;
	p2 =	slt.u32 s8, $0xFFFFF086  }
0x1c: {  	p1 =	slt.u32 s9, $0xF7A;
	s5 =	simm.s32 @!p2 $0x0  }
0x1d: {  	s5 =	simm.s32 @p1 $0x1;
	p0 =	seq.s32 s7, s2  }
0x1e: {  	s7 =	smul.u32 @!p0 $0xF7A, s2;
	p2 =	seq.s32 @!p0 s5, $0x0  }
0x1f: {  	s9 =	smul.u32 $0xF7A, s1;
	s8 =	simm.s32 @!p0 $0x1BF5;
	p2 =	por !p2, p0  }
0x20: {  	[sflag:s8] =	ssyncset.s32 @!p0 $0xFFFFF086;
	s6 =	sadd.s32 @!p0 s3, s7;
	s7 =	simm.s32 @!p0 $0x108  }
0x21: {  	s3 =	sadd.s32 s3, s9;
	s6 =	sadd.s32 @!p0 $0x88, s6;
	s7 =	simm.s32 @p2 $0x1082  }
0x22: {  	[simem:s7], [sflag:s8] =	dma.local @!p0 [hbm:s6], $0xF7A  }
0x23: {  	s9 =	sor.u32 $0xD0000000, s2;
	s6 =	simm.s32 $0x108;
	_ =	swait.ge @!p0 [sflag:s8], $0x0  }
0x24: {  	s3 =	sadd.s32 $0x88, s3;
	s6 =	simm.s32 @!p1 $0x1082;
	[sflag:s4] =	ssyncset.s32 $0xFFFFF086  }
0x25: {  	[simem:s6], [sflag:s4] =	dma.local [hbm:s3], $0xF7A  }
0x26: {  	[smem:$0x3F8E] =	sst s1;
	(tag) =	ssettag s2;
	_ =	strace s9  }
0x27: {  	s1 =	sld [smem:$0x3F9E]  }
0x28: {  	s2 =	sld [smem:$0x3F9F]  }
0x29: {  	s4 =	sld [smem:$0x3FA1]  }
0x2a: {  	p0 =	seq.s32 s5, $0x0;
	s5 =	sld [smem:$0x3FA2]  }
0x2b: {  	s6 =	sld [smem:$0x3FA3]  }
0x2c: {  	s7 =	sld [smem:$0x3FA4]  }
0x2d: {  	s3 =	simm.s32 $0x108;
	s8 =	sld [smem:$0x3FA5]  }
0x2e: {  	s3 =	simm.s32 @!p0 $0x1082;
	s9 =	sld [smem:$0x3FA6]  }
0x2f: {  	lr =	sadd.s32 s0, s3;
	s0 =	sld [smem:$0x3F9D]  }
0x30: {  	s3 =	sld [smem:$0x3FA0]  }
0x31: {  	[smem:$0x3FA9] =	sst s10  }
0x32: {  	s10 =	sld [smem:$0x3FA7];
	_ =	sdelay $0x3  }
0x33: {  	p0 =	seq.s32 s10, $0x1;
	s10 =	sld [smem:$0x3FA9];
	_ =	sdelay $0x3  }
0x34: {  	[smem:$0x3FA9] =	sst s10  }
0x35: {  	s10 =	sld [smem:$0x3FA8];
	_ =	sdelay $0x3  }
0x36: {  	p1 =	seq.s32 s10, $0x1;
	s10 =	sld [smem:$0x3FA9];
	_ =	sdelay $0x3  }
0x37: {  	[smem:$0x3FA9] =	sst s10  }
0x38: {  	s10 =	sld [smem:$0x3FAA]  }
0x39: {  	_ = 	snop;
	(pc) =	sbr.ind lr, $3  }
0x3a: {  	_ = 	snop  }
0x3b: {  	_ = 	snop  }
0x3c: {  	p2 =	seq.s32 s10, $0x1;
	s10 =	sld [smem:$0x3FA9]  }
0x3d: {  	_ =	shalt  }
0x3e: {  	_ =	shalt  }
0x3f: {  	_ =	shalt  }
0x40: {  	_ =	shalt  }
0x41: {  	_ =	shalt  }
0x42: {  	_ =	shalt  }
0x43: {  	_ =	shalt  }
0x44: {  	_ =	shalt  }
0x45: {  	_ =	shalt  }
0x46: {  	_ =	shalt  }
0x47: {  	_ =	shalt  }
0x48: {  	_ =	shalt  }
0x49: {  	_ =	shalt  }
0x4a: {  	_ =	shalt  }
0x4b: {  	_ =	shalt  }
0x4c: {  	_ =	shalt  }
0x4d: {  	_ =	shalt  }
0x4e: {  	_ =	shalt  }
0x4f: {  	_ =	shalt  }
0x50: {  	_ =	shalt  }
0x51: {  	_ =	shalt  }
0x52: {  	_ =	shalt  }
0x53: {  	_ =	shalt  }
0x54: {  	_ =	shalt  }
0x55: {  	_ =	shalt  }
0x56: {  	_ =	shalt  }
0x57: {  	_ =	shalt  }
0x58: {  	_ =	shalt  }
0x59: {  	_ =	shalt  }
0x5a: {  	_ =	shalt  }
0x5b: {  	_ =	shalt  }
0x5c: {  	_ =	shalt  }
0x5d: {  	_ =	shalt  }
0x5e: {  	_ =	shalt  }
0x5f: {  	_ =	shalt  }
0x60: {  	_ =	shalt  }
0x61: {  	_ =	shalt  }
0x62: {  	_ =	shalt  }
0x63: {  	_ =	shalt  }
0x64: {  	_ =	shalt  }
0x65: {  	_ =	shalt  }
0x66: {  	_ =	shalt  }
0x67: {  	_ =	shalt  }
0x68: {  	_ =	shalt  }
0x69: {  	_ =	shalt  }
0x6a: {  	_ =	shalt  }
0x6b: {  	_ =	shalt  }
0x6c: {  	_ =	shalt  }
0x6d: {  	_ =	shalt  }
0x6e: {  	_ =	shalt  }
0x6f: {  	_ =	shalt  }
0x70: {  	_ =	shalt  }
0x71: {  	_ =	shalt  }
0x72: {  	_ =	shalt  }
0x73: {  	_ =	shalt  }
0x74: {  	_ =	shalt  }
0x75: {  	_ =	shalt  }
0x76: {  	_ =	shalt  }
0x77: {  	_ =	shalt  }
0x78: {  	_ =	shalt  }
0x79: {  	_ =	shalt  }
0x7a: {  	_ =	shalt  }
0x7b: {  	_ =	shalt  }
0x7c: {  	_ =	shalt  }
0x7d: {  	_ =	shalt  }
0x7e: {  	_ =	shalt  }
0x7f: {  	_ =	shalt  }
0x80: {  	_ =	shalt  }
0x81: {  	_ =	shalt  }
0x82: {  	_ =	shalt  }
0x83: {  	_ =	shalt  }
0x84: {  	_ =	shalt  }
0x85: {  	_ =	shalt  }
0x86: {  	_ =	shalt  }
0x87: {  	_ =	shalt  }
.Lfunc_end0:
.L_simem_size_0:
called_computation_lowered:
.L_overlay_start_0:
0x88: {  	s2 =	sld [smem:$0x3FD9]  }
0x89: {  	s3 =	sld [smem:$0x3FFE];
	_ =	sdelay $0x1  }
0x8a: {  	s1 =	srdreg.scid  }
0x8b: {  	s0 =	sand.u32 $0x1, s1  }
0x8c: {  	s14 =	sshll.u32 s0, $0xA;
	s2 =	sadd.s32 s3, s2  }
0x8d: {  	s2 =	sadd.s32 s2, s14  }
0x8e: {  	[smem:$0x3FB5] =	sst s2  }
0x8f: {  	_ = 	snop  }
0x90: {  	s2 =	sld [smem:$0x3FD0];
	_ =	sdelay $0x2  }
0x91: {  	s15 =	simm.s32 $0xA;
	s4 =	simm.s32 $0x10  }
0x92: {  	[smem:s4], [sflag:s15] =	dma.local [hbm:s2], $0x1  }
0x93: {  	_ =	swait.eq [sflag:s15], $0x1  }
0x94: {  	[sflag:s15] =	ssyncset.done $0x0  }
0x95: {  	s16 =	sld [smem:$0x10];
	[sflag:s15] =	ssyncadd.s32 $0xFFFFFFFF  }
0x96: {  	s17 =	sld [smem:$0x14];
	(tm) =	ssettm $0x1  }
0x97: {  	s18 =	sld [smem:$0x3FFB];
	_ =	sdelay $0x3  }
0x98: {  	_ =	strace s18  }
0x99: {  	s4 =	sld [smem:$0x3FFC];
	_ =	sdelay $0x3  }
0x9a: {  	_ =	strace s4  }
0x9b: {  	s4 =	sld [smem:$0x3FFD];
	_ =	sdelay $0x3  }
0x9c: {  	_ =	strace s4  }
0x9d: {  	_ =	strace $0x8FFFFFFF  }
0x9e: {  	s19 =	sld [smem:$0x3FDB];
	_ =	sdelay $0x1  }
0x9f: {  	s5 =	simm.s32 $_scs_section_size  }
0xa0: {  	s6 =	simm.s32 $_size__tile_overlayer_lowered;
	s7 =	simm.s32 $_tile_overlayer_lowered  }
0xa1: {  	s22 =	simm.s32 $0x1BFF;
	s21 =	sshll.u32 s7, $0x1;
	s4 =	sadd.s32 s5, s19  }
0xa2: {  	s8 =	simm.s32 $0x0;
	s20 =	sshll.u32 s6, $0x1;
	s6 =	sadd.s32 s21, s4  }
0xa3: {  	[timem:s8], [sflag:s22] =	dma.local [hbm:s6], s20  }
0xa4: {  	_ =	swait.ge [sflag:s22], s20  }
0xa5: {  	s5 =	ssub.s32 $0x0, s20;
	[sflag:s22] =	ssyncset.done $0x0  }
0xa6: {  	[sflag:s22] =	ssyncadd.s32 s5;
	_ =	sdelay $0x1  }
0xa7: {  	s23 =	simm.s32 $0x1B8B  }
0xa8: {  	_ =	swait.ge [sflag:s23], $0x1  }
0xa9: {  	[sflag:s23] =	ssyncset.done $0x0  }
0xaa: {  	s25 =	simm.s32 $0x1B8E;
	s24 =	sld [smem:$0x3FFE];
	[sflag:s23] =	ssyncadd.s32 $0xFFFFFFFF  }
0xab: {  	s26 =	simm.s32 $execute0_lowered;
	[smem:$0x3FD2] =	sst s25  }
0xac: {  	s6 =	sshll.u32 s26, $0x1;
	_ =	strace $0x80000046;
	[dreg:$0x1] =	wrdreg $0xFFFFFFFF  }
0xad: {  	s28 =	simm.s32 $_size_execute0_lowered;
	s4 =	sadd.s32 s4, s6;
	[dreg:$0x0] =	wrdreg $0x0  }
0xae: {  	s6 =	sshll.u32 s28, $0x1;
	[dreg:$0x2] =	wrdreg s4  }
0xaf: {  	[dreg:$0x3] =	wrdreg s6  }
0xb0: {  	[dreg:$0x4] =	wrdreg $0xC0  }
0xb1: {  	_ =	task [dreg:s8], $0x5FFFF  }
0xb2: {  	[dreg:$0x1] =	wrdreg $0xFFFFFFFF  }
0xb3: {  	[dreg:$0x0] =	wrdreg $0x60  }
0xb4: {  	[dreg:$0x2] =	wrdreg s24  }
0xb5: {  	[dreg:$0x3] =	wrdreg s16  }
0xb6: {  	[dreg:$0x4] =	wrdreg s17  }
0xb7: {  	[dreg:$0x5] =	wrdreg $0x0  }
0xb8: {  	[dreg:$0x6] =	wrdreg $0x9  }
0xb9: {  	_ =	task.clear_ibuf [dreg:s8], $0x7FFFF;
	_ =	strace $0x90000046  }
0xba: {  	s29 =	simm.s32 $0x9;
	_ =	strace $0x80000048  }
0xbb: {  	_ =	swait.ge [sflag:s29], $0x1  }
0xbc: {  	[sflag:s29] =	ssyncadd.s32 $0xFFFFFFFF  }
0xbd: {  	_ =	strace $0x90000048  }
0xbe: {  	_ =	sfence  }
0xbf: {  	s30 =	sld [smem:$0x0];
	_ =	sdelay $0x2  }
0xc0: {  	s31 =	sshll.u32 s1, $0xD;
	s1 =	sshrl.u32 s1, $0x2  }
0xc1: {  	s3 =	sand.u32 $0x4000, s31;
	s1 =	sadd.s32 s1, s30  }
0xc2: {  	s0 =	sor.u32 s3, s0;
	s1 =	sshll.u32 s1, $0x11  }
0xc3: {  	s0 =	sor.u32 s1, s0  }
0xc4: {  	s0 =	sadd.s32 $0x8F2B, s0  }
0xc5: {  	[sflag:s0] =	ssyncadd.remote.s32 $0x1  }
0xc6: {  	_ =	sfence.sel $0xFFFF  }
0xc7: {  	[dreg:$0x0] =	wrdreg $0xFFFFFFFF;
	(pc) =	sbr.abs _section_cstart, $3  }
0xc8: {  	[dreg:$0x1] =	wrdreg $0xFFFFFFFF  }
0xc9: {  	_ =	task.clear_ibuf [dreg:s8], $0x2FFFF;
	_ =	strace $0x9FFFFFFF  }
0xca: {  	(tm) =	ssettm $0x7FFFFFFF  }
0xcb: {  	_ =	shalt  }
tec
execute0_lowered:
.L_overlay_start_1:
0x0: {  	(tag) =	ssettag $0x1  }
0x1: {  	s5 =	rddreg [dreg:$0x0]  }
0x2: {  	s1 =	rddreg [dreg:$0x1]  }
0x3: {  	s12 =	rddreg [dreg:$0x2]  }
0x4: {  	s2 =	rddreg [dreg:$0x3]  }
0x5: {  	s0 =	rddreg [dreg:$0x4];
	s4 =	simm.s32 $0x0;
	s3 =	stileid.u32  }
0x6: {  	s6 =	srdreg.scid;
	s19 =	simm.s32 $0x0;
	[smem:$0x7FF] =	sst s4  }
0x7: {  	s7 =	sshll.u32 s3, $0x5;
	s11 =	sand.u32 $0x1, s6;
	s29 =	smul.u32 $0x50000, s3  }
0x8: {  	s16 =	smul.u32 $0x14000, s3;
	s17 =	sshll.u32 s3, $0x6;
	_ =	strace $0x80000047  }
0x9: {  	s13 =	sadd.s32 s7, s5;
	s5 =	sadd.s32 $0x1A400, s5;
	s30 =	ssub.s32 $0x2, s11  }
0xa: {  	s14 =	smul.u32 $0x140000, s11;
	s7 =	sshll.u32 s3, $0x1;
	s31 =	sshll.u32 s11, $0x4  }
0xb: {  	s17 =	sor.u32 $0x1C01, s17;
	s8 =	sshrl.u32 s30, $0x1;
	s6 =	sshrl.u32 s29, $0x2  }
0xc: {  	s15 =	ssub.s32 s30, s8;
	s6 =	sadd.s32 s6, s2;
	s14 =	sadd.s32 s16, s14  }
0xd: {  	s16 =	sadd.s32 s31, s13;
	s8 =	sadd.s32 $0x4000, s6;
	s9 =	sadd.s32 $0x8000, s6  }
0xe: {  	s10 =	sadd.s32 $0xC000, s6;
	s11 =	sadd.s32 $0x10000, s6;
	s14 =	sshrl.u32 s14, $0x3  }
0xf: {  	s13 =	smax.u32 s15, $0x1;
	s15 =	simm.s32 $0x14000;
	s18 =	sshrl.u32 s6, $0x3  }
0x10: {  	s12 =	sadd.s32 s12, s14;
	s14 =	sadd.s32 $0x10600, s16;
	s16 =	simm.s32 $0x1  }
.LBB2_1:
0x11: {  	[tilespmem:s15], [sflag:$0x1] =	stream.linear.gather [hbm4b:s5+s4], $0x4000, $0x38;
	[tilespmem:$0x18080] =	vst v63  }
0x12: {  	_ =	swait.ge [sflag:s16], $0x4000  }
0x13: {  	[sflag:s16] =	ssyncset.done $0x0  }
0x14: {  	[sflag:s16] =	ssyncadd.s32 $0xFFFFC000  }
0x15: {  	[spmem:s6] =	stream.linear.scatter [tilespmem:s15], [sflag:$0x1], $0x4000, $0x38;
	[tilespmem:$0x18080] =	vst v63  }
0x16: {  	_ =	swait.ge [sflag:s16], $0x4000  }
0x17: {  	[sflag:s16] =	ssyncset.done $0x0  }
0x18: {  	[sflag:s16] =	ssyncadd.s32 $0xFFFFC000  }
0x19: {  	[spmem:s8] =	stream.linear.scatter [tilespmem:s15], [sflag:$0x1], $0x4000, $0x38;
	[tilespmem:$0x18080] =	vst v63  }
0x1a: {  	_ =	swait.ge [sflag:s16], $0x4000  }
0x1b: {  	[sflag:s16] =	ssyncset.done $0x0  }
0x1c: {  	[sflag:s16] =	ssyncadd.s32 $0xFFFFC000  }
0x1d: {  	[spmem:s9] =	stream.linear.scatter [tilespmem:s15], [sflag:$0x1], $0x4000, $0x38;
	[tilespmem:$0x18080] =	vst v63  }
0x1e: {  	_ =	swait.ge [sflag:s16], $0x4000  }
0x1f: {  	[sflag:s16] =	ssyncset.done $0x0  }
0x20: {  	[sflag:s16] =	ssyncadd.s32 $0xFFFFC000  }
0x21: {  	[spmem:s10] =	stream.linear.scatter [tilespmem:s15], [sflag:$0x1], $0x4000, $0x38;
	[tilespmem:$0x18080] =	vst v63  }
0x22: {  	_ =	swait.ge [sflag:s16], $0x4000  }
0x23: {  	[sflag:s16] =	ssyncset.done $0x0  }
0x24: {  	[sflag:s16] =	ssyncadd.s32 $0xFFFFC000  }
0x25: {  	[spmem:s11] =	stream.linear.scatter [tilespmem:s15], [sflag:$0x1], $0x4000, $0x38;
	[tilespmem:$0x18080] =	vst v63  }
0x26: {  	_ =	swait.ge [sflag:s16], $0x4000  }
0x27: {  	[sflag:s16] =	ssyncset.done $0x0  }
0x28: {  	[sflag:s16] =	ssyncadd.s32 $0xFFFFC000  }
0x29: {  	[tilespmem:s15], [sflag:$0x1] =	stream.linear.gather [hbm4b:s1+s4], $0x4000, $0x38;
	[tilespmem:$0x18080] =	vst v63  }
0x2a: {  	s20 =	sadd.s32 $0x0, s7;
	_ =	swait.ge [sflag:s16], $0x4000  }
0x2b: {  	p1 =	sgt.u32 s20, $0x9C3;
	[sflag:s16] =	ssyncset.done $0x0  }
0x2c: {  	p0 =	por p1, p1;
	s20 =	simm.s32 @!p1 $0x0;
	[sflag:s16] =	ssyncadd.s32 $0xFFFFC000  }
0x2d: {  	s21 =	simm.s32 @!p1 $0x18000;
	s22 =	simm.s32 @!p0 $0x2;
	[bflag:$0x0] =	sbarrier.arrive $0xFFFF  }
0x2e: {  	[tilespmem:s21], [sflag:$0x2] =	stream.linear.gather @!p0 [hbm4b:s14+s20], $0x80, $0x38;
	[tilespmem:$0x18080] =	vst v63  }
0x2f: {  	_ =	swait.ge @!p0 [sflag:s22], $0x80  }
0x30: {  	s31 =	sadd.s32 $0x20, s7;
	[sflag:s22] =	ssyncset.done @!p0 $0x0  }
0x31: {  	s20 =	simm.s32 @!p0 $0x80;
	[sflag:s22] =	ssyncadd.s32 @!p0 $0xFFFFFF80;
	s22 =	simm.s32 @!p0 $0x14000  }
0x32: {  	[spmem:s2] =	stream.indirect.scatter.add.f32 @!p0 [tilespmem:s22], [sflag:$0x1], $0x80, s21, s20, $0xb8;
	[tilespmem:$0x18080] =	vst v63  }
0x33: {  	p1 =	sgt.u32 s31, $0x9C3;
	s22 =	simm.s32 @!p0 $0x1  }
0x34: {  	s21 =	simm.s32 $0x40;
	s20 =	sadd.s32 $0x200, s14;
	_ =	swait.ge @!p0 [sflag:s22], $0x4000  }
.LBB2_2:
0x35: {  	s23 =	simm.s32 @!p1 $0x0  }
0x36: {  	s24 =	simm.s32 @!p1 $0x18000;
	[sflag:s22] =	ssyncset.done @!p0 $0x0;
	s25 =	smov.u32 s21  }
0x37: {  	p2 =	por p0, p0;
	p0 =	por p1, p1;
	s21 =	sadd.s32 $0x20, s21  }
0x38: {  	s26 =	simm.s32 @!p0 $0x2;
	[sflag:s22] =	ssyncadd.s32 @!p2 $0xFFFFC000;
	p2 =	sne.s32 s21, $0x9E0  }
0x39: {  	[tilespmem:s24], [sflag:$0x2] =	stream.linear.gather @!p0 [hbm4b:s20+s23], $0x80, $0x38;
	[tilespmem:$0x18080] =	vst v63  }
.Ltmp0:
0x3a: {  	_ =	swait.ge @!p0 [sflag:s26], $0x80;
	(pc) =	sbr.rel @p2 .LBB2_2-.Ltmp0, $4  }
0x3b: {  	s22 =	simm.s32 @!p0 $0x1;
	s23 =	sadd.s32 s25, s7;
	[sflag:s26] =	ssyncset.done @!p0 $0x0  }
0x3c: {  	s25 =	simm.s32 @!p0 $0x80;
	[sflag:s26] =	ssyncadd.s32 @!p0 $0xFFFFFF80;
	s26 =	simm.s32 @!p0 $0x14000  }
0x3d: {  	[spmem:s2] =	stream.indirect.scatter.add.f32 @!p0 [tilespmem:s26], [sflag:$0x1], $0x80, s24, s25, $0xb8;
	[tilespmem:$0x18080] =	vst v63  }
0x3e: {  	s20 =	sadd.s32 $0x200, s20;
	p1 =	sgt.u32 s23, $0x9C3;
	_ =	swait.ge @!p0 [sflag:s22], $0x4000  }
0x3f: {  	s21 =	simm.s32 @!p1 $0x0  }
0x40: {  	[sflag:s22] =	ssyncset.done @!p0 $0x0;
	p0 =	por p0, p0;
	p2 =	por p1, p1  }
0x41: {  	s23 =	simm.s32 @!p1 $0x18000;
	s24 =	simm.s32 @!p2 $0x2;
	[sflag:s22] =	ssyncadd.s32 @!p0 $0xFFFFC000  }
0x42: {  	[tilespmem:s23], [sflag:$0x2] =	stream.linear.gather @!p2 [hbm4b:s20+s21], $0x80, $0x38;
	[tilespmem:$0x18080] =	vst v63  }
0x43: {  	_ =	swait.ge @!p2 [sflag:s24], $0x80  }
0x44: {  	s22 =	simm.s32 @!p2 $0x14000;
	[sflag:s24] =	ssyncset.done @!p2 $0x0  }
0x45: {  	s20 =	simm.s32 @!p2 $0x1;
	s21 =	simm.s32 @!p2 $0x80;
	[sflag:s24] =	ssyncadd.s32 @!p2 $0xFFFFFF80  }
0x46: {  	[spmem:s2] =	stream.indirect.scatter.add.f32 @!p2 [tilespmem:s22], [sflag:$0x1], $0x80, s23, s21, $0xb8;
	[tilespmem:$0x18080] =	vst v63  }
0x47: {  	_ =	swait.ge @!p2 [sflag:s20], $0x4000  }
0x48: {  	s19 =	sadd.s32 $0x1, s19;
	p0 =	por p2, p2;
	[sflag:s20] =	ssyncset.done @!p2 $0x0  }
0x49: {  	[sflag:s20] =	ssyncadd.s32 @!p0 $0xFFFFC000;
	p0 =	sne.s32 s19, s13  }
.Ltmp1:
0x4a: {  	[bflag:$0x0] =	sbarrier.arrive $0xFFFF;
	(pc) =	sbr.rel @p0 .LBB2_1-.Ltmp1, $4  }
0x4b: {  	[hbm:s12], [sflag:s17] =	dma.local [spmem:s18], $0x2800  }
0x4c: {  	_ =	swait.ge [sflag:s16], $0x2800  }
0x4d: {  	[sflag:s16] =	ssyncset.done $0x0  }
0x4e: {  	[sflag:s16] =	ssyncadd.s32 $0xFFFFD800  }
0x4f: {  	_ =	sfence.sel $0x180000  }
0x50: {  	[bflag:$0x0] =	sbarrier.arrive $0xFFFF  }
0x51: {  	p0 =	sne.s32 s3, $0x0;
	_ =	strace $0x90000047  }
0x52: {  	s0 =	sadd.s32 @!p0 $0x100000, s0;
	[bflag:$0x2] =	sbarrier.arrive $0xFFFF  }
0x53: {  	[sflag:s0] =	ssyncadd.tile.s32 @!p0 $0x1;
	_ =	shalt  }
.Lfunc_end2:
_tile_overlayer_lowered:
.L_overlay_start_2:
0x54: {  	(tag) =	ssettag $0x2  }
0x55: {  	s0 =	rddreg [dreg:$0x0];
	s2 =	stileid.u32  }
0x56: {  	s1 =	rddreg [dreg:$0x1];
	p0 =	sne.s32 s2, $0x0  }
0x57: {  	s3 =	rddreg [dreg:$0x2];
	[bflag:$0x3] =	sbarrier.arrive $0xFFFF;
	s2 =	simm.s32 @!p0 $0x1C01  }
0x58: {  	[timem:s3], [sflag:s2] =	dma.local @!p0 [hbm:s0], s1  }
0x59: {  	s0 =	simm.s32 @!p0 $0x1  }
0x5a: {  	_ =	swait.ge @!p0 [sflag:s0], s1  }
0x5b: {  	s1 =	ssub.s32 @!p0 $0x0, s1;
	[sflag:s0] =	ssyncset.done @!p0 $0x0  }
0x5c: {  	[sflag:s0] =	ssyncadd.s32 @!p0 s1  }
0x5d: {  	[bflag:$0x3] =	sbarrier.arrive $0xFFFF  }
0x5e: {  	_ =	shalt  }

// kernel: kernel.15.cloned.1.call-start
scs
__scs_entry_jumppad:
0x0: {  	(pc) =	sbr.rel $0x88, $3  }
0x1: {  	(tag) =	ssettag $0x0;
	lr =	simm.s32 $0x1  }
0x2: {  	[smem:$0x3F8E] =	sst lr;
	_ =	strace $0xD0000000  }
0x3: {  	_ = 	snop  }
0x4: {  	_ = 	snop  }
0x5: {  	_ = 	snop  }
0x6: {  	_ = 	snop  }
0x7: {  	_ = 	snop  }
__scs_overlays_trampoline_lowered:
0x8: {  	[smem:$0x3F9D] =	sst s0  }
0x9: {  	[smem:$0x3F9E] =	sst s1  }
0xa: {  	[smem:$0x3F9F] =	sst s2  }
0xb: {  	[smem:$0x3FA0] =	sst s3  }
0xc: {  	[smem:$0x3FA1] =	sst s4  }
0xd: {  	[smem:$0x3FA2] =	sst s5  }
0xe: {  	[smem:$0x3FA3] =	sst s6  }
0xf: {  	[smem:$0x3FA4] =	sst s7  }
0x10: {  	[smem:$0x3FA5] =	sst s8  }
0x11: {  	[smem:$0x3FA6] =	sst s9;
	s0 =	simm.s32 @!p0 $0x0  }
0x12: {  	s1 =	sld [smem:$0x3F8C];
	s0 =	simm.s32 @p0 $0x1  }
0x13: {  	[smem:$0x3FA7] =	sst s0;
	s0 =	simm.s32 @!p1 $0x0  }
0x14: {  	s2 =	sld [smem:$0x3F8B];
	s0 =	simm.s32 @p1 $0x1  }
0x15: {  	[smem:$0x3FA8] =	sst s0;
	s0 =	simm.s32 @!p2 $0x0  }
0x16: {  	s3 =	sld [smem:$0x3FDB];
	s0 =	simm.s32 @p2 $0x1  }
0x17: {  	s4 =	simm.s32 $0x1BF5;
	[smem:$0x3FAA] =	sst s0  }
0x18: {  	s0 =	sld [smem:$0x3F8D];
	_ =	swait.ge [sflag:s4], $0x0  }
0x19: {  	s7 =	sld [smem:$0x3F8E]  }
0x1a: {  	s8 =	sadd.s32 $0xFFFFE003, lr  }
0x1b: {  	s9 =	sadd.s32 $0xFFFFFEF7, lr;
	s5 =	simm.s32 $0xFFFFFFFF;
	p2 =	slt.u32 s8, $0xFFFFF086  }
0x1c: {  	p1 =	slt.u32 s9, $0xF7A;
	s5 =	simm.s32 @!p2 $0x0  }
0x1d: {  	s5 =	simm.s32 @p1 $0x1;
	p0 =	seq.s32 s7, s2  }
0x1e: {  	s7 =	smul.u32 @!p0 $0xF7A, s2;
	p2 =	seq.s32 @!p0 s5, $0x0  }
0x1f: {  	s9 =	smul.u32 $0xF7A, s1;
	s8 =	simm.s32 @!p0 $0x1BF5;
	p2 =	por !p2, p0  }
0x20: {  	[sflag:s8] =	ssyncset.s32 @!p0 $0xFFFFF086;
	s6 =	sadd.s32 @!p0 s3, s7;
	s7 =	simm.s32 @!p0 $0x108  }
0x21: {  	s3 =	sadd.s32 s3, s9;
	s6 =	sadd.s32 @!p0 $0x88, s6;
	s7 =	simm.s32 @p2 $0x1082  }
0x22: {  	[simem:s7], [sflag:s8] =	dma.local @!p0 [hbm:s6], $0xF7A  }
0x23: {  	s9 =	sor.u32 $0xD0000000, s2;
	s6 =	simm.s32 $0x108;
	_ =	swait.ge @!p0 [sflag:s8], $0x0  }
0x24: {  	s3 =	sadd.s32 $0x88, s3;
	s6 =	simm.s32 @!p1 $0x1082;
	[sflag:s4] =	ssyncset.s32 $0xFFFFF086  }
0x25: {  	[simem:s6], [sflag:s4] =	dma.local [hbm:s3], $0xF7A  }
0x26: {  	[smem:$0x3F8E] =	sst s1;
	(tag) =	ssettag s2;
	_ =	strace s9  }
0x27: {  	s1 =	sld [smem:$0x3F9E]  }
0x28: {  	s2 =	sld [smem:$0x3F9F]  }
0x29: {  	s4 =	sld [smem:$0x3FA1]  }
0x2a: {  	p0 =	seq.s32 s5, $0x0;
	s5 =	sld [smem:$0x3FA2]  }
0x2b: {  	s6 =	sld [smem:$0x3FA3]  }
0x2c: {  	s7 =	sld [smem:$0x3FA4]  }
0x2d: {  	s3 =	simm.s32 $0x108;
	s8 =	sld [smem:$0x3FA5]  }
0x2e: {  	s3 =	simm.s32 @!p0 $0x1082;
	s9 =	sld [smem:$0x3FA6]  }
0x2f: {  	lr =	sadd.s32 s0, s3;
	s0 =	sld [smem:$0x3F9D]  }
0x30: {  	s3 =	sld [smem:$0x3FA0]  }
0x31: {  	[smem:$0x3FA9] =	sst s10  }
0x32: {  	s10 =	sld [smem:$0x3FA7];
	_ =	sdelay $0x3  }
0x33: {  	p0 =	seq.s32 s10, $0x1;
	s10 =	sld [smem:$0x3FA9];
	_ =	sdelay $0x3  }
0x34: {  	[smem:$0x3FA9] =	sst s10  }
0x35: {  	s10 =	sld [smem:$0x3FA8];
	_ =	sdelay $0x3  }
0x36: {  	p1 =	seq.s32 s10, $0x1;
	s10 =	sld [smem:$0x3FA9];
	_ =	sdelay $0x3  }
0x37: {  	[smem:$0x3FA9] =	sst s10  }
0x38: {  	s10 =	sld [smem:$0x3FAA]  }
0x39: {  	_ = 	snop;
	(pc) =	sbr.ind lr, $3  }
0x3a: {  	_ = 	snop  }
0x3b: {  	_ = 	snop  }
0x3c: {  	p2 =	seq.s32 s10, $0x1;
	s10 =	sld [smem:$0x3FA9]  }
0x3d: {  	_ =	shalt  }
0x3e: {  	_ =	shalt  }
0x3f: {  	_ =	shalt  }
0x40: {  	_ =	shalt  }
0x41: {  	_ =	shalt  }
0x42: {  	_ =	shalt  }
0x43: {  	_ =	shalt  }
0x44: {  	_ =	shalt  }
0x45: {  	_ =	shalt  }
0x46: {  	_ =	shalt  }
0x47: {  	_ =	shalt  }
0x48: {  	_ =	shalt  }
0x49: {  	_ =	shalt  }
0x4a: {  	_ =	shalt  }
0x4b: {  	_ =	shalt  }
0x4c: {  	_ =	shalt  }
0x4d: {  	_ =	shalt  }
0x4e: {  	_ =	shalt  }
0x4f: {  	_ =	shalt  }
0x50: {  	_ =	shalt  }
0x51: {  	_ =	shalt  }
0x52: {  	_ =	shalt  }
0x53: {  	_ =	shalt  }
0x54: {  	_ =	shalt  }
0x55: {  	_ =	shalt  }
0x56: {  	_ =	shalt  }
0x57: {  	_ =	shalt  }
0x58: {  	_ =	shalt  }
0x59: {  	_ =	shalt  }
0x5a: {  	_ =	shalt  }
0x5b: {  	_ =	shalt  }
0x5c: {  	_ =	shalt  }
0x5d: {  	_ =	shalt  }
0x5e: {  	_ =	shalt  }
0x5f: {  	_ =	shalt  }
0x60: {  	_ =	shalt  }
0x61: {  	_ =	shalt  }
0x62: {  	_ =	shalt  }
0x63: {  	_ =	shalt  }
0x64: {  	_ =	shalt  }
0x65: {  	_ =	shalt  }
0x66: {  	_ =	shalt  }
0x67: {  	_ =	shalt  }
0x68: {  	_ =	shalt  }
0x69: {  	_ =	shalt  }
0x6a: {  	_ =	shalt  }
0x6b: {  	_ =	shalt  }
0x6c: {  	_ =	shalt  }
0x6d: {  	_ =	shalt  }
0x6e: {  	_ =	shalt  }
0x6f: {  	_ =	shalt  }
0x70: {  	_ =	shalt  }
0x71: {  	_ =	shalt  }
0x72: {  	_ =	shalt  }
0x73: {  	_ =	shalt  }
0x74: {  	_ =	shalt  }
0x75: {  	_ =	shalt  }
0x76: {  	_ =	shalt  }
0x77: {  	_ =	shalt  }
0x78: {  	_ =	shalt  }
0x79: {  	_ =	shalt  }
0x7a: {  	_ =	shalt  }
0x7b: {  	_ =	shalt  }
0x7c: {  	_ =	shalt  }
0x7d: {  	_ =	shalt  }
0x7e: {  	_ =	shalt  }
0x7f: {  	_ =	shalt  }
0x80: {  	_ =	shalt  }
0x81: {  	_ =	shalt  }
0x82: {  	_ =	shalt  }
0x83: {  	_ =	shalt  }
0x84: {  	_ =	shalt  }
0x85: {  	_ =	shalt  }
0x86: {  	_ =	shalt  }
0x87: {  	_ =	shalt  }
.Lfunc_end0:
.L_simem_size_0:
called_computation.1_lowered:
.L_overlay_start_0:
0x88: {  	s2 =	sld [smem:$0x3FD9]  }
0x89: {  	s3 =	sld [smem:$0x3FFE];
	_ =	sdelay $0x1  }
0x8a: {  	s1 =	srdreg.scid  }
0x8b: {  	s0 =	sand.u32 $0x1, s1  }
0x8c: {  	s14 =	sshll.u32 s0, $0xA;
	s2 =	sadd.s32 s3, s2  }
0x8d: {  	s2 =	sadd.s32 s2, s14  }
0x8e: {  	[smem:$0x3FB5] =	sst s2  }
0x8f: {  	_ = 	snop  }
0x90: {  	s2 =	sld [smem:$0x3FD0];
	_ =	sdelay $0x2  }
0x91: {  	s15 =	simm.s32 $0xA;
	s4 =	simm.s32 $0x10  }
0x92: {  	[smem:s4], [sflag:s15] =	dma.local [hbm:s2], $0x1  }
0x93: {  	_ =	swait.eq [sflag:s15], $0x1  }
0x94: {  	[sflag:s15] =	ssyncset.done $0x0  }
0x95: {  	s16 =	sld [smem:$0x13];
	[sflag:s15] =	ssyncadd.s32 $0xFFFFFFFF  }
0x96: {  	s17 =	sld [smem:$0x14];
	(tm) =	ssettm $0x1  }
0x97: {  	s18 =	sld [smem:$0x3FFB];
	_ =	sdelay $0x3  }
0x98: {  	_ =	strace s18  }
0x99: {  	s4 =	sld [smem:$0x3FFC];
	_ =	sdelay $0x3  }
0x9a: {  	_ =	strace s4  }
0x9b: {  	s4 =	sld [smem:$0x3FFD];
	_ =	sdelay $0x3  }
0x9c: {  	_ =	strace s4  }
0x9d: {  	_ =	strace $0x8FFFFFFF  }
0x9e: {  	s19 =	sld [smem:$0x3FDB];
	_ =	sdelay $0x1  }
0x9f: {  	s5 =	simm.s32 $_scs_section_size  }
0xa0: {  	s6 =	simm.s32 $_size__tile_overlayer_lowered;
	s7 =	simm.s32 $_tile_overlayer_lowered  }
0xa1: {  	s22 =	simm.s32 $0x1BFF;
	s21 =	sshll.u32 s7, $0x1;
	s4 =	sadd.s32 s5, s19  }
0xa2: {  	s8 =	simm.s32 $0x0;
	s20 =	sshll.u32 s6, $0x1;
	s6 =	sadd.s32 s21, s4  }
0xa3: {  	[timem:s8], [sflag:s22] =	dma.local [hbm:s6], s20  }
0xa4: {  	_ =	swait.ge [sflag:s22], s20  }
0xa5: {  	s5 =	ssub.s32 $0x0, s20;
	[sflag:s22] =	ssyncset.done $0x0  }
0xa6: {  	[sflag:s22] =	ssyncadd.s32 s5;
	_ =	sdelay $0x1  }
0xa7: {  	s23 =	simm.s32 $0x1B8B  }
0xa8: {  	_ =	swait.ge [sflag:s23], $0x1  }
0xa9: {  	[sflag:s23] =	ssyncset.done $0x0  }
0xaa: {  	s25 =	simm.s32 $0x1B8E;
	s24 =	sld [smem:$0x3FFE];
	[sflag:s23] =	ssyncadd.s32 $0xFFFFFFFF  }
0xab: {  	s26 =	simm.s32 $execute0_lowered;
	[smem:$0x3FD2] =	sst s25  }
0xac: {  	s6 =	sshll.u32 s26, $0x1;
	_ =	strace $0x80000049;
	[dreg:$0x1] =	wrdreg $0xFFFFFFFF  }
0xad: {  	s28 =	simm.s32 $_size_execute0_lowered;
	s4 =	sadd.s32 s4, s6;
	[dreg:$0x0] =	wrdreg $0x0  }
0xae: {  	s6 =	sshll.u32 s28, $0x1;
	[dreg:$0x2] =	wrdreg s4  }
0xaf: {  	[dreg:$0x3] =	wrdreg s6  }
0xb0: {  	[dreg:$0x4] =	wrdreg $0xC0  }
0xb1: {  	_ =	task [dreg:s8], $0x5FFFF  }
0xb2: {  	[dreg:$0x1] =	wrdreg $0xFFFFFFFF  }
0xb3: {  	[dreg:$0x0] =	wrdreg $0x60  }
0xb4: {  	[dreg:$0x2] =	wrdreg s16  }
0xb5: {  	[dreg:$0x3] =	wrdreg s24  }
0xb6: {  	[dreg:$0x4] =	wrdreg s17  }
0xb7: {  	[dreg:$0x5] =	wrdreg $0x0  }
0xb8: {  	[dreg:$0x6] =	wrdreg $0x9  }
0xb9: {  	_ =	task.clear_ibuf [dreg:s8], $0x7FFFF;
	_ =	strace $0x90000049  }
0xba: {  	s29 =	simm.s32 $0x9;
	_ =	strace $0x8000004B  }
0xbb: {  	_ =	swait.ge [sflag:s29], $0x1  }
0xbc: {  	[sflag:s29] =	ssyncadd.s32 $0xFFFFFFFF  }
0xbd: {  	_ =	strace $0x9000004B  }
0xbe: {  	_ =	sfence  }
0xbf: {  	s30 =	sld [smem:$0x0];
	_ =	sdelay $0x2  }
0xc0: {  	s31 =	sshll.u32 s1, $0xD;
	s1 =	sshrl.u32 s1, $0x2  }
0xc1: {  	s3 =	sand.u32 $0x4000, s31;
	s1 =	sadd.s32 s1, s30  }
0xc2: {  	s0 =	sor.u32 s3, s0;
	s1 =	sshll.u32 s1, $0x11  }
0xc3: {  	s0 =	sor.u32 s1, s0  }
0xc4: {  	s0 =	sadd.s32 $0x8F2B, s0  }
0xc5: {  	[sflag:s0] =	ssyncadd.remote.s32 $0x1  }
0xc6: {  	_ =	sfence.sel $0xFFFF  }
0xc7: {  	[dreg:$0x0] =	wrdreg $0xFFFFFFFF;
	(pc) =	sbr.abs _section_cstart, $3  }
0xc8: {  	[dreg:$0x1] =	wrdreg $0xFFFFFFFF  }
0xc9: {  	_ =	task.clear_ibuf [dreg:s8], $0x2FFFF;
	_ =	strace $0x9FFFFFFF  }
0xca: {  	(tm) =	ssettm $0x7FFFFFFF  }
0xcb: {  	_ =	shalt  }
tec
execute0_lowered:
.L_overlay_start_1:
0x0: {  	(tag) =	ssettag $0x1  }
0x1: {  	s1 =	rddreg [dreg:$0x0]  }
0x2: {  	s5 =	rddreg [dreg:$0x1]  }
0x3: {  	s14 =	rddreg [dreg:$0x2]  }
0x4: {  	s2 =	rddreg [dreg:$0x3];
	s3 =	simm.s32 $0x0;
	s4 =	srdreg.scid  }
0x5: {  	s0 =	stileid.u32;
	s21 =	simm.s32 $0x1C100;
	s22 =	simm.s32 $0x80  }
0x6: {  	s23 =	simm.s32 $0x1;
	s24 =	simm.s32 $0x0;
	[smem:$0x7FF] =	sst s3  }
0x7: {  	s16 =	sand.u32 $0x1, s4;
	s17 =	sadd.s32 $0x6800, s5;
	s8 =	smul.u32 $0x50000, s0  }
0x8: {  	s18 =	sadd.s32 $0x10600, s5;
	s5 =	sadd.s32 $0x1A400, s5;
	s26 =	sshll.u32 s0, $0x1  }
0x9: {  	s13 =	smul.u32 $0x14000, s0;
	s30 =	sshll.u32 s0, $0x5;
	s6 =	ssub.s32 $0x2, s16  }
0xa: {  	_ =	strace $0x8000004A;
	s12 =	smul.u32 $0x140000, s16;
	s7 =	sshrl.u32 s6, $0x1  }
0xb: {  	s31 =	sshll.u32 s16, $0x4;
	s28 =	sshrl.u32 s8, $0x2;
	s15 =	ssub.s32 s6, s7  }
0xc: {  	s6 =	sor.u32 s16, s26;
	s7 =	sadd.s32 s28, s2;
	s20 =	sadd.s32 s13, s12  }
0xd: {  	s8 =	sadd.s32 $0x4000, s7;
	s9 =	sadd.s32 $0x8000, s7;
	s10 =	sadd.s32 $0xC000, s7  }
.Ltmp0:
0xe: {  	s11 =	sadd.s32 $0x10000, s7;
	s19 =	sshll.u32 s6, $0x4;
	(pc) =	sbr.rel .LBB2_1-.Ltmp0, $4  }
0xf: {  	s29 =	sshrl.u32 s20, $0x3;
	s15 =	smax.u32 s15, $0x1;
	s20 =	simm.s32 $0x1C000  }
0x10: {  	s12 =	sadd.s32 s17, s19;
	s13 =	sadd.s32 s18, s19;
	s14 =	sadd.s32 s14, s29  }
0x11: {  	s18 =	sadd.s32 s30, s18;
	s17 =	sadd.s32 s30, s17;
	s19 =	simm.s32 $0x5  }
0x12: {  	s16 =	sadd.s32 s31, s18;
	s17 =	sadd.s32 s31, s17;
	s18 =	simm.s32 $0x14000  }
.LBB2_5:
0x13: {  	s0 =	stileid.u32;
	s24 =	sadd.s32 $0x1, s24  }
0x14: {  	[bflag:$0x0] =	sbarrier.arrive $0xFFFF;
	s0 =	sshll.u32 s0, $0x6;
	p0 =	sne.s32 s24, s15  }
.Ltmp1:
0x15: {  	s4 =	sshrl.u32 s7, $0x3;
	s0 =	sor.u32 $0x1C05, s0;
	(pc) =	sbr.rel @!p0 .LBB2_6-.Ltmp1, $4  }
0x16: {  	[hbm:s14], [sflag:s0] =	dma.local [spmem:s4], $0x2800  }
0x17: {  	_ =	swait.ge [sflag:s19], $0x2800  }
0x18: {  	[sflag:s19] =	ssyncset.done $0x0  }
0x19: {  	[sflag:s19] =	ssyncadd.s32 $0xFFFFD800  }
.LBB2_1:
0x1a: {  	[tilespmem:s18], [sflag:$0x5] =	stream.linear.gather [hbm4b:s5+s3], $0x4000, $0x38;
	[tilespmem:$0x1C200] =	vst v63  }
0x1b: {  	_ =	swait.ge [sflag:s19], $0x4000  }
0x1c: {  	[sflag:s19] =	ssyncset.done $0x0  }
0x1d: {  	[sflag:s19] =	ssyncadd.s32 $0xFFFFC000  }
0x1e: {  	[spmem:s7] =	stream.linear.scatter [tilespmem:s18], [sflag:$0x5], $0x4000, $0x38;
	[tilespmem:$0x1C200] =	vst v63  }
0x1f: {  	_ =	swait.ge [sflag:s19], $0x4000  }
0x20: {  	[sflag:s19] =	ssyncset.done $0x0  }
0x21: {  	[sflag:s19] =	ssyncadd.s32 $0xFFFFC000  }
0x22: {  	[spmem:s8] =	stream.linear.scatter [tilespmem:s18], [sflag:$0x5], $0x4000, $0x38;
	[tilespmem:$0x1C200] =	vst v63  }
0x23: {  	_ =	swait.ge [sflag:s19], $0x4000  }
0x24: {  	[sflag:s19] =	ssyncset.done $0x0  }
0x25: {  	[sflag:s19] =	ssyncadd.s32 $0xFFFFC000  }
0x26: {  	[spmem:s9] =	stream.linear.scatter [tilespmem:s18], [sflag:$0x5], $0x4000, $0x38;
	[tilespmem:$0x1C200] =	vst v63  }
0x27: {  	_ =	swait.ge [sflag:s19], $0x4000  }
0x28: {  	[sflag:s19] =	ssyncset.done $0x0  }
0x29: {  	[sflag:s19] =	ssyncadd.s32 $0xFFFFC000  }
0x2a: {  	[spmem:s10] =	stream.linear.scatter [tilespmem:s18], [sflag:$0x5], $0x4000, $0x38;
	[tilespmem:$0x1C200] =	vst v63  }
0x2b: {  	_ =	swait.ge [sflag:s19], $0x4000  }
0x2c: {  	[sflag:s19] =	ssyncset.done $0x0  }
0x2d: {  	[sflag:s19] =	ssyncadd.s32 $0xFFFFC000  }
0x2e: {  	[spmem:s11] =	stream.linear.scatter [tilespmem:s18], [sflag:$0x5], $0x4000, $0x38;
	[tilespmem:$0x1C200] =	vst v63  }
0x2f: {  	_ =	swait.ge [sflag:s19], $0x4000  }
0x30: {  	[sflag:s19] =	ssyncset.done $0x0  }
0x31: {  	[sflag:s19] =	ssyncadd.s32 $0xFFFFC000  }
0x32: {  	[bflag:$0x0] =	sbarrier.arrive $0xFFFF  }
0x33: {  	[tilespmem:s20], [sflag:$0x5] =	stream.linear.gather [hbm4b:s12+s3], $0x80, $0x38;
	[tilespmem:$0x1C200] =	vst v63  }
0x34: {  	_ =	swait.ge [sflag:s19], $0x80  }
0x35: {  	[sflag:s19] =	ssyncset.done $0x0  }
0x36: {  	[sflag:s19] =	ssyncadd.s32 $0xFFFFFF80  }
0x37: {  	[tilespmem:s21], [sflag:$0x5] =	stream.linear.gather [hbm4b:s13+s3], $0x80, $0x38;
	[tilespmem:$0x1C200] =	vst v63  }
.Ltmp2:
0x38: {  	_ = 	snop;
	(pc) =	sbr.rel .LBB2_2-.Ltmp2, $4  }
0x39: {  	_ =	swait.ge [sflag:s19], $0x80  }
0x3a: {  	[sflag:s19] =	ssyncset.done $0x0  }
0x3b: {  	s25 =	smov.u32 s6;
	s26 =	simm.s32 $0x0;
	[sflag:s19] =	ssyncadd.s32 $0xFFFFFF80  }
0x3c: {  	[tilespmem:s18], [sflag:$0x1] =	stream.indirect.gather [hbm4b:s1+s22], $0x80, s20, s22, $0xb8;
	[tilespmem:$0x1C200] =	vst v63  }
.LBB2_4:
0x3d: {  	s26 =	sadd.s32 $0x400, s26  }
0x3e: {  	p0 =	sne.s32 s26, $0xA000  }
.Ltmp3:
0x3f: {  	_ = 	snop;
	(pc) =	sbr.rel @!p0 .LBB2_5-.Ltmp3, $2  }
0x40: {  	_ =	sdelay $0x2  }
0x41: {  	s25 =	sadd.s32 $0x40, s25  }
.LBB2_2:
0x42: {  	p0 =	sgt.u32 s25, $0x9C3  }
.Ltmp4:
0x43: {  	_ = 	snop;
	(pc) =	sbr.rel @p0 .LBB2_4-.Ltmp4, $1  }
0x44: {  	_ =	sdelay $0x3  }
0x45: {  	_ =	swait.ge [sflag:s23], $0x4000;
	p0 =	sgt.u32 s25, $0x9A3  }
0x46: {  	[sflag:s23] =	ssyncset.done $0x0;
	s28 =	simm.s32 @p0 $0x80  }
0x47: {  	s29 =	simm.s32 @p0 $0x1C100;
	s30 =	simm.s32 @p0 $0x14000;
	[sflag:s23] =	ssyncadd.s32 $0xFFFFC000  }
0x48: {  	[spmem:s2] =	stream.indirect.scatter.add.f32 @p0 [tilespmem:s30], [sflag:$0x5], $0x80, s29, s28, $0xb8;
	[tilespmem:$0x1C200] =	vst v63  }
0x49: {  	s28 =	simm.s32 @p0 $0x5  }
0x4a: {  	_ =	swait.ge @p0 [sflag:s28], $0x4000  }
0x4b: {  	p1 =	seq.s32 s26, $0x0;
	s29 =	simm.s32 @!p0 $0x1C100;
	[sflag:s28] =	ssyncset.done @p0 $0x0  }
0x4c: {  	s30 =	simm.s32 @!p0 $0x14000;
	[sflag:s28] =	ssyncadd.s32 @p0 $0xFFFFC000;
	s28 =	simm.s32 @!p0 $0x80  }
0x4d: {  	[spmem:s2] =	stream.indirect.scatter.add.f32 @!p0 [tilespmem:s30], [sflag:$0x3], $0x80, s29, s28, $0xb8;
	[tilespmem:$0x1C200] =	vst v63  }
0x4e: {  	s28 =	simm.s32 @!p1 $0x4  }
0x4f: {  	s29 =	sadd.s32 $0x20, s25;
	_ =	swait.ge @!p1 [sflag:s28], $0x4000  }
0x50: {  	p0 =	sgt.u32 s29, $0x9C3;
	[sflag:s28] =	ssyncset.done @!p1 $0x0  }
0x51: {  	[sflag:s28] =	ssyncadd.s32 @!p1 $0xFFFFC000;
	s28 =	sadd.s32 @!p0 s26, s17  }
0x52: {  	s30 =	simm.s32 @!p0 $0x0;
	s31 =	simm.s32 @!p0 $0x1C080;
	s28 =	sadd.s32 @!p0 $0x200, s28  }
0x53: {  	[tilespmem:s31], [sflag:$0x5] =	stream.linear.gather @!p0 [hbm4b:s28+s30], $0x80, $0x38;
	[tilespmem:$0x1C200] =	vst v63  }
0x54: {  	s28 =	simm.s32 @!p0 $0x5  }
0x55: {  	_ =	swait.ge @!p0 [sflag:s28], $0x80  }
0x56: {  	s0 =	sadd.s32 @!p0 s26, s16;
	[sflag:s28] =	ssyncset.done @!p0 $0x0  }
0x57: {  	s4 =	simm.s32 @!p0 $0x1C180;
	s0 =	sadd.s32 @!p0 $0x200, s0;
	[sflag:s28] =	ssyncadd.s32 @!p0 $0xFFFFFF80  }
0x58: {  	[tilespmem:s4], [sflag:$0x5] =	stream.linear.gather @!p0 [hbm4b:s0+s30], $0x80, $0x38;
	[tilespmem:$0x1C200] =	vst v63  }
0x59: {  	_ =	swait.ge @!p0 [sflag:s28], $0x80  }
0x5a: {  	[sflag:s28] =	ssyncset.done @!p0 $0x0  }
0x5b: {  	s0 =	simm.s32 @!p0 $0x80;
	s4 =	simm.s32 @!p0 $0x18000;
	[sflag:s28] =	ssyncadd.s32 @!p0 $0xFFFFFF80  }
0x5c: {  	[tilespmem:s4], [sflag:$0x2] =	stream.indirect.gather @!p0 [hbm4b:s1+s0], $0x80, s31, s0, $0xb8;
	[tilespmem:$0x1C200] =	vst v63  }
0x5d: {  	p1 =	slt.u32 @!p0 s29, $0x9A4;
	s0 =	simm.s32 @!p0 $0x2  }
0x5e: {  	p2 =	por !p1, p0;
	_ =	swait.ge @!p0 [sflag:s0], $0x4000  }
0x5f: {  	s28 =	simm.s32 @!p2 $0x18000;
	[sflag:s0] =	ssyncset.done @!p0 $0x0  }
0x60: {  	s4 =	simm.s32 @!p2 $0x1C180;
	[sflag:s0] =	ssyncadd.s32 @!p0 $0xFFFFC000;
	s0 =	simm.s32 @!p2 $0x80  }
0x61: {  	[spmem:s2] =	stream.indirect.scatter.add.f32 @!p2 [tilespmem:s28], [sflag:$0x4], $0x80, s4, s0, $0xb8;
	[tilespmem:$0x1C200] =	vst v63  }
0x62: {  	s4 =	simm.s32 @!p2 $0x3  }
0x63: {  	_ =	swait.ge @!p2 [sflag:s4], $0x4000  }
0x64: {  	[sflag:s4] =	ssyncset.done @!p2 $0x0  }
0x65: {  	[sflag:s4] =	ssyncadd.s32 @!p2 $0xFFFFC000;
	s4 =	sadd.s32 @!p2 s26, s17  }
0x66: {  	s29 =	simm.s32 @!p2 $0x1C000;
	s28 =	simm.s32 @!p2 $0x0;
	s4 =	sadd.s32 @!p2 $0x400, s4  }
0x67: {  	[tilespmem:s29], [sflag:$0x5] =	stream.linear.gather @!p2 [hbm4b:s4+s28], $0x80, $0x38;
	[tilespmem:$0x1C200] =	vst v63  }
0x68: {  	s4 =	simm.s32 @!p2 $0x5  }
0x69: {  	_ =	swait.ge @!p2 [sflag:s4], $0x80  }
0x6a: {  	s30 =	sadd.s32 @!p2 s26, s16;
	[sflag:s4] =	ssyncset.done @!p2 $0x0  }
0x6b: {  	s30 =	sadd.s32 @!p2 $0x400, s30;
	s31 =	simm.s32 @!p2 $0x1C100;
	[sflag:s4] =	ssyncadd.s32 @!p2 $0xFFFFFF80  }
0x6c: {  	[tilespmem:s31], [sflag:$0x5] =	stream.linear.gather @!p2 [hbm4b:s30+s28], $0x80, $0x38;
	[tilespmem:$0x1C200] =	vst v63  }
0x6d: {  	_ =	swait.ge @!p2 [sflag:s4], $0x80  }
0x6e: {  	[sflag:s4] =	ssyncset.done @!p2 $0x0  }
0x6f: {  	p0 =	por p1, p0;
	[sflag:s4] =	ssyncadd.s32 @!p2 $0xFFFFFF80;
	s4 =	simm.s32 @!p2 $0x14000  }
0x70: {  	[tilespmem:s4], [sflag:$0x1] =	stream.indirect.gather @!p2 [hbm4b:s1+s0], $0x80, s29, s0, $0xb8;
	[tilespmem:$0x1C200] =	vst v63  }
0x71: {  	s28 =	simm.s32 @!p0 $0x18000;
	s0 =	simm.s32 @!p0 $0x80;
	s4 =	simm.s32 @!p0 $0x1C180  }
0x72: {  	[spmem:s2] =	stream.indirect.scatter.add.f32 @!p0 [tilespmem:s28], [sflag:$0x5], $0x80, s4, s0, $0xb8;
	[tilespmem:$0x1C200] =	vst v63  }
0x73: {  	s0 =	simm.s32 @!p0 $0x5  }
0x74: {  	_ =	swait.ge @!p0 [sflag:s0], $0x4000  }
.Ltmp5:
0x75: {  	[sflag:s0] =	ssyncset.done @!p0 $0x0;
	(pc) =	sbr.rel .LBB2_4-.Ltmp5, $4  }
0x76: {  	[sflag:s0] =	ssyncadd.s32 @!p0 $0xFFFFC000;
	s0 =	simm.s32 @!p0 $0x3  }
0x77: {  	_ =	swait.ge @!p0 [sflag:s0], $0x4000  }
0x78: {  	[sflag:s0] =	ssyncset.done @!p0 $0x0  }
0x79: {  	[sflag:s0] =	ssyncadd.s32 @!p0 $0xFFFFC000  }
.LBB2_6:
0x7a: {  	_ =	sfence.sel $0x180000  }
0x7b: {  	[bflag:$0x0] =	sbarrier.arrive $0xFFFF  }
0x7c: {  	_ =	strace $0x9000004A  }
0x7d: {  	s0 =	stileid.u32;
	[bflag:$0x2] =	sbarrier.arrive $0xFFFF  }
0x7e: {  	p0 =	sne.s32 s0, $0x0;
	s0 =	rddreg [dreg:$0x4]  }
0x7f: {  	s0 =	sadd.s32 @!p0 $0x100000, s0  }
0x80: {  	[sflag:s0] =	ssyncadd.tile.s32 @!p0 $0x1;
	_ =	shalt  }
.Lfunc_end2:
_tile_overlayer_lowered:
.L_overlay_start_2:
0x81: {  	(tag) =	ssettag $0x2  }
0x82: {  	s0 =	rddreg [dreg:$0x0];
	s2 =	stileid.u32  }
0x83: {  	s1 =	rddreg [dreg:$0x1];
	p0 =	sne.s32 s2, $0x0  }
0x84: {  	s3 =	rddreg [dreg:$0x2];
	[bflag:$0x3] =	sbarrier.arrive $0xFFFF;
	s2 =	simm.s32 @!p0 $0x1C05  }
0x85: {  	[timem:s3], [sflag:s2] =	dma.local @!p0 [hbm:s0], s1  }
0x86: {  	s0 =	simm.s32 @!p0 $0x5  }
0x87: {  	_ =	swait.ge @!p0 [sflag:s0], s1  }
0x88: {  	s1 =	ssub.s32 @!p0 $0x0, s1;
	[sflag:s0] =	ssyncset.done @!p0 $0x0  }
0x89: {  	[sflag:s0] =	ssyncadd.s32 @!p0 s1  }
0x8a: {  	[bflag:$0x3] =	sbarrier.arrive $0xFFFF  }
0x8b: {  	_ =	shalt  }

// kernel: kernel.18.cloned.1.call-start
scs
__scs_entry_jumppad:
0x0: {  	(pc) =	sbr.rel $0x88, $3  }
0x1: {  	(tag) =	ssettag $0x0;
	lr =	simm.s32 $0x1  }
0x2: {  	[smem:$0x3F8E] =	sst lr;
	_ =	strace $0xD0000000  }
0x3: {  	_ = 	snop  }
0x4: {  	_ = 	snop  }
0x5: {  	_ = 	snop  }
0x6: {  	_ = 	snop  }
0x7: {  	_ = 	snop  }
__scs_overlays_trampoline_lowered:
0x8: {  	[smem:$0x3F9D] =	sst s0  }
0x9: {  	[smem:$0x3F9E] =	sst s1  }
0xa: {  	[smem:$0x3F9F] =	sst s2  }
0xb: {  	[smem:$0x3FA0] =	sst s3  }
0xc: {  	[smem:$0x3FA1] =	sst s4  }
0xd: {  	[smem:$0x3FA2] =	sst s5  }
0xe: {  	[smem:$0x3FA3] =	sst s6  }
0xf: {  	[smem:$0x3FA4] =	sst s7  }
0x10: {  	[smem:$0x3FA5] =	sst s8  }
0x11: {  	[smem:$0x3FA6] =	sst s9;
	s0 =	simm.s32 @!p0 $0x0  }
0x12: {  	s1 =	sld [smem:$0x3F8C];
	s0 =	simm.s32 @p0 $0x1  }
0x13: {  	[smem:$0x3FA7] =	sst s0;
	s0 =	simm.s32 @!p1 $0x0  }
0x14: {  	s2 =	sld [smem:$0x3F8B];
	s0 =	simm.s32 @p1 $0x1  }
0x15: {  	[smem:$0x3FA8] =	sst s0;
	s0 =	simm.s32 @!p2 $0x0  }
0x16: {  	s3 =	sld [smem:$0x3FDB];
	s0 =	simm.s32 @p2 $0x1  }
0x17: {  	s4 =	simm.s32 $0x1BF5;
	[smem:$0x3FAA] =	sst s0  }
0x18: {  	s0 =	sld [smem:$0x3F8D];
	_ =	swait.ge [sflag:s4], $0x0  }
0x19: {  	s7 =	sld [smem:$0x3F8E]  }
0x1a: {  	s8 =	sadd.s32 $0xFFFFE003, lr  }
0x1b: {  	s9 =	sadd.s32 $0xFFFFFEF7, lr;
	s5 =	simm.s32 $0xFFFFFFFF;
	p2 =	slt.u32 s8, $0xFFFFF086  }
0x1c: {  	p1 =	slt.u32 s9, $0xF7A;
	s5 =	simm.s32 @!p2 $0x0  }
0x1d: {  	s5 =	simm.s32 @p1 $0x1;
	p0 =	seq.s32 s7, s2  }
0x1e: {  	s7 =	smul.u32 @!p0 $0xF7A, s2;
	p2 =	seq.s32 @!p0 s5, $0x0  }
0x1f: {  	s9 =	smul.u32 $0xF7A, s1;
	s8 =	simm.s32 @!p0 $0x1BF5;
	p2 =	por !p2, p0  }
0x20: {  	[sflag:s8] =	ssyncset.s32 @!p0 $0xFFFFF086;
	s6 =	sadd.s32 @!p0 s3, s7;
	s7 =	simm.s32 @!p0 $0x108  }
0x21: {  	s3 =	sadd.s32 s3, s9;
	s6 =	sadd.s32 @!p0 $0x88, s6;
	s7 =	simm.s32 @p2 $0x1082  }
0x22: {  	[simem:s7], [sflag:s8] =	dma.local @!p0 [hbm:s6], $0xF7A  }
0x23: {  	s9 =	sor.u32 $0xD0000000, s2;
	s6 =	simm.s32 $0x108;
	_ =	swait.ge @!p0 [sflag:s8], $0x0  }
0x24: {  	s3 =	sadd.s32 $0x88, s3;
	s6 =	simm.s32 @!p1 $0x1082;
	[sflag:s4] =	ssyncset.s32 $0xFFFFF086  }
0x25: {  	[simem:s6], [sflag:s4] =	dma.local [hbm:s3], $0xF7A  }
0x26: {  	[smem:$0x3F8E] =	sst s1;
	(tag) =	ssettag s2;
	_ =	strace s9  }
0x27: {  	s1 =	sld [smem:$0x3F9E]  }
0x28: {  	s2 =	sld [smem:$0x3F9F]  }
0x29: {  	s4 =	sld [smem:$0x3FA1]  }
0x2a: {  	p0 =	seq.s32 s5, $0x0;
	s5 =	sld [smem:$0x3FA2]  }
0x2b: {  	s6 =	sld [smem:$0x3FA3]  }
0x2c: {  	s7 =	sld [smem:$0x3FA4]  }
0x2d: {  	s3 =	simm.s32 $0x108;
	s8 =	sld [smem:$0x3FA5]  }
0x2e: {  	s3 =	simm.s32 @!p0 $0x1082;
	s9 =	sld [smem:$0x3FA6]  }
0x2f: {  	lr =	sadd.s32 s0, s3;
	s0 =	sld [smem:$0x3F9D]  }
0x30: {  	s3 =	sld [smem:$0x3FA0]  }
0x31: {  	[smem:$0x3FA9] =	sst s10  }
0x32: {  	s10 =	sld [smem:$0x3FA7];
	_ =	sdelay $0x3  }
0x33: {  	p0 =	seq.s32 s10, $0x1;
	s10 =	sld [smem:$0x3FA9];
	_ =	sdelay $0x3  }
0x34: {  	[smem:$0x3FA9] =	sst s10  }
0x35: {  	s10 =	sld [smem:$0x3FA8];
	_ =	sdelay $0x3  }
0x36: {  	p1 =	seq.s32 s10, $0x1;
	s10 =	sld [smem:$0x3FA9];
	_ =	sdelay $0x3  }
0x37: {  	[smem:$0x3FA9] =	sst s10  }
0x38: {  	s10 =	sld [smem:$0x3FAA]  }
0x39: {  	_ = 	snop;
	(pc) =	sbr.ind lr, $3  }
0x3a: {  	_ = 	snop  }
0x3b: {  	_ = 	snop  }
0x3c: {  	p2 =	seq.s32 s10, $0x1;
	s10 =	sld [smem:$0x3FA9]  }
0x3d: {  	_ =	shalt  }
0x3e: {  	_ =	shalt  }
0x3f: {  	_ =	shalt  }
0x40: {  	_ =	shalt  }
0x41: {  	_ =	shalt  }
0x42: {  	_ =	shalt  }
0x43: {  	_ =	shalt  }
0x44: {  	_ =	shalt  }
0x45: {  	_ =	shalt  }
0x46: {  	_ =	shalt  }
0x47: {  	_ =	shalt  }
0x48: {  	_ =	shalt  }
0x49: {  	_ =	shalt  }
0x4a: {  	_ =	shalt  }
0x4b: {  	_ =	shalt  }
0x4c: {  	_ =	shalt  }
0x4d: {  	_ =	shalt  }
0x4e: {  	_ =	shalt  }
0x4f: {  	_ =	shalt  }
0x50: {  	_ =	shalt  }
0x51: {  	_ =	shalt  }
0x52: {  	_ =	shalt  }
0x53: {  	_ =	shalt  }
0x54: {  	_ =	shalt  }
0x55: {  	_ =	shalt  }
0x56: {  	_ =	shalt  }
0x57: {  	_ =	shalt  }
0x58: {  	_ =	shalt  }
0x59: {  	_ =	shalt  }
0x5a: {  	_ =	shalt  }
0x5b: {  	_ =	shalt  }
0x5c: {  	_ =	shalt  }
0x5d: {  	_ =	shalt  }
0x5e: {  	_ =	shalt  }
0x5f: {  	_ =	shalt  }
0x60: {  	_ =	shalt  }
0x61: {  	_ =	shalt  }
0x62: {  	_ =	shalt  }
0x63: {  	_ =	shalt  }
0x64: {  	_ =	shalt  }
0x65: {  	_ =	shalt  }
0x66: {  	_ =	shalt  }
0x67: {  	_ =	shalt  }
0x68: {  	_ =	shalt  }
0x69: {  	_ =	shalt  }
0x6a: {  	_ =	shalt  }
0x6b: {  	_ =	shalt  }
0x6c: {  	_ =	shalt  }
0x6d: {  	_ =	shalt  }
0x6e: {  	_ =	shalt  }
0x6f: {  	_ =	shalt  }
0x70: {  	_ =	shalt  }
0x71: {  	_ =	shalt  }
0x72: {  	_ =	shalt  }
0x73: {  	_ =	shalt  }
0x74: {  	_ =	shalt  }
0x75: {  	_ =	shalt  }
0x76: {  	_ =	shalt  }
0x77: {  	_ =	shalt  }
0x78: {  	_ =	shalt  }
0x79: {  	_ =	shalt  }
0x7a: {  	_ =	shalt  }
0x7b: {  	_ =	shalt  }
0x7c: {  	_ =	shalt  }
0x7d: {  	_ =	shalt  }
0x7e: {  	_ =	shalt  }
0x7f: {  	_ =	shalt  }
0x80: {  	_ =	shalt  }
0x81: {  	_ =	shalt  }
0x82: {  	_ =	shalt  }
0x83: {  	_ =	shalt  }
0x84: {  	_ =	shalt  }
0x85: {  	_ =	shalt  }
0x86: {  	_ =	shalt  }
0x87: {  	_ =	shalt  }
.Lfunc_end0:
.L_simem_size_0:
called_computation.2_lowered:
.L_overlay_start_0:
0x88: {  	s2 =	sld [smem:$0x3FD9]  }
0x89: {  	s3 =	sld [smem:$0x3FFE];
	_ =	sdelay $0x1  }
0x8a: {  	s1 =	srdreg.scid  }
0x8b: {  	s0 =	sand.u32 $0x1, s1  }
0x8c: {  	s16 =	sshll.u32 s0, $0xA;
	s2 =	sadd.s32 s3, s2  }
0x8d: {  	s2 =	sadd.s32 s2, s16  }
0x8e: {  	[smem:$0x3FB5] =	sst s2  }
0x8f: {  	_ = 	snop  }
0x90: {  	(tm) =	ssettm $0x1  }
0x91: {  	s17 =	sld [smem:$0x3FFB];
	_ =	sdelay $0x3  }
0x92: {  	_ =	strace s17  }
0x93: {  	s2 =	sld [smem:$0x3FFC];
	_ =	sdelay $0x3  }
0x94: {  	_ =	strace s2  }
0x95: {  	s2 =	sld [smem:$0x3FFD];
	_ =	sdelay $0x3  }
0x96: {  	_ =	strace s2  }
0x97: {  	_ =	strace $0x8FFFFFFF  }
0x98: {  	s18 =	sld [smem:$0x3FDB];
	_ =	sdelay $0x1  }
0x99: {  	s19 =	simm.s32 $_scs_section_size  }
0x9a: {  	s4 =	simm.s32 $_size__tile_overlayer_lowered;
	s5 =	simm.s32 $_tile_overlayer_lowered  }
0x9b: {  	s22 =	simm.s32 $0x1BFF;
	s21 =	sshll.u32 s5, $0x1;
	s2 =	sadd.s32 s19, s18  }
0x9c: {  	s6 =	simm.s32 $0x0;
	s20 =	sshll.u32 s4, $0x1;
	s4 =	sadd.s32 s21, s2  }
0x9d: {  	[timem:s6], [sflag:s22] =	dma.local [hbm:s4], s20  }
0x9e: {  	_ =	swait.ge [sflag:s22], s20  }
0x9f: {  	s3 =	ssub.s32 $0x0, s20;
	[sflag:s22] =	ssyncset.done $0x0  }
0xa0: {  	[sflag:s22] =	ssyncadd.s32 s3;
	_ =	sdelay $0x1  }
0xa1: {  	s23 =	simm.s32 $0x1B8B  }
0xa2: {  	_ =	swait.ge [sflag:s23], $0x1  }
0xa3: {  	[sflag:s23] =	ssyncset.done $0x0  }
0xa4: {  	s25 =	simm.s32 $0x1B8E;
	s24 =	sld [smem:$0x3FFE];
	[sflag:s23] =	ssyncadd.s32 $0xFFFFFFFF  }
0xa5: {  	s26 =	simm.s32 $execute0_lowered;
	[smem:$0x3FD2] =	sst s25  }
0xa6: {  	s4 =	sshll.u32 s26, $0x1;
	_ =	strace $0x8000004C;
	[dreg:$0x1] =	wrdreg $0xFFFFFFFF  }
0xa7: {  	s28 =	simm.s32 $_size_execute0_lowered;
	s2 =	sadd.s32 s2, s4;
	[dreg:$0x0] =	wrdreg $0x0  }
0xa8: {  	s4 =	sshll.u32 s28, $0x1;
	[dreg:$0x2] =	wrdreg s2  }
0xa9: {  	[dreg:$0x3] =	wrdreg s4  }
0xaa: {  	[dreg:$0x4] =	wrdreg $0xC0  }
0xab: {  	_ =	task [dreg:s6], $0x5FFFF  }
0xac: {  	[dreg:$0x1] =	wrdreg $0xFFFFFFFF  }
0xad: {  	[dreg:$0x0] =	wrdreg $0x60  }
0xae: {  	[dreg:$0x2] =	wrdreg s24  }
0xaf: {  	[dreg:$0x3] =	wrdreg $0x0  }
0xb0: {  	[dreg:$0x4] =	wrdreg $0x9  }
0xb1: {  	_ =	task.clear_ibuf [dreg:s6], $0x5FFFF;
	_ =	strace $0x9000004C  }
0xb2: {  	s29 =	simm.s32 $0x9;
	_ =	strace $0x8000004E  }
0xb3: {  	_ =	swait.ge [sflag:s29], $0x1  }
0xb4: {  	[sflag:s29] =	ssyncadd.s32 $0xFFFFFFFF  }
0xb5: {  	_ =	strace $0x9000004E  }
0xb6: {  	_ =	sfence  }
0xb7: {  	s30 =	sld [smem:$0x0];
	_ =	sdelay $0x2  }
0xb8: {  	s31 =	sshll.u32 s1, $0xD;
	s1 =	sshrl.u32 s1, $0x2  }
0xb9: {  	s3 =	sand.u32 $0x4000, s31;
	s1 =	sadd.s32 s1, s30  }
0xba: {  	s0 =	sor.u32 s3, s0;
	s1 =	sshll.u32 s1, $0x11  }
0xbb: {  	s0 =	sor.u32 s1, s0  }
0xbc: {  	s0 =	sadd.s32 $0x8F2B, s0  }
0xbd: {  	[sflag:s0] =	ssyncadd.remote.s32 $0x1  }
0xbe: {  	_ =	sfence.sel $0xFFFF  }
0xbf: {  	[dreg:$0x0] =	wrdreg $0xFFFFFFFF;
	(pc) =	sbr.abs _section_cstart, $3  }
0xc0: {  	[dreg:$0x1] =	wrdreg $0xFFFFFFFF  }
0xc1: {  	_ =	task.clear_ibuf [dreg:s6], $0x2FFFF;
	_ =	strace $0x9FFFFFFF  }
0xc2: {  	(tm) =	ssettm $0x7FFFFFFF  }
0xc3: {  	_ =	shalt  }
tec
execute0_lowered:
.L_overlay_start_1:
0x0: {  	(tag) =	ssettag $0x1  }
0x1: {  	s6 =	rddreg [dreg:$0x0]  }
0x2: {  	s1 =	rddreg [dreg:$0x1];
	s2 =	srdreg.scid  }
0x3: {  	s3 =	simm.s32 $0x0;
	s0 =	stileid.u32;
	s21 =	simm.s32 $0x1C100  }
0x4: {  	s22 =	simm.s32 $0x80;
	s23 =	simm.s32 $0x1;
	s24 =	simm.s32 $0x0  }
0x5: {  	s16 =	sand.u32 $0x1, s2;
	[smem:$0x7FF] =	sst s3;
	s7 =	smul.u32 $0x14000, s0  }
0x6: {  	s4 =	sadd.s32 $0x41E00, s6;
	s17 =	sadd.s32 $0x6800, s6;
	s8 =	smul.u32 $0x50000, s0  }
0x7: {  	s18 =	sadd.s32 $0x10600, s6;
	s9 =	sshll.u32 s0, $0x1;
	s5 =	smul.u32 $0x140000, s16  }
0x8: {  	s19 =	sshll.u32 s0, $0x5;
	_ =	strace $0x8000004D;
	s29 =	ssub.s32 $0x2, s16  }
0x9: {  	s20 =	sshll.u32 s16, $0x4;
	s30 =	sshrl.u32 s8, $0x2;
	s7 =	sadd.s32 s7, s5  }
0xa: {  	s31 =	sshrl.u32 s29, $0x1;
	s5 =	sadd.s32 $0x1A400, s6;
	s7 =	sshrl.u32 s7, $0x3  }
0xb: {  	s15 =	ssub.s32 s29, s31;
	s14 =	sadd.s32 s7, s6;
	s6 =	sadd.s32 s30, s1  }
0xc: {  	s15 =	smax.u32 s15, $0x1;
	s7 =	sor.u32 s16, s9;
	s8 =	sadd.s32 $0x4000, s6  }
.Ltmp0:
0xd: {  	s9 =	sadd.s32 $0x8000, s6;
	s10 =	sadd.s32 $0xC000, s6;
	(pc) =	sbr.rel .LBB2_1-.Ltmp0, $4  }
0xe: {  	s13 =	sshll.u32 s7, $0x4;
	s11 =	sadd.s32 $0x10000, s6;
	s14 =	sadd.s32 $0x69000, s14  }
0xf: {  	s12 =	sadd.s32 s17, s13;
	s13 =	sadd.s32 s18, s13;
	s18 =	sadd.s32 s19, s18  }
0x10: {  	s17 =	sadd.s32 s19, s17;
	s19 =	simm.s32 $0x5;
	s16 =	sadd.s32 s20, s18  }
0x11: {  	s17 =	sadd.s32 s20, s17;
	s18 =	simm.s32 $0x14000;
	s20 =	simm.s32 $0x1C000  }
.LBB2_5:
0x12: {  	s0 =	stileid.u32;
	s24 =	sadd.s32 $0x1, s24  }
0x13: {  	[bflag:$0x0] =	sbarrier.arrive $0xFFFF;
	s0 =	sshll.u32 s0, $0x6;
	p0 =	sne.s32 s24, s15  }
.Ltmp1:
0x14: {  	s2 =	sshrl.u32 s6, $0x3;
	s0 =	sor.u32 $0x1C05, s0;
	(pc) =	sbr.rel @!p0 .LBB2_6-.Ltmp1, $4  }
0x15: {  	[hbm:s14], [sflag:s0] =	dma.local [spmem:s2], $0x2800  }
0x16: {  	_ =	swait.ge [sflag:s19], $0x2800  }
0x17: {  	[sflag:s19] =	ssyncset.done $0x0  }
0x18: {  	[sflag:s19] =	ssyncadd.s32 $0xFFFFD800  }
.LBB2_1:
0x19: {  	[tilespmem:s18], [sflag:$0x5] =	stream.linear.gather [hbm4b:s5+s3], $0x4000, $0x38;
	[tilespmem:$0x1C200] =	vst v63  }
0x1a: {  	_ =	swait.ge [sflag:s19], $0x4000  }
0x1b: {  	[sflag:s19] =	ssyncset.done $0x0  }
0x1c: {  	[sflag:s19] =	ssyncadd.s32 $0xFFFFC000  }
0x1d: {  	[spmem:s6] =	stream.linear.scatter [tilespmem:s18], [sflag:$0x5], $0x4000, $0x38;
	[tilespmem:$0x1C200] =	vst v63  }
0x1e: {  	_ =	swait.ge [sflag:s19], $0x4000  }
0x1f: {  	[sflag:s19] =	ssyncset.done $0x0  }
0x20: {  	[sflag:s19] =	ssyncadd.s32 $0xFFFFC000  }
0x21: {  	[spmem:s8] =	stream.linear.scatter [tilespmem:s18], [sflag:$0x5], $0x4000, $0x38;
	[tilespmem:$0x1C200] =	vst v63  }
0x22: {  	_ =	swait.ge [sflag:s19], $0x4000  }
0x23: {  	[sflag:s19] =	ssyncset.done $0x0  }
0x24: {  	[sflag:s19] =	ssyncadd.s32 $0xFFFFC000  }
0x25: {  	[spmem:s9] =	stream.linear.scatter [tilespmem:s18], [sflag:$0x5], $0x4000, $0x38;
	[tilespmem:$0x1C200] =	vst v63  }
0x26: {  	_ =	swait.ge [sflag:s19], $0x4000  }
0x27: {  	[sflag:s19] =	ssyncset.done $0x0  }
0x28: {  	[sflag:s19] =	ssyncadd.s32 $0xFFFFC000  }
0x29: {  	[spmem:s10] =	stream.linear.scatter [tilespmem:s18], [sflag:$0x5], $0x4000, $0x38;
	[tilespmem:$0x1C200] =	vst v63  }
0x2a: {  	_ =	swait.ge [sflag:s19], $0x4000  }
0x2b: {  	[sflag:s19] =	ssyncset.done $0x0  }
0x2c: {  	[sflag:s19] =	ssyncadd.s32 $0xFFFFC000  }
0x2d: {  	[spmem:s11] =	stream.linear.scatter [tilespmem:s18], [sflag:$0x5], $0x4000, $0x38;
	[tilespmem:$0x1C200] =	vst v63  }
0x2e: {  	_ =	swait.ge [sflag:s19], $0x4000  }
0x2f: {  	[sflag:s19] =	ssyncset.done $0x0  }
0x30: {  	[sflag:s19] =	ssyncadd.s32 $0xFFFFC000  }
0x31: {  	[bflag:$0x0] =	sbarrier.arrive $0xFFFF  }
0x32: {  	[tilespmem:s20], [sflag:$0x5] =	stream.linear.gather [hbm4b:s12+s3], $0x80, $0x38;
	[tilespmem:$0x1C200] =	vst v63  }
0x33: {  	_ =	swait.ge [sflag:s19], $0x80  }
0x34: {  	[sflag:s19] =	ssyncset.done $0x0  }
0x35: {  	[sflag:s19] =	ssyncadd.s32 $0xFFFFFF80  }
0x36: {  	[tilespmem:s21], [sflag:$0x5] =	stream.linear.gather [hbm4b:s13+s3], $0x80, $0x38;
	[tilespmem:$0x1C200] =	vst v63  }
.Ltmp2:
0x37: {  	_ = 	snop;
	(pc) =	sbr.rel .LBB2_2-.Ltmp2, $4  }
0x38: {  	_ =	swait.ge [sflag:s19], $0x80  }
0x39: {  	[sflag:s19] =	ssyncset.done $0x0  }
0x3a: {  	s25 =	smov.u32 s7;
	s26 =	simm.s32 $0x0;
	[sflag:s19] =	ssyncadd.s32 $0xFFFFFF80  }
0x3b: {  	[tilespmem:s18], [sflag:$0x1] =	stream.indirect.gather [hbm4b:s4+s22], $0x80, s20, s22, $0xb8;
	[tilespmem:$0x1C200] =	vst v63  }
.LBB2_4:
0x3c: {  	s26 =	sadd.s32 $0x400, s26  }
0x3d: {  	p0 =	sne.s32 s26, $0xA000  }
.Ltmp3:
0x3e: {  	_ = 	snop;
	(pc) =	sbr.rel @!p0 .LBB2_5-.Ltmp3, $2  }
0x3f: {  	_ =	sdelay $0x2  }
0x40: {  	s25 =	sadd.s32 $0x40, s25  }
.LBB2_2:
0x41: {  	p0 =	sgt.u32 s25, $0x9C3  }
.Ltmp4:
0x42: {  	_ = 	snop;
	(pc) =	sbr.rel @p0 .LBB2_4-.Ltmp4, $1  }
0x43: {  	_ =	sdelay $0x3  }
0x44: {  	_ =	swait.ge [sflag:s23], $0x4000;
	p0 =	sgt.u32 s25, $0x9A3  }
0x45: {  	[sflag:s23] =	ssyncset.done $0x0;
	s28 =	simm.s32 @p0 $0x80  }
0x46: {  	s29 =	simm.s32 @p0 $0x1C100;
	s30 =	simm.s32 @p0 $0x14000;
	[sflag:s23] =	ssyncadd.s32 $0xFFFFC000  }
0x47: {  	[spmem:s1] =	stream.indirect.scatter.add.f32 @p0 [tilespmem:s30], [sflag:$0x5], $0x80, s29, s28, $0xb8;
	[tilespmem:$0x1C200] =	vst v63  }
0x48: {  	s28 =	simm.s32 @p0 $0x5  }
0x49: {  	_ =	swait.ge @p0 [sflag:s28], $0x4000  }
0x4a: {  	p1 =	seq.s32 s26, $0x0;
	s29 =	simm.s32 @!p0 $0x1C100;
	[sflag:s28] =	ssyncset.done @p0 $0x0  }
0x4b: {  	s30 =	simm.s32 @!p0 $0x14000;
	[sflag:s28] =	ssyncadd.s32 @p0 $0xFFFFC000;
	s28 =	simm.s32 @!p0 $0x80  }
0x4c: {  	[spmem:s1] =	stream.indirect.scatter.add.f32 @!p0 [tilespmem:s30], [sflag:$0x3], $0x80, s29, s28, $0xb8;
	[tilespmem:$0x1C200] =	vst v63  }
0x4d: {  	s28 =	simm.s32 @!p1 $0x4  }
0x4e: {  	s29 =	sadd.s32 $0x20, s25;
	_ =	swait.ge @!p1 [sflag:s28], $0x4000  }
0x4f: {  	p0 =	sgt.u32 s29, $0x9C3;
	[sflag:s28] =	ssyncset.done @!p1 $0x0  }
0x50: {  	[sflag:s28] =	ssyncadd.s32 @!p1 $0xFFFFC000;
	s28 =	sadd.s32 @!p0 s26, s17  }
0x51: {  	s30 =	simm.s32 @!p0 $0x0;
	s31 =	simm.s32 @!p0 $0x1C080;
	s28 =	sadd.s32 @!p0 $0x200, s28  }
0x52: {  	[tilespmem:s31], [sflag:$0x5] =	stream.linear.gather @!p0 [hbm4b:s28+s30], $0x80, $0x38;
	[tilespmem:$0x1C200] =	vst v63  }
0x53: {  	s28 =	simm.s32 @!p0 $0x5  }
0x54: {  	_ =	swait.ge @!p0 [sflag:s28], $0x80  }
0x55: {  	s0 =	sadd.s32 @!p0 s26, s16;
	[sflag:s28] =	ssyncset.done @!p0 $0x0  }
0x56: {  	s2 =	simm.s32 @!p0 $0x1C180;
	s0 =	sadd.s32 @!p0 $0x200, s0;
	[sflag:s28] =	ssyncadd.s32 @!p0 $0xFFFFFF80  }
0x57: {  	[tilespmem:s2], [sflag:$0x5] =	stream.linear.gather @!p0 [hbm4b:s0+s30], $0x80, $0x38;
	[tilespmem:$0x1C200] =	vst v63  }
0x58: {  	_ =	swait.ge @!p0 [sflag:s28], $0x80  }
0x59: {  	[sflag:s28] =	ssyncset.done @!p0 $0x0  }
0x5a: {  	s0 =	simm.s32 @!p0 $0x80;
	s2 =	simm.s32 @!p0 $0x18000;
	[sflag:s28] =	ssyncadd.s32 @!p0 $0xFFFFFF80  }
0x5b: {  	[tilespmem:s2], [sflag:$0x2] =	stream.indirect.gather @!p0 [hbm4b:s4+s0], $0x80, s31, s0, $0xb8;
	[tilespmem:$0x1C200] =	vst v63  }
0x5c: {  	p1 =	slt.u32 @!p0 s29, $0x9A4;
	s0 =	simm.s32 @!p0 $0x2  }
0x5d: {  	p2 =	por !p1, p0;
	_ =	swait.ge @!p0 [sflag:s0], $0x4000  }
0x5e: {  	s28 =	simm.s32 @!p2 $0x18000;
	[sflag:s0] =	ssyncset.done @!p0 $0x0  }
0x5f: {  	s2 =	simm.s32 @!p2 $0x1C180;
	[sflag:s0] =	ssyncadd.s32 @!p0 $0xFFFFC000;
	s0 =	simm.s32 @!p2 $0x80  }
0x60: {  	[spmem:s1] =	stream.indirect.scatter.add.f32 @!p2 [tilespmem:s28], [sflag:$0x4], $0x80, s2, s0, $0xb8;
	[tilespmem:$0x1C200] =	vst v63  }
0x61: {  	s2 =	simm.s32 @!p2 $0x3  }
0x62: {  	_ =	swait.ge @!p2 [sflag:s2], $0x4000  }
0x63: {  	[sflag:s2] =	ssyncset.done @!p2 $0x0  }
0x64: {  	[sflag:s2] =	ssyncadd.s32 @!p2 $0xFFFFC000;
	s2 =	sadd.s32 @!p2 s26, s17  }
0x65: {  	s29 =	simm.s32 @!p2 $0x1C000;
	s28 =	simm.s32 @!p2 $0x0;
	s2 =	sadd.s32 @!p2 $0x400, s2  }
0x66: {  	[tilespmem:s29], [sflag:$0x5] =	stream.linear.gather @!p2 [hbm4b:s2+s28], $0x80, $0x38;
	[tilespmem:$0x1C200] =	vst v63  }
0x67: {  	s2 =	simm.s32 @!p2 $0x5  }
0x68: {  	_ =	swait.ge @!p2 [sflag:s2], $0x80  }
0x69: {  	s30 =	sadd.s32 @!p2 s26, s16;
	[sflag:s2] =	ssyncset.done @!p2 $0x0  }
0x6a: {  	s30 =	sadd.s32 @!p2 $0x400, s30;
	s31 =	simm.s32 @!p2 $0x1C100;
	[sflag:s2] =	ssyncadd.s32 @!p2 $0xFFFFFF80  }
0x6b: {  	[tilespmem:s31], [sflag:$0x5] =	stream.linear.gather @!p2 [hbm4b:s30+s28], $0x80, $0x38;
	[tilespmem:$0x1C200] =	vst v63  }
0x6c: {  	_ =	swait.ge @!p2 [sflag:s2], $0x80  }
0x6d: {  	[sflag:s2] =	ssyncset.done @!p2 $0x0  }
0x6e: {  	p0 =	por p1, p0;
	[sflag:s2] =	ssyncadd.s32 @!p2 $0xFFFFFF80;
	s2 =	simm.s32 @!p2 $0x14000  }
0x6f: {  	[tilespmem:s2], [sflag:$0x1] =	stream.indirect.gather @!p2 [hbm4b:s4+s0], $0x80, s29, s0, $0xb8;
	[tilespmem:$0x1C200] =	vst v63  }
0x70: {  	s28 =	simm.s32 @!p0 $0x18000;
	s0 =	simm.s32 @!p0 $0x80;
	s2 =	simm.s32 @!p0 $0x1C180  }
0x71: {  	[spmem:s1] =	stream.indirect.scatter.add.f32 @!p0 [tilespmem:s28], [sflag:$0x5], $0x80, s2, s0, $0xb8;
	[tilespmem:$0x1C200] =	vst v63  }
0x72: {  	s0 =	simm.s32 @!p0 $0x5  }
0x73: {  	_ =	swait.ge @!p0 [sflag:s0], $0x4000  }
.Ltmp5:
0x74: {  	[sflag:s0] =	ssyncset.done @!p0 $0x0;
	(pc) =	sbr.rel .LBB2_4-.Ltmp5, $4  }
0x75: {  	[sflag:s0] =	ssyncadd.s32 @!p0 $0xFFFFC000;
	s0 =	simm.s32 @!p0 $0x3  }
0x76: {  	_ =	swait.ge @!p0 [sflag:s0], $0x4000  }
0x77: {  	[sflag:s0] =	ssyncset.done @!p0 $0x0  }
0x78: {  	[sflag:s0] =	ssyncadd.s32 @!p0 $0xFFFFC000  }
.LBB2_6:
0x79: {  	_ =	sfence.sel $0x180000  }
0x7a: {  	[bflag:$0x0] =	sbarrier.arrive $0xFFFF  }
0x7b: {  	_ =	strace $0x9000004D  }
0x7c: {  	s0 =	stileid.u32;
	[bflag:$0x2] =	sbarrier.arrive $0xFFFF  }
0x7d: {  	p0 =	sne.s32 s0, $0x0;
	s0 =	rddreg [dreg:$0x2]  }
0x7e: {  	s0 =	sadd.s32 @!p0 $0x100000, s0  }
0x7f: {  	[sflag:s0] =	ssyncadd.tile.s32 @!p0 $0x1;
	_ =	shalt  }
.Lfunc_end2:
_tile_overlayer_lowered:
.L_overlay_start_2:
0x80: {  	(tag) =	ssettag $0x2  }
0x81: {  	s0 =	rddreg [dreg:$0x0];
	s2 =	stileid.u32  }
0x82: {  	s1 =	rddreg [dreg:$0x1];
	p0 =	sne.s32 s2, $0x0  }
0x83: {  	s3 =	rddreg [dreg:$0x2];
	[bflag:$0x3] =	sbarrier.arrive $0xFFFF;
	s2 =	simm.s32 @!p0 $0x1C05  }
0x84: {  	[timem:s3], [sflag:s2] =	dma.local @!p0 [hbm:s0], s1  }
0x85: {  	s0 =	simm.s32 @!p0 $0x5  }
0x86: {  	_ =	swait.ge @!p0 [sflag:s0], s1  }
0x87: {  	s1 =	ssub.s32 @!p0 $0x0, s1;
	[sflag:s0] =	ssyncset.done @!p0 $0x0  }
0x88: {  	[sflag:s0] =	ssyncadd.s32 @!p0 s1  }
0x89: {  	[bflag:$0x3] =	sbarrier.arrive $0xFFFF  }
0x8a: {  	_ =	shalt  }

// kernel: kernel.21.cloned.1.call-start
scs
__scs_entry_jumppad:
0x0: {  	(pc) =	sbr.rel $0x88, $3  }
0x1: {  	(tag) =	ssettag $0x0;
	lr =	simm.s32 $0x1  }
0x2: {  	[smem:$0x3F8E] =	sst lr;
	_ =	strace $0xD0000000  }
0x3: {  	_ = 	snop  }
0x4: {  	_ = 	snop  }
0x5: {  	_ = 	snop  }
0x6: {  	_ = 	snop  }
0x7: {  	_ = 	snop  }
__scs_overlays_trampoline_lowered:
0x8: {  	[smem:$0x3F9D] =	sst s0  }
0x9: {  	[smem:$0x3F9E] =	sst s1  }
0xa: {  	[smem:$0x3F9F] =	sst s2  }
0xb: {  	[smem:$0x3FA0] =	sst s3  }
0xc: {  	[smem:$0x3FA1] =	sst s4  }
0xd: {  	[smem:$0x3FA2] =	sst s5  }
0xe: {  	[smem:$0x3FA3] =	sst s6  }
0xf: {  	[smem:$0x3FA4] =	sst s7  }
0x10: {  	[smem:$0x3FA5] =	sst s8  }
0x11: {  	[smem:$0x3FA6] =	sst s9;
	s0 =	simm.s32 @!p0 $0x0  }
0x12: {  	s1 =	sld [smem:$0x3F8C];
	s0 =	simm.s32 @p0 $0x1  }
0x13: {  	[smem:$0x3FA7] =	sst s0;
	s0 =	simm.s32 @!p1 $0x0  }
0x14: {  	s2 =	sld [smem:$0x3F8B];
	s0 =	simm.s32 @p1 $0x1  }
0x15: {  	[smem:$0x3FA8] =	sst s0;
	s0 =	simm.s32 @!p2 $0x0  }
0x16: {  	s3 =	sld [smem:$0x3FDB];
	s0 =	simm.s32 @p2 $0x1  }
0x17: {  	s4 =	simm.s32 $0x1BF5;
	[smem:$0x3FAA] =	sst s0  }
0x18: {  	s0 =	sld [smem:$0x3F8D];
	_ =	swait.ge [sflag:s4], $0x0  }
0x19: {  	s7 =	sld [smem:$0x3F8E]  }
0x1a: {  	s8 =	sadd.s32 $0xFFFFE003, lr  }
0x1b: {  	s9 =	sadd.s32 $0xFFFFFEF7, lr;
	s5 =	simm.s32 $0xFFFFFFFF;
	p2 =	slt.u32 s8, $0xFFFFF086  }
0x1c: {  	p1 =	slt.u32 s9, $0xF7A;
	s5 =	simm.s32 @!p2 $0x0  }
0x1d: {  	s5 =	simm.s32 @p1 $0x1;
	p0 =	seq.s32 s7, s2  }
0x1e: {  	s7 =	smul.u32 @!p0 $0xF7A, s2;
	p2 =	seq.s32 @!p0 s5, $0x0  }
0x1f: {  	s9 =	smul.u32 $0xF7A, s1;
	s8 =	simm.s32 @!p0 $0x1BF5;
	p2 =	por !p2, p0  }
0x20: {  	[sflag:s8] =	ssyncset.s32 @!p0 $0xFFFFF086;
	s6 =	sadd.s32 @!p0 s3, s7;
	s7 =	simm.s32 @!p0 $0x108  }
0x21: {  	s3 =	sadd.s32 s3, s9;
	s6 =	sadd.s32 @!p0 $0x88, s6;
	s7 =	simm.s32 @p2 $0x1082  }
0x22: {  	[simem:s7], [sflag:s8] =	dma.local @!p0 [hbm:s6], $0xF7A  }
0x23: {  	s9 =	sor.u32 $0xD0000000, s2;
	s6 =	simm.s32 $0x108;
	_ =	swait.ge @!p0 [sflag:s8], $0x0  }
0x24: {  	s3 =	sadd.s32 $0x88, s3;
	s6 =	simm.s32 @!p1 $0x1082;
	[sflag:s4] =	ssyncset.s32 $0xFFFFF086  }
0x25: {  	[simem:s6], [sflag:s4] =	dma.local [hbm:s3], $0xF7A  }
0x26: {  	[smem:$0x3F8E] =	sst s1;
	(tag) =	ssettag s2;
	_ =	strace s9  }
0x27: {  	s1 =	sld [smem:$0x3F9E]  }
0x28: {  	s2 =	sld [smem:$0x3F9F]  }
0x29: {  	s4 =	sld [smem:$0x3FA1]  }
0x2a: {  	p0 =	seq.s32 s5, $0x0;
	s5 =	sld [smem:$0x3FA2]  }
0x2b: {  	s6 =	sld [smem:$0x3FA3]  }
0x2c: {  	s7 =	sld [smem:$0x3FA4]  }
0x2d: {  	s3 =	simm.s32 $0x108;
	s8 =	sld [smem:$0x3FA5]  }
0x2e: {  	s3 =	simm.s32 @!p0 $0x1082;
	s9 =	sld [smem:$0x3FA6]  }
0x2f: {  	lr =	sadd.s32 s0, s3;
	s0 =	sld [smem:$0x3F9D]  }
0x30: {  	s3 =	sld [smem:$0x3FA0]  }
0x31: {  	[smem:$0x3FA9] =	sst s10  }
0x32: {  	s10 =	sld [smem:$0x3FA7];
	_ =	sdelay $0x3  }
0x33: {  	p0 =	seq.s32 s10, $0x1;
	s10 =	sld [smem:$0x3FA9];
	_ =	sdelay $0x3  }
0x34: {  	[smem:$0x3FA9] =	sst s10  }
0x35: {  	s10 =	sld [smem:$0x3FA8];
	_ =	sdelay $0x3  }
0x36: {  	p1 =	seq.s32 s10, $0x1;
	s10 =	sld [smem:$0x3FA9];
	_ =	sdelay $0x3  }
0x37: {  	[smem:$0x3FA9] =	sst s10  }
0x38: {  	s10 =	sld [smem:$0x3FAA]  }
0x39: {  	_ = 	snop;
	(pc) =	sbr.ind lr, $3  }
0x3a: {  	_ = 	snop  }
0x3b: {  	_ = 	snop  }
0x3c: {  	p2 =	seq.s32 s10, $0x1;
	s10 =	sld [smem:$0x3FA9]  }
0x3d: {  	_ =	shalt  }
0x3e: {  	_ =	shalt  }
0x3f: {  	_ =	shalt  }
0x40: {  	_ =	shalt  }
0x41: {  	_ =	shalt  }
0x42: {  	_ =	shalt  }
0x43: {  	_ =	shalt  }
0x44: {  	_ =	shalt  }
0x45: {  	_ =	shalt  }
0x46: {  	_ =	shalt  }
0x47: {  	_ =	shalt  }
0x48: {  	_ =	shalt  }
0x49: {  	_ =	shalt  }
0x4a: {  	_ =	shalt  }
0x4b: {  	_ =	shalt  }
0x4c: {  	_ =	shalt  }
0x4d: {  	_ =	shalt  }
0x4e: {  	_ =	shalt  }
0x4f: {  	_ =	shalt  }
0x50: {  	_ =	shalt  }
0x51: {  	_ =	shalt  }
0x52: {  	_ =	shalt  }
0x53: {  	_ =	shalt  }
0x54: {  	_ =	shalt  }
0x55: {  	_ =	shalt  }
0x56: {  	_ =	shalt  }
0x57: {  	_ =	shalt  }
0x58: {  	_ =	shalt  }
0x59: {  	_ =	shalt  }
0x5a: {  	_ =	shalt  }
0x5b: {  	_ =	shalt  }
0x5c: {  	_ =	shalt  }
0x5d: {  	_ =	shalt  }
0x5e: {  	_ =	shalt  }
0x5f: {  	_ =	shalt  }
0x60: {  	_ =	shalt  }
0x61: {  	_ =	shalt  }
0x62: {  	_ =	shalt  }
0x63: {  	_ =	shalt  }
0x64: {  	_ =	shalt  }
0x65: {  	_ =	shalt  }
0x66: {  	_ =	shalt  }
0x67: {  	_ =	shalt  }
0x68: {  	_ =	shalt  }
0x69: {  	_ =	shalt  }
0x6a: {  	_ =	shalt  }
0x6b: {  	_ =	shalt  }
0x6c: {  	_ =	shalt  }
0x6d: {  	_ =	shalt  }
0x6e: {  	_ =	shalt  }
0x6f: {  	_ =	shalt  }
0x70: {  	_ =	shalt  }
0x71: {  	_ =	shalt  }
0x72: {  	_ =	shalt  }
0x73: {  	_ =	shalt  }
0x74: {  	_ =	shalt  }
0x75: {  	_ =	shalt  }
0x76: {  	_ =	shalt  }
0x77: {  	_ =	shalt  }
0x78: {  	_ =	shalt  }
0x79: {  	_ =	shalt  }
0x7a: {  	_ =	shalt  }
0x7b: {  	_ =	shalt  }
0x7c: {  	_ =	shalt  }
0x7d: {  	_ =	shalt  }
0x7e: {  	_ =	shalt  }
0x7f: {  	_ =	shalt  }
0x80: {  	_ =	shalt  }
0x81: {  	_ =	shalt  }
0x82: {  	_ =	shalt  }
0x83: {  	_ =	shalt  }
0x84: {  	_ =	shalt  }
0x85: {  	_ =	shalt  }
0x86: {  	_ =	shalt  }
0x87: {  	_ =	shalt  }
.Lfunc_end0:
.L_simem_size_0:
called_computation.3_lowered:
.L_overlay_start_0:
0x88: {  	s2 =	sld [smem:$0x3FD9]  }
0x89: {  	s3 =	sld [smem:$0x3FFE];
	_ =	sdelay $0x1  }
0x8a: {  	s1 =	srdreg.scid  }
0x8b: {  	s0 =	sand.u32 $0x1, s1  }
0x8c: {  	s14 =	sshll.u32 s0, $0xA;
	s2 =	sadd.s32 s3, s2  }
0x8d: {  	s2 =	sadd.s32 s2, s14  }
0x8e: {  	[smem:$0x3FB5] =	sst s2  }
0x8f: {  	_ = 	snop  }
0x90: {  	s2 =	sld [smem:$0x3FD0];
	_ =	sdelay $0x2  }
0x91: {  	s15 =	simm.s32 $0xA;
	s4 =	simm.s32 $0x10  }
0x92: {  	[smem:s4], [sflag:s15] =	dma.local [hbm:s2], $0x1  }
0x93: {  	_ =	swait.eq [sflag:s15], $0x1  }
0x94: {  	s16 =	sld [smem:$0x10];
	[sflag:s15] =	ssyncset.done $0x0  }
0x95: {  	s17 =	sld [smem:$0x13];
	[sflag:s15] =	ssyncadd.s32 $0xFFFFFFFF  }
0x96: {  	s18 =	sld [smem:$0x14];
	(tm) =	ssettm $0x1  }
0x97: {  	s5 =	sld [smem:$0x3FFB];
	_ =	sdelay $0x3  }
0x98: {  	_ =	strace s5  }
0x99: {  	s5 =	sld [smem:$0x3FFC];
	_ =	sdelay $0x3  }
0x9a: {  	_ =	strace s5  }
0x9b: {  	s5 =	sld [smem:$0x3FFD];
	_ =	sdelay $0x3  }
0x9c: {  	_ =	strace s5  }
0x9d: {  	_ =	strace $0x8FFFFFFF  }
0x9e: {  	s19 =	sld [smem:$0x3FDB];
	_ =	sdelay $0x1  }
0x9f: {  	s6 =	simm.s32 $_scs_section_size  }
0xa0: {  	s7 =	simm.s32 $_size__tile_overlayer_lowered;
	s8 =	simm.s32 $_tile_overlayer_lowered  }
0xa1: {  	s22 =	simm.s32 $0x1BFF;
	s21 =	sshll.u32 s8, $0x1;
	s5 =	sadd.s32 s6, s19  }
0xa2: {  	s9 =	simm.s32 $0x0;
	s20 =	sshll.u32 s7, $0x1;
	s7 =	sadd.s32 s21, s5  }
0xa3: {  	[timem:s9], [sflag:s22] =	dma.local [hbm:s7], s20  }
0xa4: {  	_ =	swait.ge [sflag:s22], s20  }
0xa5: {  	s6 =	ssub.s32 $0x0, s20;
	[sflag:s22] =	ssyncset.done $0x0  }
0xa6: {  	[sflag:s22] =	ssyncadd.s32 s6;
	_ =	sdelay $0x1  }
0xa7: {  	s23 =	simm.s32 $0x1B8B  }
0xa8: {  	_ =	swait.ge [sflag:s23], $0x1  }
0xa9: {  	[sflag:s23] =	ssyncset.done $0x0  }
0xaa: {  	s25 =	simm.s32 $0x1B8E;
	s24 =	sld [smem:$0x3FFE];
	[sflag:s23] =	ssyncadd.s32 $0xFFFFFFFF  }
0xab: {  	s26 =	simm.s32 $execute0_lowered;
	[smem:$0x3FD2] =	sst s25  }
0xac: {  	s7 =	sshll.u32 s26, $0x1;
	_ =	strace $0x8000004F;
	[dreg:$0x1] =	wrdreg $0xFFFFFFFF  }
0xad: {  	s28 =	simm.s32 $_size_execute0_lowered;
	s5 =	sadd.s32 s5, s7;
	[dreg:$0x0] =	wrdreg $0x0  }
0xae: {  	s7 =	sshll.u32 s28, $0x1;
	[dreg:$0x2] =	wrdreg s5  }
0xaf: {  	[dreg:$0x3] =	wrdreg s7  }
0xb0: {  	[dreg:$0x4] =	wrdreg $0xC0  }
0xb1: {  	_ =	task [dreg:s9], $0x5FFFF  }
0xb2: {  	[dreg:$0x1] =	wrdreg $0xFFFFFFFF  }
0xb3: {  	[dreg:$0x0] =	wrdreg $0x60  }
0xb4: {  	[dreg:$0x2] =	wrdreg s24  }
0xb5: {  	[dreg:$0x3] =	wrdreg s16  }
0xb6: {  	[dreg:$0x4] =	wrdreg s17  }
0xb7: {  	[dreg:$0x5] =	wrdreg s18  }
0xb8: {  	[dreg:$0x6] =	wrdreg $0x9  }
0xb9: {  	_ =	task.clear_ibuf [dreg:s9], $0x7FFFF;
	_ =	strace $0x9000004F  }
0xba: {  	s29 =	simm.s32 $0x9;
	_ =	strace $0x80000051  }
0xbb: {  	_ =	swait.ge [sflag:s29], $0x1  }
0xbc: {  	[sflag:s29] =	ssyncadd.s32 $0xFFFFFFFF  }
0xbd: {  	_ =	strace $0x90000051  }
0xbe: {  	_ =	sfence  }
0xbf: {  	s30 =	sld [smem:$0x0];
	_ =	sdelay $0x2  }
0xc0: {  	s31 =	sshll.u32 s1, $0xD;
	s1 =	sshrl.u32 s1, $0x2  }
0xc1: {  	s3 =	sand.u32 $0x4000, s31;
	s1 =	sadd.s32 s1, s30  }
0xc2: {  	s0 =	sor.u32 s3, s0;
	s1 =	sshll.u32 s1, $0x11  }
0xc3: {  	s0 =	sor.u32 s1, s0  }
0xc4: {  	s0 =	sadd.s32 $0x8F2B, s0  }
0xc5: {  	[sflag:s0] =	ssyncadd.remote.s32 $0x1  }
0xc6: {  	_ =	sfence.sel $0xFFFF  }
0xc7: {  	[dreg:$0x0] =	wrdreg $0xFFFFFFFF;
	(pc) =	sbr.abs _section_cstart, $3  }
0xc8: {  	[dreg:$0x1] =	wrdreg $0xFFFFFFFF  }
0xc9: {  	_ =	task.clear_ibuf [dreg:s9], $0x2FFFF;
	_ =	strace $0x9FFFFFFF  }
0xca: {  	(tm) =	ssettm $0x7FFFFFFF  }
0xcb: {  	_ =	shalt  }
tec
execute0_lowered:
.L_overlay_start_1:
0x0: {  	(tag) =	ssettag $0x1  }
0x1: {  	s0 =	rddreg [dreg:$0x0]  }
0x2: {  	s1 =	rddreg [dreg:$0x1]  }
0x3: {  	s3 =	rddreg [dreg:$0x2]  }
0x4: {  	s6 =	rddreg [dreg:$0x3];
	s2 =	simm.s32 $0x0;
	s15 =	stileid.u32  }
0x5: {  	s7 =	srdreg.scid;
	s28 =	simm.s32 $0x10180;
	s29 =	simm.s32 $0x10280  }
0x6: {  	s30 =	simm.s32 $0x4000;
	s31 =	simm.s32 $0xC000;
	[smem:$0x7FF] =	sst s2  }
0x7: {  	s4 =	sadd.s32 $0x1A400, s0;
	s9 =	sadd.s32 $0x6800, s0;
	s10 =	sadd.s32 $0x10600, s0  }
0x8: {  	s5 =	sadd.s32 $0x41600, s0;
	s13 =	sadd.s32 $0xBCA00, s0;
	s7 =	sand.u32 $0x1, s7  }
0x9: {  	s8 =	sshll.u32 s15, $0x1;
	s14 =	sshll.u32 s15, $0x5;
	s23 =	sshll.u32 s15, $0xC  }
0xa: {  	_ =	strace $0x80000050;
	s11 =	ssub.s32 $0x2, s7;
	s12 =	sor.u32 s7, s8  }
0xb: {  	s0 =	sadd.s32 s14, s0;
	s17 =	sshll.u32 s7, $0x4;
	s6 =	sadd.s32 s23, s6  }
0xc: {  	s24 =	sadd.s32 s14, s13;
	s25 =	sadd.s32 s14, s10;
	s26 =	sadd.s32 s14, s9  }
0xd: {  	s19 =	sshrl.u32 s11, $0x1;
	[dreg:$0x5] =	wrdreg s12;
	s12 =	sshll.u32 s12, $0x4  }
0xe: {  	s0 =	sadd.s32 s17, s0;
	[dreg:$0xa] =	wrdreg s6;
	s15 =	sadd.s32 s17, s24  }
0xf: {  	s16 =	sadd.s32 s17, s25;
	s17 =	sadd.s32 s17, s26;
	s26 =	simm.s32 $0x10080  }
0x10: {  	s24 =	simm.s32 $0x0;
	s8 =	ssub.s32 s11, s19;
	s20 =	sadd.s32 s9, s12  }
0x11: {  	s21 =	sadd.s32 s10, s12;
	s22 =	sadd.s32 s13, s12;
	s11 =	sadd.s32 $0x41C00, s0  }
.Ltmp0:
0x12: {  	s12 =	sshll.u32 s7, $0xB;
	[dreg:$0x6] =	wrdreg s20;
	(pc) =	sbr.rel .LBB2_1-.Ltmp0, $4  }
0x13: {  	s0 =	sadd.s32 s23, s3;
	s19 =	simm.s32 $0x5;
	[dreg:$0x7] =	wrdreg s21  }
0x14: {  	s3 =	simm.s32 $0x10480;
	s23 =	simm.s32 $0x3;
	[dreg:$0x8] =	wrdreg s22  }
0x15: {  	s8 =	smax.u32 s8, $0x1;
	[dreg:$0xb] =	wrdreg s0;
	s22 =	simm.s32 $0x80  }
0x16: {  	s0 =	simm.s32 $0x10380;
	s21 =	simm.s32 $0x2;
	[dreg:$0x9] =	wrdreg s8  }
.LBB2_5:
0x17: {  	s24 =	sadd.s32 $0x1, s24;
	s6 =	rddreg [dreg:$0x9]  }
0x18: {  	p0 =	sne.s32 s24, s6  }
.Ltmp1:
0x19: {  	_ = 	snop;
	(pc) =	sbr.rel @!p0 .LBB2_6-.Ltmp1, $1  }
0x1a: {  	_ =	sdelay $0x3  }
.LBB2_1:
0x1b: {  	s6 =	rddreg [dreg:$0x6];
	s7 =	simm.s32 $0x10000  }
0x1c: {  	[tilespmem:s7], [sflag:$0x5] =	stream.linear.gather [hbm4b:s6+s2], $0x80, $0x38;
	[tilespmem:$0x10600] =	vst v63  }
0x1d: {  	_ =	swait.ge [sflag:s19], $0x80  }
0x1e: {  	[sflag:s19] =	ssyncset.done $0x0  }
0x1f: {  	s8 =	simm.s32 $0x10100;
	s13 =	rddreg [dreg:$0x7];
	[sflag:s19] =	ssyncadd.s32 $0xFFFFFF80  }
0x20: {  	[tilespmem:s8], [sflag:$0x5] =	stream.linear.gather [hbm4b:s13+s2], $0x80, $0x38;
	[tilespmem:$0x10600] =	vst v63  }
0x21: {  	_ =	swait.ge [sflag:s19], $0x80  }
0x22: {  	[sflag:s19] =	ssyncset.done $0x0  }
0x23: {  	s9 =	simm.s32 $0x10200;
	s14 =	rddreg [dreg:$0x8];
	[sflag:s19] =	ssyncadd.s32 $0xFFFFFF80  }
0x24: {  	[tilespmem:s9], [sflag:$0x5] =	stream.linear.gather [hbm4b:s14+s2], $0x80, $0x38;
	[tilespmem:$0x10600] =	vst v63  }
0x25: {  	_ =	swait.ge [sflag:s19], $0x80  }
0x26: {  	[sflag:s19] =	ssyncset.done $0x0  }
0x27: {  	[sflag:s19] =	ssyncadd.s32 $0xFFFFFF80  }
0x28: {  	[tilespmem:s2], [sflag:$0x1] =	stream.indirect.gather [hbm4b:s4+s22], $0x80, s7, s22, $0xb8;
	[tilespmem:$0x10600] =	vst v63  }
0x29: {  	s18 =	simm.s32 $0x8000  }
0x2a: {  	[tilespmem:s18], [sflag:$0x1] =	stream.indirect.gather [hbm4b:s4+s22], $0x80, s8, s22, $0xb8;
	[tilespmem:$0x10600] =	vst v63  }
.Ltmp2:
0x2b: {  	s6 =	rddreg [dreg:$0x5];
	(pc) =	sbr.rel .LBB2_2-.Ltmp2, $4  }
0x2c: {  	s20 =	simm.s32 $0x10300;
	s14 =	rddreg [dreg:$0xb]  }
0x2d: {  	[tilespmem:s20], [sflag:$0x1] =	stream.indirect.gather [hbm4b:s5+s22], $0x1, s7, s22, $0xb8;
	[tilespmem:$0x10600] =	vst v63  }
0x2e: {  	s25 =	simm.s32 $0x10400;
	s9 =	simm.s32 $0x0;
	s13 =	rddreg [dreg:$0xa]  }
0x2f: {  	[tilespmem:s25], [sflag:$0x1] =	stream.indirect.gather [hbm4b:s1+s22], $0x1, s8, s22, $0xb8;
	[tilespmem:$0x10600] =	vst v63  }
.LBB2_4:
0x30: {  	s9 =	sadd.s32 $0x400, s9  }
0x31: {  	p0 =	sne.s32 s9, $0xA000  }
.Ltmp3:
0x32: {  	_ = 	snop;
	(pc) =	sbr.rel @!p0 .LBB2_5-.Ltmp3, $2  }
0x33: {  	_ =	sdelay $0x2  }
0x34: {  	s13 =	sadd.s32 $0x20000, s13;
	s14 =	sadd.s32 $0x20000, s14;
	s6 =	sadd.s32 $0x40, s6  }
.LBB2_2:
0x35: {  	p0 =	sgt.u32 s6, $0x9C3  }
0x36: {  	s10 =	simm.s32 @!p0 $0x1  }
0x37: {  	_ =	swait.ge @!p0 [sflag:s10], $0x4000  }
0x38: {  	[sflag:s10] =	ssyncset.done @!p0 $0x0  }
0x39: {  	[sflag:s10] =	ssyncadd.s32 @!p0 $0xFFFFC000  }
0x3a: {  	_ =	swait.ge @!p0 [sflag:s10], $0x4000  }
0x3b: {  	[sflag:s10] =	ssyncset.done @!p0 $0x0  }
0x3c: {  	[sflag:s10] =	ssyncadd.s32 @!p0 $0xFFFFC000  }
0x3d: {  	_ =	swait.ge @!p0 [sflag:s10], $0x80  }
0x3e: {  	[sflag:s10] =	ssyncset.done @!p0 $0x0  }
0x3f: {  	[sflag:s10] =	ssyncadd.s32 @!p0 $0xFFFFFF80  }
0x40: {  	_ =	swait.ge @!p0 [sflag:s10], $0x80  }
0x41: {  	[sflag:s10] =	ssyncset.done @!p0 $0x0  }
0x42: {  	[sflag:s10] =	ssyncadd.s32 @!p0 $0xFFFFFF80  }
0x43: {  	v0 =	vld @!p0 [tilespmem:$0x10300]  }
0x44: {  	v1 =	vld @!p0 [tilespmem:$0x10400]  }
0x45: {  	v2 =	vld @!p0 [tilespmem:$0x10200]  }
0x46: {  	v3 =	vld @!p0 [tilespmem:$0x10310]  }
0x47: {  	v4 =	vld @!p0 [tilespmem:$0x10410]  }
0x48: {  	v5 =	vld @!p0 [tilespmem:$0x10210]  }
0x49: {  	v6 =	vld @!p0 [tilespmem:$0x10320]  }
0x4a: {  	v7 =	vld @!p0 [tilespmem:$0x10420]  }
0x4b: {  	v8 =	vld @!p0 [tilespmem:$0x10220]  }
0x4c: {  	v9 =	vld @!p0 [tilespmem:$0x10330]  }
0x4d: {  	v10 =	vld @!p0 [tilespmem:$0x10430]  }
0x4e: {  	v11 =	vld @!p0 [tilespmem:$0x10230]  }
0x4f: {  	v12 =	vld @!p0 [tilespmem:$0x10340]  }
0x50: {  	v13 =	vld @!p0 [tilespmem:$0x10440]  }
0x51: {  	v14 =	vld @!p0 [tilespmem:$0x10240]  }
0x52: {  	v15 =	vld @!p0 [tilespmem:$0x10350]  }
0x53: {  	v16 =	vld @!p0 [tilespmem:$0x10450]  }
0x54: {  	v17 =	vld @!p0 [tilespmem:$0x10250]  }
0x55: {  	v18 =	vld @!p0 [tilespmem:$0x10360]  }
0x56: {  	v0 =	vadd.f32 @!p0 v1, v0;
	v1 =	vld @!p0 [tilespmem:$0x10460]  }
0x57: {  	v3 =	vadd.f32 @!p0 v4, v3;
	v4 =	vld @!p0 [tilespmem:$0x10370]  }
0x58: {  	v0 =	vadd.f32 @!p0 v2, v0;
	v2 =	vadd.f32 @!p0 v7, v6;
	v6 =	vld @!p0 [tilespmem:$0x10470]  }
0x59: {  	v3 =	vadd.f32 @!p0 v5, v3;
	v5 =	vadd.f32 @!p0 v10, v9;
	v7 =	vld @!p0 [tilespmem:$0x10260]  }
0x5a: {  	[tilespmem:$0x10500] =	vst @!p0 v0;
	v0 =	vadd.f32 @!p0 v8, v2;
	v2 =	vadd.f32 @!p0 v13, v12;
	v8 =	vld @!p0 [tilespmem:$0x10270]  }
0x5b: {  	[tilespmem:$0x10510] =	vst @!p0 v3;
	v3 =	vadd.f32 @!p0 v11, v5;
	v5 =	vadd.f32 @!p0 v16, v15  }
0x5c: {  	v1 =	vadd.f32 @!p0 v1, v18;
	[tilespmem:$0x10520] =	vst @!p0 v0;
	v0 =	vadd.f32 @!p0 v14, v2  }
0x5d: {  	[tilespmem:$0x10530] =	vst @!p0 v3;
	v2 =	vadd.f32 @!p0 v17, v5;
	v3 =	vadd.f32 @!p0 v6, v4  }
0x5e: {  	[tilespmem:$0x10540] =	vst @!p0 v0;
	v0 =	vadd.f32 @!p0 v7, v1  }
0x5f: {  	p1 =	sgt.u32 @!p0 s6, $0x9A3;
	[tilespmem:$0x10550] =	vst @!p0 v2;
	v1 =	vadd.f32 @!p0 v8, v3  }
0x60: {  	p2 =	por !p1, p0;
	[tilespmem:$0x10560] =	vst @!p0 v0  }
0x61: {  	s25 =	simm.s32 @!p2 $0x0;
	s8 =	simm.s32 @!p2 $0x5;
	s10 =	sadd.s32 @!p0 s14, s12;
	[tilespmem:$0x10570] =	vst @!p0 v1  }
0x62: {  	[hbm4b:s10+s25] =	stream.linear.scatter @!p2 [tilespmem:s25], [sflag:$0x5], $0x4000, $0x38;
	[tilespmem:$0x10600] =	vst v63  }
0x63: {  	_ =	swait.ge @!p2 [sflag:s8], $0x4000  }
0x64: {  	[sflag:s8] =	ssyncset.done @!p2 $0x0  }
0x65: {  	s7 =	sadd.s32 @!p2 s13, s12;
	s18 =	simm.s32 @!p2 $0x8000;
	[sflag:s8] =	ssyncadd.s32 @!p2 $0xFFFFC000  }
0x66: {  	[hbm4b:s7+s25] =	stream.linear.scatter @!p2 [tilespmem:s18], [sflag:$0x5], $0x4000, $0x38;
	[tilespmem:$0x10600] =	vst v63  }
0x67: {  	_ =	swait.ge @!p2 [sflag:s8], $0x4000  }
0x68: {  	[sflag:s8] =	ssyncset.done @!p2 $0x0  }
0x69: {  	s7 =	sadd.s32 @!p2 s9, s11;
	s18 =	simm.s32 @!p2 $0x10500;
	[sflag:s8] =	ssyncadd.s32 @!p2 $0xFFFFC000  }
0x6a: {  	[hbm4b:s7+s25] =	stream.linear.scatter @!p2 [tilespmem:s18], [sflag:$0x5], $0x80, $0x38;
	[tilespmem:$0x10600] =	vst v63  }
0x6b: {  	_ =	swait.ge @!p2 [sflag:s8], $0x80  }
0x6c: {  	p1 =	por p1, p0;
	[sflag:s8] =	ssyncset.done @!p2 $0x0  }
0x6d: {  	s7 =	simm.s32 @!p1 $0x0;
	[sflag:s8] =	ssyncadd.s32 @!p2 $0xFFFFFF80  }
0x6e: {  	[hbm4b:s10+s7] =	stream.linear.scatter @!p1 [tilespmem:s7], [sflag:$0x3], $0x4000, $0x38;
	[tilespmem:$0x10600] =	vst v63  }
0x6f: {  	s8 =	sadd.s32 @!p1 s13, s12;
	s10 =	simm.s32 @!p1 $0x8000  }
0x70: {  	[hbm4b:s8+s7] =	stream.linear.scatter @!p1 [tilespmem:s10], [sflag:$0x3], $0x4000, $0x38;
	[tilespmem:$0x10600] =	vst v63  }
0x71: {  	s8 =	sadd.s32 @!p1 s9, s11;
	s10 =	simm.s32 @!p1 $0x10500  }
0x72: {  	[hbm4b:s8+s7] =	stream.linear.scatter @!p1 [tilespmem:s10], [sflag:$0x3], $0x80, $0x38;
	[tilespmem:$0x10600] =	vst v63  }
0x73: {  	p1 =	seq.s32 @!p0 s9, $0x0  }
0x74: {  	p1 =	por p1, p0  }
0x75: {  	s7 =	simm.s32 @!p1 $0x4  }
0x76: {  	_ =	swait.ge @!p1 [sflag:s7], $0x4000  }
0x77: {  	s10 =	sadd.s32 $0x20, s6;
	[sflag:s7] =	ssyncset.done @!p1 $0x0  }
0x78: {  	p2 =	sgt.u32 @!p0 s10, $0x9C3;
	[sflag:s7] =	ssyncadd.s32 @!p1 $0xFFFFC000  }
0x79: {  	p0 =	por p0, p2;
	_ =	swait.ge @!p1 [sflag:s7], $0x4000  }
.Ltmp4:
0x7a: {  	[sflag:s7] =	ssyncset.done @!p1 $0x0;
	(pc) =	sbr.rel @p0 .LBB2_4-.Ltmp4, $4  }
0x7b: {  	[sflag:s7] =	ssyncadd.s32 @!p1 $0xFFFFC000  }
0x7c: {  	_ =	swait.ge @!p1 [sflag:s7], $0x80  }
0x7d: {  	[sflag:s7] =	ssyncset.done @!p1 $0x0  }
0x7e: {  	[sflag:s7] =	ssyncadd.s32 @!p1 $0xFFFFFF80  }
0x7f: {  	s7 =	sadd.s32 s9, s17  }
0x80: {  	s7 =	sadd.s32 $0x200, s7  }
0x81: {  	[tilespmem:s26], [sflag:$0x5] =	stream.linear.gather [hbm4b:s7+s2], $0x80, $0x38;
	[tilespmem:$0x10600] =	vst v63  }
0x82: {  	_ =	swait.ge [sflag:s19], $0x80  }
0x83: {  	s18 =	sadd.s32 s9, s16;
	[sflag:s19] =	ssyncset.done $0x0  }
0x84: {  	s7 =	sadd.s32 $0x200, s18;
	[sflag:s19] =	ssyncadd.s32 $0xFFFFFF80  }
0x85: {  	[tilespmem:s28], [sflag:$0x5] =	stream.linear.gather [hbm4b:s7+s2], $0x80, $0x38;
	[tilespmem:$0x10600] =	vst v63  }
0x86: {  	_ =	swait.ge [sflag:s19], $0x80  }
0x87: {  	s20 =	sadd.s32 s9, s15;
	[sflag:s19] =	ssyncset.done $0x0  }
0x88: {  	s7 =	sadd.s32 $0x200, s20;
	[sflag:s19] =	ssyncadd.s32 $0xFFFFFF80  }
0x89: {  	[tilespmem:s29], [sflag:$0x5] =	stream.linear.gather [hbm4b:s7+s2], $0x80, $0x38;
	[tilespmem:$0x10600] =	vst v63  }
0x8a: {  	_ =	swait.ge [sflag:s19], $0x80  }
0x8b: {  	[sflag:s19] =	ssyncset.done $0x0  }
0x8c: {  	[sflag:s19] =	ssyncadd.s32 $0xFFFFFF80  }
0x8d: {  	[tilespmem:s30], [sflag:$0x2] =	stream.indirect.gather [hbm4b:s4+s22], $0x80, s26, s22, $0xb8;
	[tilespmem:$0x10600] =	vst v63  }
0x8e: {  	_ = 	snop  }
0x8f: {  	[tilespmem:s31], [sflag:$0x2] =	stream.indirect.gather [hbm4b:s4+s22], $0x80, s28, s22, $0xb8;
	[tilespmem:$0x10600] =	vst v63  }
0x90: {  	_ = 	snop  }
0x91: {  	[tilespmem:s0], [sflag:$0x2] =	stream.indirect.gather [hbm4b:s5+s22], $0x1, s26, s22, $0xb8;
	[tilespmem:$0x10600] =	vst v63  }
0x92: {  	_ = 	snop  }
0x93: {  	[tilespmem:s3], [sflag:$0x2] =	stream.indirect.gather [hbm4b:s1+s22], $0x1, s28, s22, $0xb8;
	[tilespmem:$0x10600] =	vst v63  }
0x94: {  	_ =	swait.ge [sflag:s21], $0x4000  }
0x95: {  	[sflag:s21] =	ssyncset.done $0x0  }
0x96: {  	[sflag:s21] =	ssyncadd.s32 $0xFFFFC000  }
0x97: {  	_ =	swait.ge [sflag:s21], $0x4000  }
0x98: {  	[sflag:s21] =	ssyncset.done $0x0  }
0x99: {  	[sflag:s21] =	ssyncadd.s32 $0xFFFFC000  }
0x9a: {  	_ =	swait.ge [sflag:s21], $0x80  }
0x9b: {  	[sflag:s21] =	ssyncset.done $0x0  }
0x9c: {  	[sflag:s21] =	ssyncadd.s32 $0xFFFFFF80  }
0x9d: {  	_ =	swait.ge [sflag:s21], $0x80  }
0x9e: {  	[sflag:s21] =	ssyncset.done $0x0  }
0x9f: {  	[sflag:s21] =	ssyncadd.s32 $0xFFFFFF80  }
0xa0: {  	v0 =	vld [tilespmem:$0x10380]  }
0xa1: {  	v1 =	vld [tilespmem:$0x10480]  }
0xa2: {  	v2 =	vld [tilespmem:$0x10280]  }
0xa3: {  	v3 =	vld [tilespmem:$0x10390]  }
0xa4: {  	v4 =	vld [tilespmem:$0x10490]  }
0xa5: {  	v5 =	vld [tilespmem:$0x10290]  }
0xa6: {  	v6 =	vld [tilespmem:$0x103A0]  }
0xa7: {  	v7 =	vld [tilespmem:$0x104A0]  }
0xa8: {  	v8 =	vld [tilespmem:$0x102A0]  }
0xa9: {  	v9 =	vld [tilespmem:$0x103B0]  }
0xaa: {  	v10 =	vld [tilespmem:$0x104B0]  }
0xab: {  	v11 =	vld [tilespmem:$0x102B0]  }
0xac: {  	v12 =	vld [tilespmem:$0x103C0]  }
0xad: {  	v13 =	vld [tilespmem:$0x104C0]  }
0xae: {  	v14 =	vld [tilespmem:$0x102C0]  }
0xaf: {  	v15 =	vld [tilespmem:$0x103D0]  }
0xb0: {  	v16 =	vld [tilespmem:$0x104D0]  }
0xb1: {  	v17 =	vld [tilespmem:$0x102D0]  }
0xb2: {  	v18 =	vld [tilespmem:$0x103E0]  }
0xb3: {  	v48 =	vld [tilespmem:$0x104E0];
	v0 =	vadd.f32 v1, v0  }
0xb4: {  	v49 =	vld [tilespmem:$0x103F0];
	v3 =	vadd.f32 v4, v3  }
0xb5: {  	v51 =	vld [tilespmem:$0x104F0];
	v50 =	vadd.f32 v7, v6;
	v0 =	vadd.f32 v2, v0  }
0xb6: {  	v53 =	vld [tilespmem:$0x102E0];
	v52 =	vadd.f32 v10, v9;
	v3 =	vadd.f32 v5, v3  }
0xb7: {  	v56 =	vld [tilespmem:$0x102F0];
	v55 =	vadd.f32 v13, v12;
	v54 =	vadd.f32 v8, v50;
	[tilespmem:$0x10580] =	vst v0  }
0xb8: {  	v58 =	vadd.f32 v16, v15;
	v57 =	vadd.f32 v11, v52;
	[tilespmem:$0x10590] =	vst v3  }
0xb9: {  	v1 =	vadd.f32 v48, v18;
	v59 =	vadd.f32 v14, v55;
	[tilespmem:$0x105A0] =	vst v54  }
0xba: {  	v61 =	vadd.f32 v51, v49;
	v60 =	vadd.f32 v17, v58;
	[tilespmem:$0x105B0] =	vst v57  }
0xbb: {  	v62 =	vadd.f32 v53, v1;
	[tilespmem:$0x105C0] =	vst v59  }
0xbc: {  	v63 =	vadd.f32 v56, v61;
	[tilespmem:$0x105D0] =	vst v60  }
0xbd: {  	p0 =	sgt.u32 s10, $0x9A3;
	s25 =	sadd.s32 s14, s12;
	[tilespmem:$0x105E0] =	vst v62  }
0xbe: {  	s8 =	simm.s32 @p0 $0x0;
	s10 =	simm.s32 @p0 $0x4000;
	s7 =	sadd.s32 $0x10000, s25;
	[tilespmem:$0x105F0] =	vst v63  }
0xbf: {  	[hbm4b:s7+s8] =	stream.linear.scatter @p0 [tilespmem:s10], [sflag:$0x5], $0x4000, $0x38;
	[tilespmem:$0x10600] =	vst v63  }
0xc0: {  	s10 =	simm.s32 @p0 $0x5  }
0xc1: {  	_ =	swait.ge @p0 [sflag:s10], $0x4000  }
0xc2: {  	s18 =	sadd.s32 @p0 s13, s12;
	[sflag:s10] =	ssyncset.done @p0 $0x0  }
0xc3: {  	s18 =	sadd.s32 @p0 $0x10000, s18;
	s25 =	simm.s32 @p0 $0xC000;
	[sflag:s10] =	ssyncadd.s32 @p0 $0xFFFFC000  }
0xc4: {  	[hbm4b:s18+s8] =	stream.linear.scatter @p0 [tilespmem:s25], [sflag:$0x5], $0x4000, $0x38;
	[tilespmem:$0x10600] =	vst v63  }
0xc5: {  	_ =	swait.ge @p0 [sflag:s10], $0x4000  }
0xc6: {  	s18 =	sadd.s32 @p0 s9, s11;
	[sflag:s10] =	ssyncset.done @p0 $0x0  }
0xc7: {  	s25 =	simm.s32 @p0 $0x10580;
	s18 =	sadd.s32 @p0 $0x200, s18;
	[sflag:s10] =	ssyncadd.s32 @p0 $0xFFFFC000  }
0xc8: {  	[hbm4b:s18+s8] =	stream.linear.scatter @p0 [tilespmem:s25], [sflag:$0x5], $0x80, $0x38;
	[tilespmem:$0x10600] =	vst v63  }
0xc9: {  	_ =	swait.ge @p0 [sflag:s10], $0x80  }
0xca: {  	[sflag:s10] =	ssyncset.done @p0 $0x0  }
0xcb: {  	s8 =	simm.s32 @!p0 $0x0;
	[sflag:s10] =	ssyncadd.s32 @p0 $0xFFFFFF80;
	s10 =	simm.s32 @!p0 $0x4000  }
0xcc: {  	[hbm4b:s7+s8] =	stream.linear.scatter @!p0 [tilespmem:s10], [sflag:$0x4], $0x4000, $0x38;
	[tilespmem:$0x10600] =	vst v63  }
0xcd: {  	s7 =	sadd.s32 @!p0 s13, s12  }
0xce: {  	s10 =	simm.s32 @!p0 $0xC000;
	s7 =	sadd.s32 @!p0 $0x10000, s7  }
0xcf: {  	[hbm4b:s7+s8] =	stream.linear.scatter @!p0 [tilespmem:s10], [sflag:$0x4], $0x4000, $0x38;
	[tilespmem:$0x10600] =	vst v63  }
0xd0: {  	s7 =	sadd.s32 @!p0 s9, s11  }
0xd1: {  	s10 =	simm.s32 @!p0 $0x10580;
	s7 =	sadd.s32 @!p0 $0x200, s7  }
0xd2: {  	[hbm4b:s7+s8] =	stream.linear.scatter @!p0 [tilespmem:s10], [sflag:$0x4], $0x80, $0x38;
	[tilespmem:$0x10600] =	vst v63  }
0xd3: {  	_ =	swait.ge [sflag:s23], $0x4000  }
0xd4: {  	[sflag:s23] =	ssyncset.done $0x0  }
0xd5: {  	[sflag:s23] =	ssyncadd.s32 $0xFFFFC000  }
0xd6: {  	_ =	swait.ge [sflag:s23], $0x4000  }
0xd7: {  	[sflag:s23] =	ssyncset.done $0x0  }
0xd8: {  	[sflag:s23] =	ssyncadd.s32 $0xFFFFC000  }
0xd9: {  	_ =	swait.ge [sflag:s23], $0x80  }
0xda: {  	s7 =	sadd.s32 @!p0 s9, s17;
	[sflag:s23] =	ssyncset.done $0x0  }
0xdb: {  	s10 =	simm.s32 @!p0 $0x10000;
	s7 =	sadd.s32 @!p0 $0x400, s7;
	[sflag:s23] =	ssyncadd.s32 $0xFFFFFF80  }
0xdc: {  	[tilespmem:s10], [sflag:$0x5] =	stream.linear.gather @!p0 [hbm4b:s7+s8], $0x80, $0x38;
	[tilespmem:$0x10600] =	vst v63  }
0xdd: {  	s7 =	simm.s32 @!p0 $0x5  }
0xde: {  	_ =	swait.ge @!p0 [sflag:s7], $0x80  }
0xdf: {  	s18 =	sadd.s32 @!p0 s9, s16;
	[sflag:s7] =	ssyncset.done @!p0 $0x0  }
0xe0: {  	s25 =	simm.s32 @!p0 $0x10100;
	s18 =	sadd.s32 @!p0 $0x400, s18;
	[sflag:s7] =	ssyncadd.s32 @!p0 $0xFFFFFF80  }
0xe1: {  	[tilespmem:s25], [sflag:$0x5] =	stream.linear.gather @!p0 [hbm4b:s18+s8], $0x80, $0x38;
	[tilespmem:$0x10600] =	vst v63  }
0xe2: {  	_ =	swait.ge @!p0 [sflag:s7], $0x80  }
0xe3: {  	s18 =	sadd.s32 @!p0 s9, s15;
	[sflag:s7] =	ssyncset.done @!p0 $0x0  }
0xe4: {  	s20 =	simm.s32 @!p0 $0x10200;
	s18 =	sadd.s32 @!p0 $0x400, s18;
	[sflag:s7] =	ssyncadd.s32 @!p0 $0xFFFFFF80  }
0xe5: {  	[tilespmem:s20], [sflag:$0x5] =	stream.linear.gather @!p0 [hbm4b:s18+s8], $0x80, $0x38;
	[tilespmem:$0x10600] =	vst v63  }
0xe6: {  	_ =	swait.ge @!p0 [sflag:s7], $0x80  }
0xe7: {  	[sflag:s7] =	ssyncset.done @!p0 $0x0  }
0xe8: {  	[sflag:s7] =	ssyncadd.s32 @!p0 $0xFFFFFF80;
	s7 =	simm.s32 @!p0 $0x80  }
0xe9: {  	[tilespmem:s8], [sflag:$0x1] =	stream.indirect.gather @!p0 [hbm4b:s4+s7], $0x80, s10, s7, $0xb8;
	[tilespmem:$0x10600] =	vst v63  }
0xea: {  	s8 =	simm.s32 @!p0 $0x8000  }
0xeb: {  	[tilespmem:s8], [sflag:$0x1] =	stream.indirect.gather @!p0 [hbm4b:s4+s7], $0x80, s25, s7, $0xb8;
	[tilespmem:$0x10600] =	vst v63  }
.Ltmp5:
0xec: {  	_ = 	snop;
	(pc) =	sbr.rel .LBB2_4-.Ltmp5, $4  }
0xed: {  	s8 =	simm.s32 @!p0 $0x10300  }
0xee: {  	[tilespmem:s8], [sflag:$0x1] =	stream.indirect.gather @!p0 [hbm4b:s5+s7], $0x1, s10, s7, $0xb8;
	[tilespmem:$0x10600] =	vst v63  }
0xef: {  	s8 =	simm.s32 @!p0 $0x10400  }
0xf0: {  	[tilespmem:s8], [sflag:$0x1] =	stream.indirect.gather @!p0 [hbm4b:s1+s7], $0x1, s25, s7, $0xb8;
	[tilespmem:$0x10600] =	vst v63  }
.LBB2_6:
0xf1: {  	_ =	sfence.sel $0x180000  }
0xf2: {  	[bflag:$0x0] =	sbarrier.arrive $0xFFFF  }
0xf3: {  	_ =	strace $0x90000050  }
0xf4: {  	s0 =	stileid.u32;
	[bflag:$0x2] =	sbarrier.arrive $0xFFFF  }
0xf5: {  	p0 =	sne.s32 s0, $0x0;
	s0 =	rddreg [dreg:$0x4]  }
0xf6: {  	s0 =	sadd.s32 @!p0 $0x100000, s0  }
0xf7: {  	[sflag:s0] =	ssyncadd.tile.s32 @!p0 $0x1;
	_ =	shalt  }
.Lfunc_end2:
_tile_overlayer_lowered:
.L_overlay_start_2:
0xf8: {  	(tag) =	ssettag $0x2  }
0xf9: {  	s0 =	rddreg [dreg:$0x0];
	s2 =	stileid.u32  }
0xfa: {  	s1 =	rddreg [dreg:$0x1];
	p0 =	sne.s32 s2, $0x0  }
0xfb: {  	s3 =	rddreg [dreg:$0x2];
	[bflag:$0x3] =	sbarrier.arrive $0xFFFF;
	s2 =	simm.s32 @!p0 $0x1C05  }
0xfc: {  	[timem:s3], [sflag:s2] =	dma.local @!p0 [hbm:s0], s1  }
0xfd: {  	s0 =	simm.s32 @!p0 $0x5  }
0xfe: {  	_ =	swait.ge @!p0 [sflag:s0], s1  }
0xff: {  	s1 =	ssub.s32 @!p0 $0x0, s1;
	[sflag:s0] =	ssyncset.done @!p0 $0x0  }
0x100: {  	[sflag:s0] =	ssyncadd.s32 @!p0 s1  }
0x101: {  	[bflag:$0x3] =	sbarrier.arrive $0xFFFF  }
0x102: {  	_ =	shalt  }

</sc_bundles>
